<compile_context>
chip_gen: v7x
topology: tpu7x:2x2x1
jax: 0.10.2.dev20260603
libtpu: 0.0.44.dev20260713+nightly
codegen_flags: <defaults>
</compile_context>

<pallas_src>
import functools

import jax
import jax.numpy as jnp
from jax import lax
from jax.experimental import pallas as pl
from jax.experimental.pallas import tpu as pltpu
from jax.experimental.pallas import tpu_sc as plsc

N = 10000
E = 320000
D_IN = 128
D_HID = 128
D_OUT = 16

NC = 2
NS = 16
NW = NC * NS

NP = 10240
TRASH = 10000
EP = 327680
EC = 64
IDX_ROWS = EP // EC
ROWS_PER_W = IDX_ROWS // NW
IB = 16
ZCHUNK = NP // NS


def _mesh():
    return plsc.VectorSubcoreMesh(
        core_axis_name="c", subcore_axis_name="s", num_cores=NC, num_subcores=NS
    )


def _deg_body(dst_hbm, out_hbm, idx_v, ones_v, zeros_v, sem, acc_sh):
    c = lax.axis_index("c")
    s = lax.axis_index("s")
    wid = c * NS + s

    def _z(i, _):
        zeros_v[pl.ds(i * 16, 16)] = jnp.zeros((16,), jnp.float32)
        return _
    lax.fori_loop(0, ZCHUNK // 16, _z, None)
    for k in range(EC // 16):
        ones_v[pl.ds(k * 16, 16)] = jnp.ones((16,), jnp.float32)

    pltpu.sync_copy(zeros_v, acc_sh.at[pl.ds(s * ZCHUNK, ZCHUNK)])
    plsc.subcore_barrier()

    def _blk(b, _):
        pltpu.sync_copy(dst_hbm.at[pl.ds(wid * ROWS_PER_W + b * IB, IB)], idx_v)
        for j in range(IB):
            pltpu.async_copy(ones_v, acc_sh.at[idx_v.at[j]], sem, add=True)
        for j in range(IB):
            pltpu.make_async_copy(ones_v, acc_sh.at[idx_v.at[0]], sem).wait()
        return _
    lax.fori_loop(0, ROWS_PER_W // IB, _blk, None)

    plsc.subcore_barrier()
    pltpu.sync_copy(
        acc_sh.at[pl.ds(s * ZCHUNK, ZCHUNK)],
        out_hbm.at[c, pl.ds(s * ZCHUNK, ZCHUNK)],
    )


def _make_deg_kernel():
    return pl.kernel(
        _deg_body,
        out_type=jax.ShapeDtypeStruct((NC, NP), jnp.float32),
        mesh=_mesh(),
        scratch_types=[
            pltpu.VMEM((IB, EC), jnp.int32),
            pltpu.VMEM((EC,), jnp.float32),
            pltpu.VMEM((ZCHUNK,), jnp.float32),
            pltpu.SemaphoreType.DMA,
            pltpu.VMEM_SHARED((NP,), jnp.float32),
        ],
    )


def _agg_body(h_hbm, src_hbm, dst_hbm, out_hbm,
              src_v, dst_v, rows_v, *rest, dfeat, nslot, ahead, ec, ib,
              rows_per_w, dtype):
    sg = rest[:nslot]
    ss = rest[nslot:2 * nslot]
    acc_sh = rest[2 * nslot]
    c = lax.axis_index("c")
    s = lax.axis_index("s")
    wid = c * NS + s
    lanes = 16 if dtype == jnp.float32 else 32
    nvec = dfeat // lanes

    def _z(r, _):
        for k in range(nvec):
            rows_v[0, r, pl.ds(k * lanes, lanes)] = jnp.zeros((lanes,), dtype)
        return _
    lax.fori_loop(0, ec, _z, None)
    for i in range(ZCHUNK // ec):
        pltpu.sync_copy(rows_v.at[0],
                        acc_sh.at[pl.ds(s * ZCHUNK + i * ec, ec)])
    plsc.subcore_barrier()

    def _wait_scatter(slot):
        pltpu.make_async_copy(
            rows_v.at[slot], acc_sh.at[dst_v.at[0]], ss[slot]).wait()

    def _blk(b, _):
        @pl.when(b > 0)
        def _():
            for slot in range(nslot):
                _wait_scatter(slot)
        base = wid * rows_per_w + b * ib
        pltpu.sync_copy(src_hbm.at[pl.ds(base, ib)], src_v)
        pltpu.sync_copy(dst_hbm.at[pl.ds(base, ib)], dst_v)

        def _fire(j, slot):
            pltpu.async_copy(h_hbm.at[src_v.at[j]], rows_v.at[slot], sg[slot])

        for k in range(ahead):
            _fire(k, k % nslot)
        for j in range(ib):
            sj = j % nslot
            if j + ahead < ib:
                s2 = (j + ahead) % nslot
                if j + ahead >= nslot:
                    _wait_scatter(s2)
                _fire(j + ahead, s2)
            pltpu.make_async_copy(
                h_hbm.at[src_v.at[j]], rows_v.at[sj], sg[sj]).wait()
            pltpu.async_copy(rows_v.at[sj], acc_sh.at[dst_v.at[j]], ss[sj],
                             add=True)
        return _
    lax.fori_loop(0, rows_per_w // ib, _blk, None)
    for slot in range(nslot):
        _wait_scatter(slot)

    plsc.subcore_barrier()
    for i in range(ZCHUNK // ec):
        pltpu.sync_copy(acc_sh.at[pl.ds(s * ZCHUNK + i * ec, ec)],
                        out_hbm.at[c, pl.ds(s * ZCHUNK + i * ec, ec)])


def _make_agg_kernel(dfeat):
    if dfeat == 128:
        nslot, ahead, ec, ib = 4, 2, 128, 16
        dtype = jnp.bfloat16
    else:
        nslot, ahead, ec, ib = 6, 3, 128, 16
        dtype = jnp.float32
    rows_per_w = EP // ec // NW
    assert EP % (ec * NW) == 0 and rows_per_w % ib == 0 and ZCHUNK % ec == 0
    return pl.kernel(
        functools.partial(_agg_body, dfeat=dfeat, nslot=nslot, ahead=ahead,
                          ec=ec, ib=ib, rows_per_w=rows_per_w, dtype=dtype),
        out_type=jax.ShapeDtypeStruct((NC, NP, dfeat), dtype),
        mesh=_mesh(),
        scratch_types=[
            pltpu.VMEM((ib, ec), jnp.int32),
            pltpu.VMEM((ib, ec), jnp.int32),
            pltpu.VMEM((nslot, ec, dfeat), dtype),
            *([pltpu.SemaphoreType.DMA] * (2 * nslot)),
            pltpu.VMEM_SHARED((NP, dfeat), dtype),
        ],
        compiler_params=pltpu.CompilerParams(use_tc_tiling_on_sc=False),
    )


def _tc1_body(x_ref, w1_ref, deg_ref, dis_ref, hp_ref):
    deg = 1.0 + deg_ref[0] + deg_ref[1]
    dis = lax.rsqrt(deg)
    dis_ref[...] = dis
    h = jnp.dot(x_ref[...], w1_ref[...], preferred_element_type=jnp.float32)
    hp_ref[...] = (h * dis[:N]).astype(jnp.bfloat16)


def _tc2_body(p_ref, hp_ref, dis_ref, b1_ref, w2_ref, h2p_ref):
    d = dis_ref[...][:N]
    agg = (p_ref[0, pl.ds(0, N), :].astype(jnp.float32)
           + p_ref[1, pl.ds(0, N), :].astype(jnp.float32)
           + hp_ref[...].astype(jnp.float32))
    z = jnp.maximum(agg * d + b1_ref[...], 0.0)
    h2 = jnp.dot(z, w2_ref[...], preferred_element_type=jnp.float32)
    h2p_ref[...] = h2 * d


def _tc3_body(q_ref, h2p_ref, dis_ref, b2_ref, out_ref):
    d = dis_ref[...][:N]
    logits = (q_ref[0, pl.ds(0, N), :] + q_ref[1, pl.ds(0, N), :]
              + h2p_ref[...]) * d + b2_ref[...]
    m = jnp.max(logits, axis=1, keepdims=True)
    lse = jnp.log(jnp.sum(jnp.exp(logits - m), axis=1, keepdims=True)) + m
    out_ref[...] = logits - lse


def _tc_call(body, out_shapes):
    return pl.pallas_call(body, out_shape=out_shapes)


@jax.jit
def kernel(x, edge_index, W1, b1, W2, b2):
    src = edge_index[0]
    dst = edge_index[1]
    pad = EP - E
    pad_i = jnp.arange(pad, dtype=jnp.int32)
    src2d = jnp.concatenate(
        [src, pad_i % N]).reshape(IDX_ROWS, EC)
    dst2d = jnp.concatenate(
        [dst, TRASH + pad_i % (NP - TRASH)]).reshape(IDX_ROWS, EC)

    deg_part = _make_deg_kernel()(dst2d)

    dis, hp = _tc_call(_tc1_body, (
        jax.ShapeDtypeStruct((NP, 1), jnp.float32),
        jax.ShapeDtypeStruct((N, D_HID), jnp.bfloat16),
    ))(x, W1, deg_part.reshape(NC, NP, 1))

    src128 = src2d.reshape(EP // 128, 128)
    dst128 = dst2d.reshape(EP // 128, 128)
    p = _make_agg_kernel(D_HID)(hp, src128, dst128)

    h2p = _tc_call(_tc2_body, jax.ShapeDtypeStruct((N, D_OUT), jnp.float32))(
        p, hp, dis, b1.reshape(1, D_HID), W2)

    q = _make_agg_kernel(D_OUT)(h2p, src128, dst128)

    out = _tc_call(_tc3_body, jax.ShapeDtypeStruct((N, D_OUT), jnp.float32))(
        q, h2p, dis, b2.reshape(1, D_OUT))
    return out

# --- scband reference (transcript-rebuilt; emitter-appended) ---
"""Pipeline reference for scband-gcn-41850161332512 (READ-ONLY COPY).

The authoritative reference and input builder live on the scoring server;
editing this copy changes nothing except your own understanding.
"""

import jax, jax.numpy as jnp
import numpy as np

N_NODES = 10000
N_EDGES = 320000
D_IN = 128
D_HID = 128
D_OUT = 16


def gcn_conv(x, edge_index, W, b, n_nodes):
    # Add self-loops (PyG GCNConv default add_self_loops=True)
    loop = jnp.arange(n_nodes, dtype=edge_index.dtype)
    src = jnp.concatenate([edge_index[0], loop])
    dst = jnp.concatenate([edge_index[1], loop])
    # Symmetric normalization D^{-1/2} (A+I) D^{-1/2}
    ones = jnp.ones(src.shape[0], dtype=x.dtype)
    deg = jax.ops.segment_sum(ones, dst, num_segments=n_nodes)
    deg_inv_sqrt = jnp.where(deg > 0, jax.lax.rsqrt(deg), 0.0)
    norm = deg_inv_sqrt[src] * deg_inv_sqrt[dst]
    # Linear transform then gather/scatter-add message passing
    h = x @ W
    msg = h[src] * norm[:, None]
    out = jax.ops.segment_sum(msg, dst, num_segments=n_nodes)
    return out + b


def setup_inputs(seed: int = 0) -> dict:
    key = jax.random.key(seed)
    k1, k2, k3, k4 = jax.random.split(key, 4)
    x = jax.random.normal(k1, (N_NODES, D_IN), dtype=jnp.float32)
    edge_index = jax.random.randint(k2, (2, N_EDGES), 0, N_NODES, dtype=jnp.int32)
    W1 = jax.random.normal(k3, (D_IN, D_HID), dtype=jnp.float32) * 0.05
    b1 = jnp.zeros((D_HID,), dtype=jnp.float32)
    W2 = jax.random.normal(k4, (D_HID, D_OUT), dtype=jnp.float32) * 0.05
    b2 = jnp.zeros((D_OUT,), dtype=jnp.float32)
    return {"x": x, "edge_index": edge_index, "W1": W1, "b1": b1, "W2": W2, "b2": b2}


def reference(x, edge_index, W1, b1, W2, b2):
    h = gcn_conv(x, edge_index, W1, b1, N_NODES)
    h = jax.nn.relu(h)
    h = gcn_conv(h, edge_index, W2, b2, N_NODES)
    return jax.nn.log_softmax(h, axis=1)

if __name__ == "__main__":
    import jax
    _d = setup_inputs()
    print(jax.jit(kernel)(*tuple(_d.values())))

</pallas_src>

<mosaic_0001>
#map = affine_map<(d0, d1) -> (0, 0)>
#map1 = affine_map<(d0, d1) -> (0, 0, 0)>
module attributes {stable_mosaic.version = 14 : i64} {
  func.func @_agg_body(%arg0: i32, %arg1: i32, %arg2: memref<10000x16xf32, #tpu.memory_space<hbm>>, %arg3: memref<2560x128xi32, #tpu.memory_space<hbm>>, %arg4: memref<2560x128xi32, #tpu.memory_space<hbm>>, %arg5: memref<2x10240x16xf32, #tpu.memory_space<hbm>>, %arg6: memref<16x128xi32, #tpu.memory_space<vmem>>, %arg7: memref<16x128xi32, #tpu.memory_space<vmem>>, %arg8: memref<6x128x16xf32, #tpu.memory_space<vmem>>, %arg9: memref<!tpu.dma_semaphore, #tpu.memory_space<semaphore_mem>>, %arg10: memref<!tpu.dma_semaphore, #tpu.memory_space<semaphore_mem>>, %arg11: memref<!tpu.dma_semaphore, #tpu.memory_space<semaphore_mem>>, %arg12: memref<!tpu.dma_semaphore, #tpu.memory_space<semaphore_mem>>, %arg13: memref<!tpu.dma_semaphore, #tpu.memory_space<semaphore_mem>>, %arg14: memref<!tpu.dma_semaphore, #tpu.memory_space<semaphore_mem>>, %arg15: memref<!tpu.dma_semaphore, #tpu.memory_space<semaphore_mem>>, %arg16: memref<!tpu.dma_semaphore, #tpu.memory_space<semaphore_mem>>, %arg17: memref<!tpu.dma_semaphore, #tpu.memory_space<semaphore_mem>>, %arg18: memref<!tpu.dma_semaphore, #tpu.memory_space<semaphore_mem>>, %arg19: memref<!tpu.dma_semaphore, #tpu.memory_space<semaphore_mem>>, %arg20: memref<!tpu.dma_semaphore, #tpu.memory_space<semaphore_mem>>, %arg21: memref<10240x16xf32, #tpu.memory_space<vmem_shared>>) attributes {dimension_semantics = [#tpu.dimension_semantics<core_parallel>, #tpu.dimension_semantics<subcore_parallel>], iteration_bounds = array<i64: 2, 16>, scalar_prefetch = 0 : i64, scratch_operands = 16 : i64, tpu.core_type = #tpu.core_type<sc_vector_subcore>, window_params = [{transform_indices = #map}, {transform_indices = #map}, {transform_indices = #map}, {transform_indices = #map1}]} {
    %mul3A = arith.constant 16 : i32
    %mul3A_0 = arith.muli %arg0, %mul3A : i32
    %add3A = arith.addi %mul3A_0, %arg1 : i32
    %scan3A = arith.constant 0 : i32
    %scan3A_1 = arith.constant 128 : i32
    %scan3A_2 = arith.addi %scan3A, %scan3A_1 : i32
    %scan3A_3 = arith.constant 1 : i32
    scf.for %scan3A_146 = %scan3A to %scan3A_2 step %scan3A_3  : i32 {
      %broadcast_in_dim3A = arith.constant 0.000000e+00 : f32
      %broadcast_in_dim3A_147 = vector.broadcast %broadcast_in_dim3A : f32 to vector<16xf32>
      %swap3A = arith.constant 0 : i32
      %swap3A_148 = arith.index_cast %swap3A : i32 to index
      %swap3A_149 = arith.index_cast %scan3A_146 : i32 to index
      %swap3A_150 = arith.constant 0 : index
      %swap3A_151 = tpu.vector_load %arg8[%swap3A_148, %swap3A_149, %swap3A_150] {strides = array<i32>} : memref<6x128x16xf32, #tpu.memory_space<vmem>>, vector<1x1x16xf32>,
      %swap3A_152 = vector.shape_cast %swap3A_151 : vector<1x1x16xf32> to vector<16xf32>
      %swap3A_153 = vector.shape_cast %broadcast_in_dim3A_147 : vector<16xf32> to vector<1x1x16xf32>
      tpu.vector_store %arg8[%swap3A_148, %swap3A_149, %swap3A_150], %swap3A_153 {strides = array<i32>} : memref<6x128x16xf32, #tpu.memory_space<vmem>>, vector<1x1x16xf32>,
    }
    %scan3A_4 = arith.constant 128 : i32
    %mul3A_5 = arith.constant 640 : i32
    %mul3A_6 = arith.muli %arg1, %mul3A_5 : i32
    %add3A_7 = arith.constant 0 : i32
    %add3A_8 = arith.addi %mul3A_6, %add3A_7 : i32
    %run_scoped3A = arith.constant 0 : i32
    "tpu.region"() ({
      %run_scoped3A_146 = tpu.sem_alloc : memref<!tpu.dma_semaphore, #tpu.memory_space<semaphore_mem>>
      %dma_start3A = arith.constant 0 : i32
      %dma_start3A_147 = arith.constant 0 : i32
      %dma_start3A_148 = tpu.memref_slice %arg8[%run_scoped3A, %dma_start3A, %dma_start3A_147] : memref<6x128x16xf32, #tpu.memory_space<vmem>> -> memref<1x128x16xf32, #tpu.memory_space<vmem>>
      %dma_start3A_149 = tpu.memref_squeeze %dma_start3A_148 : memref<1x128x16xf32, #tpu.memory_space<vmem>> -> memref<128x16xf32, #tpu.memory_space<vmem>>
      %dma_start3A_150 = arith.constant 0 : i32
      %dma_start3A_151 = tpu.memref_slice %arg21[%add3A_8, %dma_start3A_150] : memref<10240x16xf32, #tpu.memory_space<vmem_shared>> -> memref<128x16xf32, #tpu.memory_space<vmem_shared>>
      %dma_start3A_152 = arith.constant 0 : i32
      %dma_start3A_153 = tpu.memref_slice %arg21[%add3A_8, %dma_start3A_152] : memref<10240x16xf32, #tpu.memory_space<vmem_shared>> -> memref<128x16xf32, #tpu.memory_space<vmem_shared>>
      %dma_start3A_154 = arith.constant 0 : i32
      %dma_start3A_155 = arith.constant 0 : i32
      %dma_start3A_156 = tpu.memref_slice %arg8[%run_scoped3A, %dma_start3A_154, %dma_start3A_155] : memref<6x128x16xf32, #tpu.memory_space<vmem>> -> memref<1x128x16xf32, #tpu.memory_space<vmem>>
      %dma_start3A_157 = tpu.memref_squeeze %dma_start3A_156 : memref<1x128x16xf32, #tpu.memory_space<vmem>> -> memref<128x16xf32, #tpu.memory_space<vmem>>
      tpu.enqueue_dma source(%dma_start3A_157 : memref<128x16xf32, #tpu.memory_space<vmem>>) target(%dma_start3A_153 : memref<128x16xf32, #tpu.memory_space<vmem_shared>>) target_semaphore(%run_scoped3A_146 : memref<!tpu.dma_semaphore, #tpu.memory_space<semaphore_mem>>)
      %dma_wait3A_158 = arith.constant 0 : i32
      %dma_wait3A_159 = arith.constant 0 : i32
      %dma_wait3A_160 = tpu.memref_slice %arg8[%run_scoped3A, %dma_wait3A_158, %dma_wait3A_159] : memref<6x128x16xf32, #tpu.memory_space<vmem>> -> memref<1x128x16xf32, #tpu.memory_space<vmem>>
      %dma_wait3A_161 = tpu.memref_squeeze %dma_wait3A_160 : memref<1x128x16xf32, #tpu.memory_space<vmem>> -> memref<128x16xf32, #tpu.memory_space<vmem>>
      %dma_wait3A_162 = arith.constant 0 : i32
      %dma_wait3A_163 = tpu.memref_slice %arg21[%add3A_8, %dma_wait3A_162] : memref<10240x16xf32, #tpu.memory_space<vmem_shared>> -> memref<128x16xf32, #tpu.memory_space<vmem_shared>>
      %dma_wait3A_164 = arith.constant 0 : i32
      %dma_wait3A_165 = tpu.memref_slice %arg21[%add3A_8, %dma_wait3A_164] : memref<10240x16xf32, #tpu.memory_space<vmem_shared>> -> memref<128x16xf32, #tpu.memory_space<vmem_shared>>
      %dma_wait3A_166 = arith.constant 0 : i32
      %dma_wait3A_167 = arith.constant 0 : i32
      %dma_wait3A_168 = tpu.memref_slice %arg8[%run_scoped3A, %dma_wait3A_166, %dma_wait3A_167] : memref<6x128x16xf32, #tpu.memory_space<vmem>> -> memref<1x128x16xf32, #tpu.memory_space<vmem>>
      %dma_wait3A_169 = tpu.memref_squeeze %dma_wait3A_168 : memref<1x128x16xf32, #tpu.memory_space<vmem>> -> memref<128x16xf32, #tpu.memory_space<vmem>>
      tpu.wait_dma2 semaphore(%run_scoped3A_146 : memref<!tpu.dma_semaphore, #tpu.memory_space<semaphore_mem>>) src(%dma_wait3A_169 : memref<128x16xf32, #tpu.memory_space<vmem>>) dst(%dma_wait3A_165 : memref<128x16xf32, #tpu.memory_space<vmem_shared>>)
      tpu.yield
    }) : () -> ()
    %mul3A_9 = arith.constant 640 : i32
    %mul3A_10 = arith.muli %arg1, %mul3A_9 : i32
    %add3A_11 = arith.constant 128 : i32
    %add3A_12 = arith.addi %mul3A_10, %add3A_11 : i32
    %run_scoped3A_13 = arith.constant 0 : i32
    "tpu.region"() ({
      %run_scoped3A_146 = tpu.sem_alloc : memref<!tpu.dma_semaphore, #tpu.memory_space<semaphore_mem>>
      %dma_start3A = arith.constant 0 : i32
      %dma_start3A_147 = arith.constant 0 : i32
      %dma_start3A_148 = tpu.memref_slice %arg8[%run_scoped3A_13, %dma_start3A, %dma_start3A_147] : memref<6x128x16xf32, #tpu.memory_space<vmem>> -> memref<1x128x16xf32, #tpu.memory_space<vmem>>
      %dma_start3A_149 = tpu.memref_squeeze %dma_start3A_148 : memref<1x128x16xf32, #tpu.memory_space<vmem>> -> memref<128x16xf32, #tpu.memory_space<vmem>>
      %dma_start3A_150 = arith.constant 0 : i32
      %dma_start3A_151 = tpu.memref_slice %arg21[%add3A_12, %dma_start3A_150] : memref<10240x16xf32, #tpu.memory_space<vmem_shared>> -> memref<128x16xf32, #tpu.memory_space<vmem_shared>>
      %dma_start3A_152 = arith.constant 0 : i32
      %dma_start3A_153 = tpu.memref_slice %arg21[%add3A_12, %dma_start3A_152] : memref<10240x16xf32, #tpu.memory_space<vmem_shared>> -> memref<128x16xf32, #tpu.memory_space<vmem_shared>>
      %dma_start3A_154 = arith.constant 0 : i32
      %dma_start3A_155 = arith.constant 0 : i32
      %dma_start3A_156 = tpu.memref_slice %arg8[%run_scoped3A_13, %dma_start3A_154, %dma_start3A_155] : memref<6x128x16xf32, #tpu.memory_space<vmem>> -> memref<1x128x16xf32, #tpu.memory_space<vmem>>
      %dma_start3A_157 = tpu.memref_squeeze %dma_start3A_156 : memref<1x128x16xf32, #tpu.memory_space<vmem>> -> memref<128x16xf32, #tpu.memory_space<vmem>>
      tpu.enqueue_dma source(%dma_start3A_157 : memref<128x16xf32, #tpu.memory_space<vmem>>) target(%dma_start3A_153 : memref<128x16xf32, #tpu.memory_space<vmem_shared>>) target_semaphore(%run_scoped3A_146 : memref<!tpu.dma_semaphore, #tpu.memory_space<semaphore_mem>>)
      %dma_wait3A_158 = arith.constant 0 : i32
      %dma_wait3A_159 = arith.constant 0 : i32
      %dma_wait3A_160 = tpu.memref_slice %arg8[%run_scoped3A_13, %dma_wait3A_158, %dma_wait3A_159] : memref<6x128x16xf32, #tpu.memory_space<vmem>> -> memref<1x128x16xf32, #tpu.memory_space<vmem>>
      %dma_wait3A_161 = tpu.memref_squeeze %dma_wait3A_160 : memref<1x128x16xf32, #tpu.memory_space<vmem>> -> memref<128x16xf32, #tpu.memory_space<vmem>>
      %dma_wait3A_162 = arith.constant 0 : i32
      %dma_wait3A_163 = tpu.memref_slice %arg21[%add3A_12, %dma_wait3A_162] : memref<10240x16xf32, #tpu.memory_space<vmem_shared>> -> memref<128x16xf32, #tpu.memory_space<vmem_shared>>
      %dma_wait3A_164 = arith.constant 0 : i32
      %dma_wait3A_165 = tpu.memref_slice %arg21[%add3A_12, %dma_wait3A_164] : memref<10240x16xf32, #tpu.memory_space<vmem_shared>> -> memref<128x16xf32, #tpu.memory_space<vmem_shared>>
      %dma_wait3A_166 = arith.constant 0 : i32
      %dma_wait3A_167 = arith.constant 0 : i32
      %dma_wait3A_168 = tpu.memref_slice %arg8[%run_scoped3A_13, %dma_wait3A_166, %dma_wait3A_167] : memref<6x128x16xf32, #tpu.memory_space<vmem>> -> memref<1x128x16xf32, #tpu.memory_space<vmem>>
      %dma_wait3A_169 = tpu.memref_squeeze %dma_wait3A_168 : memref<1x128x16xf32, #tpu.memory_space<vmem>> -> memref<128x16xf32, #tpu.memory_space<vmem>>
      tpu.wait_dma2 semaphore(%run_scoped3A_146 : memref<!tpu.dma_semaphore, #tpu.memory_space<semaphore_mem>>) src(%dma_wait3A_169 : memref<128x16xf32, #tpu.memory_space<vmem>>) dst(%dma_wait3A_165 : memref<128x16xf32, #tpu.memory_space<vmem_shared>>)
      tpu.yield
    }) : () -> ()
    %mul3A_14 = arith.constant 640 : i32
    %mul3A_15 = arith.muli %arg1, %mul3A_14 : i32
    %add3A_16 = arith.constant 256 : i32
    %add3A_17 = arith.addi %mul3A_15, %add3A_16 : i32
    %run_scoped3A_18 = arith.constant 0 : i32
    "tpu.region"() ({
      %run_scoped3A_146 = tpu.sem_alloc : memref<!tpu.dma_semaphore, #tpu.memory_space<semaphore_mem>>
      %dma_start3A = arith.constant 0 : i32
      %dma_start3A_147 = arith.constant 0 : i32
      %dma_start3A_148 = tpu.memref_slice %arg8[%run_scoped3A_18, %dma_start3A, %dma_start3A_147] : memref<6x128x16xf32, #tpu.memory_space<vmem>> -> memref<1x128x16xf32, #tpu.memory_space<vmem>>
      %dma_start3A_149 = tpu.memref_squeeze %dma_start3A_148 : memref<1x128x16xf32, #tpu.memory_space<vmem>> -> memref<128x16xf32, #tpu.memory_space<vmem>>
      %dma_start3A_150 = arith.constant 0 : i32
      %dma_start3A_151 = tpu.memref_slice %arg21[%add3A_17, %dma_start3A_150] : memref<10240x16xf32, #tpu.memory_space<vmem_shared>> -> memref<128x16xf32, #tpu.memory_space<vmem_shared>>
      %dma_start3A_152 = arith.constant 0 : i32
      %dma_start3A_153 = tpu.memref_slice %arg21[%add3A_17, %dma_start3A_152] : memref<10240x16xf32, #tpu.memory_space<vmem_shared>> -> memref<128x16xf32, #tpu.memory_space<vmem_shared>>
      %dma_start3A_154 = arith.constant 0 : i32
      %dma_start3A_155 = arith.constant 0 : i32
      %dma_start3A_156 = tpu.memref_slice %arg8[%run_scoped3A_18, %dma_start3A_154, %dma_start3A_155] : memref<6x128x16xf32, #tpu.memory_space<vmem>> -> memref<1x128x16xf32, #tpu.memory_space<vmem>>
      %dma_start3A_157 = tpu.memref_squeeze %dma_start3A_156 : memref<1x128x16xf32, #tpu.memory_space<vmem>> -> memref<128x16xf32, #tpu.memory_space<vmem>>
      tpu.enqueue_dma source(%dma_start3A_157 : memref<128x16xf32, #tpu.memory_space<vmem>>) target(%dma_start3A_153 : memref<128x16xf32, #tpu.memory_space<vmem_shared>>) target_semaphore(%run_scoped3A_146 : memref<!tpu.dma_semaphore, #tpu.memory_space<semaphore_mem>>)
      %dma_wait3A_158 = arith.constant 0 : i32
      %dma_wait3A_159 = arith.constant 0 : i32
      %dma_wait3A_160 = tpu.memref_slice %arg8[%run_scoped3A_18, %dma_wait3A_158, %dma_wait3A_159] : memref<6x128x16xf32, #tpu.memory_space<vmem>> -> memref<1x128x16xf32, #tpu.memory_space<vmem>>
      %dma_wait3A_161 = tpu.memref_squeeze %dma_wait3A_160 : memref<1x128x16xf32, #tpu.memory_space<vmem>> -> memref<128x16xf32, #tpu.memory_space<vmem>>
      %dma_wait3A_162 = arith.constant 0 : i32
      %dma_wait3A_163 = tpu.memref_slice %arg21[%add3A_17, %dma_wait3A_162] : memref<10240x16xf32, #tpu.memory_space<vmem_shared>> -> memref<128x16xf32, #tpu.memory_space<vmem_shared>>
      %dma_wait3A_164 = arith.constant 0 : i32
      %dma_wait3A_165 = tpu.memref_slice %arg21[%add3A_17, %dma_wait3A_164] : memref<10240x16xf32, #tpu.memory_space<vmem_shared>> -> memref<128x16xf32, #tpu.memory_space<vmem_shared>>
      %dma_wait3A_166 = arith.constant 0 : i32
      %dma_wait3A_167 = arith.constant 0 : i32
      %dma_wait3A_168 = tpu.memref_slice %arg8[%run_scoped3A_18, %dma_wait3A_166, %dma_wait3A_167] : memref<6x128x16xf32, #tpu.memory_space<vmem>> -> memref<1x128x16xf32, #tpu.memory_space<vmem>>
      %dma_wait3A_169 = tpu.memref_squeeze %dma_wait3A_168 : memref<1x128x16xf32, #tpu.memory_space<vmem>> -> memref<128x16xf32, #tpu.memory_space<vmem>>
      tpu.wait_dma2 semaphore(%run_scoped3A_146 : memref<!tpu.dma_semaphore, #tpu.memory_space<semaphore_mem>>) src(%dma_wait3A_169 : memref<128x16xf32, #tpu.memory_space<vmem>>) dst(%dma_wait3A_165 : memref<128x16xf32, #tpu.memory_space<vmem_shared>>)
      tpu.yield
    }) : () -> ()
    %mul3A_19 = arith.constant 640 : i32
    %mul3A_20 = arith.muli %arg1, %mul3A_19 : i32
    %add3A_21 = arith.constant 384 : i32
    %add3A_22 = arith.addi %mul3A_20, %add3A_21 : i32
    %run_scoped3A_23 = arith.constant 0 : i32
    "tpu.region"() ({
      %run_scoped3A_146 = tpu.sem_alloc : memref<!tpu.dma_semaphore, #tpu.memory_space<semaphore_mem>>
      %dma_start3A = arith.constant 0 : i32
      %dma_start3A_147 = arith.constant 0 : i32
      %dma_start3A_148 = tpu.memref_slice %arg8[%run_scoped3A_23, %dma_start3A, %dma_start3A_147] : memref<6x128x16xf32, #tpu.memory_space<vmem>> -> memref<1x128x16xf32, #tpu.memory_space<vmem>>
      %dma_start3A_149 = tpu.memref_squeeze %dma_start3A_148 : memref<1x128x16xf32, #tpu.memory_space<vmem>> -> memref<128x16xf32, #tpu.memory_space<vmem>>
      %dma_start3A_150 = arith.constant 0 : i32
      %dma_start3A_151 = tpu.memref_slice %arg21[%add3A_22, %dma_start3A_150] : memref<10240x16xf32, #tpu.memory_space<vmem_shared>> -> memref<128x16xf32, #tpu.memory_space<vmem_shared>>
      %dma_start3A_152 = arith.constant 0 : i32
      %dma_start3A_153 = tpu.memref_slice %arg21[%add3A_22, %dma_start3A_152] : memref<10240x16xf32, #tpu.memory_space<vmem_shared>> -> memref<128x16xf32, #tpu.memory_space<vmem_shared>>
      %dma_start3A_154 = arith.constant 0 : i32
      %dma_start3A_155 = arith.constant 0 : i32
      %dma_start3A_156 = tpu.memref_slice %arg8[%run_scoped3A_23, %dma_start3A_154, %dma_start3A_155] : memref<6x128x16xf32, #tpu.memory_space<vmem>> -> memref<1x128x16xf32, #tpu.memory_space<vmem>>
      %dma_start3A_157 = tpu.memref_squeeze %dma_start3A_156 : memref<1x128x16xf32, #tpu.memory_space<vmem>> -> memref<128x16xf32, #tpu.memory_space<vmem>>
      tpu.enqueue_dma source(%dma_start3A_157 : memref<128x16xf32, #tpu.memory_space<vmem>>) target(%dma_start3A_153 : memref<128x16xf32, #tpu.memory_space<vmem_shared>>) target_semaphore(%run_scoped3A_146 : memref<!tpu.dma_semaphore, #tpu.memory_space<semaphore_mem>>)
      %dma_wait3A_158 = arith.constant 0 : i32
      %dma_wait3A_159 = arith.constant 0 : i32
      %dma_wait3A_160 = tpu.memref_slice %arg8[%run_scoped3A_23, %dma_wait3A_158, %dma_wait3A_159] : memref<6x128x16xf32, #tpu.memory_space<vmem>> -> memref<1x128x16xf32, #tpu.memory_space<vmem>>
      %dma_wait3A_161 = tpu.memref_squeeze %dma_wait3A_160 : memref<1x128x16xf32, #tpu.memory_space<vmem>> -> memref<128x16xf32, #tpu.memory_space<vmem>>
      %dma_wait3A_162 = arith.constant 0 : i32
      %dma_wait3A_163 = tpu.memref_slice %arg21[%add3A_22, %dma_wait3A_162] : memref<10240x16xf32, #tpu.memory_space<vmem_shared>> -> memref<128x16xf32, #tpu.memory_space<vmem_shared>>
      %dma_wait3A_164 = arith.constant 0 : i32
      %dma_wait3A_165 = tpu.memref_slice %arg21[%add3A_22, %dma_wait3A_164] : memref<10240x16xf32, #tpu.memory_space<vmem_shared>> -> memref<128x16xf32, #tpu.memory_space<vmem_shared>>
      %dma_wait3A_166 = arith.constant 0 : i32
      %dma_wait3A_167 = arith.constant 0 : i32
      %dma_wait3A_168 = tpu.memref_slice %arg8[%run_scoped3A_23, %dma_wait3A_166, %dma_wait3A_167] : memref<6x128x16xf32, #tpu.memory_space<vmem>> -> memref<1x128x16xf32, #tpu.memory_space<vmem>>
      %dma_wait3A_169 = tpu.memref_squeeze %dma_wait3A_168 : memref<1x128x16xf32, #tpu.memory_space<vmem>> -> memref<128x16xf32, #tpu.memory_space<vmem>>
      tpu.wait_dma2 semaphore(%run_scoped3A_146 : memref<!tpu.dma_semaphore, #tpu.memory_space<semaphore_mem>>) src(%dma_wait3A_169 : memref<128x16xf32, #tpu.memory_space<vmem>>) dst(%dma_wait3A_165 : memref<128x16xf32, #tpu.memory_space<vmem_shared>>)
      tpu.yield
    }) : () -> ()
    %mul3A_24 = arith.constant 640 : i32
    %mul3A_25 = arith.muli %arg1, %mul3A_24 : i32
    %add3A_26 = arith.constant 512 : i32
    %add3A_27 = arith.addi %mul3A_25, %add3A_26 : i32
    %run_scoped3A_28 = arith.constant 0 : i32
    "tpu.region"() ({
      %run_scoped3A_146 = tpu.sem_alloc : memref<!tpu.dma_semaphore, #tpu.memory_space<semaphore_mem>>
      %dma_start3A = arith.constant 0 : i32
      %dma_start3A_147 = arith.constant 0 : i32
      %dma_start3A_148 = tpu.memref_slice %arg8[%run_scoped3A_28, %dma_start3A, %dma_start3A_147] : memref<6x128x16xf32, #tpu.memory_space<vmem>> -> memref<1x128x16xf32, #tpu.memory_space<vmem>>
      %dma_start3A_149 = tpu.memref_squeeze %dma_start3A_148 : memref<1x128x16xf32, #tpu.memory_space<vmem>> -> memref<128x16xf32, #tpu.memory_space<vmem>>
      %dma_start3A_150 = arith.constant 0 : i32
      %dma_start3A_151 = tpu.memref_slice %arg21[%add3A_27, %dma_start3A_150] : memref<10240x16xf32, #tpu.memory_space<vmem_shared>> -> memref<128x16xf32, #tpu.memory_space<vmem_shared>>
      %dma_start3A_152 = arith.constant 0 : i32
      %dma_start3A_153 = tpu.memref_slice %arg21[%add3A_27, %dma_start3A_152] : memref<10240x16xf32, #tpu.memory_space<vmem_shared>> -> memref<128x16xf32, #tpu.memory_space<vmem_shared>>
      %dma_start3A_154 = arith.constant 0 : i32
      %dma_start3A_155 = arith.constant 0 : i32
      %dma_start3A_156 = tpu.memref_slice %arg8[%run_scoped3A_28, %dma_start3A_154, %dma_start3A_155] : memref<6x128x16xf32, #tpu.memory_space<vmem>> -> memref<1x128x16xf32, #tpu.memory_space<vmem>>
      %dma_start3A_157 = tpu.memref_squeeze %dma_start3A_156 : memref<1x128x16xf32, #tpu.memory_space<vmem>> -> memref<128x16xf32, #tpu.memory_space<vmem>>
      tpu.enqueue_dma source(%dma_start3A_157 : memref<128x16xf32, #tpu.memory_space<vmem>>) target(%dma_start3A_153 : memref<128x16xf32, #tpu.memory_space<vmem_shared>>) target_semaphore(%run_scoped3A_146 : memref<!tpu.dma_semaphore, #tpu.memory_space<semaphore_mem>>)
      %dma_wait3A_158 = arith.constant 0 : i32
      %dma_wait3A_159 = arith.constant 0 : i32
      %dma_wait3A_160 = tpu.memref_slice %arg8[%run_scoped3A_28, %dma_wait3A_158, %dma_wait3A_159] : memref<6x128x16xf32, #tpu.memory_space<vmem>> -> memref<1x128x16xf32, #tpu.memory_space<vmem>>
      %dma_wait3A_161 = tpu.memref_squeeze %dma_wait3A_160 : memref<1x128x16xf32, #tpu.memory_space<vmem>> -> memref<128x16xf32, #tpu.memory_space<vmem>>
      %dma_wait3A_162 = arith.constant 0 : i32
      %dma_wait3A_163 = tpu.memref_slice %arg21[%add3A_27, %dma_wait3A_162] : memref<10240x16xf32, #tpu.memory_space<vmem_shared>> -> memref<128x16xf32, #tpu.memory_space<vmem_shared>>
      %dma_wait3A_164 = arith.constant 0 : i32
      %dma_wait3A_165 = tpu.memref_slice %arg21[%add3A_27, %dma_wait3A_164] : memref<10240x16xf32, #tpu.memory_space<vmem_shared>> -> memref<128x16xf32, #tpu.memory_space<vmem_shared>>
      %dma_wait3A_166 = arith.constant 0 : i32
      %dma_wait3A_167 = arith.constant 0 : i32
      %dma_wait3A_168 = tpu.memref_slice %arg8[%run_scoped3A_28, %dma_wait3A_166, %dma_wait3A_167] : memref<6x128x16xf32, #tpu.memory_space<vmem>> -> memref<1x128x16xf32, #tpu.memory_space<vmem>>
      %dma_wait3A_169 = tpu.memref_squeeze %dma_wait3A_168 : memref<1x128x16xf32, #tpu.memory_space<vmem>> -> memref<128x16xf32, #tpu.memory_space<vmem>>
      tpu.wait_dma2 semaphore(%run_scoped3A_146 : memref<!tpu.dma_semaphore, #tpu.memory_space<semaphore_mem>>) src(%dma_wait3A_169 : memref<128x16xf32, #tpu.memory_space<vmem>>) dst(%dma_wait3A_165 : memref<128x16xf32, #tpu.memory_space<vmem_shared>>)
      tpu.yield
    }) : () -> ()
    %barrier3A = arith.constant 0 : index
    tpu.barrier barrier_id(%barrier3A)
    %scan3A_29 = arith.constant 0 : i32
    %scan3A_30 = arith.constant 5 : i32
    %scan3A_31 = arith.addi %scan3A_29, %scan3A_30 : i32
    %scan3A_32 = arith.constant 1 : i32
    scf.for %scan3A_146 = %scan3A_29 to %scan3A_31 step %scan3A_32  : i32 {
      %gt3A = arith.constant 0 : i32
      %gt3A_147 = arith.cmpi sgt, %scan3A_146, %gt3A : i32
      %convert_element_type3A = arith.extui %gt3A_147 : i1 to i32
      %cond3A = arith.constant 0 : i32
      %cond3A_148 = arith.cmpi ne, %convert_element_type3A, %cond3A : i32
      scf.if %cond3A_148 {
        %dma_wait3A_849 = arith.constant 0 : i32
        %dma_wait3A_850 = arith.constant 0 : i32
        %dma_wait3A_851 = arith.constant 0 : i32
        %dma_wait3A_852 = arith.constant 0 : i32
        %dma_wait3A_853 = tpu.memref_slice %arg8[%dma_wait3A_849, %dma_wait3A_851, %dma_wait3A_852] : memref<6x128x16xf32, #tpu.memory_space<vmem>> -> memref<1x128x16xf32, #tpu.memory_space<vmem>>
        %dma_wait3A_854 = tpu.memref_squeeze %dma_wait3A_853 : memref<1x128x16xf32, #tpu.memory_space<vmem>> -> memref<128x16xf32, #tpu.memory_space<vmem>>
        %dma_wait3A_855 = arith.constant 0 : i32
        %dma_wait3A_856 = tpu.memref_slice %arg7[%dma_wait3A_850, %dma_wait3A_855] : memref<16x128xi32, #tpu.memory_space<vmem>> -> memref<1x128xi32, #tpu.memory_space<vmem>>
        %dma_wait3A_857 = tpu.memref_squeeze %dma_wait3A_856 : memref<1x128xi32, #tpu.memory_space<vmem>> -> memref<128xi32, #tpu.memory_space<vmem>>
        %dma_wait3A_858 = arith.constant 0 : i32
        %dma_wait3A_859 = arith.constant 0 : i32
        %dma_wait3A_860 = tpu.memref_slice %arg21[%dma_wait3A_858, %dma_wait3A_859] : memref<10240x16xf32, #tpu.memory_space<vmem_shared>> -> memref<10240x16xf32, #tpu.memory_space<vmem_shared>>
        tpu.wait_indirect_dma semaphore(%arg15 : memref<!tpu.dma_semaphore, #tpu.memory_space<semaphore_mem>>) src(%dma_wait3A_854 : memref<128x16xf32, #tpu.memory_space<vmem>>) dst(%dma_wait3A_860 : memref<10240x16xf32, #tpu.memory_space<vmem_shared>>)
        %dma_wait3A_861 = arith.constant 1 : i32
        %dma_wait3A_862 = arith.constant 0 : i32
        %dma_wait3A_863 = arith.constant 0 : i32
        %dma_wait3A_864 = arith.constant 0 : i32
        %dma_wait3A_865 = tpu.memref_slice %arg8[%dma_wait3A_861, %dma_wait3A_863, %dma_wait3A_864] : memref<6x128x16xf32, #tpu.memory_space<vmem>> -> memref<1x128x16xf32, #tpu.memory_space<vmem>>
        %dma_wait3A_866 = tpu.memref_squeeze %dma_wait3A_865 : memref<1x128x16xf32, #tpu.memory_space<vmem>> -> memref<128x16xf32, #tpu.memory_space<vmem>>
        %dma_wait3A_867 = arith.constant 0 : i32
        %dma_wait3A_868 = tpu.memref_slice %arg7[%dma_wait3A_862, %dma_wait3A_867] : memref<16x128xi32, #tpu.memory_space<vmem>> -> memref<1x128xi32, #tpu.memory_space<vmem>>
        %dma_wait3A_869 = tpu.memref_squeeze %dma_wait3A_868 : memref<1x128xi32, #tpu.memory_space<vmem>> -> memref<128xi32, #tpu.memory_space<vmem>>
        %dma_wait3A_870 = arith.constant 0 : i32
        %dma_wait3A_871 = arith.constant 0 : i32
        %dma_wait3A_872 = tpu.memref_slice %arg21[%dma_wait3A_870, %dma_wait3A_871] : memref<10240x16xf32, #tpu.memory_space<vmem_shared>> -> memref<10240x16xf32, #tpu.memory_space<vmem_shared>>
        tpu.wait_indirect_dma semaphore(%arg16 : memref<!tpu.dma_semaphore, #tpu.memory_space<semaphore_mem>>) src(%dma_wait3A_866 : memref<128x16xf32, #tpu.memory_space<vmem>>) dst(%dma_wait3A_872 : memref<10240x16xf32, #tpu.memory_space<vmem_shared>>)
        %dma_wait3A_873 = arith.constant 2 : i32
        %dma_wait3A_874 = arith.constant 0 : i32
        %dma_wait3A_875 = arith.constant 0 : i32
        %dma_wait3A_876 = arith.constant 0 : i32
        %dma_wait3A_877 = tpu.memref_slice %arg8[%dma_wait3A_873, %dma_wait3A_875, %dma_wait3A_876] : memref<6x128x16xf32, #tpu.memory_space<vmem>> -> memref<1x128x16xf32, #tpu.memory_space<vmem>>
        %dma_wait3A_878 = tpu.memref_squeeze %dma_wait3A_877 : memref<1x128x16xf32, #tpu.memory_space<vmem>> -> memref<128x16xf32, #tpu.memory_space<vmem>>
        %dma_wait3A_879 = arith.constant 0 : i32
        %dma_wait3A_880 = tpu.memref_slice %arg7[%dma_wait3A_874, %dma_wait3A_879] : memref<16x128xi32, #tpu.memory_space<vmem>> -> memref<1x128xi32, #tpu.memory_space<vmem>>
        %dma_wait3A_881 = tpu.memref_squeeze %dma_wait3A_880 : memref<1x128xi32, #tpu.memory_space<vmem>> -> memref<128xi32, #tpu.memory_space<vmem>>
        %dma_wait3A_882 = arith.constant 0 : i32
        %dma_wait3A_883 = arith.constant 0 : i32
        %dma_wait3A_884 = tpu.memref_slice %arg21[%dma_wait3A_882, %dma_wait3A_883] : memref<10240x16xf32, #tpu.memory_space<vmem_shared>> -> memref<10240x16xf32, #tpu.memory_space<vmem_shared>>
        tpu.wait_indirect_dma semaphore(%arg17 : memref<!tpu.dma_semaphore, #tpu.memory_space<semaphore_mem>>) src(%dma_wait3A_878 : memref<128x16xf32, #tpu.memory_space<vmem>>) dst(%dma_wait3A_884 : memref<10240x16xf32, #tpu.memory_space<vmem_shared>>)
        %dma_wait3A_885 = arith.constant 3 : i32
        %dma_wait3A_886 = arith.constant 0 : i32
        %dma_wait3A_887 = arith.constant 0 : i32
        %dma_wait3A_888 = arith.constant 0 : i32
        %dma_wait3A_889 = tpu.memref_slice %arg8[%dma_wait3A_885, %dma_wait3A_887, %dma_wait3A_888] : memref<6x128x16xf32, #tpu.memory_space<vmem>> -> memref<1x128x16xf32, #tpu.memory_space<vmem>>
        %dma_wait3A_890 = tpu.memref_squeeze %dma_wait3A_889 : memref<1x128x16xf32, #tpu.memory_space<vmem>> -> memref<128x16xf32, #tpu.memory_space<vmem>>
        %dma_wait3A_891 = arith.constant 0 : i32
        %dma_wait3A_892 = tpu.memref_slice %arg7[%dma_wait3A_886, %dma_wait3A_891] : memref<16x128xi32, #tpu.memory_space<vmem>> -> memref<1x128xi32, #tpu.memory_space<vmem>>
        %dma_wait3A_893 = tpu.memref_squeeze %dma_wait3A_892 : memref<1x128xi32, #tpu.memory_space<vmem>> -> memref<128xi32, #tpu.memory_space<vmem>>
        %dma_wait3A_894 = arith.constant 0 : i32
        %dma_wait3A_895 = arith.constant 0 : i32
        %dma_wait3A_896 = tpu.memref_slice %arg21[%dma_wait3A_894, %dma_wait3A_895] : memref<10240x16xf32, #tpu.memory_space<vmem_shared>> -> memref<10240x16xf32, #tpu.memory_space<vmem_shared>>
        tpu.wait_indirect_dma semaphore(%arg18 : memref<!tpu.dma_semaphore, #tpu.memory_space<semaphore_mem>>) src(%dma_wait3A_890 : memref<128x16xf32, #tpu.memory_space<vmem>>) dst(%dma_wait3A_896 : memref<10240x16xf32, #tpu.memory_space<vmem_shared>>)
        %dma_wait3A_897 = arith.constant 4 : i32
        %dma_wait3A_898 = arith.constant 0 : i32
        %dma_wait3A_899 = arith.constant 0 : i32
        %dma_wait3A_900 = arith.constant 0 : i32
        %dma_wait3A_901 = tpu.memref_slice %arg8[%dma_wait3A_897, %dma_wait3A_899, %dma_wait3A_900] : memref<6x128x16xf32, #tpu.memory_space<vmem>> -> memref<1x128x16xf32, #tpu.memory_space<vmem>>
        %dma_wait3A_902 = tpu.memref_squeeze %dma_wait3A_901 : memref<1x128x16xf32, #tpu.memory_space<vmem>> -> memref<128x16xf32, #tpu.memory_space<vmem>>
        %dma_wait3A_903 = arith.constant 0 : i32
        %dma_wait3A_904 = tpu.memref_slice %arg7[%dma_wait3A_898, %dma_wait3A_903] : memref<16x128xi32, #tpu.memory_space<vmem>> -> memref<1x128xi32, #tpu.memory_space<vmem>>
        %dma_wait3A_905 = tpu.memref_squeeze %dma_wait3A_904 : memref<1x128xi32, #tpu.memory_space<vmem>> -> memref<128xi32, #tpu.memory_space<vmem>>
        %dma_wait3A_906 = arith.constant 0 : i32
        %dma_wait3A_907 = arith.constant 0 : i32
        %dma_wait3A_908 = tpu.memref_slice %arg21[%dma_wait3A_906, %dma_wait3A_907] : memref<10240x16xf32, #tpu.memory_space<vmem_shared>> -> memref<10240x16xf32, #tpu.memory_space<vmem_shared>>
        tpu.wait_indirect_dma semaphore(%arg19 : memref<!tpu.dma_semaphore, #tpu.memory_space<semaphore_mem>>) src(%dma_wait3A_902 : memref<128x16xf32, #tpu.memory_space<vmem>>) dst(%dma_wait3A_908 : memref<10240x16xf32, #tpu.memory_space<vmem_shared>>)
        %dma_wait3A_909 = arith.constant 5 : i32
        %dma_wait3A_910 = arith.constant 0 : i32
        %dma_wait3A_911 = arith.constant 0 : i32
        %dma_wait3A_912 = arith.constant 0 : i32
        %dma_wait3A_913 = tpu.memref_slice %arg8[%dma_wait3A_909, %dma_wait3A_911, %dma_wait3A_912] : memref<6x128x16xf32, #tpu.memory_space<vmem>> -> memref<1x128x16xf32, #tpu.memory_space<vmem>>
        %dma_wait3A_914 = tpu.memref_squeeze %dma_wait3A_913 : memref<1x128x16xf32, #tpu.memory_space<vmem>> -> memref<128x16xf32, #tpu.memory_space<vmem>>
        %dma_wait3A_915 = arith.constant 0 : i32
        %dma_wait3A_916 = tpu.memref_slice %arg7[%dma_wait3A_910, %dma_wait3A_915] : memref<16x128xi32, #tpu.memory_space<vmem>> -> memref<1x128xi32, #tpu.memory_space<vmem>>
        %dma_wait3A_917 = tpu.memref_squeeze %dma_wait3A_916 : memref<1x128xi32, #tpu.memory_space<vmem>> -> memref<128xi32, #tpu.memory_space<vmem>>
        %dma_wait3A_918 = arith.constant 0 : i32
        %dma_wait3A_919 = arith.constant 0 : i32
        %dma_wait3A_920 = tpu.memref_slice %arg21[%dma_wait3A_918, %dma_wait3A_919] : memref<10240x16xf32, #tpu.memory_space<vmem_shared>> -> memref<10240x16xf32, #tpu.memory_space<vmem_shared>>
        tpu.wait_indirect_dma semaphore(%arg20 : memref<!tpu.dma_semaphore, #tpu.memory_space<semaphore_mem>>) src(%dma_wait3A_914 : memref<128x16xf32, #tpu.memory_space<vmem>>) dst(%dma_wait3A_920 : memref<10240x16xf32, #tpu.memory_space<vmem_shared>>)
      } else {
      }
      %mul3A_149 = arith.constant 80 : i32
      %mul3A_150 = arith.muli %add3A, %mul3A_149 : i32
      %mul3A_151 = arith.constant 16 : i32
      %mul3A_152 = arith.muli %scan3A_146, %mul3A_151 : i32
      %add3A_153 = arith.addi %mul3A_150, %mul3A_152 : i32
      "tpu.region"() ({
        %run_scoped3A_849 = tpu.sem_alloc : memref<!tpu.dma_semaphore, #tpu.memory_space<semaphore_mem>>
        %dma_start3A_850 = arith.constant 0 : i32
        %dma_start3A_851 = tpu.memref_slice %arg3[%add3A_153, %dma_start3A_850] : memref<2560x128xi32, #tpu.memory_space<hbm>> -> memref<16x128xi32, #tpu.memory_space<hbm>>
        %dma_start3A_852 = arith.constant 0 : i32
        %dma_start3A_853 = tpu.memref_slice %arg3[%add3A_153, %dma_start3A_852] : memref<2560x128xi32, #tpu.memory_space<hbm>> -> memref<16x128xi32, #tpu.memory_space<hbm>>
        tpu.enqueue_dma source(%dma_start3A_853 : memref<16x128xi32, #tpu.memory_space<hbm>>) target(%arg6 : memref<16x128xi32, #tpu.memory_space<vmem>>) target_semaphore(%run_scoped3A_849 : memref<!tpu.dma_semaphore, #tpu.memory_space<semaphore_mem>>)
        %dma_wait3A_854 = arith.constant 0 : i32
        %dma_wait3A_855 = tpu.memref_slice %arg3[%add3A_153, %dma_wait3A_854] : memref<2560x128xi32, #tpu.memory_space<hbm>> -> memref<16x128xi32, #tpu.memory_space<hbm>>
        %dma_wait3A_856 = arith.constant 0 : i32
        %dma_wait3A_857 = tpu.memref_slice %arg3[%add3A_153, %dma_wait3A_856] : memref<2560x128xi32, #tpu.memory_space<hbm>> -> memref<16x128xi32, #tpu.memory_space<hbm>>
        tpu.wait_dma2 semaphore(%run_scoped3A_849 : memref<!tpu.dma_semaphore, #tpu.memory_space<semaphore_mem>>) src(%dma_wait3A_857 : memref<16x128xi32, #tpu.memory_space<hbm>>) dst(%arg6 : memref<16x128xi32, #tpu.memory_space<vmem>>)
        tpu.yield
      }) : () -> ()
      "tpu.region"() ({
        %run_scoped3A_849 = tpu.sem_alloc : memref<!tpu.dma_semaphore, #tpu.memory_space<semaphore_mem>>
        %dma_start3A_850 = arith.constant 0 : i32
        %dma_start3A_851 = tpu.memref_slice %arg4[%add3A_153, %dma_start3A_850] : memref<2560x128xi32, #tpu.memory_space<hbm>> -> memref<16x128xi32, #tpu.memory_space<hbm>>
        %dma_start3A_852 = arith.constant 0 : i32
        %dma_start3A_853 = tpu.memref_slice %arg4[%add3A_153, %dma_start3A_852] : memref<2560x128xi32, #tpu.memory_space<hbm>> -> memref<16x128xi32, #tpu.memory_space<hbm>>
        tpu.enqueue_dma source(%dma_start3A_853 : memref<16x128xi32, #tpu.memory_space<hbm>>) target(%arg7 : memref<16x128xi32, #tpu.memory_space<vmem>>) target_semaphore(%run_scoped3A_849 : memref<!tpu.dma_semaphore, #tpu.memory_space<semaphore_mem>>)
        %dma_wait3A_854 = arith.constant 0 : i32
        %dma_wait3A_855 = tpu.memref_slice %arg4[%add3A_153, %dma_wait3A_854] : memref<2560x128xi32, #tpu.memory_space<hbm>> -> memref<16x128xi32, #tpu.memory_space<hbm>>
        %dma_wait3A_856 = arith.constant 0 : i32
        %dma_wait3A_857 = tpu.memref_slice %arg4[%add3A_153, %dma_wait3A_856] : memref<2560x128xi32, #tpu.memory_space<hbm>> -> memref<16x128xi32, #tpu.memory_space<hbm>>
        tpu.wait_dma2 semaphore(%run_scoped3A_849 : memref<!tpu.dma_semaphore, #tpu.memory_space<semaphore_mem>>) src(%dma_wait3A_857 : memref<16x128xi32, #tpu.memory_space<hbm>>) dst(%arg7 : memref<16x128xi32, #tpu.memory_space<vmem>>)
        tpu.yield
      }) : () -> ()
      %dma_start3A = arith.constant 0 : i32
      %dma_start3A_154 = arith.constant 0 : i32
      %dma_start3A_155 = arith.constant 0 : i32
      %dma_start3A_156 = arith.constant 0 : i32
      %dma_start3A_157 = tpu.memref_slice %arg8[%dma_start3A_154, %dma_start3A_155, %dma_start3A_156] : memref<6x128x16xf32, #tpu.memory_space<vmem>> -> memref<1x128x16xf32, #tpu.memory_space<vmem>>
      %dma_start3A_158 = tpu.memref_squeeze %dma_start3A_157 : memref<1x128x16xf32, #tpu.memory_space<vmem>> -> memref<128x16xf32, #tpu.memory_space<vmem>>
      %dma_start3A_159 = arith.constant 0 : i32
      %dma_start3A_160 = tpu.memref_slice %arg6[%dma_start3A, %dma_start3A_159] : memref<16x128xi32, #tpu.memory_space<vmem>> -> memref<1x128xi32, #tpu.memory_space<vmem>>
      %dma_start3A_161 = tpu.memref_squeeze %dma_start3A_160 : memref<1x128xi32, #tpu.memory_space<vmem>> -> memref<128xi32, #tpu.memory_space<vmem>>
      %dma_start3A_162 = arith.constant 0 : i32
      %dma_start3A_163 = arith.constant 0 : i32
      %dma_start3A_164 = tpu.memref_slice %arg2[%dma_start3A_162, %dma_start3A_163] : memref<10000x16xf32, #tpu.memory_space<hbm>> -> memref<10000x16xf32, #tpu.memory_space<hbm>>
      tpu.enqueue_indirect_dma source(%dma_start3A_164 : memref<10000x16xf32, #tpu.memory_space<hbm>>) target(%dma_start3A_158 : memref<128x16xf32, #tpu.memory_space<vmem>>) offsets(%dma_start3A_161 : memref<128xi32, #tpu.memory_space<vmem>>) semaphore(%arg9 : memref<!tpu.dma_semaphore, #tpu.memory_space<semaphore_mem>>)
      %dma_start3A_165 = arith.constant 1 : i32
      %dma_start3A_166 = arith.constant 1 : i32
      %dma_start3A_167 = arith.constant 0 : i32
      %dma_start3A_168 = arith.constant 0 : i32
      %dma_start3A_169 = tpu.memref_slice %arg8[%dma_start3A_166, %dma_start3A_167, %dma_start3A_168] : memref<6x128x16xf32, #tpu.memory_space<vmem>> -> memref<1x128x16xf32, #tpu.memory_space<vmem>>
      %dma_start3A_170 = tpu.memref_squeeze %dma_start3A_169 : memref<1x128x16xf32, #tpu.memory_space<vmem>> -> memref<128x16xf32, #tpu.memory_space<vmem>>
      %dma_start3A_171 = arith.constant 0 : i32
      %dma_start3A_172 = tpu.memref_slice %arg6[%dma_start3A_165, %dma_start3A_171] : memref<16x128xi32, #tpu.memory_space<vmem>> -> memref<1x128xi32, #tpu.memory_space<vmem>>
      %dma_start3A_173 = tpu.memref_squeeze %dma_start3A_172 : memref<1x128xi32, #tpu.memory_space<vmem>> -> memref<128xi32, #tpu.memory_space<vmem>>
      %dma_start3A_174 = arith.constant 0 : i32
      %dma_start3A_175 = arith.constant 0 : i32
      %dma_start3A_176 = tpu.memref_slice %arg2[%dma_start3A_174, %dma_start3A_175] : memref<10000x16xf32, #tpu.memory_space<hbm>> -> memref<10000x16xf32, #tpu.memory_space<hbm>>
      tpu.enqueue_indirect_dma source(%dma_start3A_176 : memref<10000x16xf32, #tpu.memory_space<hbm>>) target(%dma_start3A_170 : memref<128x16xf32, #tpu.memory_space<vmem>>) offsets(%dma_start3A_173 : memref<128xi32, #tpu.memory_space<vmem>>) semaphore(%arg10 : memref<!tpu.dma_semaphore, #tpu.memory_space<semaphore_mem>>)
      %dma_start3A_177 = arith.constant 2 : i32
      %dma_start3A_178 = arith.constant 2 : i32
      %dma_start3A_179 = arith.constant 0 : i32
      %dma_start3A_180 = arith.constant 0 : i32
      %dma_start3A_181 = tpu.memref_slice %arg8[%dma_start3A_178, %dma_start3A_179, %dma_start3A_180] : memref<6x128x16xf32, #tpu.memory_space<vmem>> -> memref<1x128x16xf32, #tpu.memory_space<vmem>>
      %dma_start3A_182 = tpu.memref_squeeze %dma_start3A_181 : memref<1x128x16xf32, #tpu.memory_space<vmem>> -> memref<128x16xf32, #tpu.memory_space<vmem>>
      %dma_start3A_183 = arith.constant 0 : i32
      %dma_start3A_184 = tpu.memref_slice %arg6[%dma_start3A_177, %dma_start3A_183] : memref<16x128xi32, #tpu.memory_space<vmem>> -> memref<1x128xi32, #tpu.memory_space<vmem>>
      %dma_start3A_185 = tpu.memref_squeeze %dma_start3A_184 : memref<1x128xi32, #tpu.memory_space<vmem>> -> memref<128xi32, #tpu.memory_space<vmem>>
      %dma_start3A_186 = arith.constant 0 : i32
      %dma_start3A_187 = arith.constant 0 : i32
      %dma_start3A_188 = tpu.memref_slice %arg2[%dma_start3A_186, %dma_start3A_187] : memref<10000x16xf32, #tpu.memory_space<hbm>> -> memref<10000x16xf32, #tpu.memory_space<hbm>>
      tpu.enqueue_indirect_dma source(%dma_start3A_188 : memref<10000x16xf32, #tpu.memory_space<hbm>>) target(%dma_start3A_182 : memref<128x16xf32, #tpu.memory_space<vmem>>) offsets(%dma_start3A_185 : memref<128xi32, #tpu.memory_space<vmem>>) semaphore(%arg11 : memref<!tpu.dma_semaphore, #tpu.memory_space<semaphore_mem>>)
      %dma_start3A_189 = arith.constant 3 : i32
      %dma_start3A_190 = arith.constant 3 : i32
      %dma_start3A_191 = arith.constant 0 : i32
      %dma_start3A_192 = arith.constant 0 : i32
      %dma_start3A_193 = tpu.memref_slice %arg8[%dma_start3A_190, %dma_start3A_191, %dma_start3A_192] : memref<6x128x16xf32, #tpu.memory_space<vmem>> -> memref<1x128x16xf32, #tpu.memory_space<vmem>>
      %dma_start3A_194 = tpu.memref_squeeze %dma_start3A_193 : memref<1x128x16xf32, #tpu.memory_space<vmem>> -> memref<128x16xf32, #tpu.memory_space<vmem>>
      %dma_start3A_195 = arith.constant 0 : i32
      %dma_start3A_196 = tpu.memref_slice %arg6[%dma_start3A_189, %dma_start3A_195] : memref<16x128xi32, #tpu.memory_space<vmem>> -> memref<1x128xi32, #tpu.memory_space<vmem>>
      %dma_start3A_197 = tpu.memref_squeeze %dma_start3A_196 : memref<1x128xi32, #tpu.memory_space<vmem>> -> memref<128xi32, #tpu.memory_space<vmem>>
      %dma_start3A_198 = arith.constant 0 : i32
      %dma_start3A_199 = arith.constant 0 : i32
      %dma_start3A_200 = tpu.memref_slice %arg2[%dma_start3A_198, %dma_start3A_199] : memref<10000x16xf32, #tpu.memory_space<hbm>> -> memref<10000x16xf32, #tpu.memory_space<hbm>>
      tpu.enqueue_indirect_dma source(%dma_start3A_200 : memref<10000x16xf32, #tpu.memory_space<hbm>>) target(%dma_start3A_194 : memref<128x16xf32, #tpu.memory_space<vmem>>) offsets(%dma_start3A_197 : memref<128xi32, #tpu.memory_space<vmem>>) semaphore(%arg12 : memref<!tpu.dma_semaphore, #tpu.memory_space<semaphore_mem>>)
      %dma_wait3A_201 = arith.constant 0 : i32
      %dma_wait3A_202 = arith.constant 0 : i32
      %dma_wait3A_203 = arith.constant 0 : i32
      %dma_wait3A_204 = arith.constant 0 : i32
      %dma_wait3A_205 = tpu.memref_slice %arg8[%dma_wait3A_202, %dma_wait3A_203, %dma_wait3A_204] : memref<6x128x16xf32, #tpu.memory_space<vmem>> -> memref<1x128x16xf32, #tpu.memory_space<vmem>>
      %dma_wait3A_206 = tpu.memref_squeeze %dma_wait3A_205 : memref<1x128x16xf32, #tpu.memory_space<vmem>> -> memref<128x16xf32, #tpu.memory_space<vmem>>
      %dma_wait3A_207 = arith.constant 0 : i32
      %dma_wait3A_208 = tpu.memref_slice %arg6[%dma_wait3A_201, %dma_wait3A_207] : memref<16x128xi32, #tpu.memory_space<vmem>> -> memref<1x128xi32, #tpu.memory_space<vmem>>
      %dma_wait3A_209 = tpu.memref_squeeze %dma_wait3A_208 : memref<1x128xi32, #tpu.memory_space<vmem>> -> memref<128xi32, #tpu.memory_space<vmem>>
      %dma_wait3A_210 = arith.constant 0 : i32
      %dma_wait3A_211 = arith.constant 0 : i32
      %dma_wait3A_212 = tpu.memref_slice %arg2[%dma_wait3A_210, %dma_wait3A_211] : memref<10000x16xf32, #tpu.memory_space<hbm>> -> memref<10000x16xf32, #tpu.memory_space<hbm>>
      tpu.wait_indirect_dma semaphore(%arg9 : memref<!tpu.dma_semaphore, #tpu.memory_space<semaphore_mem>>) src(%dma_wait3A_212 : memref<10000x16xf32, #tpu.memory_space<hbm>>) dst(%dma_wait3A_206 : memref<128x16xf32, #tpu.memory_space<vmem>>)
      %dma_start3A_213 = arith.constant 0 : i32
      %dma_start3A_214 = arith.constant 0 : i32
      %dma_start3A_215 = arith.constant 0 : i32
      %dma_start3A_216 = arith.constant 0 : i32
      %dma_start3A_217 = tpu.memref_slice %arg8[%dma_start3A_213, %dma_start3A_215, %dma_start3A_216] : memref<6x128x16xf32, #tpu.memory_space<vmem>> -> memref<1x128x16xf32, #tpu.memory_space<vmem>>
      %dma_start3A_218 = tpu.memref_squeeze %dma_start3A_217 : memref<1x128x16xf32, #tpu.memory_space<vmem>> -> memref<128x16xf32, #tpu.memory_space<vmem>>
      %dma_start3A_219 = arith.constant 0 : i32
      %dma_start3A_220 = tpu.memref_slice %arg7[%dma_start3A_214, %dma_start3A_219] : memref<16x128xi32, #tpu.memory_space<vmem>> -> memref<1x128xi32, #tpu.memory_space<vmem>>
      %dma_start3A_221 = tpu.memref_squeeze %dma_start3A_220 : memref<1x128xi32, #tpu.memory_space<vmem>> -> memref<128xi32, #tpu.memory_space<vmem>>
      %dma_start3A_222 = arith.constant 0 : i32
      %dma_start3A_223 = arith.constant 0 : i32
      %dma_start3A_224 = tpu.memref_slice %arg21[%dma_start3A_222, %dma_start3A_223] : memref<10240x16xf32, #tpu.memory_space<vmem_shared>> -> memref<10240x16xf32, #tpu.memory_space<vmem_shared>>
      tpu.enqueue_indirect_dma source(%dma_start3A_218 : memref<128x16xf32, #tpu.memory_space<vmem>>) target(%dma_start3A_224 : memref<10240x16xf32, #tpu.memory_space<vmem_shared>>) offsets(%dma_start3A_221 : memref<128xi32, #tpu.memory_space<vmem>>) semaphore(%arg15 : memref<!tpu.dma_semaphore, #tpu.memory_space<semaphore_mem>>) {add = true}
      %dma_start3A_225 = arith.constant 4 : i32
      %dma_start3A_226 = arith.constant 4 : i32
      %dma_start3A_227 = arith.constant 0 : i32
      %dma_start3A_228 = arith.constant 0 : i32
      %dma_start3A_229 = tpu.memref_slice %arg8[%dma_start3A_226, %dma_start3A_227, %dma_start3A_228] : memref<6x128x16xf32, #tpu.memory_space<vmem>> -> memref<1x128x16xf32, #tpu.memory_space<vmem>>
      %dma_start3A_230 = tpu.memref_squeeze %dma_start3A_229 : memref<1x128x16xf32, #tpu.memory_space<vmem>> -> memref<128x16xf32, #tpu.memory_space<vmem>>
      %dma_start3A_231 = arith.constant 0 : i32
      %dma_start3A_232 = tpu.memref_slice %arg6[%dma_start3A_225, %dma_start3A_231] : memref<16x128xi32, #tpu.memory_space<vmem>> -> memref<1x128xi32, #tpu.memory_space<vmem>>
      %dma_start3A_233 = tpu.memref_squeeze %dma_start3A_232 : memref<1x128xi32, #tpu.memory_space<vmem>> -> memref<128xi32, #tpu.memory_space<vmem>>
      %dma_start3A_234 = arith.constant 0 : i32
      %dma_start3A_235 = arith.constant 0 : i32
      %dma_start3A_236 = tpu.memref_slice %arg2[%dma_start3A_234, %dma_start3A_235] : memref<10000x16xf32, #tpu.memory_space<hbm>> -> memref<10000x16xf32, #tpu.memory_space<hbm>>
      tpu.enqueue_indirect_dma source(%dma_start3A_236 : memref<10000x16xf32, #tpu.memory_space<hbm>>) target(%dma_start3A_230 : memref<128x16xf32, #tpu.memory_space<vmem>>) offsets(%dma_start3A_233 : memref<128xi32, #tpu.memory_space<vmem>>) semaphore(%arg13 : memref<!tpu.dma_semaphore, #tpu.memory_space<semaphore_mem>>)
      %dma_wait3A_237 = arith.constant 1 : i32
      %dma_wait3A_238 = arith.constant 1 : i32
      %dma_wait3A_239 = arith.constant 0 : i32
      %dma_wait3A_240 = arith.constant 0 : i32
      %dma_wait3A_241 = tpu.memref_slice %arg8[%dma_wait3A_238, %dma_wait3A_239, %dma_wait3A_240] : memref<6x128x16xf32, #tpu.memory_space<vmem>> -> memref<1x128x16xf32, #tpu.memory_space<vmem>>
      %dma_wait3A_242 = tpu.memref_squeeze %dma_wait3A_241 : memref<1x128x16xf32, #tpu.memory_space<vmem>> -> memref<128x16xf32, #tpu.memory_space<vmem>>
      %dma_wait3A_243 = arith.constant 0 : i32
      %dma_wait3A_244 = tpu.memref_slice %arg6[%dma_wait3A_237, %dma_wait3A_243] : memref<16x128xi32, #tpu.memory_space<vmem>> -> memref<1x128xi32, #tpu.memory_space<vmem>>
      %dma_wait3A_245 = tpu.memref_squeeze %dma_wait3A_244 : memref<1x128xi32, #tpu.memory_space<vmem>> -> memref<128xi32, #tpu.memory_space<vmem>>
      %dma_wait3A_246 = arith.constant 0 : i32
      %dma_wait3A_247 = arith.constant 0 : i32
      %dma_wait3A_248 = tpu.memref_slice %arg2[%dma_wait3A_246, %dma_wait3A_247] : memref<10000x16xf32, #tpu.memory_space<hbm>> -> memref<10000x16xf32, #tpu.memory_space<hbm>>
      tpu.wait_indirect_dma semaphore(%arg10 : memref<!tpu.dma_semaphore, #tpu.memory_space<semaphore_mem>>) src(%dma_wait3A_248 : memref<10000x16xf32, #tpu.memory_space<hbm>>) dst(%dma_wait3A_242 : memref<128x16xf32, #tpu.memory_space<vmem>>)
      %dma_start3A_249 = arith.constant 1 : i32
      %dma_start3A_250 = arith.constant 1 : i32
      %dma_start3A_251 = arith.constant 0 : i32
      %dma_start3A_252 = arith.constant 0 : i32
      %dma_start3A_253 = tpu.memref_slice %arg8[%dma_start3A_249, %dma_start3A_251, %dma_start3A_252] : memref<6x128x16xf32, #tpu.memory_space<vmem>> -> memref<1x128x16xf32, #tpu.memory_space<vmem>>
      %dma_start3A_254 = tpu.memref_squeeze %dma_start3A_253 : memref<1x128x16xf32, #tpu.memory_space<vmem>> -> memref<128x16xf32, #tpu.memory_space<vmem>>
      %dma_start3A_255 = arith.constant 0 : i32
      %dma_start3A_256 = tpu.memref_slice %arg7[%dma_start3A_250, %dma_start3A_255] : memref<16x128xi32, #tpu.memory_space<vmem>> -> memref<1x128xi32, #tpu.memory_space<vmem>>
      %dma_start3A_257 = tpu.memref_squeeze %dma_start3A_256 : memref<1x128xi32, #tpu.memory_space<vmem>> -> memref<128xi32, #tpu.memory_space<vmem>>
      %dma_start3A_258 = arith.constant 0 : i32
      %dma_start3A_259 = arith.constant 0 : i32
      %dma_start3A_260 = tpu.memref_slice %arg21[%dma_start3A_258, %dma_start3A_259] : memref<10240x16xf32, #tpu.memory_space<vmem_shared>> -> memref<10240x16xf32, #tpu.memory_space<vmem_shared>>
      tpu.enqueue_indirect_dma source(%dma_start3A_254 : memref<128x16xf32, #tpu.memory_space<vmem>>) target(%dma_start3A_260 : memref<10240x16xf32, #tpu.memory_space<vmem_shared>>) offsets(%dma_start3A_257 : memref<128xi32, #tpu.memory_space<vmem>>) semaphore(%arg16 : memref<!tpu.dma_semaphore, #tpu.memory_space<semaphore_mem>>) {add = true}
      %dma_start3A_261 = arith.constant 5 : i32
      %dma_start3A_262 = arith.constant 5 : i32
      %dma_start3A_263 = arith.constant 0 : i32
      %dma_start3A_264 = arith.constant 0 : i32
      %dma_start3A_265 = tpu.memref_slice %arg8[%dma_start3A_262, %dma_start3A_263, %dma_start3A_264] : memref<6x128x16xf32, #tpu.memory_space<vmem>> -> memref<1x128x16xf32, #tpu.memory_space<vmem>>
      %dma_start3A_266 = tpu.memref_squeeze %dma_start3A_265 : memref<1x128x16xf32, #tpu.memory_space<vmem>> -> memref<128x16xf32, #tpu.memory_space<vmem>>
      %dma_start3A_267 = arith.constant 0 : i32
      %dma_start3A_268 = tpu.memref_slice %arg6[%dma_start3A_261, %dma_start3A_267] : memref<16x128xi32, #tpu.memory_space<vmem>> -> memref<1x128xi32, #tpu.memory_space<vmem>>
      %dma_start3A_269 = tpu.memref_squeeze %dma_start3A_268 : memref<1x128xi32, #tpu.memory_space<vmem>> -> memref<128xi32, #tpu.memory_space<vmem>>
      %dma_start3A_270 = arith.constant 0 : i32
      %dma_start3A_271 = arith.constant 0 : i32
      %dma_start3A_272 = tpu.memref_slice %arg2[%dma_start3A_270, %dma_start3A_271] : memref<10000x16xf32, #tpu.memory_space<hbm>> -> memref<10000x16xf32, #tpu.memory_space<hbm>>
      tpu.enqueue_indirect_dma source(%dma_start3A_272 : memref<10000x16xf32, #tpu.memory_space<hbm>>) target(%dma_start3A_266 : memref<128x16xf32, #tpu.memory_space<vmem>>) offsets(%dma_start3A_269 : memref<128xi32, #tpu.memory_space<vmem>>) semaphore(%arg14 : memref<!tpu.dma_semaphore, #tpu.memory_space<semaphore_mem>>)
      %dma_wait3A_273 = arith.constant 2 : i32
      %dma_wait3A_274 = arith.constant 2 : i32
      %dma_wait3A_275 = arith.constant 0 : i32
      %dma_wait3A_276 = arith.constant 0 : i32
      %dma_wait3A_277 = tpu.memref_slice %arg8[%dma_wait3A_274, %dma_wait3A_275, %dma_wait3A_276] : memref<6x128x16xf32, #tpu.memory_space<vmem>> -> memref<1x128x16xf32, #tpu.memory_space<vmem>>
      %dma_wait3A_278 = tpu.memref_squeeze %dma_wait3A_277 : memref<1x128x16xf32, #tpu.memory_space<vmem>> -> memref<128x16xf32, #tpu.memory_space<vmem>>
      %dma_wait3A_279 = arith.constant 0 : i32
      %dma_wait3A_280 = tpu.memref_slice %arg6[%dma_wait3A_273, %dma_wait3A_279] : memref<16x128xi32, #tpu.memory_space<vmem>> -> memref<1x128xi32, #tpu.memory_space<vmem>>
      %dma_wait3A_281 = tpu.memref_squeeze %dma_wait3A_280 : memref<1x128xi32, #tpu.memory_space<vmem>> -> memref<128xi32, #tpu.memory_space<vmem>>
      %dma_wait3A_282 = arith.constant 0 : i32
      %dma_wait3A_283 = arith.constant 0 : i32
      %dma_wait3A_284 = tpu.memref_slice %arg2[%dma_wait3A_282, %dma_wait3A_283] : memref<10000x16xf32, #tpu.memory_space<hbm>> -> memref<10000x16xf32, #tpu.memory_space<hbm>>
      tpu.wait_indirect_dma semaphore(%arg11 : memref<!tpu.dma_semaphore, #tpu.memory_space<semaphore_mem>>) src(%dma_wait3A_284 : memref<10000x16xf32, #tpu.memory_space<hbm>>) dst(%dma_wait3A_278 : memref<128x16xf32, #tpu.memory_space<vmem>>)
      %dma_start3A_285 = arith.constant 2 : i32
      %dma_start3A_286 = arith.constant 2 : i32
      %dma_start3A_287 = arith.constant 0 : i32
      %dma_start3A_288 = arith.constant 0 : i32
      %dma_start3A_289 = tpu.memref_slice %arg8[%dma_start3A_285, %dma_start3A_287, %dma_start3A_288] : memref<6x128x16xf32, #tpu.memory_space<vmem>> -> memref<1x128x16xf32, #tpu.memory_space<vmem>>
      %dma_start3A_290 = tpu.memref_squeeze %dma_start3A_289 : memref<1x128x16xf32, #tpu.memory_space<vmem>> -> memref<128x16xf32, #tpu.memory_space<vmem>>
      %dma_start3A_291 = arith.constant 0 : i32
      %dma_start3A_292 = tpu.memref_slice %arg7[%dma_start3A_286, %dma_start3A_291] : memref<16x128xi32, #tpu.memory_space<vmem>> -> memref<1x128xi32, #tpu.memory_space<vmem>>
      %dma_start3A_293 = tpu.memref_squeeze %dma_start3A_292 : memref<1x128xi32, #tpu.memory_space<vmem>> -> memref<128xi32, #tpu.memory_space<vmem>>
      %dma_start3A_294 = arith.constant 0 : i32
      %dma_start3A_295 = arith.constant 0 : i32
      %dma_start3A_296 = tpu.memref_slice %arg21[%dma_start3A_294, %dma_start3A_295] : memref<10240x16xf32, #tpu.memory_space<vmem_shared>> -> memref<10240x16xf32, #tpu.memory_space<vmem_shared>>
      tpu.enqueue_indirect_dma source(%dma_start3A_290 : memref<128x16xf32, #tpu.memory_space<vmem>>) target(%dma_start3A_296 : memref<10240x16xf32, #tpu.memory_space<vmem_shared>>) offsets(%dma_start3A_293 : memref<128xi32, #tpu.memory_space<vmem>>) semaphore(%arg17 : memref<!tpu.dma_semaphore, #tpu.memory_space<semaphore_mem>>) {add = true}
      %dma_wait3A_297 = arith.constant 0 : i32
      %dma_wait3A_298 = arith.constant 0 : i32
      %dma_wait3A_299 = arith.constant 0 : i32
      %dma_wait3A_300 = arith.constant 0 : i32
      %dma_wait3A_301 = tpu.memref_slice %arg8[%dma_wait3A_297, %dma_wait3A_299, %dma_wait3A_300] : memref<6x128x16xf32, #tpu.memory_space<vmem>> -> memref<1x128x16xf32, #tpu.memory_space<vmem>>
      %dma_wait3A_302 = tpu.memref_squeeze %dma_wait3A_301 : memref<1x128x16xf32, #tpu.memory_space<vmem>> -> memref<128x16xf32, #tpu.memory_space<vmem>>
      %dma_wait3A_303 = arith.constant 0 : i32
      %dma_wait3A_304 = tpu.memref_slice %arg7[%dma_wait3A_298, %dma_wait3A_303] : memref<16x128xi32, #tpu.memory_space<vmem>> -> memref<1x128xi32, #tpu.memory_space<vmem>>
      %dma_wait3A_305 = tpu.memref_squeeze %dma_wait3A_304 : memref<1x128xi32, #tpu.memory_space<vmem>> -> memref<128xi32, #tpu.memory_space<vmem>>
      %dma_wait3A_306 = arith.constant 0 : i32
      %dma_wait3A_307 = arith.constant 0 : i32
      %dma_wait3A_308 = tpu.memref_slice %arg21[%dma_wait3A_306, %dma_wait3A_307] : memref<10240x16xf32, #tpu.memory_space<vmem_shared>> -> memref<10240x16xf32, #tpu.memory_space<vmem_shared>>
      tpu.wait_indirect_dma semaphore(%arg15 : memref<!tpu.dma_semaphore, #tpu.memory_space<semaphore_mem>>) src(%dma_wait3A_302 : memref<128x16xf32, #tpu.memory_space<vmem>>) dst(%dma_wait3A_308 : memref<10240x16xf32, #tpu.memory_space<vmem_shared>>)
      %dma_start3A_309 = arith.constant 6 : i32
      %dma_start3A_310 = arith.constant 0 : i32
      %dma_start3A_311 = arith.constant 0 : i32
      %dma_start3A_312 = arith.constant 0 : i32
      %dma_start3A_313 = tpu.memref_slice %arg8[%dma_start3A_310, %dma_start3A_311, %dma_start3A_312] : memref<6x128x16xf32, #tpu.memory_space<vmem>> -> memref<1x128x16xf32, #tpu.memory_space<vmem>>
      %dma_start3A_314 = tpu.memref_squeeze %dma_start3A_313 : memref<1x128x16xf32, #tpu.memory_space<vmem>> -> memref<128x16xf32, #tpu.memory_space<vmem>>
      %dma_start3A_315 = arith.constant 0 : i32
      %dma_start3A_316 = tpu.memref_slice %arg6[%dma_start3A_309, %dma_start3A_315] : memref<16x128xi32, #tpu.memory_space<vmem>> -> memref<1x128xi32, #tpu.memory_space<vmem>>
      %dma_start3A_317 = tpu.memref_squeeze %dma_start3A_316 : memref<1x128xi32, #tpu.memory_space<vmem>> -> memref<128xi32, #tpu.memory_space<vmem>>
      %dma_start3A_318 = arith.constant 0 : i32
      %dma_start3A_319 = arith.constant 0 : i32
      %dma_start3A_320 = tpu.memref_slice %arg2[%dma_start3A_318, %dma_start3A_319] : memref<10000x16xf32, #tpu.memory_space<hbm>> -> memref<10000x16xf32, #tpu.memory_space<hbm>>
      tpu.enqueue_indirect_dma source(%dma_start3A_320 : memref<10000x16xf32, #tpu.memory_space<hbm>>) target(%dma_start3A_314 : memref<128x16xf32, #tpu.memory_space<vmem>>) offsets(%dma_start3A_317 : memref<128xi32, #tpu.memory_space<vmem>>) semaphore(%arg9 : memref<!tpu.dma_semaphore, #tpu.memory_space<semaphore_mem>>)
      %dma_wait3A_321 = arith.constant 3 : i32
      %dma_wait3A_322 = arith.constant 3 : i32
      %dma_wait3A_323 = arith.constant 0 : i32
      %dma_wait3A_324 = arith.constant 0 : i32
      %dma_wait3A_325 = tpu.memref_slice %arg8[%dma_wait3A_322, %dma_wait3A_323, %dma_wait3A_324] : memref<6x128x16xf32, #tpu.memory_space<vmem>> -> memref<1x128x16xf32, #tpu.memory_space<vmem>>
      %dma_wait3A_326 = tpu.memref_squeeze %dma_wait3A_325 : memref<1x128x16xf32, #tpu.memory_space<vmem>> -> memref<128x16xf32, #tpu.memory_space<vmem>>
      %dma_wait3A_327 = arith.constant 0 : i32
      %dma_wait3A_328 = tpu.memref_slice %arg6[%dma_wait3A_321, %dma_wait3A_327] : memref<16x128xi32, #tpu.memory_space<vmem>> -> memref<1x128xi32, #tpu.memory_space<vmem>>
      %dma_wait3A_329 = tpu.memref_squeeze %dma_wait3A_328 : memref<1x128xi32, #tpu.memory_space<vmem>> -> memref<128xi32, #tpu.memory_space<vmem>>
      %dma_wait3A_330 = arith.constant 0 : i32
      %dma_wait3A_331 = arith.constant 0 : i32
      %dma_wait3A_332 = tpu.memref_slice %arg2[%dma_wait3A_330, %dma_wait3A_331] : memref<10000x16xf32, #tpu.memory_space<hbm>> -> memref<10000x16xf32, #tpu.memory_space<hbm>>
      tpu.wait_indirect_dma semaphore(%arg12 : memref<!tpu.dma_semaphore, #tpu.memory_space<semaphore_mem>>) src(%dma_wait3A_332 : memref<10000x16xf32, #tpu.memory_space<hbm>>) dst(%dma_wait3A_326 : memref<128x16xf32, #tpu.memory_space<vmem>>)
      %dma_start3A_333 = arith.constant 3 : i32
      %dma_start3A_334 = arith.constant 3 : i32
      %dma_start3A_335 = arith.constant 0 : i32
      %dma_start3A_336 = arith.constant 0 : i32
      %dma_start3A_337 = tpu.memref_slice %arg8[%dma_start3A_333, %dma_start3A_335, %dma_start3A_336] : memref<6x128x16xf32, #tpu.memory_space<vmem>> -> memref<1x128x16xf32, #tpu.memory_space<vmem>>
      %dma_start3A_338 = tpu.memref_squeeze %dma_start3A_337 : memref<1x128x16xf32, #tpu.memory_space<vmem>> -> memref<128x16xf32, #tpu.memory_space<vmem>>
      %dma_start3A_339 = arith.constant 0 : i32
      %dma_start3A_340 = tpu.memref_slice %arg7[%dma_start3A_334, %dma_start3A_339] : memref<16x128xi32, #tpu.memory_space<vmem>> -> memref<1x128xi32, #tpu.memory_space<vmem>>
      %dma_start3A_341 = tpu.memref_squeeze %dma_start3A_340 : memref<1x128xi32, #tpu.memory_space<vmem>> -> memref<128xi32, #tpu.memory_space<vmem>>
      %dma_start3A_342 = arith.constant 0 : i32
      %dma_start3A_343 = arith.constant 0 : i32
      %dma_start3A_344 = tpu.memref_slice %arg21[%dma_start3A_342, %dma_start3A_343] : memref<10240x16xf32, #tpu.memory_space<vmem_shared>> -> memref<10240x16xf32, #tpu.memory_space<vmem_shared>>
      tpu.enqueue_indirect_dma source(%dma_start3A_338 : memref<128x16xf32, #tpu.memory_space<vmem>>) target(%dma_start3A_344 : memref<10240x16xf32, #tpu.memory_space<vmem_shared>>) offsets(%dma_start3A_341 : memref<128xi32, #tpu.memory_space<vmem>>) semaphore(%arg18 : memref<!tpu.dma_semaphore, #tpu.memory_space<semaphore_mem>>) {add = true}
      %dma_wait3A_345 = arith.constant 1 : i32
      %dma_wait3A_346 = arith.constant 0 : i32
      %dma_wait3A_347 = arith.constant 0 : i32
      %dma_wait3A_348 = arith.constant 0 : i32
      %dma_wait3A_349 = tpu.memref_slice %arg8[%dma_wait3A_345, %dma_wait3A_347, %dma_wait3A_348] : memref<6x128x16xf32, #tpu.memory_space<vmem>> -> memref<1x128x16xf32, #tpu.memory_space<vmem>>
      %dma_wait3A_350 = tpu.memref_squeeze %dma_wait3A_349 : memref<1x128x16xf32, #tpu.memory_space<vmem>> -> memref<128x16xf32, #tpu.memory_space<vmem>>
      %dma_wait3A_351 = arith.constant 0 : i32
      %dma_wait3A_352 = tpu.memref_slice %arg7[%dma_wait3A_346, %dma_wait3A_351] : memref<16x128xi32, #tpu.memory_space<vmem>> -> memref<1x128xi32, #tpu.memory_space<vmem>>
      %dma_wait3A_353 = tpu.memref_squeeze %dma_wait3A_352 : memref<1x128xi32, #tpu.memory_space<vmem>> -> memref<128xi32, #tpu.memory_space<vmem>>
      %dma_wait3A_354 = arith.constant 0 : i32
      %dma_wait3A_355 = arith.constant 0 : i32
      %dma_wait3A_356 = tpu.memref_slice %arg21[%dma_wait3A_354, %dma_wait3A_355] : memref<10240x16xf32, #tpu.memory_space<vmem_shared>> -> memref<10240x16xf32, #tpu.memory_space<vmem_shared>>
      tpu.wait_indirect_dma semaphore(%arg16 : memref<!tpu.dma_semaphore, #tpu.memory_space<semaphore_mem>>) src(%dma_wait3A_350 : memref<128x16xf32, #tpu.memory_space<vmem>>) dst(%dma_wait3A_356 : memref<10240x16xf32, #tpu.memory_space<vmem_shared>>)
      %dma_start3A_357 = arith.constant 7 : i32
      %dma_start3A_358 = arith.constant 1 : i32
      %dma_start3A_359 = arith.constant 0 : i32
      %dma_start3A_360 = arith.constant 0 : i32
      %dma_start3A_361 = tpu.memref_slice %arg8[%dma_start3A_358, %dma_start3A_359, %dma_start3A_360] : memref<6x128x16xf32, #tpu.memory_space<vmem>> -> memref<1x128x16xf32, #tpu.memory_space<vmem>>
      %dma_start3A_362 = tpu.memref_squeeze %dma_start3A_361 : memref<1x128x16xf32, #tpu.memory_space<vmem>> -> memref<128x16xf32, #tpu.memory_space<vmem>>
      %dma_start3A_363 = arith.constant 0 : i32
      %dma_start3A_364 = tpu.memref_slice %arg6[%dma_start3A_357, %dma_start3A_363] : memref<16x128xi32, #tpu.memory_space<vmem>> -> memref<1x128xi32, #tpu.memory_space<vmem>>
      %dma_start3A_365 = tpu.memref_squeeze %dma_start3A_364 : memref<1x128xi32, #tpu.memory_space<vmem>> -> memref<128xi32, #tpu.memory_space<vmem>>
      %dma_start3A_366 = arith.constant 0 : i32
      %dma_start3A_367 = arith.constant 0 : i32
      %dma_start3A_368 = tpu.memref_slice %arg2[%dma_start3A_366, %dma_start3A_367] : memref<10000x16xf32, #tpu.memory_space<hbm>> -> memref<10000x16xf32, #tpu.memory_space<hbm>>
      tpu.enqueue_indirect_dma source(%dma_start3A_368 : memref<10000x16xf32, #tpu.memory_space<hbm>>) target(%dma_start3A_362 : memref<128x16xf32, #tpu.memory_space<vmem>>) offsets(%dma_start3A_365 : memref<128xi32, #tpu.memory_space<vmem>>) semaphore(%arg10 : memref<!tpu.dma_semaphore, #tpu.memory_space<semaphore_mem>>)
      %dma_wait3A_369 = arith.constant 4 : i32
      %dma_wait3A_370 = arith.constant 4 : i32
      %dma_wait3A_371 = arith.constant 0 : i32
      %dma_wait3A_372 = arith.constant 0 : i32
      %dma_wait3A_373 = tpu.memref_slice %arg8[%dma_wait3A_370, %dma_wait3A_371, %dma_wait3A_372] : memref<6x128x16xf32, #tpu.memory_space<vmem>> -> memref<1x128x16xf32, #tpu.memory_space<vmem>>
      %dma_wait3A_374 = tpu.memref_squeeze %dma_wait3A_373 : memref<1x128x16xf32, #tpu.memory_space<vmem>> -> memref<128x16xf32, #tpu.memory_space<vmem>>
      %dma_wait3A_375 = arith.constant 0 : i32
      %dma_wait3A_376 = tpu.memref_slice %arg6[%dma_wait3A_369, %dma_wait3A_375] : memref<16x128xi32, #tpu.memory_space<vmem>> -> memref<1x128xi32, #tpu.memory_space<vmem>>
      %dma_wait3A_377 = tpu.memref_squeeze %dma_wait3A_376 : memref<1x128xi32, #tpu.memory_space<vmem>> -> memref<128xi32, #tpu.memory_space<vmem>>
      %dma_wait3A_378 = arith.constant 0 : i32
      %dma_wait3A_379 = arith.constant 0 : i32
      %dma_wait3A_380 = tpu.memref_slice %arg2[%dma_wait3A_378, %dma_wait3A_379] : memref<10000x16xf32, #tpu.memory_space<hbm>> -> memref<10000x16xf32, #tpu.memory_space<hbm>>
      tpu.wait_indirect_dma semaphore(%arg13 : memref<!tpu.dma_semaphore, #tpu.memory_space<semaphore_mem>>) src(%dma_wait3A_380 : memref<10000x16xf32, #tpu.memory_space<hbm>>) dst(%dma_wait3A_374 : memref<128x16xf32, #tpu.memory_space<vmem>>)
      %dma_start3A_381 = arith.constant 4 : i32
      %dma_start3A_382 = arith.constant 4 : i32
      %dma_start3A_383 = arith.constant 0 : i32
      %dma_start3A_384 = arith.constant 0 : i32
      %dma_start3A_385 = tpu.memref_slice %arg8[%dma_start3A_381, %dma_start3A_383, %dma_start3A_384] : memref<6x128x16xf32, #tpu.memory_space<vmem>> -> memref<1x128x16xf32, #tpu.memory_space<vmem>>
      %dma_start3A_386 = tpu.memref_squeeze %dma_start3A_385 : memref<1x128x16xf32, #tpu.memory_space<vmem>> -> memref<128x16xf32, #tpu.memory_space<vmem>>
      %dma_start3A_387 = arith.constant 0 : i32
      %dma_start3A_388 = tpu.memref_slice %arg7[%dma_start3A_382, %dma_start3A_387] : memref<16x128xi32, #tpu.memory_space<vmem>> -> memref<1x128xi32, #tpu.memory_space<vmem>>
      %dma_start3A_389 = tpu.memref_squeeze %dma_start3A_388 : memref<1x128xi32, #tpu.memory_space<vmem>> -> memref<128xi32, #tpu.memory_space<vmem>>
      %dma_start3A_390 = arith.constant 0 : i32
      %dma_start3A_391 = arith.constant 0 : i32
      %dma_start3A_392 = tpu.memref_slice %arg21[%dma_start3A_390, %dma_start3A_391] : memref<10240x16xf32, #tpu.memory_space<vmem_shared>> -> memref<10240x16xf32, #tpu.memory_space<vmem_shared>>
      tpu.enqueue_indirect_dma source(%dma_start3A_386 : memref<128x16xf32, #tpu.memory_space<vmem>>) target(%dma_start3A_392 : memref<10240x16xf32, #tpu.memory_space<vmem_shared>>) offsets(%dma_start3A_389 : memref<128xi32, #tpu.memory_space<vmem>>) semaphore(%arg19 : memref<!tpu.dma_semaphore, #tpu.memory_space<semaphore_mem>>) {add = true}
      %dma_wait3A_393 = arith.constant 2 : i32
      %dma_wait3A_394 = arith.constant 0 : i32
      %dma_wait3A_395 = arith.constant 0 : i32
      %dma_wait3A_396 = arith.constant 0 : i32
      %dma_wait3A_397 = tpu.memref_slice %arg8[%dma_wait3A_393, %dma_wait3A_395, %dma_wait3A_396] : memref<6x128x16xf32, #tpu.memory_space<vmem>> -> memref<1x128x16xf32, #tpu.memory_space<vmem>>
      %dma_wait3A_398 = tpu.memref_squeeze %dma_wait3A_397 : memref<1x128x16xf32, #tpu.memory_space<vmem>> -> memref<128x16xf32, #tpu.memory_space<vmem>>
      %dma_wait3A_399 = arith.constant 0 : i32
      %dma_wait3A_400 = tpu.memref_slice %arg7[%dma_wait3A_394, %dma_wait3A_399] : memref<16x128xi32, #tpu.memory_space<vmem>> -> memref<1x128xi32, #tpu.memory_space<vmem>>
      %dma_wait3A_401 = tpu.memref_squeeze %dma_wait3A_400 : memref<1x128xi32, #tpu.memory_space<vmem>> -> memref<128xi32, #tpu.memory_space<vmem>>
      %dma_wait3A_402 = arith.constant 0 : i32
      %dma_wait3A_403 = arith.constant 0 : i32
      %dma_wait3A_404 = tpu.memref_slice %arg21[%dma_wait3A_402, %dma_wait3A_403] : memref<10240x16xf32, #tpu.memory_space<vmem_shared>> -> memref<10240x16xf32, #tpu.memory_space<vmem_shared>>
      tpu.wait_indirect_dma semaphore(%arg17 : memref<!tpu.dma_semaphore, #tpu.memory_space<semaphore_mem>>) src(%dma_wait3A_398 : memref<128x16xf32, #tpu.memory_space<vmem>>) dst(%dma_wait3A_404 : memref<10240x16xf32, #tpu.memory_space<vmem_shared>>)
      %dma_start3A_405 = arith.constant 8 : i32
      %dma_start3A_406 = arith.constant 2 : i32
      %dma_start3A_407 = arith.constant 0 : i32
      %dma_start3A_408 = arith.constant 0 : i32
      %dma_start3A_409 = tpu.memref_slice %arg8[%dma_start3A_406, %dma_start3A_407, %dma_start3A_408] : memref<6x128x16xf32, #tpu.memory_space<vmem>> -> memref<1x128x16xf32, #tpu.memory_space<vmem>>
      %dma_start3A_410 = tpu.memref_squeeze %dma_start3A_409 : memref<1x128x16xf32, #tpu.memory_space<vmem>> -> memref<128x16xf32, #tpu.memory_space<vmem>>
      %dma_start3A_411 = arith.constant 0 : i32
      %dma_start3A_412 = tpu.memref_slice %arg6[%dma_start3A_405, %dma_start3A_411] : memref<16x128xi32, #tpu.memory_space<vmem>> -> memref<1x128xi32, #tpu.memory_space<vmem>>
      %dma_start3A_413 = tpu.memref_squeeze %dma_start3A_412 : memref<1x128xi32, #tpu.memory_space<vmem>> -> memref<128xi32, #tpu.memory_space<vmem>>
      %dma_start3A_414 = arith.constant 0 : i32
      %dma_start3A_415 = arith.constant 0 : i32
      %dma_start3A_416 = tpu.memref_slice %arg2[%dma_start3A_414, %dma_start3A_415] : memref<10000x16xf32, #tpu.memory_space<hbm>> -> memref<10000x16xf32, #tpu.memory_space<hbm>>
      tpu.enqueue_indirect_dma source(%dma_start3A_416 : memref<10000x16xf32, #tpu.memory_space<hbm>>) target(%dma_start3A_410 : memref<128x16xf32, #tpu.memory_space<vmem>>) offsets(%dma_start3A_413 : memref<128xi32, #tpu.memory_space<vmem>>) semaphore(%arg11 : memref<!tpu.dma_semaphore, #tpu.memory_space<semaphore_mem>>)
      %dma_wait3A_417 = arith.constant 5 : i32
      %dma_wait3A_418 = arith.constant 5 : i32
      %dma_wait3A_419 = arith.constant 0 : i32
      %dma_wait3A_420 = arith.constant 0 : i32
      %dma_wait3A_421 = tpu.memref_slice %arg8[%dma_wait3A_418, %dma_wait3A_419, %dma_wait3A_420] : memref<6x128x16xf32, #tpu.memory_space<vmem>> -> memref<1x128x16xf32, #tpu.memory_space<vmem>>
      %dma_wait3A_422 = tpu.memref_squeeze %dma_wait3A_421 : memref<1x128x16xf32, #tpu.memory_space<vmem>> -> memref<128x16xf32, #tpu.memory_space<vmem>>
      %dma_wait3A_423 = arith.constant 0 : i32
      %dma_wait3A_424 = tpu.memref_slice %arg6[%dma_wait3A_417, %dma_wait3A_423] : memref<16x128xi32, #tpu.memory_space<vmem>> -> memref<1x128xi32, #tpu.memory_space<vmem>>
      %dma_wait3A_425 = tpu.memref_squeeze %dma_wait3A_424 : memref<1x128xi32, #tpu.memory_space<vmem>> -> memref<128xi32, #tpu.memory_space<vmem>>
      %dma_wait3A_426 = arith.constant 0 : i32
      %dma_wait3A_427 = arith.constant 0 : i32
      %dma_wait3A_428 = tpu.memref_slice %arg2[%dma_wait3A_426, %dma_wait3A_427] : memref<10000x16xf32, #tpu.memory_space<hbm>> -> memref<10000x16xf32, #tpu.memory_space<hbm>>
      tpu.wait_indirect_dma semaphore(%arg14 : memref<!tpu.dma_semaphore, #tpu.memory_space<semaphore_mem>>) src(%dma_wait3A_428 : memref<10000x16xf32, #tpu.memory_space<hbm>>) dst(%dma_wait3A_422 : memref<128x16xf32, #tpu.memory_space<vmem>>)
      %dma_start3A_429 = arith.constant 5 : i32
      %dma_start3A_430 = arith.constant 5 : i32
      %dma_start3A_431 = arith.constant 0 : i32
      %dma_start3A_432 = arith.constant 0 : i32
      %dma_start3A_433 = tpu.memref_slice %arg8[%dma_start3A_429, %dma_start3A_431, %dma_start3A_432] : memref<6x128x16xf32, #tpu.memory_space<vmem>> -> memref<1x128x16xf32, #tpu.memory_space<vmem>>
      %dma_start3A_434 = tpu.memref_squeeze %dma_start3A_433 : memref<1x128x16xf32, #tpu.memory_space<vmem>> -> memref<128x16xf32, #tpu.memory_space<vmem>>
      %dma_start3A_435 = arith.constant 0 : i32
      %dma_start3A_436 = tpu.memref_slice %arg7[%dma_start3A_430, %dma_start3A_435] : memref<16x128xi32, #tpu.memory_space<vmem>> -> memref<1x128xi32, #tpu.memory_space<vmem>>
      %dma_start3A_437 = tpu.memref_squeeze %dma_start3A_436 : memref<1x128xi32, #tpu.memory_space<vmem>> -> memref<128xi32, #tpu.memory_space<vmem>>
      %dma_start3A_438 = arith.constant 0 : i32
      %dma_start3A_439 = arith.constant 0 : i32
      %dma_start3A_440 = tpu.memref_slice %arg21[%dma_start3A_438, %dma_start3A_439] : memref<10240x16xf32, #tpu.memory_space<vmem_shared>> -> memref<10240x16xf32, #tpu.memory_space<vmem_shared>>
      tpu.enqueue_indirect_dma source(%dma_start3A_434 : memref<128x16xf32, #tpu.memory_space<vmem>>) target(%dma_start3A_440 : memref<10240x16xf32, #tpu.memory_space<vmem_shared>>) offsets(%dma_start3A_437 : memref<128xi32, #tpu.memory_space<vmem>>) semaphore(%arg20 : memref<!tpu.dma_semaphore, #tpu.memory_space<semaphore_mem>>) {add = true}
      %dma_wait3A_441 = arith.constant 3 : i32
      %dma_wait3A_442 = arith.constant 0 : i32
      %dma_wait3A_443 = arith.constant 0 : i32
      %dma_wait3A_444 = arith.constant 0 : i32
      %dma_wait3A_445 = tpu.memref_slice %arg8[%dma_wait3A_441, %dma_wait3A_443, %dma_wait3A_444] : memref<6x128x16xf32, #tpu.memory_space<vmem>> -> memref<1x128x16xf32, #tpu.memory_space<vmem>>
      %dma_wait3A_446 = tpu.memref_squeeze %dma_wait3A_445 : memref<1x128x16xf32, #tpu.memory_space<vmem>> -> memref<128x16xf32, #tpu.memory_space<vmem>>
      %dma_wait3A_447 = arith.constant 0 : i32
      %dma_wait3A_448 = tpu.memref_slice %arg7[%dma_wait3A_442, %dma_wait3A_447] : memref<16x128xi32, #tpu.memory_space<vmem>> -> memref<1x128xi32, #tpu.memory_space<vmem>>
      %dma_wait3A_449 = tpu.memref_squeeze %dma_wait3A_448 : memref<1x128xi32, #tpu.memory_space<vmem>> -> memref<128xi32, #tpu.memory_space<vmem>>
      %dma_wait3A_450 = arith.constant 0 : i32
      %dma_wait3A_451 = arith.constant 0 : i32
      %dma_wait3A_452 = tpu.memref_slice %arg21[%dma_wait3A_450, %dma_wait3A_451] : memref<10240x16xf32, #tpu.memory_space<vmem_shared>> -> memref<10240x16xf32, #tpu.memory_space<vmem_shared>>
      tpu.wait_indirect_dma semaphore(%arg18 : memref<!tpu.dma_semaphore, #tpu.memory_space<semaphore_mem>>) src(%dma_wait3A_446 : memref<128x16xf32, #tpu.memory_space<vmem>>) dst(%dma_wait3A_452 : memref<10240x16xf32, #tpu.memory_space<vmem_shared>>)
      %dma_start3A_453 = arith.constant 9 : i32
      %dma_start3A_454 = arith.constant 3 : i32
      %dma_start3A_455 = arith.constant 0 : i32
      %dma_start3A_456 = arith.constant 0 : i32
      %dma_start3A_457 = tpu.memref_slice %arg8[%dma_start3A_454, %dma_start3A_455, %dma_start3A_456] : memref<6x128x16xf32, #tpu.memory_space<vmem>> -> memref<1x128x16xf32, #tpu.memory_space<vmem>>
      %dma_start3A_458 = tpu.memref_squeeze %dma_start3A_457 : memref<1x128x16xf32, #tpu.memory_space<vmem>> -> memref<128x16xf32, #tpu.memory_space<vmem>>
      %dma_start3A_459 = arith.constant 0 : i32
      %dma_start3A_460 = tpu.memref_slice %arg6[%dma_start3A_453, %dma_start3A_459] : memref<16x128xi32, #tpu.memory_space<vmem>> -> memref<1x128xi32, #tpu.memory_space<vmem>>
      %dma_start3A_461 = tpu.memref_squeeze %dma_start3A_460 : memref<1x128xi32, #tpu.memory_space<vmem>> -> memref<128xi32, #tpu.memory_space<vmem>>
      %dma_start3A_462 = arith.constant 0 : i32
      %dma_start3A_463 = arith.constant 0 : i32
      %dma_start3A_464 = tpu.memref_slice %arg2[%dma_start3A_462, %dma_start3A_463] : memref<10000x16xf32, #tpu.memory_space<hbm>> -> memref<10000x16xf32, #tpu.memory_space<hbm>>
      tpu.enqueue_indirect_dma source(%dma_start3A_464 : memref<10000x16xf32, #tpu.memory_space<hbm>>) target(%dma_start3A_458 : memref<128x16xf32, #tpu.memory_space<vmem>>) offsets(%dma_start3A_461 : memref<128xi32, #tpu.memory_space<vmem>>) semaphore(%arg12 : memref<!tpu.dma_semaphore, #tpu.memory_space<semaphore_mem>>)
      %dma_wait3A_465 = arith.constant 6 : i32
      %dma_wait3A_466 = arith.constant 0 : i32
      %dma_wait3A_467 = arith.constant 0 : i32
      %dma_wait3A_468 = arith.constant 0 : i32
      %dma_wait3A_469 = tpu.memref_slice %arg8[%dma_wait3A_466, %dma_wait3A_467, %dma_wait3A_468] : memref<6x128x16xf32, #tpu.memory_space<vmem>> -> memref<1x128x16xf32, #tpu.memory_space<vmem>>
      %dma_wait3A_470 = tpu.memref_squeeze %dma_wait3A_469 : memref<1x128x16xf32, #tpu.memory_space<vmem>> -> memref<128x16xf32, #tpu.memory_space<vmem>>
      %dma_wait3A_471 = arith.constant 0 : i32
      %dma_wait3A_472 = tpu.memref_slice %arg6[%dma_wait3A_465, %dma_wait3A_471] : memref<16x128xi32, #tpu.memory_space<vmem>> -> memref<1x128xi32, #tpu.memory_space<vmem>>
      %dma_wait3A_473 = tpu.memref_squeeze %dma_wait3A_472 : memref<1x128xi32, #tpu.memory_space<vmem>> -> memref<128xi32, #tpu.memory_space<vmem>>
      %dma_wait3A_474 = arith.constant 0 : i32
      %dma_wait3A_475 = arith.constant 0 : i32
      %dma_wait3A_476 = tpu.memref_slice %arg2[%dma_wait3A_474, %dma_wait3A_475] : memref<10000x16xf32, #tpu.memory_space<hbm>> -> memref<10000x16xf32, #tpu.memory_space<hbm>>
      tpu.wait_indirect_dma semaphore(%arg9 : memref<!tpu.dma_semaphore, #tpu.memory_space<semaphore_mem>>) src(%dma_wait3A_476 : memref<10000x16xf32, #tpu.memory_space<hbm>>) dst(%dma_wait3A_470 : memref<128x16xf32, #tpu.memory_space<vmem>>)
      %dma_start3A_477 = arith.constant 0 : i32
      %dma_start3A_478 = arith.constant 6 : i32
      %dma_start3A_479 = arith.constant 0 : i32
      %dma_start3A_480 = arith.constant 0 : i32
      %dma_start3A_481 = tpu.memref_slice %arg8[%dma_start3A_477, %dma_start3A_479, %dma_start3A_480] : memref<6x128x16xf32, #tpu.memory_space<vmem>> -> memref<1x128x16xf32, #tpu.memory_space<vmem>>
      %dma_start3A_482 = tpu.memref_squeeze %dma_start3A_481 : memref<1x128x16xf32, #tpu.memory_space<vmem>> -> memref<128x16xf32, #tpu.memory_space<vmem>>
      %dma_start3A_483 = arith.constant 0 : i32
      %dma_start3A_484 = tpu.memref_slice %arg7[%dma_start3A_478, %dma_start3A_483] : memref<16x128xi32, #tpu.memory_space<vmem>> -> memref<1x128xi32, #tpu.memory_space<vmem>>
      %dma_start3A_485 = tpu.memref_squeeze %dma_start3A_484 : memref<1x128xi32, #tpu.memory_space<vmem>> -> memref<128xi32, #tpu.memory_space<vmem>>
      %dma_start3A_486 = arith.constant 0 : i32
      %dma_start3A_487 = arith.constant 0 : i32
      %dma_start3A_488 = tpu.memref_slice %arg21[%dma_start3A_486, %dma_start3A_487] : memref<10240x16xf32, #tpu.memory_space<vmem_shared>> -> memref<10240x16xf32, #tpu.memory_space<vmem_shared>>
      tpu.enqueue_indirect_dma source(%dma_start3A_482 : memref<128x16xf32, #tpu.memory_space<vmem>>) target(%dma_start3A_488 : memref<10240x16xf32, #tpu.memory_space<vmem_shared>>) offsets(%dma_start3A_485 : memref<128xi32, #tpu.memory_space<vmem>>) semaphore(%arg15 : memref<!tpu.dma_semaphore, #tpu.memory_space<semaphore_mem>>) {add = true}
      %dma_wait3A_489 = arith.constant 4 : i32
      %dma_wait3A_490 = arith.constant 0 : i32
      %dma_wait3A_491 = arith.constant 0 : i32
      %dma_wait3A_492 = arith.constant 0 : i32
      %dma_wait3A_493 = tpu.memref_slice %arg8[%dma_wait3A_489, %dma_wait3A_491, %dma_wait3A_492] : memref<6x128x16xf32, #tpu.memory_space<vmem>> -> memref<1x128x16xf32, #tpu.memory_space<vmem>>
      %dma_wait3A_494 = tpu.memref_squeeze %dma_wait3A_493 : memref<1x128x16xf32, #tpu.memory_space<vmem>> -> memref<128x16xf32, #tpu.memory_space<vmem>>
      %dma_wait3A_495 = arith.constant 0 : i32
      %dma_wait3A_496 = tpu.memref_slice %arg7[%dma_wait3A_490, %dma_wait3A_495] : memref<16x128xi32, #tpu.memory_space<vmem>> -> memref<1x128xi32, #tpu.memory_space<vmem>>
      %dma_wait3A_497 = tpu.memref_squeeze %dma_wait3A_496 : memref<1x128xi32, #tpu.memory_space<vmem>> -> memref<128xi32, #tpu.memory_space<vmem>>
      %dma_wait3A_498 = arith.constant 0 : i32
      %dma_wait3A_499 = arith.constant 0 : i32
      %dma_wait3A_500 = tpu.memref_slice %arg21[%dma_wait3A_498, %dma_wait3A_499] : memref<10240x16xf32, #tpu.memory_space<vmem_shared>> -> memref<10240x16xf32, #tpu.memory_space<vmem_shared>>
      tpu.wait_indirect_dma semaphore(%arg19 : memref<!tpu.dma_semaphore, #tpu.memory_space<semaphore_mem>>) src(%dma_wait3A_494 : memref<128x16xf32, #tpu.memory_space<vmem>>) dst(%dma_wait3A_500 : memref<10240x16xf32, #tpu.memory_space<vmem_shared>>)
      %dma_start3A_501 = arith.constant 10 : i32
      %dma_start3A_502 = arith.constant 4 : i32
      %dma_start3A_503 = arith.constant 0 : i32
      %dma_start3A_504 = arith.constant 0 : i32
      %dma_start3A_505 = tpu.memref_slice %arg8[%dma_start3A_502, %dma_start3A_503, %dma_start3A_504] : memref<6x128x16xf32, #tpu.memory_space<vmem>> -> memref<1x128x16xf32, #tpu.memory_space<vmem>>
      %dma_start3A_506 = tpu.memref_squeeze %dma_start3A_505 : memref<1x128x16xf32, #tpu.memory_space<vmem>> -> memref<128x16xf32, #tpu.memory_space<vmem>>
      %dma_start3A_507 = arith.constant 0 : i32
      %dma_start3A_508 = tpu.memref_slice %arg6[%dma_start3A_501, %dma_start3A_507] : memref<16x128xi32, #tpu.memory_space<vmem>> -> memref<1x128xi32, #tpu.memory_space<vmem>>
      %dma_start3A_509 = tpu.memref_squeeze %dma_start3A_508 : memref<1x128xi32, #tpu.memory_space<vmem>> -> memref<128xi32, #tpu.memory_space<vmem>>
      %dma_start3A_510 = arith.constant 0 : i32
      %dma_start3A_511 = arith.constant 0 : i32
      %dma_start3A_512 = tpu.memref_slice %arg2[%dma_start3A_510, %dma_start3A_511] : memref<10000x16xf32, #tpu.memory_space<hbm>> -> memref<10000x16xf32, #tpu.memory_space<hbm>>
      tpu.enqueue_indirect_dma source(%dma_start3A_512 : memref<10000x16xf32, #tpu.memory_space<hbm>>) target(%dma_start3A_506 : memref<128x16xf32, #tpu.memory_space<vmem>>) offsets(%dma_start3A_509 : memref<128xi32, #tpu.memory_space<vmem>>) semaphore(%arg13 : memref<!tpu.dma_semaphore, #tpu.memory_space<semaphore_mem>>)
      %dma_wait3A_513 = arith.constant 7 : i32
      %dma_wait3A_514 = arith.constant 1 : i32
      %dma_wait3A_515 = arith.constant 0 : i32
      %dma_wait3A_516 = arith.constant 0 : i32
      %dma_wait3A_517 = tpu.memref_slice %arg8[%dma_wait3A_514, %dma_wait3A_515, %dma_wait3A_516] : memref<6x128x16xf32, #tpu.memory_space<vmem>> -> memref<1x128x16xf32, #tpu.memory_space<vmem>>
      %dma_wait3A_518 = tpu.memref_squeeze %dma_wait3A_517 : memref<1x128x16xf32, #tpu.memory_space<vmem>> -> memref<128x16xf32, #tpu.memory_space<vmem>>
      %dma_wait3A_519 = arith.constant 0 : i32
      %dma_wait3A_520 = tpu.memref_slice %arg6[%dma_wait3A_513, %dma_wait3A_519] : memref<16x128xi32, #tpu.memory_space<vmem>> -> memref<1x128xi32, #tpu.memory_space<vmem>>
      %dma_wait3A_521 = tpu.memref_squeeze %dma_wait3A_520 : memref<1x128xi32, #tpu.memory_space<vmem>> -> memref<128xi32, #tpu.memory_space<vmem>>
      %dma_wait3A_522 = arith.constant 0 : i32
      %dma_wait3A_523 = arith.constant 0 : i32
      %dma_wait3A_524 = tpu.memref_slice %arg2[%dma_wait3A_522, %dma_wait3A_523] : memref<10000x16xf32, #tpu.memory_space<hbm>> -> memref<10000x16xf32, #tpu.memory_space<hbm>>
      tpu.wait_indirect_dma semaphore(%arg10 : memref<!tpu.dma_semaphore, #tpu.memory_space<semaphore_mem>>) src(%dma_wait3A_524 : memref<10000x16xf32, #tpu.memory_space<hbm>>) dst(%dma_wait3A_518 : memref<128x16xf32, #tpu.memory_space<vmem>>)
      %dma_start3A_525 = arith.constant 1 : i32
      %dma_start3A_526 = arith.constant 7 : i32
      %dma_start3A_527 = arith.constant 0 : i32
      %dma_start3A_528 = arith.constant 0 : i32
      %dma_start3A_529 = tpu.memref_slice %arg8[%dma_start3A_525, %dma_start3A_527, %dma_start3A_528] : memref<6x128x16xf32, #tpu.memory_space<vmem>> -> memref<1x128x16xf32, #tpu.memory_space<vmem>>
      %dma_start3A_530 = tpu.memref_squeeze %dma_start3A_529 : memref<1x128x16xf32, #tpu.memory_space<vmem>> -> memref<128x16xf32, #tpu.memory_space<vmem>>
      %dma_start3A_531 = arith.constant 0 : i32
      %dma_start3A_532 = tpu.memref_slice %arg7[%dma_start3A_526, %dma_start3A_531] : memref<16x128xi32, #tpu.memory_space<vmem>> -> memref<1x128xi32, #tpu.memory_space<vmem>>
      %dma_start3A_533 = tpu.memref_squeeze %dma_start3A_532 : memref<1x128xi32, #tpu.memory_space<vmem>> -> memref<128xi32, #tpu.memory_space<vmem>>
      %dma_start3A_534 = arith.constant 0 : i32
      %dma_start3A_535 = arith.constant 0 : i32
      %dma_start3A_536 = tpu.memref_slice %arg21[%dma_start3A_534, %dma_start3A_535] : memref<10240x16xf32, #tpu.memory_space<vmem_shared>> -> memref<10240x16xf32, #tpu.memory_space<vmem_shared>>
      tpu.enqueue_indirect_dma source(%dma_start3A_530 : memref<128x16xf32, #tpu.memory_space<vmem>>) target(%dma_start3A_536 : memref<10240x16xf32, #tpu.memory_space<vmem_shared>>) offsets(%dma_start3A_533 : memref<128xi32, #tpu.memory_space<vmem>>) semaphore(%arg16 : memref<!tpu.dma_semaphore, #tpu.memory_space<semaphore_mem>>) {add = true}
      %dma_wait3A_537 = arith.constant 5 : i32
      %dma_wait3A_538 = arith.constant 0 : i32
      %dma_wait3A_539 = arith.constant 0 : i32
      %dma_wait3A_540 = arith.constant 0 : i32
      %dma_wait3A_541 = tpu.memref_slice %arg8[%dma_wait3A_537, %dma_wait3A_539, %dma_wait3A_540] : memref<6x128x16xf32, #tpu.memory_space<vmem>> -> memref<1x128x16xf32, #tpu.memory_space<vmem>>
      %dma_wait3A_542 = tpu.memref_squeeze %dma_wait3A_541 : memref<1x128x16xf32, #tpu.memory_space<vmem>> -> memref<128x16xf32, #tpu.memory_space<vmem>>
      %dma_wait3A_543 = arith.constant 0 : i32
      %dma_wait3A_544 = tpu.memref_slice %arg7[%dma_wait3A_538, %dma_wait3A_543] : memref<16x128xi32, #tpu.memory_space<vmem>> -> memref<1x128xi32, #tpu.memory_space<vmem>>
      %dma_wait3A_545 = tpu.memref_squeeze %dma_wait3A_544 : memref<1x128xi32, #tpu.memory_space<vmem>> -> memref<128xi32, #tpu.memory_space<vmem>>
      %dma_wait3A_546 = arith.constant 0 : i32
      %dma_wait3A_547 = arith.constant 0 : i32
      %dma_wait3A_548 = tpu.memref_slice %arg21[%dma_wait3A_546, %dma_wait3A_547] : memref<10240x16xf32, #tpu.memory_space<vmem_shared>> -> memref<10240x16xf32, #tpu.memory_space<vmem_shared>>
      tpu.wait_indirect_dma semaphore(%arg20 : memref<!tpu.dma_semaphore, #tpu.memory_space<semaphore_mem>>) src(%dma_wait3A_542 : memref<128x16xf32, #tpu.memory_space<vmem>>) dst(%dma_wait3A_548 : memref<10240x16xf32, #tpu.memory_space<vmem_shared>>)
      %dma_start3A_549 = arith.constant 11 : i32
      %dma_start3A_550 = arith.constant 5 : i32
      %dma_start3A_551 = arith.constant 0 : i32
      %dma_start3A_552 = arith.constant 0 : i32
      %dma_start3A_553 = tpu.memref_slice %arg8[%dma_start3A_550, %dma_start3A_551, %dma_start3A_552] : memref<6x128x16xf32, #tpu.memory_space<vmem>> -> memref<1x128x16xf32, #tpu.memory_space<vmem>>
      %dma_start3A_554 = tpu.memref_squeeze %dma_start3A_553 : memref<1x128x16xf32, #tpu.memory_space<vmem>> -> memref<128x16xf32, #tpu.memory_space<vmem>>
      %dma_start3A_555 = arith.constant 0 : i32
      %dma_start3A_556 = tpu.memref_slice %arg6[%dma_start3A_549, %dma_start3A_555] : memref<16x128xi32, #tpu.memory_space<vmem>> -> memref<1x128xi32, #tpu.memory_space<vmem>>
      %dma_start3A_557 = tpu.memref_squeeze %dma_start3A_556 : memref<1x128xi32, #tpu.memory_space<vmem>> -> memref<128xi32, #tpu.memory_space<vmem>>
      %dma_start3A_558 = arith.constant 0 : i32
      %dma_start3A_559 = arith.constant 0 : i32
      %dma_start3A_560 = tpu.memref_slice %arg2[%dma_start3A_558, %dma_start3A_559] : memref<10000x16xf32, #tpu.memory_space<hbm>> -> memref<10000x16xf32, #tpu.memory_space<hbm>>
      tpu.enqueue_indirect_dma source(%dma_start3A_560 : memref<10000x16xf32, #tpu.memory_space<hbm>>) target(%dma_start3A_554 : memref<128x16xf32, #tpu.memory_space<vmem>>) offsets(%dma_start3A_557 : memref<128xi32, #tpu.memory_space<vmem>>) semaphore(%arg14 : memref<!tpu.dma_semaphore, #tpu.memory_space<semaphore_mem>>)
      %dma_wait3A_561 = arith.constant 8 : i32
      %dma_wait3A_562 = arith.constant 2 : i32
      %dma_wait3A_563 = arith.constant 0 : i32
      %dma_wait3A_564 = arith.constant 0 : i32
      %dma_wait3A_565 = tpu.memref_slice %arg8[%dma_wait3A_562, %dma_wait3A_563, %dma_wait3A_564] : memref<6x128x16xf32, #tpu.memory_space<vmem>> -> memref<1x128x16xf32, #tpu.memory_space<vmem>>
      %dma_wait3A_566 = tpu.memref_squeeze %dma_wait3A_565 : memref<1x128x16xf32, #tpu.memory_space<vmem>> -> memref<128x16xf32, #tpu.memory_space<vmem>>
      %dma_wait3A_567 = arith.constant 0 : i32
      %dma_wait3A_568 = tpu.memref_slice %arg6[%dma_wait3A_561, %dma_wait3A_567] : memref<16x128xi32, #tpu.memory_space<vmem>> -> memref<1x128xi32, #tpu.memory_space<vmem>>
      %dma_wait3A_569 = tpu.memref_squeeze %dma_wait3A_568 : memref<1x128xi32, #tpu.memory_space<vmem>> -> memref<128xi32, #tpu.memory_space<vmem>>
      %dma_wait3A_570 = arith.constant 0 : i32
      %dma_wait3A_571 = arith.constant 0 : i32
      %dma_wait3A_572 = tpu.memref_slice %arg2[%dma_wait3A_570, %dma_wait3A_571] : memref<10000x16xf32, #tpu.memory_space<hbm>> -> memref<10000x16xf32, #tpu.memory_space<hbm>>
      tpu.wait_indirect_dma semaphore(%arg11 : memref<!tpu.dma_semaphore, #tpu.memory_space<semaphore_mem>>) src(%dma_wait3A_572 : memref<10000x16xf32, #tpu.memory_space<hbm>>) dst(%dma_wait3A_566 : memref<128x16xf32, #tpu.memory_space<vmem>>)
      %dma_start3A_573 = arith.constant 2 : i32
      %dma_start3A_574 = arith.constant 8 : i32
      %dma_start3A_575 = arith.constant 0 : i32
      %dma_start3A_576 = arith.constant 0 : i32
      %dma_start3A_577 = tpu.memref_slice %arg8[%dma_start3A_573, %dma_start3A_575, %dma_start3A_576] : memref<6x128x16xf32, #tpu.memory_space<vmem>> -> memref<1x128x16xf32, #tpu.memory_space<vmem>>
      %dma_start3A_578 = tpu.memref_squeeze %dma_start3A_577 : memref<1x128x16xf32, #tpu.memory_space<vmem>> -> memref<128x16xf32, #tpu.memory_space<vmem>>
      %dma_start3A_579 = arith.constant 0 : i32
      %dma_start3A_580 = tpu.memref_slice %arg7[%dma_start3A_574, %dma_start3A_579] : memref<16x128xi32, #tpu.memory_space<vmem>> -> memref<1x128xi32, #tpu.memory_space<vmem>>
      %dma_start3A_581 = tpu.memref_squeeze %dma_start3A_580 : memref<1x128xi32, #tpu.memory_space<vmem>> -> memref<128xi32, #tpu.memory_space<vmem>>
      %dma_start3A_582 = arith.constant 0 : i32
      %dma_start3A_583 = arith.constant 0 : i32
      %dma_start3A_584 = tpu.memref_slice %arg21[%dma_start3A_582, %dma_start3A_583] : memref<10240x16xf32, #tpu.memory_space<vmem_shared>> -> memref<10240x16xf32, #tpu.memory_space<vmem_shared>>
      tpu.enqueue_indirect_dma source(%dma_start3A_578 : memref<128x16xf32, #tpu.memory_space<vmem>>) target(%dma_start3A_584 : memref<10240x16xf32, #tpu.memory_space<vmem_shared>>) offsets(%dma_start3A_581 : memref<128xi32, #tpu.memory_space<vmem>>) semaphore(%arg17 : memref<!tpu.dma_semaphore, #tpu.memory_space<semaphore_mem>>) {add = true}
      %dma_wait3A_585 = arith.constant 0 : i32
      %dma_wait3A_586 = arith.constant 0 : i32
      %dma_wait3A_587 = arith.constant 0 : i32
      %dma_wait3A_588 = arith.constant 0 : i32
      %dma_wait3A_589 = tpu.memref_slice %arg8[%dma_wait3A_585, %dma_wait3A_587, %dma_wait3A_588] : memref<6x128x16xf32, #tpu.memory_space<vmem>> -> memref<1x128x16xf32, #tpu.memory_space<vmem>>
      %dma_wait3A_590 = tpu.memref_squeeze %dma_wait3A_589 : memref<1x128x16xf32, #tpu.memory_space<vmem>> -> memref<128x16xf32, #tpu.memory_space<vmem>>
      %dma_wait3A_591 = arith.constant 0 : i32
      %dma_wait3A_592 = tpu.memref_slice %arg7[%dma_wait3A_586, %dma_wait3A_591] : memref<16x128xi32, #tpu.memory_space<vmem>> -> memref<1x128xi32, #tpu.memory_space<vmem>>
      %dma_wait3A_593 = tpu.memref_squeeze %dma_wait3A_592 : memref<1x128xi32, #tpu.memory_space<vmem>> -> memref<128xi32, #tpu.memory_space<vmem>>
      %dma_wait3A_594 = arith.constant 0 : i32
      %dma_wait3A_595 = arith.constant 0 : i32
      %dma_wait3A_596 = tpu.memref_slice %arg21[%dma_wait3A_594, %dma_wait3A_595] : memref<10240x16xf32, #tpu.memory_space<vmem_shared>> -> memref<10240x16xf32, #tpu.memory_space<vmem_shared>>
      tpu.wait_indirect_dma semaphore(%arg15 : memref<!tpu.dma_semaphore, #tpu.memory_space<semaphore_mem>>) src(%dma_wait3A_590 : memref<128x16xf32, #tpu.memory_space<vmem>>) dst(%dma_wait3A_596 : memref<10240x16xf32, #tpu.memory_space<vmem_shared>>)
      %dma_start3A_597 = arith.constant 12 : i32
      %dma_start3A_598 = arith.constant 0 : i32
      %dma_start3A_599 = arith.constant 0 : i32
      %dma_start3A_600 = arith.constant 0 : i32
      %dma_start3A_601 = tpu.memref_slice %arg8[%dma_start3A_598, %dma_start3A_599, %dma_start3A_600] : memref<6x128x16xf32, #tpu.memory_space<vmem>> -> memref<1x128x16xf32, #tpu.memory_space<vmem>>
      %dma_start3A_602 = tpu.memref_squeeze %dma_start3A_601 : memref<1x128x16xf32, #tpu.memory_space<vmem>> -> memref<128x16xf32, #tpu.memory_space<vmem>>
      %dma_start3A_603 = arith.constant 0 : i32
      %dma_start3A_604 = tpu.memref_slice %arg6[%dma_start3A_597, %dma_start3A_603] : memref<16x128xi32, #tpu.memory_space<vmem>> -> memref<1x128xi32, #tpu.memory_space<vmem>>
      %dma_start3A_605 = tpu.memref_squeeze %dma_start3A_604 : memref<1x128xi32, #tpu.memory_space<vmem>> -> memref<128xi32, #tpu.memory_space<vmem>>
      %dma_start3A_606 = arith.constant 0 : i32
      %dma_start3A_607 = arith.constant 0 : i32
      %dma_start3A_608 = tpu.memref_slice %arg2[%dma_start3A_606, %dma_start3A_607] : memref<10000x16xf32, #tpu.memory_space<hbm>> -> memref<10000x16xf32, #tpu.memory_space<hbm>>
      tpu.enqueue_indirect_dma source(%dma_start3A_608 : memref<10000x16xf32, #tpu.memory_space<hbm>>) target(%dma_start3A_602 : memref<128x16xf32, #tpu.memory_space<vmem>>) offsets(%dma_start3A_605 : memref<128xi32, #tpu.memory_space<vmem>>) semaphore(%arg9 : memref<!tpu.dma_semaphore, #tpu.memory_space<semaphore_mem>>)
      %dma_wait3A_609 = arith.constant 9 : i32
      %dma_wait3A_610 = arith.constant 3 : i32
      %dma_wait3A_611 = arith.constant 0 : i32
      %dma_wait3A_612 = arith.constant 0 : i32
      %dma_wait3A_613 = tpu.memref_slice %arg8[%dma_wait3A_610, %dma_wait3A_611, %dma_wait3A_612] : memref<6x128x16xf32, #tpu.memory_space<vmem>> -> memref<1x128x16xf32, #tpu.memory_space<vmem>>
      %dma_wait3A_614 = tpu.memref_squeeze %dma_wait3A_613 : memref<1x128x16xf32, #tpu.memory_space<vmem>> -> memref<128x16xf32, #tpu.memory_space<vmem>>
      %dma_wait3A_615 = arith.constant 0 : i32
      %dma_wait3A_616 = tpu.memref_slice %arg6[%dma_wait3A_609, %dma_wait3A_615] : memref<16x128xi32, #tpu.memory_space<vmem>> -> memref<1x128xi32, #tpu.memory_space<vmem>>
      %dma_wait3A_617 = tpu.memref_squeeze %dma_wait3A_616 : memref<1x128xi32, #tpu.memory_space<vmem>> -> memref<128xi32, #tpu.memory_space<vmem>>
      %dma_wait3A_618 = arith.constant 0 : i32
      %dma_wait3A_619 = arith.constant 0 : i32
      %dma_wait3A_620 = tpu.memref_slice %arg2[%dma_wait3A_618, %dma_wait3A_619] : memref<10000x16xf32, #tpu.memory_space<hbm>> -> memref<10000x16xf32, #tpu.memory_space<hbm>>
      tpu.wait_indirect_dma semaphore(%arg12 : memref<!tpu.dma_semaphore, #tpu.memory_space<semaphore_mem>>) src(%dma_wait3A_620 : memref<10000x16xf32, #tpu.memory_space<hbm>>) dst(%dma_wait3A_614 : memref<128x16xf32, #tpu.memory_space<vmem>>)
      %dma_start3A_621 = arith.constant 3 : i32
      %dma_start3A_622 = arith.constant 9 : i32
      %dma_start3A_623 = arith.constant 0 : i32
      %dma_start3A_624 = arith.constant 0 : i32
      %dma_start3A_625 = tpu.memref_slice %arg8[%dma_start3A_621, %dma_start3A_623, %dma_start3A_624] : memref<6x128x16xf32, #tpu.memory_space<vmem>> -> memref<1x128x16xf32, #tpu.memory_space<vmem>>
      %dma_start3A_626 = tpu.memref_squeeze %dma_start3A_625 : memref<1x128x16xf32, #tpu.memory_space<vmem>> -> memref<128x16xf32, #tpu.memory_space<vmem>>
      %dma_start3A_627 = arith.constant 0 : i32
      %dma_start3A_628 = tpu.memref_slice %arg7[%dma_start3A_622, %dma_start3A_627] : memref<16x128xi32, #tpu.memory_space<vmem>> -> memref<1x128xi32, #tpu.memory_space<vmem>>
      %dma_start3A_629 = tpu.memref_squeeze %dma_start3A_628 : memref<1x128xi32, #tpu.memory_space<vmem>> -> memref<128xi32, #tpu.memory_space<vmem>>
      %dma_start3A_630 = arith.constant 0 : i32
      %dma_start3A_631 = arith.constant 0 : i32
      %dma_start3A_632 = tpu.memref_slice %arg21[%dma_start3A_630, %dma_start3A_631] : memref<10240x16xf32, #tpu.memory_space<vmem_shared>> -> memref<10240x16xf32, #tpu.memory_space<vmem_shared>>
      tpu.enqueue_indirect_dma source(%dma_start3A_626 : memref<128x16xf32, #tpu.memory_space<vmem>>) target(%dma_start3A_632 : memref<10240x16xf32, #tpu.memory_space<vmem_shared>>) offsets(%dma_start3A_629 : memref<128xi32, #tpu.memory_space<vmem>>) semaphore(%arg18 : memref<!tpu.dma_semaphore, #tpu.memory_space<semaphore_mem>>) {add = true}
      %dma_wait3A_633 = arith.constant 1 : i32
      %dma_wait3A_634 = arith.constant 0 : i32
      %dma_wait3A_635 = arith.constant 0 : i32
      %dma_wait3A_636 = arith.constant 0 : i32
      %dma_wait3A_637 = tpu.memref_slice %arg8[%dma_wait3A_633, %dma_wait3A_635, %dma_wait3A_636] : memref<6x128x16xf32, #tpu.memory_space<vmem>> -> memref<1x128x16xf32, #tpu.memory_space<vmem>>
      %dma_wait3A_638 = tpu.memref_squeeze %dma_wait3A_637 : memref<1x128x16xf32, #tpu.memory_space<vmem>> -> memref<128x16xf32, #tpu.memory_space<vmem>>
      %dma_wait3A_639 = arith.constant 0 : i32
      %dma_wait3A_640 = tpu.memref_slice %arg7[%dma_wait3A_634, %dma_wait3A_639] : memref<16x128xi32, #tpu.memory_space<vmem>> -> memref<1x128xi32, #tpu.memory_space<vmem>>
      %dma_wait3A_641 = tpu.memref_squeeze %dma_wait3A_640 : memref<1x128xi32, #tpu.memory_space<vmem>> -> memref<128xi32, #tpu.memory_space<vmem>>
      %dma_wait3A_642 = arith.constant 0 : i32
      %dma_wait3A_643 = arith.constant 0 : i32
      %dma_wait3A_644 = tpu.memref_slice %arg21[%dma_wait3A_642, %dma_wait3A_643] : memref<10240x16xf32, #tpu.memory_space<vmem_shared>> -> memref<10240x16xf32, #tpu.memory_space<vmem_shared>>
      tpu.wait_indirect_dma semaphore(%arg16 : memref<!tpu.dma_semaphore, #tpu.memory_space<semaphore_mem>>) src(%dma_wait3A_638 : memref<128x16xf32, #tpu.memory_space<vmem>>) dst(%dma_wait3A_644 : memref<10240x16xf32, #tpu.memory_space<vmem_shared>>)
      %dma_start3A_645 = arith.constant 13 : i32
      %dma_start3A_646 = arith.constant 1 : i32
      %dma_start3A_647 = arith.constant 0 : i32
      %dma_start3A_648 = arith.constant 0 : i32
      %dma_start3A_649 = tpu.memref_slice %arg8[%dma_start3A_646, %dma_start3A_647, %dma_start3A_648] : memref<6x128x16xf32, #tpu.memory_space<vmem>> -> memref<1x128x16xf32, #tpu.memory_space<vmem>>
      %dma_start3A_650 = tpu.memref_squeeze %dma_start3A_649 : memref<1x128x16xf32, #tpu.memory_space<vmem>> -> memref<128x16xf32, #tpu.memory_space<vmem>>
      %dma_start3A_651 = arith.constant 0 : i32
      %dma_start3A_652 = tpu.memref_slice %arg6[%dma_start3A_645, %dma_start3A_651] : memref<16x128xi32, #tpu.memory_space<vmem>> -> memref<1x128xi32, #tpu.memory_space<vmem>>
      %dma_start3A_653 = tpu.memref_squeeze %dma_start3A_652 : memref<1x128xi32, #tpu.memory_space<vmem>> -> memref<128xi32, #tpu.memory_space<vmem>>
      %dma_start3A_654 = arith.constant 0 : i32
      %dma_start3A_655 = arith.constant 0 : i32
      %dma_start3A_656 = tpu.memref_slice %arg2[%dma_start3A_654, %dma_start3A_655] : memref<10000x16xf32, #tpu.memory_space<hbm>> -> memref<10000x16xf32, #tpu.memory_space<hbm>>
      tpu.enqueue_indirect_dma source(%dma_start3A_656 : memref<10000x16xf32, #tpu.memory_space<hbm>>) target(%dma_start3A_650 : memref<128x16xf32, #tpu.memory_space<vmem>>) offsets(%dma_start3A_653 : memref<128xi32, #tpu.memory_space<vmem>>) semaphore(%arg10 : memref<!tpu.dma_semaphore, #tpu.memory_space<semaphore_mem>>)
      %dma_wait3A_657 = arith.constant 10 : i32
      %dma_wait3A_658 = arith.constant 4 : i32
      %dma_wait3A_659 = arith.constant 0 : i32
      %dma_wait3A_660 = arith.constant 0 : i32
      %dma_wait3A_661 = tpu.memref_slice %arg8[%dma_wait3A_658, %dma_wait3A_659, %dma_wait3A_660] : memref<6x128x16xf32, #tpu.memory_space<vmem>> -> memref<1x128x16xf32, #tpu.memory_space<vmem>>
      %dma_wait3A_662 = tpu.memref_squeeze %dma_wait3A_661 : memref<1x128x16xf32, #tpu.memory_space<vmem>> -> memref<128x16xf32, #tpu.memory_space<vmem>>
      %dma_wait3A_663 = arith.constant 0 : i32
      %dma_wait3A_664 = tpu.memref_slice %arg6[%dma_wait3A_657, %dma_wait3A_663] : memref<16x128xi32, #tpu.memory_space<vmem>> -> memref<1x128xi32, #tpu.memory_space<vmem>>
      %dma_wait3A_665 = tpu.memref_squeeze %dma_wait3A_664 : memref<1x128xi32, #tpu.memory_space<vmem>> -> memref<128xi32, #tpu.memory_space<vmem>>
      %dma_wait3A_666 = arith.constant 0 : i32
      %dma_wait3A_667 = arith.constant 0 : i32
      %dma_wait3A_668 = tpu.memref_slice %arg2[%dma_wait3A_666, %dma_wait3A_667] : memref<10000x16xf32, #tpu.memory_space<hbm>> -> memref<10000x16xf32, #tpu.memory_space<hbm>>
      tpu.wait_indirect_dma semaphore(%arg13 : memref<!tpu.dma_semaphore, #tpu.memory_space<semaphore_mem>>) src(%dma_wait3A_668 : memref<10000x16xf32, #tpu.memory_space<hbm>>) dst(%dma_wait3A_662 : memref<128x16xf32, #tpu.memory_space<vmem>>)
      %dma_start3A_669 = arith.constant 4 : i32
      %dma_start3A_670 = arith.constant 10 : i32
      %dma_start3A_671 = arith.constant 0 : i32
      %dma_start3A_672 = arith.constant 0 : i32
      %dma_start3A_673 = tpu.memref_slice %arg8[%dma_start3A_669, %dma_start3A_671, %dma_start3A_672] : memref<6x128x16xf32, #tpu.memory_space<vmem>> -> memref<1x128x16xf32, #tpu.memory_space<vmem>>
      %dma_start3A_674 = tpu.memref_squeeze %dma_start3A_673 : memref<1x128x16xf32, #tpu.memory_space<vmem>> -> memref<128x16xf32, #tpu.memory_space<vmem>>
      %dma_start3A_675 = arith.constant 0 : i32
      %dma_start3A_676 = tpu.memref_slice %arg7[%dma_start3A_670, %dma_start3A_675] : memref<16x128xi32, #tpu.memory_space<vmem>> -> memref<1x128xi32, #tpu.memory_space<vmem>>
      %dma_start3A_677 = tpu.memref_squeeze %dma_start3A_676 : memref<1x128xi32, #tpu.memory_space<vmem>> -> memref<128xi32, #tpu.memory_space<vmem>>
      %dma_start3A_678 = arith.constant 0 : i32
      %dma_start3A_679 = arith.constant 0 : i32
      %dma_start3A_680 = tpu.memref_slice %arg21[%dma_start3A_678, %dma_start3A_679] : memref<10240x16xf32, #tpu.memory_space<vmem_shared>> -> memref<10240x16xf32, #tpu.memory_space<vmem_shared>>
      tpu.enqueue_indirect_dma source(%dma_start3A_674 : memref<128x16xf32, #tpu.memory_space<vmem>>) target(%dma_start3A_680 : memref<10240x16xf32, #tpu.memory_space<vmem_shared>>) offsets(%dma_start3A_677 : memref<128xi32, #tpu.memory_space<vmem>>) semaphore(%arg19 : memref<!tpu.dma_semaphore, #tpu.memory_space<semaphore_mem>>) {add = true}
      %dma_wait3A_681 = arith.constant 2 : i32
      %dma_wait3A_682 = arith.constant 0 : i32
      %dma_wait3A_683 = arith.constant 0 : i32
      %dma_wait3A_684 = arith.constant 0 : i32
      %dma_wait3A_685 = tpu.memref_slice %arg8[%dma_wait3A_681, %dma_wait3A_683, %dma_wait3A_684] : memref<6x128x16xf32, #tpu.memory_space<vmem>> -> memref<1x128x16xf32, #tpu.memory_space<vmem>>
      %dma_wait3A_686 = tpu.memref_squeeze %dma_wait3A_685 : memref<1x128x16xf32, #tpu.memory_space<vmem>> -> memref<128x16xf32, #tpu.memory_space<vmem>>
      %dma_wait3A_687 = arith.constant 0 : i32
      %dma_wait3A_688 = tpu.memref_slice %arg7[%dma_wait3A_682, %dma_wait3A_687] : memref<16x128xi32, #tpu.memory_space<vmem>> -> memref<1x128xi32, #tpu.memory_space<vmem>>
      %dma_wait3A_689 = tpu.memref_squeeze %dma_wait3A_688 : memref<1x128xi32, #tpu.memory_space<vmem>> -> memref<128xi32, #tpu.memory_space<vmem>>
      %dma_wait3A_690 = arith.constant 0 : i32
      %dma_wait3A_691 = arith.constant 0 : i32
      %dma_wait3A_692 = tpu.memref_slice %arg21[%dma_wait3A_690, %dma_wait3A_691] : memref<10240x16xf32, #tpu.memory_space<vmem_shared>> -> memref<10240x16xf32, #tpu.memory_space<vmem_shared>>
      tpu.wait_indirect_dma semaphore(%arg17 : memref<!tpu.dma_semaphore, #tpu.memory_space<semaphore_mem>>) src(%dma_wait3A_686 : memref<128x16xf32, #tpu.memory_space<vmem>>) dst(%dma_wait3A_692 : memref<10240x16xf32, #tpu.memory_space<vmem_shared>>)
      %dma_start3A_693 = arith.constant 14 : i32
      %dma_start3A_694 = arith.constant 2 : i32
      %dma_start3A_695 = arith.constant 0 : i32
      %dma_start3A_696 = arith.constant 0 : i32
      %dma_start3A_697 = tpu.memref_slice %arg8[%dma_start3A_694, %dma_start3A_695, %dma_start3A_696] : memref<6x128x16xf32, #tpu.memory_space<vmem>> -> memref<1x128x16xf32, #tpu.memory_space<vmem>>
      %dma_start3A_698 = tpu.memref_squeeze %dma_start3A_697 : memref<1x128x16xf32, #tpu.memory_space<vmem>> -> memref<128x16xf32, #tpu.memory_space<vmem>>
      %dma_start3A_699 = arith.constant 0 : i32
      %dma_start3A_700 = tpu.memref_slice %arg6[%dma_start3A_693, %dma_start3A_699] : memref<16x128xi32, #tpu.memory_space<vmem>> -> memref<1x128xi32, #tpu.memory_space<vmem>>
      %dma_start3A_701 = tpu.memref_squeeze %dma_start3A_700 : memref<1x128xi32, #tpu.memory_space<vmem>> -> memref<128xi32, #tpu.memory_space<vmem>>
      %dma_start3A_702 = arith.constant 0 : i32
      %dma_start3A_703 = arith.constant 0 : i32
      %dma_start3A_704 = tpu.memref_slice %arg2[%dma_start3A_702, %dma_start3A_703] : memref<10000x16xf32, #tpu.memory_space<hbm>> -> memref<10000x16xf32, #tpu.memory_space<hbm>>
      tpu.enqueue_indirect_dma source(%dma_start3A_704 : memref<10000x16xf32, #tpu.memory_space<hbm>>) target(%dma_start3A_698 : memref<128x16xf32, #tpu.memory_space<vmem>>) offsets(%dma_start3A_701 : memref<128xi32, #tpu.memory_space<vmem>>) semaphore(%arg11 : memref<!tpu.dma_semaphore, #tpu.memory_space<semaphore_mem>>)
      %dma_wait3A_705 = arith.constant 11 : i32
      %dma_wait3A_706 = arith.constant 5 : i32
      %dma_wait3A_707 = arith.constant 0 : i32
      %dma_wait3A_708 = arith.constant 0 : i32
      %dma_wait3A_709 = tpu.memref_slice %arg8[%dma_wait3A_706, %dma_wait3A_707, %dma_wait3A_708] : memref<6x128x16xf32, #tpu.memory_space<vmem>> -> memref<1x128x16xf32, #tpu.memory_space<vmem>>
      %dma_wait3A_710 = tpu.memref_squeeze %dma_wait3A_709 : memref<1x128x16xf32, #tpu.memory_space<vmem>> -> memref<128x16xf32, #tpu.memory_space<vmem>>
      %dma_wait3A_711 = arith.constant 0 : i32
      %dma_wait3A_712 = tpu.memref_slice %arg6[%dma_wait3A_705, %dma_wait3A_711] : memref<16x128xi32, #tpu.memory_space<vmem>> -> memref<1x128xi32, #tpu.memory_space<vmem>>
      %dma_wait3A_713 = tpu.memref_squeeze %dma_wait3A_712 : memref<1x128xi32, #tpu.memory_space<vmem>> -> memref<128xi32, #tpu.memory_space<vmem>>
      %dma_wait3A_714 = arith.constant 0 : i32
      %dma_wait3A_715 = arith.constant 0 : i32
      %dma_wait3A_716 = tpu.memref_slice %arg2[%dma_wait3A_714, %dma_wait3A_715] : memref<10000x16xf32, #tpu.memory_space<hbm>> -> memref<10000x16xf32, #tpu.memory_space<hbm>>
      tpu.wait_indirect_dma semaphore(%arg14 : memref<!tpu.dma_semaphore, #tpu.memory_space<semaphore_mem>>) src(%dma_wait3A_716 : memref<10000x16xf32, #tpu.memory_space<hbm>>) dst(%dma_wait3A_710 : memref<128x16xf32, #tpu.memory_space<vmem>>)
      %dma_start3A_717 = arith.constant 5 : i32
      %dma_start3A_718 = arith.constant 11 : i32
      %dma_start3A_719 = arith.constant 0 : i32
      %dma_start3A_720 = arith.constant 0 : i32
      %dma_start3A_721 = tpu.memref_slice %arg8[%dma_start3A_717, %dma_start3A_719, %dma_start3A_720] : memref<6x128x16xf32, #tpu.memory_space<vmem>> -> memref<1x128x16xf32, #tpu.memory_space<vmem>>
      %dma_start3A_722 = tpu.memref_squeeze %dma_start3A_721 : memref<1x128x16xf32, #tpu.memory_space<vmem>> -> memref<128x16xf32, #tpu.memory_space<vmem>>
      %dma_start3A_723 = arith.constant 0 : i32
      %dma_start3A_724 = tpu.memref_slice %arg7[%dma_start3A_718, %dma_start3A_723] : memref<16x128xi32, #tpu.memory_space<vmem>> -> memref<1x128xi32, #tpu.memory_space<vmem>>
      %dma_start3A_725 = tpu.memref_squeeze %dma_start3A_724 : memref<1x128xi32, #tpu.memory_space<vmem>> -> memref<128xi32, #tpu.memory_space<vmem>>
      %dma_start3A_726 = arith.constant 0 : i32
      %dma_start3A_727 = arith.constant 0 : i32
      %dma_start3A_728 = tpu.memref_slice %arg21[%dma_start3A_726, %dma_start3A_727] : memref<10240x16xf32, #tpu.memory_space<vmem_shared>> -> memref<10240x16xf32, #tpu.memory_space<vmem_shared>>
      tpu.enqueue_indirect_dma source(%dma_start3A_722 : memref<128x16xf32, #tpu.memory_space<vmem>>) target(%dma_start3A_728 : memref<10240x16xf32, #tpu.memory_space<vmem_shared>>) offsets(%dma_start3A_725 : memref<128xi32, #tpu.memory_space<vmem>>) semaphore(%arg20 : memref<!tpu.dma_semaphore, #tpu.memory_space<semaphore_mem>>) {add = true}
      %dma_wait3A_729 = arith.constant 3 : i32
      %dma_wait3A_730 = arith.constant 0 : i32
      %dma_wait3A_731 = arith.constant 0 : i32
      %dma_wait3A_732 = arith.constant 0 : i32
      %dma_wait3A_733 = tpu.memref_slice %arg8[%dma_wait3A_729, %dma_wait3A_731, %dma_wait3A_732] : memref<6x128x16xf32, #tpu.memory_space<vmem>> -> memref<1x128x16xf32, #tpu.memory_space<vmem>>
      %dma_wait3A_734 = tpu.memref_squeeze %dma_wait3A_733 : memref<1x128x16xf32, #tpu.memory_space<vmem>> -> memref<128x16xf32, #tpu.memory_space<vmem>>
      %dma_wait3A_735 = arith.constant 0 : i32
      %dma_wait3A_736 = tpu.memref_slice %arg7[%dma_wait3A_730, %dma_wait3A_735] : memref<16x128xi32, #tpu.memory_space<vmem>> -> memref<1x128xi32, #tpu.memory_space<vmem>>
      %dma_wait3A_737 = tpu.memref_squeeze %dma_wait3A_736 : memref<1x128xi32, #tpu.memory_space<vmem>> -> memref<128xi32, #tpu.memory_space<vmem>>
      %dma_wait3A_738 = arith.constant 0 : i32
      %dma_wait3A_739 = arith.constant 0 : i32
      %dma_wait3A_740 = tpu.memref_slice %arg21[%dma_wait3A_738, %dma_wait3A_739] : memref<10240x16xf32, #tpu.memory_space<vmem_shared>> -> memref<10240x16xf32, #tpu.memory_space<vmem_shared>>
      tpu.wait_indirect_dma semaphore(%arg18 : memref<!tpu.dma_semaphore, #tpu.memory_space<semaphore_mem>>) src(%dma_wait3A_734 : memref<128x16xf32, #tpu.memory_space<vmem>>) dst(%dma_wait3A_740 : memref<10240x16xf32, #tpu.memory_space<vmem_shared>>)
      %dma_start3A_741 = arith.constant 15 : i32
      %dma_start3A_742 = arith.constant 3 : i32
      %dma_start3A_743 = arith.constant 0 : i32
      %dma_start3A_744 = arith.constant 0 : i32
      %dma_start3A_745 = tpu.memref_slice %arg8[%dma_start3A_742, %dma_start3A_743, %dma_start3A_744] : memref<6x128x16xf32, #tpu.memory_space<vmem>> -> memref<1x128x16xf32, #tpu.memory_space<vmem>>
      %dma_start3A_746 = tpu.memref_squeeze %dma_start3A_745 : memref<1x128x16xf32, #tpu.memory_space<vmem>> -> memref<128x16xf32, #tpu.memory_space<vmem>>
      %dma_start3A_747 = arith.constant 0 : i32
      %dma_start3A_748 = tpu.memref_slice %arg6[%dma_start3A_741, %dma_start3A_747] : memref<16x128xi32, #tpu.memory_space<vmem>> -> memref<1x128xi32, #tpu.memory_space<vmem>>
      %dma_start3A_749 = tpu.memref_squeeze %dma_start3A_748 : memref<1x128xi32, #tpu.memory_space<vmem>> -> memref<128xi32, #tpu.memory_space<vmem>>
      %dma_start3A_750 = arith.constant 0 : i32
      %dma_start3A_751 = arith.constant 0 : i32
      %dma_start3A_752 = tpu.memref_slice %arg2[%dma_start3A_750, %dma_start3A_751] : memref<10000x16xf32, #tpu.memory_space<hbm>> -> memref<10000x16xf32, #tpu.memory_space<hbm>>
      tpu.enqueue_indirect_dma source(%dma_start3A_752 : memref<10000x16xf32, #tpu.memory_space<hbm>>) target(%dma_start3A_746 : memref<128x16xf32, #tpu.memory_space<vmem>>) offsets(%dma_start3A_749 : memref<128xi32, #tpu.memory_space<vmem>>) semaphore(%arg12 : memref<!tpu.dma_semaphore, #tpu.memory_space<semaphore_mem>>)
      %dma_wait3A_753 = arith.constant 12 : i32
      %dma_wait3A_754 = arith.constant 0 : i32
      %dma_wait3A_755 = arith.constant 0 : i32
      %dma_wait3A_756 = arith.constant 0 : i32
      %dma_wait3A_757 = tpu.memref_slice %arg8[%dma_wait3A_754, %dma_wait3A_755, %dma_wait3A_756] : memref<6x128x16xf32, #tpu.memory_space<vmem>> -> memref<1x128x16xf32, #tpu.memory_space<vmem>>
      %dma_wait3A_758 = tpu.memref_squeeze %dma_wait3A_757 : memref<1x128x16xf32, #tpu.memory_space<vmem>> -> memref<128x16xf32, #tpu.memory_space<vmem>>
      %dma_wait3A_759 = arith.constant 0 : i32
      %dma_wait3A_760 = tpu.memref_slice %arg6[%dma_wait3A_753, %dma_wait3A_759] : memref<16x128xi32, #tpu.memory_space<vmem>> -> memref<1x128xi32, #tpu.memory_space<vmem>>
      %dma_wait3A_761 = tpu.memref_squeeze %dma_wait3A_760 : memref<1x128xi32, #tpu.memory_space<vmem>> -> memref<128xi32, #tpu.memory_space<vmem>>
      %dma_wait3A_762 = arith.constant 0 : i32
      %dma_wait3A_763 = arith.constant 0 : i32
      %dma_wait3A_764 = tpu.memref_slice %arg2[%dma_wait3A_762, %dma_wait3A_763] : memref<10000x16xf32, #tpu.memory_space<hbm>> -> memref<10000x16xf32, #tpu.memory_space<hbm>>
      tpu.wait_indirect_dma semaphore(%arg9 : memref<!tpu.dma_semaphore, #tpu.memory_space<semaphore_mem>>) src(%dma_wait3A_764 : memref<10000x16xf32, #tpu.memory_space<hbm>>) dst(%dma_wait3A_758 : memref<128x16xf32, #tpu.memory_space<vmem>>)
      %dma_start3A_765 = arith.constant 0 : i32
      %dma_start3A_766 = arith.constant 12 : i32
      %dma_start3A_767 = arith.constant 0 : i32
      %dma_start3A_768 = arith.constant 0 : i32
      %dma_start3A_769 = tpu.memref_slice %arg8[%dma_start3A_765, %dma_start3A_767, %dma_start3A_768] : memref<6x128x16xf32, #tpu.memory_space<vmem>> -> memref<1x128x16xf32, #tpu.memory_space<vmem>>
      %dma_start3A_770 = tpu.memref_squeeze %dma_start3A_769 : memref<1x128x16xf32, #tpu.memory_space<vmem>> -> memref<128x16xf32, #tpu.memory_space<vmem>>
      %dma_start3A_771 = arith.constant 0 : i32
      %dma_start3A_772 = tpu.memref_slice %arg7[%dma_start3A_766, %dma_start3A_771] : memref<16x128xi32, #tpu.memory_space<vmem>> -> memref<1x128xi32, #tpu.memory_space<vmem>>
      %dma_start3A_773 = tpu.memref_squeeze %dma_start3A_772 : memref<1x128xi32, #tpu.memory_space<vmem>> -> memref<128xi32, #tpu.memory_space<vmem>>
      %dma_start3A_774 = arith.constant 0 : i32
      %dma_start3A_775 = arith.constant 0 : i32
      %dma_start3A_776 = tpu.memref_slice %arg21[%dma_start3A_774, %dma_start3A_775] : memref<10240x16xf32, #tpu.memory_space<vmem_shared>> -> memref<10240x16xf32, #tpu.memory_space<vmem_shared>>
      tpu.enqueue_indirect_dma source(%dma_start3A_770 : memref<128x16xf32, #tpu.memory_space<vmem>>) target(%dma_start3A_776 : memref<10240x16xf32, #tpu.memory_space<vmem_shared>>) offsets(%dma_start3A_773 : memref<128xi32, #tpu.memory_space<vmem>>) semaphore(%arg15 : memref<!tpu.dma_semaphore, #tpu.memory_space<semaphore_mem>>) {add = true}
      %dma_wait3A_777 = arith.constant 13 : i32
      %dma_wait3A_778 = arith.constant 1 : i32
      %dma_wait3A_779 = arith.constant 0 : i32
      %dma_wait3A_780 = arith.constant 0 : i32
      %dma_wait3A_781 = tpu.memref_slice %arg8[%dma_wait3A_778, %dma_wait3A_779, %dma_wait3A_780] : memref<6x128x16xf32, #tpu.memory_space<vmem>> -> memref<1x128x16xf32, #tpu.memory_space<vmem>>
      %dma_wait3A_782 = tpu.memref_squeeze %dma_wait3A_781 : memref<1x128x16xf32, #tpu.memory_space<vmem>> -> memref<128x16xf32, #tpu.memory_space<vmem>>
      %dma_wait3A_783 = arith.constant 0 : i32
      %dma_wait3A_784 = tpu.memref_slice %arg6[%dma_wait3A_777, %dma_wait3A_783] : memref<16x128xi32, #tpu.memory_space<vmem>> -> memref<1x128xi32, #tpu.memory_space<vmem>>
      %dma_wait3A_785 = tpu.memref_squeeze %dma_wait3A_784 : memref<1x128xi32, #tpu.memory_space<vmem>> -> memref<128xi32, #tpu.memory_space<vmem>>
      %dma_wait3A_786 = arith.constant 0 : i32
      %dma_wait3A_787 = arith.constant 0 : i32
      %dma_wait3A_788 = tpu.memref_slice %arg2[%dma_wait3A_786, %dma_wait3A_787] : memref<10000x16xf32, #tpu.memory_space<hbm>> -> memref<10000x16xf32, #tpu.memory_space<hbm>>
      tpu.wait_indirect_dma semaphore(%arg10 : memref<!tpu.dma_semaphore, #tpu.memory_space<semaphore_mem>>) src(%dma_wait3A_788 : memref<10000x16xf32, #tpu.memory_space<hbm>>) dst(%dma_wait3A_782 : memref<128x16xf32, #tpu.memory_space<vmem>>)
      %dma_start3A_789 = arith.constant 1 : i32
      %dma_start3A_790 = arith.constant 13 : i32
      %dma_start3A_791 = arith.constant 0 : i32
      %dma_start3A_792 = arith.constant 0 : i32
      %dma_start3A_793 = tpu.memref_slice %arg8[%dma_start3A_789, %dma_start3A_791, %dma_start3A_792] : memref<6x128x16xf32, #tpu.memory_space<vmem>> -> memref<1x128x16xf32, #tpu.memory_space<vmem>>
      %dma_start3A_794 = tpu.memref_squeeze %dma_start3A_793 : memref<1x128x16xf32, #tpu.memory_space<vmem>> -> memref<128x16xf32, #tpu.memory_space<vmem>>
      %dma_start3A_795 = arith.constant 0 : i32
      %dma_start3A_796 = tpu.memref_slice %arg7[%dma_start3A_790, %dma_start3A_795] : memref<16x128xi32, #tpu.memory_space<vmem>> -> memref<1x128xi32, #tpu.memory_space<vmem>>
      %dma_start3A_797 = tpu.memref_squeeze %dma_start3A_796 : memref<1x128xi32, #tpu.memory_space<vmem>> -> memref<128xi32, #tpu.memory_space<vmem>>
      %dma_start3A_798 = arith.constant 0 : i32
      %dma_start3A_799 = arith.constant 0 : i32
      %dma_start3A_800 = tpu.memref_slice %arg21[%dma_start3A_798, %dma_start3A_799] : memref<10240x16xf32, #tpu.memory_space<vmem_shared>> -> memref<10240x16xf32, #tpu.memory_space<vmem_shared>>
      tpu.enqueue_indirect_dma source(%dma_start3A_794 : memref<128x16xf32, #tpu.memory_space<vmem>>) target(%dma_start3A_800 : memref<10240x16xf32, #tpu.memory_space<vmem_shared>>) offsets(%dma_start3A_797 : memref<128xi32, #tpu.memory_space<vmem>>) semaphore(%arg16 : memref<!tpu.dma_semaphore, #tpu.memory_space<semaphore_mem>>) {add = true}
      %dma_wait3A_801 = arith.constant 14 : i32
      %dma_wait3A_802 = arith.constant 2 : i32
      %dma_wait3A_803 = arith.constant 0 : i32
      %dma_wait3A_804 = arith.constant 0 : i32
      %dma_wait3A_805 = tpu.memref_slice %arg8[%dma_wait3A_802, %dma_wait3A_803, %dma_wait3A_804] : memref<6x128x16xf32, #tpu.memory_space<vmem>> -> memref<1x128x16xf32, #tpu.memory_space<vmem>>
      %dma_wait3A_806 = tpu.memref_squeeze %dma_wait3A_805 : memref<1x128x16xf32, #tpu.memory_space<vmem>> -> memref<128x16xf32, #tpu.memory_space<vmem>>
      %dma_wait3A_807 = arith.constant 0 : i32
      %dma_wait3A_808 = tpu.memref_slice %arg6[%dma_wait3A_801, %dma_wait3A_807] : memref<16x128xi32, #tpu.memory_space<vmem>> -> memref<1x128xi32, #tpu.memory_space<vmem>>
      %dma_wait3A_809 = tpu.memref_squeeze %dma_wait3A_808 : memref<1x128xi32, #tpu.memory_space<vmem>> -> memref<128xi32, #tpu.memory_space<vmem>>
      %dma_wait3A_810 = arith.constant 0 : i32
      %dma_wait3A_811 = arith.constant 0 : i32
      %dma_wait3A_812 = tpu.memref_slice %arg2[%dma_wait3A_810, %dma_wait3A_811] : memref<10000x16xf32, #tpu.memory_space<hbm>> -> memref<10000x16xf32, #tpu.memory_space<hbm>>
      tpu.wait_indirect_dma semaphore(%arg11 : memref<!tpu.dma_semaphore, #tpu.memory_space<semaphore_mem>>) src(%dma_wait3A_812 : memref<10000x16xf32, #tpu.memory_space<hbm>>) dst(%dma_wait3A_806 : memref<128x16xf32, #tpu.memory_space<vmem>>)
      %dma_start3A_813 = arith.constant 2 : i32
      %dma_start3A_814 = arith.constant 14 : i32
      %dma_start3A_815 = arith.constant 0 : i32
      %dma_start3A_816 = arith.constant 0 : i32
      %dma_start3A_817 = tpu.memref_slice %arg8[%dma_start3A_813, %dma_start3A_815, %dma_start3A_816] : memref<6x128x16xf32, #tpu.memory_space<vmem>> -> memref<1x128x16xf32, #tpu.memory_space<vmem>>
      %dma_start3A_818 = tpu.memref_squeeze %dma_start3A_817 : memref<1x128x16xf32, #tpu.memory_space<vmem>> -> memref<128x16xf32, #tpu.memory_space<vmem>>
      %dma_start3A_819 = arith.constant 0 : i32
      %dma_start3A_820 = tpu.memref_slice %arg7[%dma_start3A_814, %dma_start3A_819] : memref<16x128xi32, #tpu.memory_space<vmem>> -> memref<1x128xi32, #tpu.memory_space<vmem>>
      %dma_start3A_821 = tpu.memref_squeeze %dma_start3A_820 : memref<1x128xi32, #tpu.memory_space<vmem>> -> memref<128xi32, #tpu.memory_space<vmem>>
      %dma_start3A_822 = arith.constant 0 : i32
      %dma_start3A_823 = arith.constant 0 : i32
      %dma_start3A_824 = tpu.memref_slice %arg21[%dma_start3A_822, %dma_start3A_823] : memref<10240x16xf32, #tpu.memory_space<vmem_shared>> -> memref<10240x16xf32, #tpu.memory_space<vmem_shared>>
      tpu.enqueue_indirect_dma source(%dma_start3A_818 : memref<128x16xf32, #tpu.memory_space<vmem>>) target(%dma_start3A_824 : memref<10240x16xf32, #tpu.memory_space<vmem_shared>>) offsets(%dma_start3A_821 : memref<128xi32, #tpu.memory_space<vmem>>) semaphore(%arg17 : memref<!tpu.dma_semaphore, #tpu.memory_space<semaphore_mem>>) {add = true}
      %dma_wait3A_825 = arith.constant 15 : i32
      %dma_wait3A_826 = arith.constant 3 : i32
      %dma_wait3A_827 = arith.constant 0 : i32
      %dma_wait3A_828 = arith.constant 0 : i32
      %dma_wait3A_829 = tpu.memref_slice %arg8[%dma_wait3A_826, %dma_wait3A_827, %dma_wait3A_828] : memref<6x128x16xf32, #tpu.memory_space<vmem>> -> memref<1x128x16xf32, #tpu.memory_space<vmem>>
      %dma_wait3A_830 = tpu.memref_squeeze %dma_wait3A_829 : memref<1x128x16xf32, #tpu.memory_space<vmem>> -> memref<128x16xf32, #tpu.memory_space<vmem>>
      %dma_wait3A_831 = arith.constant 0 : i32
      %dma_wait3A_832 = tpu.memref_slice %arg6[%dma_wait3A_825, %dma_wait3A_831] : memref<16x128xi32, #tpu.memory_space<vmem>> -> memref<1x128xi32, #tpu.memory_space<vmem>>
      %dma_wait3A_833 = tpu.memref_squeeze %dma_wait3A_832 : memref<1x128xi32, #tpu.memory_space<vmem>> -> memref<128xi32, #tpu.memory_space<vmem>>
      %dma_wait3A_834 = arith.constant 0 : i32
      %dma_wait3A_835 = arith.constant 0 : i32
      %dma_wait3A_836 = tpu.memref_slice %arg2[%dma_wait3A_834, %dma_wait3A_835] : memref<10000x16xf32, #tpu.memory_space<hbm>> -> memref<10000x16xf32, #tpu.memory_space<hbm>>
      tpu.wait_indirect_dma semaphore(%arg12 : memref<!tpu.dma_semaphore, #tpu.memory_space<semaphore_mem>>) src(%dma_wait3A_836 : memref<10000x16xf32, #tpu.memory_space<hbm>>) dst(%dma_wait3A_830 : memref<128x16xf32, #tpu.memory_space<vmem>>)
      %dma_start3A_837 = arith.constant 3 : i32
      %dma_start3A_838 = arith.constant 15 : i32
      %dma_start3A_839 = arith.constant 0 : i32
      %dma_start3A_840 = arith.constant 0 : i32
      %dma_start3A_841 = tpu.memref_slice %arg8[%dma_start3A_837, %dma_start3A_839, %dma_start3A_840] : memref<6x128x16xf32, #tpu.memory_space<vmem>> -> memref<1x128x16xf32, #tpu.memory_space<vmem>>
      %dma_start3A_842 = tpu.memref_squeeze %dma_start3A_841 : memref<1x128x16xf32, #tpu.memory_space<vmem>> -> memref<128x16xf32, #tpu.memory_space<vmem>>
      %dma_start3A_843 = arith.constant 0 : i32
      %dma_start3A_844 = tpu.memref_slice %arg7[%dma_start3A_838, %dma_start3A_843] : memref<16x128xi32, #tpu.memory_space<vmem>> -> memref<1x128xi32, #tpu.memory_space<vmem>>
      %dma_start3A_845 = tpu.memref_squeeze %dma_start3A_844 : memref<1x128xi32, #tpu.memory_space<vmem>> -> memref<128xi32, #tpu.memory_space<vmem>>
      %dma_start3A_846 = arith.constant 0 : i32
      %dma_start3A_847 = arith.constant 0 : i32
      %dma_start3A_848 = tpu.memref_slice %arg21[%dma_start3A_846, %dma_start3A_847] : memref<10240x16xf32, #tpu.memory_space<vmem_shared>> -> memref<10240x16xf32, #tpu.memory_space<vmem_shared>>
      tpu.enqueue_indirect_dma source(%dma_start3A_842 : memref<128x16xf32, #tpu.memory_space<vmem>>) target(%dma_start3A_848 : memref<10240x16xf32, #tpu.memory_space<vmem_shared>>) offsets(%dma_start3A_845 : memref<128xi32, #tpu.memory_space<vmem>>) semaphore(%arg18 : memref<!tpu.dma_semaphore, #tpu.memory_space<semaphore_mem>>) {add = true}
    }
    %scan3A_33 = arith.constant 5 : i32
    %dma_wait3A = arith.constant 0 : i32
    %dma_wait3A_34 = arith.constant 0 : i32
    %dma_wait3A_35 = arith.constant 0 : i32
    %dma_wait3A_36 = arith.constant 0 : i32
    %dma_wait3A_37 = tpu.memref_slice %arg8[%dma_wait3A, %dma_wait3A_35, %dma_wait3A_36] : memref<6x128x16xf32, #tpu.memory_space<vmem>> -> memref<1x128x16xf32, #tpu.memory_space<vmem>>
    %dma_wait3A_38 = tpu.memref_squeeze %dma_wait3A_37 : memref<1x128x16xf32, #tpu.memory_space<vmem>> -> memref<128x16xf32, #tpu.memory_space<vmem>>
    %dma_wait3A_39 = arith.constant 0 : i32
    %dma_wait3A_40 = tpu.memref_slice %arg7[%dma_wait3A_34, %dma_wait3A_39] : memref<16x128xi32, #tpu.memory_space<vmem>> -> memref<1x128xi32, #tpu.memory_space<vmem>>
    %dma_wait3A_41 = tpu.memref_squeeze %dma_wait3A_40 : memref<1x128xi32, #tpu.memory_space<vmem>> -> memref<128xi32, #tpu.memory_space<vmem>>
    %dma_wait3A_42 = arith.constant 0 : i32
    %dma_wait3A_43 = arith.constant 0 : i32
    %dma_wait3A_44 = tpu.memref_slice %arg21[%dma_wait3A_42, %dma_wait3A_43] : memref<10240x16xf32, #tpu.memory_space<vmem_shared>> -> memref<10240x16xf32, #tpu.memory_space<vmem_shared>>
    tpu.wait_indirect_dma semaphore(%arg15 : memref<!tpu.dma_semaphore, #tpu.memory_space<semaphore_mem>>) src(%dma_wait3A_38 : memref<128x16xf32, #tpu.memory_space<vmem>>) dst(%dma_wait3A_44 : memref<10240x16xf32, #tpu.memory_space<vmem_shared>>)
    %dma_wait3A_45 = arith.constant 1 : i32
    %dma_wait3A_46 = arith.constant 0 : i32
    %dma_wait3A_47 = arith.constant 0 : i32
    %dma_wait3A_48 = arith.constant 0 : i32
    %dma_wait3A_49 = tpu.memref_slice %arg8[%dma_wait3A_45, %dma_wait3A_47, %dma_wait3A_48] : memref<6x128x16xf32, #tpu.memory_space<vmem>> -> memref<1x128x16xf32, #tpu.memory_space<vmem>>
    %dma_wait3A_50 = tpu.memref_squeeze %dma_wait3A_49 : memref<1x128x16xf32, #tpu.memory_space<vmem>> -> memref<128x16xf32, #tpu.memory_space<vmem>>
    %dma_wait3A_51 = arith.constant 0 : i32
    %dma_wait3A_52 = tpu.memref_slice %arg7[%dma_wait3A_46, %dma_wait3A_51] : memref<16x128xi32, #tpu.memory_space<vmem>> -> memref<1x128xi32, #tpu.memory_space<vmem>>
    %dma_wait3A_53 = tpu.memref_squeeze %dma_wait3A_52 : memref<1x128xi32, #tpu.memory_space<vmem>> -> memref<128xi32, #tpu.memory_space<vmem>>
    %dma_wait3A_54 = arith.constant 0 : i32
    %dma_wait3A_55 = arith.constant 0 : i32
    %dma_wait3A_56 = tpu.memref_slice %arg21[%dma_wait3A_54, %dma_wait3A_55] : memref<10240x16xf32, #tpu.memory_space<vmem_shared>> -> memref<10240x16xf32, #tpu.memory_space<vmem_shared>>
    tpu.wait_indirect_dma semaphore(%arg16 : memref<!tpu.dma_semaphore, #tpu.memory_space<semaphore_mem>>) src(%dma_wait3A_50 : memref<128x16xf32, #tpu.memory_space<vmem>>) dst(%dma_wait3A_56 : memref<10240x16xf32, #tpu.memory_space<vmem_shared>>)
    %dma_wait3A_57 = arith.constant 2 : i32
    %dma_wait3A_58 = arith.constant 0 : i32
    %dma_wait3A_59 = arith.constant 0 : i32
    %dma_wait3A_60 = arith.constant 0 : i32
    %dma_wait3A_61 = tpu.memref_slice %arg8[%dma_wait3A_57, %dma_wait3A_59, %dma_wait3A_60] : memref<6x128x16xf32, #tpu.memory_space<vmem>> -> memref<1x128x16xf32, #tpu.memory_space<vmem>>
    %dma_wait3A_62 = tpu.memref_squeeze %dma_wait3A_61 : memref<1x128x16xf32, #tpu.memory_space<vmem>> -> memref<128x16xf32, #tpu.memory_space<vmem>>
    %dma_wait3A_63 = arith.constant 0 : i32
    %dma_wait3A_64 = tpu.memref_slice %arg7[%dma_wait3A_58, %dma_wait3A_63] : memref<16x128xi32, #tpu.memory_space<vmem>> -> memref<1x128xi32, #tpu.memory_space<vmem>>
    %dma_wait3A_65 = tpu.memref_squeeze %dma_wait3A_64 : memref<1x128xi32, #tpu.memory_space<vmem>> -> memref<128xi32, #tpu.memory_space<vmem>>
    %dma_wait3A_66 = arith.constant 0 : i32
    %dma_wait3A_67 = arith.constant 0 : i32
    %dma_wait3A_68 = tpu.memref_slice %arg21[%dma_wait3A_66, %dma_wait3A_67] : memref<10240x16xf32, #tpu.memory_space<vmem_shared>> -> memref<10240x16xf32, #tpu.memory_space<vmem_shared>>
    tpu.wait_indirect_dma semaphore(%arg17 : memref<!tpu.dma_semaphore, #tpu.memory_space<semaphore_mem>>) src(%dma_wait3A_62 : memref<128x16xf32, #tpu.memory_space<vmem>>) dst(%dma_wait3A_68 : memref<10240x16xf32, #tpu.memory_space<vmem_shared>>)
    %dma_wait3A_69 = arith.constant 3 : i32
    %dma_wait3A_70 = arith.constant 0 : i32
    %dma_wait3A_71 = arith.constant 0 : i32
    %dma_wait3A_72 = arith.constant 0 : i32
    %dma_wait3A_73 = tpu.memref_slice %arg8[%dma_wait3A_69, %dma_wait3A_71, %dma_wait3A_72] : memref<6x128x16xf32, #tpu.memory_space<vmem>> -> memref<1x128x16xf32, #tpu.memory_space<vmem>>
    %dma_wait3A_74 = tpu.memref_squeeze %dma_wait3A_73 : memref<1x128x16xf32, #tpu.memory_space<vmem>> -> memref<128x16xf32, #tpu.memory_space<vmem>>
    %dma_wait3A_75 = arith.constant 0 : i32
    %dma_wait3A_76 = tpu.memref_slice %arg7[%dma_wait3A_70, %dma_wait3A_75] : memref<16x128xi32, #tpu.memory_space<vmem>> -> memref<1x128xi32, #tpu.memory_space<vmem>>
    %dma_wait3A_77 = tpu.memref_squeeze %dma_wait3A_76 : memref<1x128xi32, #tpu.memory_space<vmem>> -> memref<128xi32, #tpu.memory_space<vmem>>
    %dma_wait3A_78 = arith.constant 0 : i32
    %dma_wait3A_79 = arith.constant 0 : i32
    %dma_wait3A_80 = tpu.memref_slice %arg21[%dma_wait3A_78, %dma_wait3A_79] : memref<10240x16xf32, #tpu.memory_space<vmem_shared>> -> memref<10240x16xf32, #tpu.memory_space<vmem_shared>>
    tpu.wait_indirect_dma semaphore(%arg18 : memref<!tpu.dma_semaphore, #tpu.memory_space<semaphore_mem>>) src(%dma_wait3A_74 : memref<128x16xf32, #tpu.memory_space<vmem>>) dst(%dma_wait3A_80 : memref<10240x16xf32, #tpu.memory_space<vmem_shared>>)
    %dma_wait3A_81 = arith.constant 4 : i32
    %dma_wait3A_82 = arith.constant 0 : i32
    %dma_wait3A_83 = arith.constant 0 : i32
    %dma_wait3A_84 = arith.constant 0 : i32
    %dma_wait3A_85 = tpu.memref_slice %arg8[%dma_wait3A_81, %dma_wait3A_83, %dma_wait3A_84] : memref<6x128x16xf32, #tpu.memory_space<vmem>> -> memref<1x128x16xf32, #tpu.memory_space<vmem>>
    %dma_wait3A_86 = tpu.memref_squeeze %dma_wait3A_85 : memref<1x128x16xf32, #tpu.memory_space<vmem>> -> memref<128x16xf32, #tpu.memory_space<vmem>>
    %dma_wait3A_87 = arith.constant 0 : i32
    %dma_wait3A_88 = tpu.memref_slice %arg7[%dma_wait3A_82, %dma_wait3A_87] : memref<16x128xi32, #tpu.memory_space<vmem>> -> memref<1x128xi32, #tpu.memory_space<vmem>>
    %dma_wait3A_89 = tpu.memref_squeeze %dma_wait3A_88 : memref<1x128xi32, #tpu.memory_space<vmem>> -> memref<128xi32, #tpu.memory_space<vmem>>
    %dma_wait3A_90 = arith.constant 0 : i32
    %dma_wait3A_91 = arith.constant 0 : i32
    %dma_wait3A_92 = tpu.memref_slice %arg21[%dma_wait3A_90, %dma_wait3A_91] : memref<10240x16xf32, #tpu.memory_space<vmem_shared>> -> memref<10240x16xf32, #tpu.memory_space<vmem_shared>>
    tpu.wait_indirect_dma semaphore(%arg19 : memref<!tpu.dma_semaphore, #tpu.memory_space<semaphore_mem>>) src(%dma_wait3A_86 : memref<128x16xf32, #tpu.memory_space<vmem>>) dst(%dma_wait3A_92 : memref<10240x16xf32, #tpu.memory_space<vmem_shared>>)
    %dma_wait3A_93 = arith.constant 5 : i32
    %dma_wait3A_94 = arith.constant 0 : i32
    %dma_wait3A_95 = arith.constant 0 : i32
    %dma_wait3A_96 = arith.constant 0 : i32
    %dma_wait3A_97 = tpu.memref_slice %arg8[%dma_wait3A_93, %dma_wait3A_95, %dma_wait3A_96] : memref<6x128x16xf32, #tpu.memory_space<vmem>> -> memref<1x128x16xf32, #tpu.memory_space<vmem>>
    %dma_wait3A_98 = tpu.memref_squeeze %dma_wait3A_97 : memref<1x128x16xf32, #tpu.memory_space<vmem>> -> memref<128x16xf32, #tpu.memory_space<vmem>>
    %dma_wait3A_99 = arith.constant 0 : i32
    %dma_wait3A_100 = tpu.memref_slice %arg7[%dma_wait3A_94, %dma_wait3A_99] : memref<16x128xi32, #tpu.memory_space<vmem>> -> memref<1x128xi32, #tpu.memory_space<vmem>>
    %dma_wait3A_101 = tpu.memref_squeeze %dma_wait3A_100 : memref<1x128xi32, #tpu.memory_space<vmem>> -> memref<128xi32, #tpu.memory_space<vmem>>
    %dma_wait3A_102 = arith.constant 0 : i32
    %dma_wait3A_103 = arith.constant 0 : i32
    %dma_wait3A_104 = tpu.memref_slice %arg21[%dma_wait3A_102, %dma_wait3A_103] : memref<10240x16xf32, #tpu.memory_space<vmem_shared>> -> memref<10240x16xf32, #tpu.memory_space<vmem_shared>>
    tpu.wait_indirect_dma semaphore(%arg20 : memref<!tpu.dma_semaphore, #tpu.memory_space<semaphore_mem>>) src(%dma_wait3A_98 : memref<128x16xf32, #tpu.memory_space<vmem>>) dst(%dma_wait3A_104 : memref<10240x16xf32, #tpu.memory_space<vmem_shared>>)
    %barrier3A_105 = arith.constant 0 : index
    tpu.barrier barrier_id(%barrier3A_105)
    %mul3A_106 = arith.constant 640 : i32
    %mul3A_107 = arith.muli %arg1, %mul3A_106 : i32
    %add3A_108 = arith.constant 0 : i32
    %add3A_109 = arith.addi %mul3A_107, %add3A_108 : i32
    %mul3A_110 = arith.constant 640 : i32
    %mul3A_111 = arith.muli %arg1, %mul3A_110 : i32
    %add3A_112 = arith.constant 0 : i32
    %add3A_113 = arith.addi %mul3A_111, %add3A_112 : i32
    "tpu.region"() ({
      %run_scoped3A_146 = tpu.sem_alloc : memref<!tpu.dma_semaphore, #tpu.memory_space<semaphore_mem>>
      %dma_start3A = arith.constant 0 : i32
      %dma_start3A_147 = tpu.memref_slice %arg5[%arg0, %add3A_113, %dma_start3A] : memref<2x10240x16xf32, #tpu.memory_space<hbm>> -> memref<1x128x16xf32, #tpu.memory_space<hbm>>
      %dma_start3A_148 = tpu.memref_squeeze %dma_start3A_147 : memref<1x128x16xf32, #tpu.memory_space<hbm>> -> memref<128x16xf32, #tpu.memory_space<hbm>>
      %dma_start3A_149 = arith.constant 0 : i32
      %dma_start3A_150 = tpu.memref_slice %arg21[%add3A_109, %dma_start3A_149] : memref<10240x16xf32, #tpu.memory_space<vmem_shared>> -> memref<128x16xf32, #tpu.memory_space<vmem_shared>>
      tpu.enqueue_dma source(%dma_start3A_150 : memref<128x16xf32, #tpu.memory_space<vmem_shared>>) target(%dma_start3A_148 : memref<128x16xf32, #tpu.memory_space<hbm>>) target_semaphore(%run_scoped3A_146 : memref<!tpu.dma_semaphore, #tpu.memory_space<semaphore_mem>>)
      %dma_wait3A_151 = arith.constant 0 : i32
      %dma_wait3A_152 = tpu.memref_slice %arg5[%arg0, %add3A_113, %dma_wait3A_151] : memref<2x10240x16xf32, #tpu.memory_space<hbm>> -> memref<1x128x16xf32, #tpu.memory_space<hbm>>
      %dma_wait3A_153 = tpu.memref_squeeze %dma_wait3A_152 : memref<1x128x16xf32, #tpu.memory_space<hbm>> -> memref<128x16xf32, #tpu.memory_space<hbm>>
      %dma_wait3A_154 = arith.constant 0 : i32
      %dma_wait3A_155 = tpu.memref_slice %arg21[%add3A_109, %dma_wait3A_154] : memref<10240x16xf32, #tpu.memory_space<vmem_shared>> -> memref<128x16xf32, #tpu.memory_space<vmem_shared>>
      tpu.wait_dma2 semaphore(%run_scoped3A_146 : memref<!tpu.dma_semaphore, #tpu.memory_space<semaphore_mem>>) src(%dma_wait3A_155 : memref<128x16xf32, #tpu.memory_space<vmem_shared>>) dst(%dma_wait3A_153 : memref<128x16xf32, #tpu.memory_space<hbm>>)
      tpu.yield
    }) : () -> ()
    %mul3A_114 = arith.constant 640 : i32
    %mul3A_115 = arith.muli %arg1, %mul3A_114 : i32
    %add3A_116 = arith.constant 128 : i32
    %add3A_117 = arith.addi %mul3A_115, %add3A_116 : i32
    %mul3A_118 = arith.constant 640 : i32
    %mul3A_119 = arith.muli %arg1, %mul3A_118 : i32
    %add3A_120 = arith.constant 128 : i32
    %add3A_121 = arith.addi %mul3A_119, %add3A_120 : i32
    "tpu.region"() ({
      %run_scoped3A_146 = tpu.sem_alloc : memref<!tpu.dma_semaphore, #tpu.memory_space<semaphore_mem>>
      %dma_start3A = arith.constant 0 : i32
      %dma_start3A_147 = tpu.memref_slice %arg5[%arg0, %add3A_121, %dma_start3A] : memref<2x10240x16xf32, #tpu.memory_space<hbm>> -> memref<1x128x16xf32, #tpu.memory_space<hbm>>
      %dma_start3A_148 = tpu.memref_squeeze %dma_start3A_147 : memref<1x128x16xf32, #tpu.memory_space<hbm>> -> memref<128x16xf32, #tpu.memory_space<hbm>>
      %dma_start3A_149 = arith.constant 0 : i32
      %dma_start3A_150 = tpu.memref_slice %arg21[%add3A_117, %dma_start3A_149] : memref<10240x16xf32, #tpu.memory_space<vmem_shared>> -> memref<128x16xf32, #tpu.memory_space<vmem_shared>>
      tpu.enqueue_dma source(%dma_start3A_150 : memref<128x16xf32, #tpu.memory_space<vmem_shared>>) target(%dma_start3A_148 : memref<128x16xf32, #tpu.memory_space<hbm>>) target_semaphore(%run_scoped3A_146 : memref<!tpu.dma_semaphore, #tpu.memory_space<semaphore_mem>>)
      %dma_wait3A_151 = arith.constant 0 : i32
      %dma_wait3A_152 = tpu.memref_slice %arg5[%arg0, %add3A_121, %dma_wait3A_151] : memref<2x10240x16xf32, #tpu.memory_space<hbm>> -> memref<1x128x16xf32, #tpu.memory_space<hbm>>
      %dma_wait3A_153 = tpu.memref_squeeze %dma_wait3A_152 : memref<1x128x16xf32, #tpu.memory_space<hbm>> -> memref<128x16xf32, #tpu.memory_space<hbm>>
      %dma_wait3A_154 = arith.constant 0 : i32
      %dma_wait3A_155 = tpu.memref_slice %arg21[%add3A_117, %dma_wait3A_154] : memref<10240x16xf32, #tpu.memory_space<vmem_shared>> -> memref<128x16xf32, #tpu.memory_space<vmem_shared>>
      tpu.wait_dma2 semaphore(%run_scoped3A_146 : memref<!tpu.dma_semaphore, #tpu.memory_space<semaphore_mem>>) src(%dma_wait3A_155 : memref<128x16xf32, #tpu.memory_space<vmem_shared>>) dst(%dma_wait3A_153 : memref<128x16xf32, #tpu.memory_space<hbm>>)
      tpu.yield
    }) : () -> ()
    %mul3A_122 = arith.constant 640 : i32
    %mul3A_123 = arith.muli %arg1, %mul3A_122 : i32
    %add3A_124 = arith.constant 256 : i32
    %add3A_125 = arith.addi %mul3A_123, %add3A_124 : i32
    %mul3A_126 = arith.constant 640 : i32
    %mul3A_127 = arith.muli %arg1, %mul3A_126 : i32
    %add3A_128 = arith.constant 256 : i32
    %add3A_129 = arith.addi %mul3A_127, %add3A_128 : i32
    "tpu.region"() ({
      %run_scoped3A_146 = tpu.sem_alloc : memref<!tpu.dma_semaphore, #tpu.memory_space<semaphore_mem>>
      %dma_start3A = arith.constant 0 : i32
      %dma_start3A_147 = tpu.memref_slice %arg5[%arg0, %add3A_129, %dma_start3A] : memref<2x10240x16xf32, #tpu.memory_space<hbm>> -> memref<1x128x16xf32, #tpu.memory_space<hbm>>
      %dma_start3A_148 = tpu.memref_squeeze %dma_start3A_147 : memref<1x128x16xf32, #tpu.memory_space<hbm>> -> memref<128x16xf32, #tpu.memory_space<hbm>>
      %dma_start3A_149 = arith.constant 0 : i32
      %dma_start3A_150 = tpu.memref_slice %arg21[%add3A_125, %dma_start3A_149] : memref<10240x16xf32, #tpu.memory_space<vmem_shared>> -> memref<128x16xf32, #tpu.memory_space<vmem_shared>>
      tpu.enqueue_dma source(%dma_start3A_150 : memref<128x16xf32, #tpu.memory_space<vmem_shared>>) target(%dma_start3A_148 : memref<128x16xf32, #tpu.memory_space<hbm>>) target_semaphore(%run_scoped3A_146 : memref<!tpu.dma_semaphore, #tpu.memory_space<semaphore_mem>>)
      %dma_wait3A_151 = arith.constant 0 : i32
      %dma_wait3A_152 = tpu.memref_slice %arg5[%arg0, %add3A_129, %dma_wait3A_151] : memref<2x10240x16xf32, #tpu.memory_space<hbm>> -> memref<1x128x16xf32, #tpu.memory_space<hbm>>
      %dma_wait3A_153 = tpu.memref_squeeze %dma_wait3A_152 : memref<1x128x16xf32, #tpu.memory_space<hbm>> -> memref<128x16xf32, #tpu.memory_space<hbm>>
      %dma_wait3A_154 = arith.constant 0 : i32
      %dma_wait3A_155 = tpu.memref_slice %arg21[%add3A_125, %dma_wait3A_154] : memref<10240x16xf32, #tpu.memory_space<vmem_shared>> -> memref<128x16xf32, #tpu.memory_space<vmem_shared>>
      tpu.wait_dma2 semaphore(%run_scoped3A_146 : memref<!tpu.dma_semaphore, #tpu.memory_space<semaphore_mem>>) src(%dma_wait3A_155 : memref<128x16xf32, #tpu.memory_space<vmem_shared>>) dst(%dma_wait3A_153 : memref<128x16xf32, #tpu.memory_space<hbm>>)
      tpu.yield
    }) : () -> ()
    %mul3A_130 = arith.constant 640 : i32
    %mul3A_131 = arith.muli %arg1, %mul3A_130 : i32
    %add3A_132 = arith.constant 384 : i32
    %add3A_133 = arith.addi %mul3A_131, %add3A_132 : i32
    %mul3A_134 = arith.constant 640 : i32
    %mul3A_135 = arith.muli %arg1, %mul3A_134 : i32
    %add3A_136 = arith.constant 384 : i32
    %add3A_137 = arith.addi %mul3A_135, %add3A_136 : i32
    "tpu.region"() ({
      %run_scoped3A_146 = tpu.sem_alloc : memref<!tpu.dma_semaphore, #tpu.memory_space<semaphore_mem>>
      %dma_start3A = arith.constant 0 : i32
      %dma_start3A_147 = tpu.memref_slice %arg5[%arg0, %add3A_137, %dma_start3A] : memref<2x10240x16xf32, #tpu.memory_space<hbm>> -> memref<1x128x16xf32, #tpu.memory_space<hbm>>
      %dma_start3A_148 = tpu.memref_squeeze %dma_start3A_147 : memref<1x128x16xf32, #tpu.memory_space<hbm>> -> memref<128x16xf32, #tpu.memory_space<hbm>>
      %dma_start3A_149 = arith.constant 0 : i32
      %dma_start3A_150 = tpu.memref_slice %arg21[%add3A_133, %dma_start3A_149] : memref<10240x16xf32, #tpu.memory_space<vmem_shared>> -> memref<128x16xf32, #tpu.memory_space<vmem_shared>>
      tpu.enqueue_dma source(%dma_start3A_150 : memref<128x16xf32, #tpu.memory_space<vmem_shared>>) target(%dma_start3A_148 : memref<128x16xf32, #tpu.memory_space<hbm>>) target_semaphore(%run_scoped3A_146 : memref<!tpu.dma_semaphore, #tpu.memory_space<semaphore_mem>>)
      %dma_wait3A_151 = arith.constant 0 : i32
      %dma_wait3A_152 = tpu.memref_slice %arg5[%arg0, %add3A_137, %dma_wait3A_151] : memref<2x10240x16xf32, #tpu.memory_space<hbm>> -> memref<1x128x16xf32, #tpu.memory_space<hbm>>
      %dma_wait3A_153 = tpu.memref_squeeze %dma_wait3A_152 : memref<1x128x16xf32, #tpu.memory_space<hbm>> -> memref<128x16xf32, #tpu.memory_space<hbm>>
      %dma_wait3A_154 = arith.constant 0 : i32
      %dma_wait3A_155 = tpu.memref_slice %arg21[%add3A_133, %dma_wait3A_154] : memref<10240x16xf32, #tpu.memory_space<vmem_shared>> -> memref<128x16xf32, #tpu.memory_space<vmem_shared>>
      tpu.wait_dma2 semaphore(%run_scoped3A_146 : memref<!tpu.dma_semaphore, #tpu.memory_space<semaphore_mem>>) src(%dma_wait3A_155 : memref<128x16xf32, #tpu.memory_space<vmem_shared>>) dst(%dma_wait3A_153 : memref<128x16xf32, #tpu.memory_space<hbm>>)
      tpu.yield
    }) : () -> ()
    %mul3A_138 = arith.constant 640 : i32
    %mul3A_139 = arith.muli %arg1, %mul3A_138 : i32
    %add3A_140 = arith.constant 512 : i32
    %add3A_141 = arith.addi %mul3A_139, %add3A_140 : i32
    %mul3A_142 = arith.constant 640 : i32
    %mul3A_143 = arith.muli %arg1, %mul3A_142 : i32
    %add3A_144 = arith.constant 512 : i32
    %add3A_145 = arith.addi %mul3A_143, %add3A_144 : i32
    "tpu.region"() ({
      %run_scoped3A_146 = tpu.sem_alloc : memref<!tpu.dma_semaphore, #tpu.memory_space<semaphore_mem>>
      %dma_start3A = arith.constant 0 : i32
      %dma_start3A_147 = tpu.memref_slice %arg5[%arg0, %add3A_145, %dma_start3A] : memref<2x10240x16xf32, #tpu.memory_space<hbm>> -> memref<1x128x16xf32, #tpu.memory_space<hbm>>
      %dma_start3A_148 = tpu.memref_squeeze %dma_start3A_147 : memref<1x128x16xf32, #tpu.memory_space<hbm>> -> memref<128x16xf32, #tpu.memory_space<hbm>>
      %dma_start3A_149 = arith.constant 0 : i32
      %dma_start3A_150 = tpu.memref_slice %arg21[%add3A_141, %dma_start3A_149] : memref<10240x16xf32, #tpu.memory_space<vmem_shared>> -> memref<128x16xf32, #tpu.memory_space<vmem_shared>>
      tpu.enqueue_dma source(%dma_start3A_150 : memref<128x16xf32, #tpu.memory_space<vmem_shared>>) target(%dma_start3A_148 : memref<128x16xf32, #tpu.memory_space<hbm>>) target_semaphore(%run_scoped3A_146 : memref<!tpu.dma_semaphore, #tpu.memory_space<semaphore_mem>>)
      %dma_wait3A_151 = arith.constant 0 : i32
      %dma_wait3A_152 = tpu.memref_slice %arg5[%arg0, %add3A_145, %dma_wait3A_151] : memref<2x10240x16xf32, #tpu.memory_space<hbm>> -> memref<1x128x16xf32, #tpu.memory_space<hbm>>
      %dma_wait3A_153 = tpu.memref_squeeze %dma_wait3A_152 : memref<1x128x16xf32, #tpu.memory_space<hbm>> -> memref<128x16xf32, #tpu.memory_space<hbm>>
      %dma_wait3A_154 = arith.constant 0 : i32
      %dma_wait3A_155 = tpu.memref_slice %arg21[%add3A_141, %dma_wait3A_154] : memref<10240x16xf32, #tpu.memory_space<vmem_shared>> -> memref<128x16xf32, #tpu.memory_space<vmem_shared>>
      tpu.wait_dma2 semaphore(%run_scoped3A_146 : memref<!tpu.dma_semaphore, #tpu.memory_space<semaphore_mem>>) src(%dma_wait3A_155 : memref<128x16xf32, #tpu.memory_space<vmem_shared>>) dst(%dma_wait3A_153 : memref<128x16xf32, #tpu.memory_space<hbm>>)
      tpu.yield
    }) : () -> ()
    return
  }
}

#map = affine_map<(d0, d1) -> (0, 0)>
module attributes {stable_mosaic.version = 14 : i64} {
  func.func @_deg_body(%arg0: i32, %arg1: i32, %arg2: memref<5120x64xi32, #tpu.memory_space<hbm>>, %arg3: memref<2x10240xf32, #tpu.memory_space<hbm>>, %arg4: memref<16x64xi32, #tpu.memory_space<vmem>>, %arg5: memref<64xf32, #tpu.memory_space<vmem>>, %arg6: memref<640xf32, #tpu.memory_space<vmem>>, %arg7: memref<!tpu.dma_semaphore, #tpu.memory_space<semaphore_mem>>, %arg8: memref<10240xf32, #tpu.memory_space<vmem_shared>>) attributes {dimension_semantics = [#tpu.dimension_semantics<core_parallel>, #tpu.dimension_semantics<subcore_parallel>], iteration_bounds = array<i64: 2, 16>, scalar_prefetch = 0 : i64, scratch_operands = 5 : i64, tpu.core_type = #tpu.core_type<sc_vector_subcore>, window_params = [{transform_indices = #map}, {transform_indices = #map}]} {
    %mul3A = arith.constant 16 : i32
    %mul3A_0 = arith.muli %arg0, %mul3A : i32
    %add3A = arith.addi %mul3A_0, %arg1 : i32
    %scan3A = arith.constant 0 : i32
    %scan3A_1 = arith.constant 40 : i32
    %scan3A_2 = arith.addi %scan3A, %scan3A_1 : i32
    %scan3A_3 = arith.constant 1 : i32
    scf.for %scan3A_39 = %scan3A to %scan3A_2 step %scan3A_3  : i32 {
      %broadcast_in_dim3A_40 = arith.constant 0.000000e+00 : f32
      %broadcast_in_dim3A_41 = vector.broadcast %broadcast_in_dim3A_40 : f32 to vector<16xf32>
      %mul3A_42 = arith.constant 16 : i32
      %mul3A_43 = arith.muli %scan3A_39, %mul3A_42 : i32
      %swap3A_44 = arith.index_cast %mul3A_43 : i32 to index
      %swap3A_45 = tpu.vector_load %arg6[%swap3A_44] {strides = array<i32>} : memref<640xf32, #tpu.memory_space<vmem>>, vector<16xf32>,
      %swap3A_46 = vector.shape_cast %swap3A_45 : vector<16xf32> to vector<16xf32>
      %swap3A_47 = vector.shape_cast %broadcast_in_dim3A_41 : vector<16xf32> to vector<16xf32>
      tpu.vector_store %arg6[%swap3A_44], %swap3A_47 {strides = array<i32>} : memref<640xf32, #tpu.memory_space<vmem>>, vector<16xf32>,
    }
    %scan3A_4 = arith.constant 40 : i32
    %broadcast_in_dim3A = arith.constant 1.000000e+00 : f32
    %broadcast_in_dim3A_5 = vector.broadcast %broadcast_in_dim3A : f32 to vector<16xf32>
    %swap3A = arith.constant 0 : index
    %swap3A_6 = tpu.vector_load %arg5[%swap3A] {strides = array<i32>} : memref<64xf32, #tpu.memory_space<vmem>>, vector<16xf32>,
    %swap3A_7 = vector.shape_cast %swap3A_6 : vector<16xf32> to vector<16xf32>
    %swap3A_8 = vector.shape_cast %broadcast_in_dim3A_5 : vector<16xf32> to vector<16xf32>
    tpu.vector_store %arg5[%swap3A], %swap3A_8 {strides = array<i32>} : memref<64xf32, #tpu.memory_space<vmem>>, vector<16xf32>,
    %broadcast_in_dim3A_9 = arith.constant 1.000000e+00 : f32
    %broadcast_in_dim3A_10 = vector.broadcast %broadcast_in_dim3A_9 : f32 to vector<16xf32>
    %swap3A_11 = arith.constant 16 : index
    %swap3A_12 = tpu.vector_load %arg5[%swap3A_11] {strides = array<i32>} : memref<64xf32, #tpu.memory_space<vmem>>, vector<16xf32>,
    %swap3A_13 = vector.shape_cast %swap3A_12 : vector<16xf32> to vector<16xf32>
    %swap3A_14 = vector.shape_cast %broadcast_in_dim3A_10 : vector<16xf32> to vector<16xf32>
    tpu.vector_store %arg5[%swap3A_11], %swap3A_14 {strides = array<i32>} : memref<64xf32, #tpu.memory_space<vmem>>, vector<16xf32>,
    %broadcast_in_dim3A_15 = arith.constant 1.000000e+00 : f32
    %broadcast_in_dim3A_16 = vector.broadcast %broadcast_in_dim3A_15 : f32 to vector<16xf32>
    %swap3A_17 = arith.constant 32 : index
    %swap3A_18 = tpu.vector_load %arg5[%swap3A_17] {strides = array<i32>} : memref<64xf32, #tpu.memory_space<vmem>>, vector<16xf32>,
    %swap3A_19 = vector.shape_cast %swap3A_18 : vector<16xf32> to vector<16xf32>
    %swap3A_20 = vector.shape_cast %broadcast_in_dim3A_16 : vector<16xf32> to vector<16xf32>
    tpu.vector_store %arg5[%swap3A_17], %swap3A_20 {strides = array<i32>} : memref<64xf32, #tpu.memory_space<vmem>>, vector<16xf32>,
    %broadcast_in_dim3A_21 = arith.constant 1.000000e+00 : f32
    %broadcast_in_dim3A_22 = vector.broadcast %broadcast_in_dim3A_21 : f32 to vector<16xf32>
    %swap3A_23 = arith.constant 48 : index
    %swap3A_24 = tpu.vector_load %arg5[%swap3A_23] {strides = array<i32>} : memref<64xf32, #tpu.memory_space<vmem>>, vector<16xf32>,
    %swap3A_25 = vector.shape_cast %swap3A_24 : vector<16xf32> to vector<16xf32>
    %swap3A_26 = vector.shape_cast %broadcast_in_dim3A_22 : vector<16xf32> to vector<16xf32>
    tpu.vector_store %arg5[%swap3A_23], %swap3A_26 {strides = array<i32>} : memref<64xf32, #tpu.memory_space<vmem>>, vector<16xf32>,
    %mul3A_27 = arith.constant 640 : i32
    %mul3A_28 = arith.muli %arg1, %mul3A_27 : i32
    "tpu.region"() ({
      %run_scoped3A = tpu.sem_alloc : memref<!tpu.dma_semaphore, #tpu.memory_space<semaphore_mem>>
      %dma_start3A = tpu.memref_slice %arg8[%mul3A_28] : memref<10240xf32, #tpu.memory_space<vmem_shared>> -> memref<640xf32, #tpu.memory_space<vmem_shared>>
      %dma_start3A_39 = tpu.memref_slice %arg8[%mul3A_28] : memref<10240xf32, #tpu.memory_space<vmem_shared>> -> memref<640xf32, #tpu.memory_space<vmem_shared>>
      tpu.enqueue_dma source(%arg6 : memref<640xf32, #tpu.memory_space<vmem>>) target(%dma_start3A_39 : memref<640xf32, #tpu.memory_space<vmem_shared>>) target_semaphore(%run_scoped3A : memref<!tpu.dma_semaphore, #tpu.memory_space<semaphore_mem>>)
      %dma_wait3A = tpu.memref_slice %arg8[%mul3A_28] : memref<10240xf32, #tpu.memory_space<vmem_shared>> -> memref<640xf32, #tpu.memory_space<vmem_shared>>
      %dma_wait3A_40 = tpu.memref_slice %arg8[%mul3A_28] : memref<10240xf32, #tpu.memory_space<vmem_shared>> -> memref<640xf32, #tpu.memory_space<vmem_shared>>
      tpu.wait_dma2 semaphore(%run_scoped3A : memref<!tpu.dma_semaphore, #tpu.memory_space<semaphore_mem>>) src(%arg6 : memref<640xf32, #tpu.memory_space<vmem>>) dst(%dma_wait3A_40 : memref<640xf32, #tpu.memory_space<vmem_shared>>)
      tpu.yield
    }) : () -> ()
    %barrier3A = arith.constant 0 : index
    tpu.barrier barrier_id(%barrier3A)
    %scan3A_29 = arith.constant 0 : i32
    %scan3A_30 = arith.constant 10 : i32
    %scan3A_31 = arith.addi %scan3A_29, %scan3A_30 : i32
    %scan3A_32 = arith.constant 1 : i32
    scf.for %scan3A_39 = %scan3A_29 to %scan3A_31 step %scan3A_32  : i32 {
      %mul3A_40 = arith.constant 160 : i32
      %mul3A_41 = arith.muli %add3A, %mul3A_40 : i32
      %mul3A_42 = arith.constant 16 : i32
      %mul3A_43 = arith.muli %scan3A_39, %mul3A_42 : i32
      %add3A_44 = arith.addi %mul3A_41, %mul3A_43 : i32
      "tpu.region"() ({
        %run_scoped3A = tpu.sem_alloc : memref<!tpu.dma_semaphore, #tpu.memory_space<semaphore_mem>>
        %dma_start3A_235 = arith.constant 0 : i32
        %dma_start3A_236 = tpu.memref_slice %arg2[%add3A_44, %dma_start3A_235] : memref<5120x64xi32, #tpu.memory_space<hbm>> -> memref<16x64xi32, #tpu.memory_space<hbm>>
        %dma_start3A_237 = arith.constant 0 : i32
        %dma_start3A_238 = tpu.memref_slice %arg2[%add3A_44, %dma_start3A_237] : memref<5120x64xi32, #tpu.memory_space<hbm>> -> memref<16x64xi32, #tpu.memory_space<hbm>>
        tpu.enqueue_dma source(%dma_start3A_238 : memref<16x64xi32, #tpu.memory_space<hbm>>) target(%arg4 : memref<16x64xi32, #tpu.memory_space<vmem>>) target_semaphore(%run_scoped3A : memref<!tpu.dma_semaphore, #tpu.memory_space<semaphore_mem>>)
        %dma_wait3A_239 = arith.constant 0 : i32
        %dma_wait3A_240 = tpu.memref_slice %arg2[%add3A_44, %dma_wait3A_239] : memref<5120x64xi32, #tpu.memory_space<hbm>> -> memref<16x64xi32, #tpu.memory_space<hbm>>
        %dma_wait3A_241 = arith.constant 0 : i32
        %dma_wait3A_242 = tpu.memref_slice %arg2[%add3A_44, %dma_wait3A_241] : memref<5120x64xi32, #tpu.memory_space<hbm>> -> memref<16x64xi32, #tpu.memory_space<hbm>>
        tpu.wait_dma2 semaphore(%run_scoped3A : memref<!tpu.dma_semaphore, #tpu.memory_space<semaphore_mem>>) src(%dma_wait3A_242 : memref<16x64xi32, #tpu.memory_space<hbm>>) dst(%arg4 : memref<16x64xi32, #tpu.memory_space<vmem>>)
        tpu.yield
      }) : () -> ()
      %dma_start3A = arith.constant 0 : i32
      %dma_start3A_45 = arith.constant 0 : i32
      %dma_start3A_46 = tpu.memref_slice %arg4[%dma_start3A, %dma_start3A_45] : memref<16x64xi32, #tpu.memory_space<vmem>> -> memref<1x64xi32, #tpu.memory_space<vmem>>
      %dma_start3A_47 = tpu.memref_squeeze %dma_start3A_46 : memref<1x64xi32, #tpu.memory_space<vmem>> -> memref<64xi32, #tpu.memory_space<vmem>>
      %dma_start3A_48 = arith.constant 0 : i32
      %dma_start3A_49 = tpu.memref_slice %arg8[%dma_start3A_48] : memref<10240xf32, #tpu.memory_space<vmem_shared>> -> memref<10240xf32, #tpu.memory_space<vmem_shared>>
      tpu.enqueue_indirect_dma source(%arg5 : memref<64xf32, #tpu.memory_space<vmem>>) target(%dma_start3A_49 : memref<10240xf32, #tpu.memory_space<vmem_shared>>) offsets(%dma_start3A_47 : memref<64xi32, #tpu.memory_space<vmem>>) semaphore(%arg7 : memref<!tpu.dma_semaphore, #tpu.memory_space<semaphore_mem>>) {add = true}
      %dma_start3A_50 = arith.constant 1 : i32
      %dma_start3A_51 = arith.constant 0 : i32
      %dma_start3A_52 = tpu.memref_slice %arg4[%dma_start3A_50, %dma_start3A_51] : memref<16x64xi32, #tpu.memory_space<vmem>> -> memref<1x64xi32, #tpu.memory_space<vmem>>
      %dma_start3A_53 = tpu.memref_squeeze %dma_start3A_52 : memref<1x64xi32, #tpu.memory_space<vmem>> -> memref<64xi32, #tpu.memory_space<vmem>>
      %dma_start3A_54 = arith.constant 0 : i32
      %dma_start3A_55 = tpu.memref_slice %arg8[%dma_start3A_54] : memref<10240xf32, #tpu.memory_space<vmem_shared>> -> memref<10240xf32, #tpu.memory_space<vmem_shared>>
      tpu.enqueue_indirect_dma source(%arg5 : memref<64xf32, #tpu.memory_space<vmem>>) target(%dma_start3A_55 : memref<10240xf32, #tpu.memory_space<vmem_shared>>) offsets(%dma_start3A_53 : memref<64xi32, #tpu.memory_space<vmem>>) semaphore(%arg7 : memref<!tpu.dma_semaphore, #tpu.memory_space<semaphore_mem>>) {add = true}
      %dma_start3A_56 = arith.constant 2 : i32
      %dma_start3A_57 = arith.constant 0 : i32
      %dma_start3A_58 = tpu.memref_slice %arg4[%dma_start3A_56, %dma_start3A_57] : memref<16x64xi32, #tpu.memory_space<vmem>> -> memref<1x64xi32, #tpu.memory_space<vmem>>
      %dma_start3A_59 = tpu.memref_squeeze %dma_start3A_58 : memref<1x64xi32, #tpu.memory_space<vmem>> -> memref<64xi32, #tpu.memory_space<vmem>>
      %dma_start3A_60 = arith.constant 0 : i32
      %dma_start3A_61 = tpu.memref_slice %arg8[%dma_start3A_60] : memref<10240xf32, #tpu.memory_space<vmem_shared>> -> memref<10240xf32, #tpu.memory_space<vmem_shared>>
      tpu.enqueue_indirect_dma source(%arg5 : memref<64xf32, #tpu.memory_space<vmem>>) target(%dma_start3A_61 : memref<10240xf32, #tpu.memory_space<vmem_shared>>) offsets(%dma_start3A_59 : memref<64xi32, #tpu.memory_space<vmem>>) semaphore(%arg7 : memref<!tpu.dma_semaphore, #tpu.memory_space<semaphore_mem>>) {add = true}
      %dma_start3A_62 = arith.constant 3 : i32
      %dma_start3A_63 = arith.constant 0 : i32
      %dma_start3A_64 = tpu.memref_slice %arg4[%dma_start3A_62, %dma_start3A_63] : memref<16x64xi32, #tpu.memory_space<vmem>> -> memref<1x64xi32, #tpu.memory_space<vmem>>
      %dma_start3A_65 = tpu.memref_squeeze %dma_start3A_64 : memref<1x64xi32, #tpu.memory_space<vmem>> -> memref<64xi32, #tpu.memory_space<vmem>>
      %dma_start3A_66 = arith.constant 0 : i32
      %dma_start3A_67 = tpu.memref_slice %arg8[%dma_start3A_66] : memref<10240xf32, #tpu.memory_space<vmem_shared>> -> memref<10240xf32, #tpu.memory_space<vmem_shared>>
      tpu.enqueue_indirect_dma source(%arg5 : memref<64xf32, #tpu.memory_space<vmem>>) target(%dma_start3A_67 : memref<10240xf32, #tpu.memory_space<vmem_shared>>) offsets(%dma_start3A_65 : memref<64xi32, #tpu.memory_space<vmem>>) semaphore(%arg7 : memref<!tpu.dma_semaphore, #tpu.memory_space<semaphore_mem>>) {add = true}
      %dma_start3A_68 = arith.constant 4 : i32
      %dma_start3A_69 = arith.constant 0 : i32
      %dma_start3A_70 = tpu.memref_slice %arg4[%dma_start3A_68, %dma_start3A_69] : memref<16x64xi32, #tpu.memory_space<vmem>> -> memref<1x64xi32, #tpu.memory_space<vmem>>
      %dma_start3A_71 = tpu.memref_squeeze %dma_start3A_70 : memref<1x64xi32, #tpu.memory_space<vmem>> -> memref<64xi32, #tpu.memory_space<vmem>>
      %dma_start3A_72 = arith.constant 0 : i32
      %dma_start3A_73 = tpu.memref_slice %arg8[%dma_start3A_72] : memref<10240xf32, #tpu.memory_space<vmem_shared>> -> memref<10240xf32, #tpu.memory_space<vmem_shared>>
      tpu.enqueue_indirect_dma source(%arg5 : memref<64xf32, #tpu.memory_space<vmem>>) target(%dma_start3A_73 : memref<10240xf32, #tpu.memory_space<vmem_shared>>) offsets(%dma_start3A_71 : memref<64xi32, #tpu.memory_space<vmem>>) semaphore(%arg7 : memref<!tpu.dma_semaphore, #tpu.memory_space<semaphore_mem>>) {add = true}
      %dma_start3A_74 = arith.constant 5 : i32
      %dma_start3A_75 = arith.constant 0 : i32
      %dma_start3A_76 = tpu.memref_slice %arg4[%dma_start3A_74, %dma_start3A_75] : memref<16x64xi32, #tpu.memory_space<vmem>> -> memref<1x64xi32, #tpu.memory_space<vmem>>
      %dma_start3A_77 = tpu.memref_squeeze %dma_start3A_76 : memref<1x64xi32, #tpu.memory_space<vmem>> -> memref<64xi32, #tpu.memory_space<vmem>>
      %dma_start3A_78 = arith.constant 0 : i32
      %dma_start3A_79 = tpu.memref_slice %arg8[%dma_start3A_78] : memref<10240xf32, #tpu.memory_space<vmem_shared>> -> memref<10240xf32, #tpu.memory_space<vmem_shared>>
      tpu.enqueue_indirect_dma source(%arg5 : memref<64xf32, #tpu.memory_space<vmem>>) target(%dma_start3A_79 : memref<10240xf32, #tpu.memory_space<vmem_shared>>) offsets(%dma_start3A_77 : memref<64xi32, #tpu.memory_space<vmem>>) semaphore(%arg7 : memref<!tpu.dma_semaphore, #tpu.memory_space<semaphore_mem>>) {add = true}
      %dma_start3A_80 = arith.constant 6 : i32
      %dma_start3A_81 = arith.constant 0 : i32
      %dma_start3A_82 = tpu.memref_slice %arg4[%dma_start3A_80, %dma_start3A_81] : memref<16x64xi32, #tpu.memory_space<vmem>> -> memref<1x64xi32, #tpu.memory_space<vmem>>
      %dma_start3A_83 = tpu.memref_squeeze %dma_start3A_82 : memref<1x64xi32, #tpu.memory_space<vmem>> -> memref<64xi32, #tpu.memory_space<vmem>>
      %dma_start3A_84 = arith.constant 0 : i32
      %dma_start3A_85 = tpu.memref_slice %arg8[%dma_start3A_84] : memref<10240xf32, #tpu.memory_space<vmem_shared>> -> memref<10240xf32, #tpu.memory_space<vmem_shared>>
      tpu.enqueue_indirect_dma source(%arg5 : memref<64xf32, #tpu.memory_space<vmem>>) target(%dma_start3A_85 : memref<10240xf32, #tpu.memory_space<vmem_shared>>) offsets(%dma_start3A_83 : memref<64xi32, #tpu.memory_space<vmem>>) semaphore(%arg7 : memref<!tpu.dma_semaphore, #tpu.memory_space<semaphore_mem>>) {add = true}
      %dma_start3A_86 = arith.constant 7 : i32
      %dma_start3A_87 = arith.constant 0 : i32
      %dma_start3A_88 = tpu.memref_slice %arg4[%dma_start3A_86, %dma_start3A_87] : memref<16x64xi32, #tpu.memory_space<vmem>> -> memref<1x64xi32, #tpu.memory_space<vmem>>
      %dma_start3A_89 = tpu.memref_squeeze %dma_start3A_88 : memref<1x64xi32, #tpu.memory_space<vmem>> -> memref<64xi32, #tpu.memory_space<vmem>>
      %dma_start3A_90 = arith.constant 0 : i32
      %dma_start3A_91 = tpu.memref_slice %arg8[%dma_start3A_90] : memref<10240xf32, #tpu.memory_space<vmem_shared>> -> memref<10240xf32, #tpu.memory_space<vmem_shared>>
      tpu.enqueue_indirect_dma source(%arg5 : memref<64xf32, #tpu.memory_space<vmem>>) target(%dma_start3A_91 : memref<10240xf32, #tpu.memory_space<vmem_shared>>) offsets(%dma_start3A_89 : memref<64xi32, #tpu.memory_space<vmem>>) semaphore(%arg7 : memref<!tpu.dma_semaphore, #tpu.memory_space<semaphore_mem>>) {add = true}
      %dma_start3A_92 = arith.constant 8 : i32
      %dma_start3A_93 = arith.constant 0 : i32
      %dma_start3A_94 = tpu.memref_slice %arg4[%dma_start3A_92, %dma_start3A_93] : memref<16x64xi32, #tpu.memory_space<vmem>> -> memref<1x64xi32, #tpu.memory_space<vmem>>
      %dma_start3A_95 = tpu.memref_squeeze %dma_start3A_94 : memref<1x64xi32, #tpu.memory_space<vmem>> -> memref<64xi32, #tpu.memory_space<vmem>>
      %dma_start3A_96 = arith.constant 0 : i32
      %dma_start3A_97 = tpu.memref_slice %arg8[%dma_start3A_96] : memref<10240xf32, #tpu.memory_space<vmem_shared>> -> memref<10240xf32, #tpu.memory_space<vmem_shared>>
      tpu.enqueue_indirect_dma source(%arg5 : memref<64xf32, #tpu.memory_space<vmem>>) target(%dma_start3A_97 : memref<10240xf32, #tpu.memory_space<vmem_shared>>) offsets(%dma_start3A_95 : memref<64xi32, #tpu.memory_space<vmem>>) semaphore(%arg7 : memref<!tpu.dma_semaphore, #tpu.memory_space<semaphore_mem>>) {add = true}
      %dma_start3A_98 = arith.constant 9 : i32
      %dma_start3A_99 = arith.constant 0 : i32
      %dma_start3A_100 = tpu.memref_slice %arg4[%dma_start3A_98, %dma_start3A_99] : memref<16x64xi32, #tpu.memory_space<vmem>> -> memref<1x64xi32, #tpu.memory_space<vmem>>
      %dma_start3A_101 = tpu.memref_squeeze %dma_start3A_100 : memref<1x64xi32, #tpu.memory_space<vmem>> -> memref<64xi32, #tpu.memory_space<vmem>>
      %dma_start3A_102 = arith.constant 0 : i32
      %dma_start3A_103 = tpu.memref_slice %arg8[%dma_start3A_102] : memref<10240xf32, #tpu.memory_space<vmem_shared>> -> memref<10240xf32, #tpu.memory_space<vmem_shared>>
      tpu.enqueue_indirect_dma source(%arg5 : memref<64xf32, #tpu.memory_space<vmem>>) target(%dma_start3A_103 : memref<10240xf32, #tpu.memory_space<vmem_shared>>) offsets(%dma_start3A_101 : memref<64xi32, #tpu.memory_space<vmem>>) semaphore(%arg7 : memref<!tpu.dma_semaphore, #tpu.memory_space<semaphore_mem>>) {add = true}
      %dma_start3A_104 = arith.constant 10 : i32
      %dma_start3A_105 = arith.constant 0 : i32
      %dma_start3A_106 = tpu.memref_slice %arg4[%dma_start3A_104, %dma_start3A_105] : memref<16x64xi32, #tpu.memory_space<vmem>> -> memref<1x64xi32, #tpu.memory_space<vmem>>
      %dma_start3A_107 = tpu.memref_squeeze %dma_start3A_106 : memref<1x64xi32, #tpu.memory_space<vmem>> -> memref<64xi32, #tpu.memory_space<vmem>>
      %dma_start3A_108 = arith.constant 0 : i32
      %dma_start3A_109 = tpu.memref_slice %arg8[%dma_start3A_108] : memref<10240xf32, #tpu.memory_space<vmem_shared>> -> memref<10240xf32, #tpu.memory_space<vmem_shared>>
      tpu.enqueue_indirect_dma source(%arg5 : memref<64xf32, #tpu.memory_space<vmem>>) target(%dma_start3A_109 : memref<10240xf32, #tpu.memory_space<vmem_shared>>) offsets(%dma_start3A_107 : memref<64xi32, #tpu.memory_space<vmem>>) semaphore(%arg7 : memref<!tpu.dma_semaphore, #tpu.memory_space<semaphore_mem>>) {add = true}
      %dma_start3A_110 = arith.constant 11 : i32
      %dma_start3A_111 = arith.constant 0 : i32
      %dma_start3A_112 = tpu.memref_slice %arg4[%dma_start3A_110, %dma_start3A_111] : memref<16x64xi32, #tpu.memory_space<vmem>> -> memref<1x64xi32, #tpu.memory_space<vmem>>
      %dma_start3A_113 = tpu.memref_squeeze %dma_start3A_112 : memref<1x64xi32, #tpu.memory_space<vmem>> -> memref<64xi32, #tpu.memory_space<vmem>>
      %dma_start3A_114 = arith.constant 0 : i32
      %dma_start3A_115 = tpu.memref_slice %arg8[%dma_start3A_114] : memref<10240xf32, #tpu.memory_space<vmem_shared>> -> memref<10240xf32, #tpu.memory_space<vmem_shared>>
      tpu.enqueue_indirect_dma source(%arg5 : memref<64xf32, #tpu.memory_space<vmem>>) target(%dma_start3A_115 : memref<10240xf32, #tpu.memory_space<vmem_shared>>) offsets(%dma_start3A_113 : memref<64xi32, #tpu.memory_space<vmem>>) semaphore(%arg7 : memref<!tpu.dma_semaphore, #tpu.memory_space<semaphore_mem>>) {add = true}
      %dma_start3A_116 = arith.constant 12 : i32
      %dma_start3A_117 = arith.constant 0 : i32
      %dma_start3A_118 = tpu.memref_slice %arg4[%dma_start3A_116, %dma_start3A_117] : memref<16x64xi32, #tpu.memory_space<vmem>> -> memref<1x64xi32, #tpu.memory_space<vmem>>
      %dma_start3A_119 = tpu.memref_squeeze %dma_start3A_118 : memref<1x64xi32, #tpu.memory_space<vmem>> -> memref<64xi32, #tpu.memory_space<vmem>>
      %dma_start3A_120 = arith.constant 0 : i32
      %dma_start3A_121 = tpu.memref_slice %arg8[%dma_start3A_120] : memref<10240xf32, #tpu.memory_space<vmem_shared>> -> memref<10240xf32, #tpu.memory_space<vmem_shared>>
      tpu.enqueue_indirect_dma source(%arg5 : memref<64xf32, #tpu.memory_space<vmem>>) target(%dma_start3A_121 : memref<10240xf32, #tpu.memory_space<vmem_shared>>) offsets(%dma_start3A_119 : memref<64xi32, #tpu.memory_space<vmem>>) semaphore(%arg7 : memref<!tpu.dma_semaphore, #tpu.memory_space<semaphore_mem>>) {add = true}
      %dma_start3A_122 = arith.constant 13 : i32
      %dma_start3A_123 = arith.constant 0 : i32
      %dma_start3A_124 = tpu.memref_slice %arg4[%dma_start3A_122, %dma_start3A_123] : memref<16x64xi32, #tpu.memory_space<vmem>> -> memref<1x64xi32, #tpu.memory_space<vmem>>
      %dma_start3A_125 = tpu.memref_squeeze %dma_start3A_124 : memref<1x64xi32, #tpu.memory_space<vmem>> -> memref<64xi32, #tpu.memory_space<vmem>>
      %dma_start3A_126 = arith.constant 0 : i32
      %dma_start3A_127 = tpu.memref_slice %arg8[%dma_start3A_126] : memref<10240xf32, #tpu.memory_space<vmem_shared>> -> memref<10240xf32, #tpu.memory_space<vmem_shared>>
      tpu.enqueue_indirect_dma source(%arg5 : memref<64xf32, #tpu.memory_space<vmem>>) target(%dma_start3A_127 : memref<10240xf32, #tpu.memory_space<vmem_shared>>) offsets(%dma_start3A_125 : memref<64xi32, #tpu.memory_space<vmem>>) semaphore(%arg7 : memref<!tpu.dma_semaphore, #tpu.memory_space<semaphore_mem>>) {add = true}
      %dma_start3A_128 = arith.constant 14 : i32
      %dma_start3A_129 = arith.constant 0 : i32
      %dma_start3A_130 = tpu.memref_slice %arg4[%dma_start3A_128, %dma_start3A_129] : memref<16x64xi32, #tpu.memory_space<vmem>> -> memref<1x64xi32, #tpu.memory_space<vmem>>
      %dma_start3A_131 = tpu.memref_squeeze %dma_start3A_130 : memref<1x64xi32, #tpu.memory_space<vmem>> -> memref<64xi32, #tpu.memory_space<vmem>>
      %dma_start3A_132 = arith.constant 0 : i32
      %dma_start3A_133 = tpu.memref_slice %arg8[%dma_start3A_132] : memref<10240xf32, #tpu.memory_space<vmem_shared>> -> memref<10240xf32, #tpu.memory_space<vmem_shared>>
      tpu.enqueue_indirect_dma source(%arg5 : memref<64xf32, #tpu.memory_space<vmem>>) target(%dma_start3A_133 : memref<10240xf32, #tpu.memory_space<vmem_shared>>) offsets(%dma_start3A_131 : memref<64xi32, #tpu.memory_space<vmem>>) semaphore(%arg7 : memref<!tpu.dma_semaphore, #tpu.memory_space<semaphore_mem>>) {add = true}
      %dma_start3A_134 = arith.constant 15 : i32
      %dma_start3A_135 = arith.constant 0 : i32
      %dma_start3A_136 = tpu.memref_slice %arg4[%dma_start3A_134, %dma_start3A_135] : memref<16x64xi32, #tpu.memory_space<vmem>> -> memref<1x64xi32, #tpu.memory_space<vmem>>
      %dma_start3A_137 = tpu.memref_squeeze %dma_start3A_136 : memref<1x64xi32, #tpu.memory_space<vmem>> -> memref<64xi32, #tpu.memory_space<vmem>>
      %dma_start3A_138 = arith.constant 0 : i32
      %dma_start3A_139 = tpu.memref_slice %arg8[%dma_start3A_138] : memref<10240xf32, #tpu.memory_space<vmem_shared>> -> memref<10240xf32, #tpu.memory_space<vmem_shared>>
      tpu.enqueue_indirect_dma source(%arg5 : memref<64xf32, #tpu.memory_space<vmem>>) target(%dma_start3A_139 : memref<10240xf32, #tpu.memory_space<vmem_shared>>) offsets(%dma_start3A_137 : memref<64xi32, #tpu.memory_space<vmem>>) semaphore(%arg7 : memref<!tpu.dma_semaphore, #tpu.memory_space<semaphore_mem>>) {add = true}
      %dma_wait3A = arith.constant 0 : i32
      %dma_wait3A_140 = arith.constant 0 : i32
      %dma_wait3A_141 = tpu.memref_slice %arg4[%dma_wait3A, %dma_wait3A_140] : memref<16x64xi32, #tpu.memory_space<vmem>> -> memref<1x64xi32, #tpu.memory_space<vmem>>
      %dma_wait3A_142 = tpu.memref_squeeze %dma_wait3A_141 : memref<1x64xi32, #tpu.memory_space<vmem>> -> memref<64xi32, #tpu.memory_space<vmem>>
      %dma_wait3A_143 = arith.constant 0 : i32
      %dma_wait3A_144 = tpu.memref_slice %arg8[%dma_wait3A_143] : memref<10240xf32, #tpu.memory_space<vmem_shared>> -> memref<10240xf32, #tpu.memory_space<vmem_shared>>
      tpu.wait_indirect_dma semaphore(%arg7 : memref<!tpu.dma_semaphore, #tpu.memory_space<semaphore_mem>>) src(%arg5 : memref<64xf32, #tpu.memory_space<vmem>>) dst(%dma_wait3A_144 : memref<10240xf32, #tpu.memory_space<vmem_shared>>)
      %dma_wait3A_145 = arith.constant 0 : i32
      %dma_wait3A_146 = arith.constant 0 : i32
      %dma_wait3A_147 = tpu.memref_slice %arg4[%dma_wait3A_145, %dma_wait3A_146] : memref<16x64xi32, #tpu.memory_space<vmem>> -> memref<1x64xi32, #tpu.memory_space<vmem>>
      %dma_wait3A_148 = tpu.memref_squeeze %dma_wait3A_147 : memref<1x64xi32, #tpu.memory_space<vmem>> -> memref<64xi32, #tpu.memory_space<vmem>>
      %dma_wait3A_149 = arith.constant 0 : i32
      %dma_wait3A_150 = tpu.memref_slice %arg8[%dma_wait3A_149] : memref<10240xf32, #tpu.memory_space<vmem_shared>> -> memref<10240xf32, #tpu.memory_space<vmem_shared>>
      tpu.wait_indirect_dma semaphore(%arg7 : memref<!tpu.dma_semaphore, #tpu.memory_space<semaphore_mem>>) src(%arg5 : memref<64xf32, #tpu.memory_space<vmem>>) dst(%dma_wait3A_150 : memref<10240xf32, #tpu.memory_space<vmem_shared>>)
      %dma_wait3A_151 = arith.constant 0 : i32
      %dma_wait3A_152 = arith.constant 0 : i32
      %dma_wait3A_153 = tpu.memref_slice %arg4[%dma_wait3A_151, %dma_wait3A_152] : memref<16x64xi32, #tpu.memory_space<vmem>> -> memref<1x64xi32, #tpu.memory_space<vmem>>
      %dma_wait3A_154 = tpu.memref_squeeze %dma_wait3A_153 : memref<1x64xi32, #tpu.memory_space<vmem>> -> memref<64xi32, #tpu.memory_space<vmem>>
      %dma_wait3A_155 = arith.constant 0 : i32
      %dma_wait3A_156 = tpu.memref_slice %arg8[%dma_wait3A_155] : memref<10240xf32, #tpu.memory_space<vmem_shared>> -> memref<10240xf32, #tpu.memory_space<vmem_shared>>
      tpu.wait_indirect_dma semaphore(%arg7 : memref<!tpu.dma_semaphore, #tpu.memory_space<semaphore_mem>>) src(%arg5 : memref<64xf32, #tpu.memory_space<vmem>>) dst(%dma_wait3A_156 : memref<10240xf32, #tpu.memory_space<vmem_shared>>)
      %dma_wait3A_157 = arith.constant 0 : i32
      %dma_wait3A_158 = arith.constant 0 : i32
      %dma_wait3A_159 = tpu.memref_slice %arg4[%dma_wait3A_157, %dma_wait3A_158] : memref<16x64xi32, #tpu.memory_space<vmem>> -> memref<1x64xi32, #tpu.memory_space<vmem>>
      %dma_wait3A_160 = tpu.memref_squeeze %dma_wait3A_159 : memref<1x64xi32, #tpu.memory_space<vmem>> -> memref<64xi32, #tpu.memory_space<vmem>>
      %dma_wait3A_161 = arith.constant 0 : i32
      %dma_wait3A_162 = tpu.memref_slice %arg8[%dma_wait3A_161] : memref<10240xf32, #tpu.memory_space<vmem_shared>> -> memref<10240xf32, #tpu.memory_space<vmem_shared>>
      tpu.wait_indirect_dma semaphore(%arg7 : memref<!tpu.dma_semaphore, #tpu.memory_space<semaphore_mem>>) src(%arg5 : memref<64xf32, #tpu.memory_space<vmem>>) dst(%dma_wait3A_162 : memref<10240xf32, #tpu.memory_space<vmem_shared>>)
      %dma_wait3A_163 = arith.constant 0 : i32
      %dma_wait3A_164 = arith.constant 0 : i32
      %dma_wait3A_165 = tpu.memref_slice %arg4[%dma_wait3A_163, %dma_wait3A_164] : memref<16x64xi32, #tpu.memory_space<vmem>> -> memref<1x64xi32, #tpu.memory_space<vmem>>
      %dma_wait3A_166 = tpu.memref_squeeze %dma_wait3A_165 : memref<1x64xi32, #tpu.memory_space<vmem>> -> memref<64xi32, #tpu.memory_space<vmem>>
      %dma_wait3A_167 = arith.constant 0 : i32
      %dma_wait3A_168 = tpu.memref_slice %arg8[%dma_wait3A_167] : memref<10240xf32, #tpu.memory_space<vmem_shared>> -> memref<10240xf32, #tpu.memory_space<vmem_shared>>
      tpu.wait_indirect_dma semaphore(%arg7 : memref<!tpu.dma_semaphore, #tpu.memory_space<semaphore_mem>>) src(%arg5 : memref<64xf32, #tpu.memory_space<vmem>>) dst(%dma_wait3A_168 : memref<10240xf32, #tpu.memory_space<vmem_shared>>)
      %dma_wait3A_169 = arith.constant 0 : i32
      %dma_wait3A_170 = arith.constant 0 : i32
      %dma_wait3A_171 = tpu.memref_slice %arg4[%dma_wait3A_169, %dma_wait3A_170] : memref<16x64xi32, #tpu.memory_space<vmem>> -> memref<1x64xi32, #tpu.memory_space<vmem>>
      %dma_wait3A_172 = tpu.memref_squeeze %dma_wait3A_171 : memref<1x64xi32, #tpu.memory_space<vmem>> -> memref<64xi32, #tpu.memory_space<vmem>>
      %dma_wait3A_173 = arith.constant 0 : i32
      %dma_wait3A_174 = tpu.memref_slice %arg8[%dma_wait3A_173] : memref<10240xf32, #tpu.memory_space<vmem_shared>> -> memref<10240xf32, #tpu.memory_space<vmem_shared>>
      tpu.wait_indirect_dma semaphore(%arg7 : memref<!tpu.dma_semaphore, #tpu.memory_space<semaphore_mem>>) src(%arg5 : memref<64xf32, #tpu.memory_space<vmem>>) dst(%dma_wait3A_174 : memref<10240xf32, #tpu.memory_space<vmem_shared>>)
      %dma_wait3A_175 = arith.constant 0 : i32
      %dma_wait3A_176 = arith.constant 0 : i32
      %dma_wait3A_177 = tpu.memref_slice %arg4[%dma_wait3A_175, %dma_wait3A_176] : memref<16x64xi32, #tpu.memory_space<vmem>> -> memref<1x64xi32, #tpu.memory_space<vmem>>
      %dma_wait3A_178 = tpu.memref_squeeze %dma_wait3A_177 : memref<1x64xi32, #tpu.memory_space<vmem>> -> memref<64xi32, #tpu.memory_space<vmem>>
      %dma_wait3A_179 = arith.constant 0 : i32
      %dma_wait3A_180 = tpu.memref_slice %arg8[%dma_wait3A_179] : memref<10240xf32, #tpu.memory_space<vmem_shared>> -> memref<10240xf32, #tpu.memory_space<vmem_shared>>
      tpu.wait_indirect_dma semaphore(%arg7 : memref<!tpu.dma_semaphore, #tpu.memory_space<semaphore_mem>>) src(%arg5 : memref<64xf32, #tpu.memory_space<vmem>>) dst(%dma_wait3A_180 : memref<10240xf32, #tpu.memory_space<vmem_shared>>)
      %dma_wait3A_181 = arith.constant 0 : i32
      %dma_wait3A_182 = arith.constant 0 : i32
      %dma_wait3A_183 = tpu.memref_slice %arg4[%dma_wait3A_181, %dma_wait3A_182] : memref<16x64xi32, #tpu.memory_space<vmem>> -> memref<1x64xi32, #tpu.memory_space<vmem>>
      %dma_wait3A_184 = tpu.memref_squeeze %dma_wait3A_183 : memref<1x64xi32, #tpu.memory_space<vmem>> -> memref<64xi32, #tpu.memory_space<vmem>>
      %dma_wait3A_185 = arith.constant 0 : i32
      %dma_wait3A_186 = tpu.memref_slice %arg8[%dma_wait3A_185] : memref<10240xf32, #tpu.memory_space<vmem_shared>> -> memref<10240xf32, #tpu.memory_space<vmem_shared>>
      tpu.wait_indirect_dma semaphore(%arg7 : memref<!tpu.dma_semaphore, #tpu.memory_space<semaphore_mem>>) src(%arg5 : memref<64xf32, #tpu.memory_space<vmem>>) dst(%dma_wait3A_186 : memref<10240xf32, #tpu.memory_space<vmem_shared>>)
      %dma_wait3A_187 = arith.constant 0 : i32
      %dma_wait3A_188 = arith.constant 0 : i32
      %dma_wait3A_189 = tpu.memref_slice %arg4[%dma_wait3A_187, %dma_wait3A_188] : memref<16x64xi32, #tpu.memory_space<vmem>> -> memref<1x64xi32, #tpu.memory_space<vmem>>
      %dma_wait3A_190 = tpu.memref_squeeze %dma_wait3A_189 : memref<1x64xi32, #tpu.memory_space<vmem>> -> memref<64xi32, #tpu.memory_space<vmem>>
      %dma_wait3A_191 = arith.constant 0 : i32
      %dma_wait3A_192 = tpu.memref_slice %arg8[%dma_wait3A_191] : memref<10240xf32, #tpu.memory_space<vmem_shared>> -> memref<10240xf32, #tpu.memory_space<vmem_shared>>
      tpu.wait_indirect_dma semaphore(%arg7 : memref<!tpu.dma_semaphore, #tpu.memory_space<semaphore_mem>>) src(%arg5 : memref<64xf32, #tpu.memory_space<vmem>>) dst(%dma_wait3A_192 : memref<10240xf32, #tpu.memory_space<vmem_shared>>)
      %dma_wait3A_193 = arith.constant 0 : i32
      %dma_wait3A_194 = arith.constant 0 : i32
      %dma_wait3A_195 = tpu.memref_slice %arg4[%dma_wait3A_193, %dma_wait3A_194] : memref<16x64xi32, #tpu.memory_space<vmem>> -> memref<1x64xi32, #tpu.memory_space<vmem>>
      %dma_wait3A_196 = tpu.memref_squeeze %dma_wait3A_195 : memref<1x64xi32, #tpu.memory_space<vmem>> -> memref<64xi32, #tpu.memory_space<vmem>>
      %dma_wait3A_197 = arith.constant 0 : i32
      %dma_wait3A_198 = tpu.memref_slice %arg8[%dma_wait3A_197] : memref<10240xf32, #tpu.memory_space<vmem_shared>> -> memref<10240xf32, #tpu.memory_space<vmem_shared>>
      tpu.wait_indirect_dma semaphore(%arg7 : memref<!tpu.dma_semaphore, #tpu.memory_space<semaphore_mem>>) src(%arg5 : memref<64xf32, #tpu.memory_space<vmem>>) dst(%dma_wait3A_198 : memref<10240xf32, #tpu.memory_space<vmem_shared>>)
      %dma_wait3A_199 = arith.constant 0 : i32
      %dma_wait3A_200 = arith.constant 0 : i32
      %dma_wait3A_201 = tpu.memref_slice %arg4[%dma_wait3A_199, %dma_wait3A_200] : memref<16x64xi32, #tpu.memory_space<vmem>> -> memref<1x64xi32, #tpu.memory_space<vmem>>
      %dma_wait3A_202 = tpu.memref_squeeze %dma_wait3A_201 : memref<1x64xi32, #tpu.memory_space<vmem>> -> memref<64xi32, #tpu.memory_space<vmem>>
      %dma_wait3A_203 = arith.constant 0 : i32
      %dma_wait3A_204 = tpu.memref_slice %arg8[%dma_wait3A_203] : memref<10240xf32, #tpu.memory_space<vmem_shared>> -> memref<10240xf32, #tpu.memory_space<vmem_shared>>
      tpu.wait_indirect_dma semaphore(%arg7 : memref<!tpu.dma_semaphore, #tpu.memory_space<semaphore_mem>>) src(%arg5 : memref<64xf32, #tpu.memory_space<vmem>>) dst(%dma_wait3A_204 : memref<10240xf32, #tpu.memory_space<vmem_shared>>)
      %dma_wait3A_205 = arith.constant 0 : i32
      %dma_wait3A_206 = arith.constant 0 : i32
      %dma_wait3A_207 = tpu.memref_slice %arg4[%dma_wait3A_205, %dma_wait3A_206] : memref<16x64xi32, #tpu.memory_space<vmem>> -> memref<1x64xi32, #tpu.memory_space<vmem>>
      %dma_wait3A_208 = tpu.memref_squeeze %dma_wait3A_207 : memref<1x64xi32, #tpu.memory_space<vmem>> -> memref<64xi32, #tpu.memory_space<vmem>>
      %dma_wait3A_209 = arith.constant 0 : i32
      %dma_wait3A_210 = tpu.memref_slice %arg8[%dma_wait3A_209] : memref<10240xf32, #tpu.memory_space<vmem_shared>> -> memref<10240xf32, #tpu.memory_space<vmem_shared>>
      tpu.wait_indirect_dma semaphore(%arg7 : memref<!tpu.dma_semaphore, #tpu.memory_space<semaphore_mem>>) src(%arg5 : memref<64xf32, #tpu.memory_space<vmem>>) dst(%dma_wait3A_210 : memref<10240xf32, #tpu.memory_space<vmem_shared>>)
      %dma_wait3A_211 = arith.constant 0 : i32
      %dma_wait3A_212 = arith.constant 0 : i32
      %dma_wait3A_213 = tpu.memref_slice %arg4[%dma_wait3A_211, %dma_wait3A_212] : memref<16x64xi32, #tpu.memory_space<vmem>> -> memref<1x64xi32, #tpu.memory_space<vmem>>
      %dma_wait3A_214 = tpu.memref_squeeze %dma_wait3A_213 : memref<1x64xi32, #tpu.memory_space<vmem>> -> memref<64xi32, #tpu.memory_space<vmem>>
      %dma_wait3A_215 = arith.constant 0 : i32
      %dma_wait3A_216 = tpu.memref_slice %arg8[%dma_wait3A_215] : memref<10240xf32, #tpu.memory_space<vmem_shared>> -> memref<10240xf32, #tpu.memory_space<vmem_shared>>
      tpu.wait_indirect_dma semaphore(%arg7 : memref<!tpu.dma_semaphore, #tpu.memory_space<semaphore_mem>>) src(%arg5 : memref<64xf32, #tpu.memory_space<vmem>>) dst(%dma_wait3A_216 : memref<10240xf32, #tpu.memory_space<vmem_shared>>)
      %dma_wait3A_217 = arith.constant 0 : i32
      %dma_wait3A_218 = arith.constant 0 : i32
      %dma_wait3A_219 = tpu.memref_slice %arg4[%dma_wait3A_217, %dma_wait3A_218] : memref<16x64xi32, #tpu.memory_space<vmem>> -> memref<1x64xi32, #tpu.memory_space<vmem>>
      %dma_wait3A_220 = tpu.memref_squeeze %dma_wait3A_219 : memref<1x64xi32, #tpu.memory_space<vmem>> -> memref<64xi32, #tpu.memory_space<vmem>>
      %dma_wait3A_221 = arith.constant 0 : i32
      %dma_wait3A_222 = tpu.memref_slice %arg8[%dma_wait3A_221] : memref<10240xf32, #tpu.memory_space<vmem_shared>> -> memref<10240xf32, #tpu.memory_space<vmem_shared>>
      tpu.wait_indirect_dma semaphore(%arg7 : memref<!tpu.dma_semaphore, #tpu.memory_space<semaphore_mem>>) src(%arg5 : memref<64xf32, #tpu.memory_space<vmem>>) dst(%dma_wait3A_222 : memref<10240xf32, #tpu.memory_space<vmem_shared>>)
      %dma_wait3A_223 = arith.constant 0 : i32
      %dma_wait3A_224 = arith.constant 0 : i32
      %dma_wait3A_225 = tpu.memref_slice %arg4[%dma_wait3A_223, %dma_wait3A_224] : memref<16x64xi32, #tpu.memory_space<vmem>> -> memref<1x64xi32, #tpu.memory_space<vmem>>
      %dma_wait3A_226 = tpu.memref_squeeze %dma_wait3A_225 : memref<1x64xi32, #tpu.memory_space<vmem>> -> memref<64xi32, #tpu.memory_space<vmem>>
      %dma_wait3A_227 = arith.constant 0 : i32
      %dma_wait3A_228 = tpu.memref_slice %arg8[%dma_wait3A_227] : memref<10240xf32, #tpu.memory_space<vmem_shared>> -> memref<10240xf32, #tpu.memory_space<vmem_shared>>
      tpu.wait_indirect_dma semaphore(%arg7 : memref<!tpu.dma_semaphore, #tpu.memory_space<semaphore_mem>>) src(%arg5 : memref<64xf32, #tpu.memory_space<vmem>>) dst(%dma_wait3A_228 : memref<10240xf32, #tpu.memory_space<vmem_shared>>)
      %dma_wait3A_229 = arith.constant 0 : i32
      %dma_wait3A_230 = arith.constant 0 : i32
      %dma_wait3A_231 = tpu.memref_slice %arg4[%dma_wait3A_229, %dma_wait3A_230] : memref<16x64xi32, #tpu.memory_space<vmem>> -> memref<1x64xi32, #tpu.memory_space<vmem>>
      %dma_wait3A_232 = tpu.memref_squeeze %dma_wait3A_231 : memref<1x64xi32, #tpu.memory_space<vmem>> -> memref<64xi32, #tpu.memory_space<vmem>>
      %dma_wait3A_233 = arith.constant 0 : i32
      %dma_wait3A_234 = tpu.memref_slice %arg8[%dma_wait3A_233] : memref<10240xf32, #tpu.memory_space<vmem_shared>> -> memref<10240xf32, #tpu.memory_space<vmem_shared>>
      tpu.wait_indirect_dma semaphore(%arg7 : memref<!tpu.dma_semaphore, #tpu.memory_space<semaphore_mem>>) src(%arg5 : memref<64xf32, #tpu.memory_space<vmem>>) dst(%dma_wait3A_234 : memref<10240xf32, #tpu.memory_space<vmem_shared>>)
    }
    %scan3A_33 = arith.constant 10 : i32
    %barrier3A_34 = arith.constant 0 : index
    tpu.barrier barrier_id(%barrier3A_34)
    %mul3A_35 = arith.constant 640 : i32
    %mul3A_36 = arith.muli %arg1, %mul3A_35 : i32
    %mul3A_37 = arith.constant 640 : i32
    %mul3A_38 = arith.muli %arg1, %mul3A_37 : i32
    "tpu.region"() ({
      %run_scoped3A = tpu.sem_alloc : memref<!tpu.dma_semaphore, #tpu.memory_space<semaphore_mem>>
      %dma_start3A = tpu.memref_slice %arg3[%arg0, %mul3A_38] : memref<2x10240xf32, #tpu.memory_space<hbm>> -> memref<1x640xf32, #tpu.memory_space<hbm>>
      %dma_start3A_39 = tpu.memref_squeeze %dma_start3A : memref<1x640xf32, #tpu.memory_space<hbm>> -> memref<640xf32, #tpu.memory_space<hbm>>
      %dma_start3A_40 = tpu.memref_slice %arg8[%mul3A_36] : memref<10240xf32, #tpu.memory_space<vmem_shared>> -> memref<640xf32, #tpu.memory_space<vmem_shared>>
      tpu.enqueue_dma source(%dma_start3A_40 : memref<640xf32, #tpu.memory_space<vmem_shared>>) target(%dma_start3A_39 : memref<640xf32, #tpu.memory_space<hbm>>) target_semaphore(%run_scoped3A : memref<!tpu.dma_semaphore, #tpu.memory_space<semaphore_mem>>)
      %dma_wait3A = tpu.memref_slice %arg3[%arg0, %mul3A_38] : memref<2x10240xf32, #tpu.memory_space<hbm>> -> memref<1x640xf32, #tpu.memory_space<hbm>>
      %dma_wait3A_41 = tpu.memref_squeeze %dma_wait3A : memref<1x640xf32, #tpu.memory_space<hbm>> -> memref<640xf32, #tpu.memory_space<hbm>>
      %dma_wait3A_42 = tpu.memref_slice %arg8[%mul3A_36] : memref<10240xf32, #tpu.memory_space<vmem_shared>> -> memref<640xf32, #tpu.memory_space<vmem_shared>>
      tpu.wait_dma2 semaphore(%run_scoped3A : memref<!tpu.dma_semaphore, #tpu.memory_space<semaphore_mem>>) src(%dma_wait3A_42 : memref<640xf32, #tpu.memory_space<vmem_shared>>) dst(%dma_wait3A_41 : memref<640xf32, #tpu.memory_space<hbm>>)
      tpu.yield
    }) : () -> ()
    return
  }
}

#map = affine_map<(d0, d1) -> (0, 0)>
#map1 = affine_map<(d0, d1) -> (0, 0, 0)>
module attributes {stable_mosaic.version = 14 : i64} {
  func.func @_agg_body(%arg0: i32, %arg1: i32, %arg2: memref<10000x128xbf16, #tpu.memory_space<hbm>>, %arg3: memref<2560x128xi32, #tpu.memory_space<hbm>>, %arg4: memref<2560x128xi32, #tpu.memory_space<hbm>>, %arg5: memref<2x10240x128xbf16, #tpu.memory_space<hbm>>, %arg6: memref<16x128xi32, #tpu.memory_space<vmem>>, %arg7: memref<16x128xi32, #tpu.memory_space<vmem>>, %arg8: memref<4x128x128xbf16, #tpu.memory_space<vmem>>, %arg9: memref<!tpu.dma_semaphore, #tpu.memory_space<semaphore_mem>>, %arg10: memref<!tpu.dma_semaphore, #tpu.memory_space<semaphore_mem>>, %arg11: memref<!tpu.dma_semaphore, #tpu.memory_space<semaphore_mem>>, %arg12: memref<!tpu.dma_semaphore, #tpu.memory_space<semaphore_mem>>, %arg13: memref<!tpu.dma_semaphore, #tpu.memory_space<semaphore_mem>>, %arg14: memref<!tpu.dma_semaphore, #tpu.memory_space<semaphore_mem>>, %arg15: memref<!tpu.dma_semaphore, #tpu.memory_space<semaphore_mem>>, %arg16: memref<!tpu.dma_semaphore, #tpu.memory_space<semaphore_mem>>, %arg17: memref<10240x128xbf16, #tpu.memory_space<vmem_shared>>) attributes {dimension_semantics = [#tpu.dimension_semantics<core_parallel>, #tpu.dimension_semantics<subcore_parallel>], iteration_bounds = array<i64: 2, 16>, scalar_prefetch = 0 : i64, scratch_operands = 12 : i64, tpu.core_type = #tpu.core_type<sc_vector_subcore>, window_params = [{transform_indices = #map}, {transform_indices = #map}, {transform_indices = #map}, {transform_indices = #map1}]} {
    %mul3A = arith.constant 16 : i32
    %mul3A_0 = arith.muli %arg0, %mul3A : i32
    %add3A = arith.addi %mul3A_0, %arg1 : i32
    %scan3A = arith.constant 0 : i32
    %scan3A_1 = arith.constant 128 : i32
    %scan3A_2 = arith.addi %scan3A, %scan3A_1 : i32
    %scan3A_3 = arith.constant 1 : i32
    scf.for %scan3A_122 = %scan3A to %scan3A_2 step %scan3A_3  : i32 {
      %broadcast_in_dim3A = arith.constant 0.000000e+00 : bf16
      %broadcast_in_dim3A_123 = vector.broadcast %broadcast_in_dim3A : bf16 to vector<32xbf16>
      %swap3A = arith.constant 0 : i32
      %swap3A_124 = arith.index_cast %swap3A : i32 to index
      %swap3A_125 = arith.index_cast %scan3A_122 : i32 to index
      %swap3A_126 = arith.constant 0 : index
      %swap3A_127 = tpu.vector_load %arg8[%swap3A_124, %swap3A_125, %swap3A_126] {strides = array<i32>} : memref<4x128x128xbf16, #tpu.memory_space<vmem>>, vector<1x1x32xbf16>,
      %swap3A_128 = vector.shape_cast %swap3A_127 : vector<1x1x32xbf16> to vector<32xbf16>
      %swap3A_129 = vector.shape_cast %broadcast_in_dim3A_123 : vector<32xbf16> to vector<1x1x32xbf16>
      tpu.vector_store %arg8[%swap3A_124, %swap3A_125, %swap3A_126], %swap3A_129 {strides = array<i32>} : memref<4x128x128xbf16, #tpu.memory_space<vmem>>, vector<1x1x32xbf16>,
      %broadcast_in_dim3A_130 = arith.constant 0.000000e+00 : bf16
      %broadcast_in_dim3A_131 = vector.broadcast %broadcast_in_dim3A_130 : bf16 to vector<32xbf16>
      %swap3A_132 = arith.constant 0 : i32
      %swap3A_133 = arith.index_cast %swap3A_132 : i32 to index
      %swap3A_134 = arith.index_cast %scan3A_122 : i32 to index
      %swap3A_135 = arith.constant 32 : index
      %swap3A_136 = tpu.vector_load %arg8[%swap3A_133, %swap3A_134, %swap3A_135] {strides = array<i32>} : memref<4x128x128xbf16, #tpu.memory_space<vmem>>, vector<1x1x32xbf16>,
      %swap3A_137 = vector.shape_cast %swap3A_136 : vector<1x1x32xbf16> to vector<32xbf16>
      %swap3A_138 = vector.shape_cast %broadcast_in_dim3A_131 : vector<32xbf16> to vector<1x1x32xbf16>
      tpu.vector_store %arg8[%swap3A_133, %swap3A_134, %swap3A_135], %swap3A_138 {strides = array<i32>} : memref<4x128x128xbf16, #tpu.memory_space<vmem>>, vector<1x1x32xbf16>,
      %broadcast_in_dim3A_139 = arith.constant 0.000000e+00 : bf16
      %broadcast_in_dim3A_140 = vector.broadcast %broadcast_in_dim3A_139 : bf16 to vector<32xbf16>
      %swap3A_141 = arith.constant 0 : i32
      %swap3A_142 = arith.index_cast %swap3A_141 : i32 to index
      %swap3A_143 = arith.index_cast %scan3A_122 : i32 to index
      %swap3A_144 = arith.constant 64 : index
      %swap3A_145 = tpu.vector_load %arg8[%swap3A_142, %swap3A_143, %swap3A_144] {strides = array<i32>} : memref<4x128x128xbf16, #tpu.memory_space<vmem>>, vector<1x1x32xbf16>,
      %swap3A_146 = vector.shape_cast %swap3A_145 : vector<1x1x32xbf16> to vector<32xbf16>
      %swap3A_147 = vector.shape_cast %broadcast_in_dim3A_140 : vector<32xbf16> to vector<1x1x32xbf16>
      tpu.vector_store %arg8[%swap3A_142, %swap3A_143, %swap3A_144], %swap3A_147 {strides = array<i32>} : memref<4x128x128xbf16, #tpu.memory_space<vmem>>, vector<1x1x32xbf16>,
      %broadcast_in_dim3A_148 = arith.constant 0.000000e+00 : bf16
      %broadcast_in_dim3A_149 = vector.broadcast %broadcast_in_dim3A_148 : bf16 to vector<32xbf16>
      %swap3A_150 = arith.constant 0 : i32
      %swap3A_151 = arith.index_cast %swap3A_150 : i32 to index
      %swap3A_152 = arith.index_cast %scan3A_122 : i32 to index
      %swap3A_153 = arith.constant 96 : index
      %swap3A_154 = tpu.vector_load %arg8[%swap3A_151, %swap3A_152, %swap3A_153] {strides = array<i32>} : memref<4x128x128xbf16, #tpu.memory_space<vmem>>, vector<1x1x32xbf16>,
      %swap3A_155 = vector.shape_cast %swap3A_154 : vector<1x1x32xbf16> to vector<32xbf16>
      %swap3A_156 = vector.shape_cast %broadcast_in_dim3A_149 : vector<32xbf16> to vector<1x1x32xbf16>
      tpu.vector_store %arg8[%swap3A_151, %swap3A_152, %swap3A_153], %swap3A_156 {strides = array<i32>} : memref<4x128x128xbf16, #tpu.memory_space<vmem>>, vector<1x1x32xbf16>,
    }
    %scan3A_4 = arith.constant 128 : i32
    %mul3A_5 = arith.constant 640 : i32
    %mul3A_6 = arith.muli %arg1, %mul3A_5 : i32
    %add3A_7 = arith.constant 0 : i32
    %add3A_8 = arith.addi %mul3A_6, %add3A_7 : i32
    %run_scoped3A = arith.constant 0 : i32
    "tpu.region"() ({
      %run_scoped3A_122 = tpu.sem_alloc : memref<!tpu.dma_semaphore, #tpu.memory_space<semaphore_mem>>
      %dma_start3A = arith.constant 0 : i32
      %dma_start3A_123 = arith.constant 0 : i32
      %dma_start3A_124 = tpu.memref_slice %arg8[%run_scoped3A, %dma_start3A, %dma_start3A_123] : memref<4x128x128xbf16, #tpu.memory_space<vmem>> -> memref<1x128x128xbf16, #tpu.memory_space<vmem>>
      %dma_start3A_125 = tpu.memref_squeeze %dma_start3A_124 : memref<1x128x128xbf16, #tpu.memory_space<vmem>> -> memref<128x128xbf16, #tpu.memory_space<vmem>>
      %dma_start3A_126 = arith.constant 0 : i32
      %dma_start3A_127 = tpu.memref_slice %arg17[%add3A_8, %dma_start3A_126] : memref<10240x128xbf16, #tpu.memory_space<vmem_shared>> -> memref<128x128xbf16, #tpu.memory_space<vmem_shared>>
      %dma_start3A_128 = arith.constant 0 : i32
      %dma_start3A_129 = tpu.memref_slice %arg17[%add3A_8, %dma_start3A_128] : memref<10240x128xbf16, #tpu.memory_space<vmem_shared>> -> memref<128x128xbf16, #tpu.memory_space<vmem_shared>>
      %dma_start3A_130 = arith.constant 0 : i32
      %dma_start3A_131 = arith.constant 0 : i32
      %dma_start3A_132 = tpu.memref_slice %arg8[%run_scoped3A, %dma_start3A_130, %dma_start3A_131] : memref<4x128x128xbf16, #tpu.memory_space<vmem>> -> memref<1x128x128xbf16, #tpu.memory_space<vmem>>
      %dma_start3A_133 = tpu.memref_squeeze %dma_start3A_132 : memref<1x128x128xbf16, #tpu.memory_space<vmem>> -> memref<128x128xbf16, #tpu.memory_space<vmem>>
      tpu.enqueue_dma source(%dma_start3A_133 : memref<128x128xbf16, #tpu.memory_space<vmem>>) target(%dma_start3A_129 : memref<128x128xbf16, #tpu.memory_space<vmem_shared>>) target_semaphore(%run_scoped3A_122 : memref<!tpu.dma_semaphore, #tpu.memory_space<semaphore_mem>>)
      %dma_wait3A_134 = arith.constant 0 : i32
      %dma_wait3A_135 = arith.constant 0 : i32
      %dma_wait3A_136 = tpu.memref_slice %arg8[%run_scoped3A, %dma_wait3A_134, %dma_wait3A_135] : memref<4x128x128xbf16, #tpu.memory_space<vmem>> -> memref<1x128x128xbf16, #tpu.memory_space<vmem>>
      %dma_wait3A_137 = tpu.memref_squeeze %dma_wait3A_136 : memref<1x128x128xbf16, #tpu.memory_space<vmem>> -> memref<128x128xbf16, #tpu.memory_space<vmem>>
      %dma_wait3A_138 = arith.constant 0 : i32
      %dma_wait3A_139 = tpu.memref_slice %arg17[%add3A_8, %dma_wait3A_138] : memref<10240x128xbf16, #tpu.memory_space<vmem_shared>> -> memref<128x128xbf16, #tpu.memory_space<vmem_shared>>
      %dma_wait3A_140 = arith.constant 0 : i32
      %dma_wait3A_141 = tpu.memref_slice %arg17[%add3A_8, %dma_wait3A_140] : memref<10240x128xbf16, #tpu.memory_space<vmem_shared>> -> memref<128x128xbf16, #tpu.memory_space<vmem_shared>>
      %dma_wait3A_142 = arith.constant 0 : i32
      %dma_wait3A_143 = arith.constant 0 : i32
      %dma_wait3A_144 = tpu.memref_slice %arg8[%run_scoped3A, %dma_wait3A_142, %dma_wait3A_143] : memref<4x128x128xbf16, #tpu.memory_space<vmem>> -> memref<1x128x128xbf16, #tpu.memory_space<vmem>>
      %dma_wait3A_145 = tpu.memref_squeeze %dma_wait3A_144 : memref<1x128x128xbf16, #tpu.memory_space<vmem>> -> memref<128x128xbf16, #tpu.memory_space<vmem>>
      tpu.wait_dma2 semaphore(%run_scoped3A_122 : memref<!tpu.dma_semaphore, #tpu.memory_space<semaphore_mem>>) src(%dma_wait3A_145 : memref<128x128xbf16, #tpu.memory_space<vmem>>) dst(%dma_wait3A_141 : memref<128x128xbf16, #tpu.memory_space<vmem_shared>>)
      tpu.yield
    }) : () -> ()
    %mul3A_9 = arith.constant 640 : i32
    %mul3A_10 = arith.muli %arg1, %mul3A_9 : i32
    %add3A_11 = arith.constant 128 : i32
    %add3A_12 = arith.addi %mul3A_10, %add3A_11 : i32
    %run_scoped3A_13 = arith.constant 0 : i32
    "tpu.region"() ({
      %run_scoped3A_122 = tpu.sem_alloc : memref<!tpu.dma_semaphore, #tpu.memory_space<semaphore_mem>>
      %dma_start3A = arith.constant 0 : i32
      %dma_start3A_123 = arith.constant 0 : i32
      %dma_start3A_124 = tpu.memref_slice %arg8[%run_scoped3A_13, %dma_start3A, %dma_start3A_123] : memref<4x128x128xbf16, #tpu.memory_space<vmem>> -> memref<1x128x128xbf16, #tpu.memory_space<vmem>>
      %dma_start3A_125 = tpu.memref_squeeze %dma_start3A_124 : memref<1x128x128xbf16, #tpu.memory_space<vmem>> -> memref<128x128xbf16, #tpu.memory_space<vmem>>
      %dma_start3A_126 = arith.constant 0 : i32
      %dma_start3A_127 = tpu.memref_slice %arg17[%add3A_12, %dma_start3A_126] : memref<10240x128xbf16, #tpu.memory_space<vmem_shared>> -> memref<128x128xbf16, #tpu.memory_space<vmem_shared>>
      %dma_start3A_128 = arith.constant 0 : i32
      %dma_start3A_129 = tpu.memref_slice %arg17[%add3A_12, %dma_start3A_128] : memref<10240x128xbf16, #tpu.memory_space<vmem_shared>> -> memref<128x128xbf16, #tpu.memory_space<vmem_shared>>
      %dma_start3A_130 = arith.constant 0 : i32
      %dma_start3A_131 = arith.constant 0 : i32
      %dma_start3A_132 = tpu.memref_slice %arg8[%run_scoped3A_13, %dma_start3A_130, %dma_start3A_131] : memref<4x128x128xbf16, #tpu.memory_space<vmem>> -> memref<1x128x128xbf16, #tpu.memory_space<vmem>>
      %dma_start3A_133 = tpu.memref_squeeze %dma_start3A_132 : memref<1x128x128xbf16, #tpu.memory_space<vmem>> -> memref<128x128xbf16, #tpu.memory_space<vmem>>
      tpu.enqueue_dma source(%dma_start3A_133 : memref<128x128xbf16, #tpu.memory_space<vmem>>) target(%dma_start3A_129 : memref<128x128xbf16, #tpu.memory_space<vmem_shared>>) target_semaphore(%run_scoped3A_122 : memref<!tpu.dma_semaphore, #tpu.memory_space<semaphore_mem>>)
      %dma_wait3A_134 = arith.constant 0 : i32
      %dma_wait3A_135 = arith.constant 0 : i32
      %dma_wait3A_136 = tpu.memref_slice %arg8[%run_scoped3A_13, %dma_wait3A_134, %dma_wait3A_135] : memref<4x128x128xbf16, #tpu.memory_space<vmem>> -> memref<1x128x128xbf16, #tpu.memory_space<vmem>>
      %dma_wait3A_137 = tpu.memref_squeeze %dma_wait3A_136 : memref<1x128x128xbf16, #tpu.memory_space<vmem>> -> memref<128x128xbf16, #tpu.memory_space<vmem>>
      %dma_wait3A_138 = arith.constant 0 : i32
      %dma_wait3A_139 = tpu.memref_slice %arg17[%add3A_12, %dma_wait3A_138] : memref<10240x128xbf16, #tpu.memory_space<vmem_shared>> -> memref<128x128xbf16, #tpu.memory_space<vmem_shared>>
      %dma_wait3A_140 = arith.constant 0 : i32
      %dma_wait3A_141 = tpu.memref_slice %arg17[%add3A_12, %dma_wait3A_140] : memref<10240x128xbf16, #tpu.memory_space<vmem_shared>> -> memref<128x128xbf16, #tpu.memory_space<vmem_shared>>
      %dma_wait3A_142 = arith.constant 0 : i32
      %dma_wait3A_143 = arith.constant 0 : i32
      %dma_wait3A_144 = tpu.memref_slice %arg8[%run_scoped3A_13, %dma_wait3A_142, %dma_wait3A_143] : memref<4x128x128xbf16, #tpu.memory_space<vmem>> -> memref<1x128x128xbf16, #tpu.memory_space<vmem>>
      %dma_wait3A_145 = tpu.memref_squeeze %dma_wait3A_144 : memref<1x128x128xbf16, #tpu.memory_space<vmem>> -> memref<128x128xbf16, #tpu.memory_space<vmem>>
      tpu.wait_dma2 semaphore(%run_scoped3A_122 : memref<!tpu.dma_semaphore, #tpu.memory_space<semaphore_mem>>) src(%dma_wait3A_145 : memref<128x128xbf16, #tpu.memory_space<vmem>>) dst(%dma_wait3A_141 : memref<128x128xbf16, #tpu.memory_space<vmem_shared>>)
      tpu.yield
    }) : () -> ()
    %mul3A_14 = arith.constant 640 : i32
    %mul3A_15 = arith.muli %arg1, %mul3A_14 : i32
    %add3A_16 = arith.constant 256 : i32
    %add3A_17 = arith.addi %mul3A_15, %add3A_16 : i32
    %run_scoped3A_18 = arith.constant 0 : i32
    "tpu.region"() ({
      %run_scoped3A_122 = tpu.sem_alloc : memref<!tpu.dma_semaphore, #tpu.memory_space<semaphore_mem>>
      %dma_start3A = arith.constant 0 : i32
      %dma_start3A_123 = arith.constant 0 : i32
      %dma_start3A_124 = tpu.memref_slice %arg8[%run_scoped3A_18, %dma_start3A, %dma_start3A_123] : memref<4x128x128xbf16, #tpu.memory_space<vmem>> -> memref<1x128x128xbf16, #tpu.memory_space<vmem>>
      %dma_start3A_125 = tpu.memref_squeeze %dma_start3A_124 : memref<1x128x128xbf16, #tpu.memory_space<vmem>> -> memref<128x128xbf16, #tpu.memory_space<vmem>>
      %dma_start3A_126 = arith.constant 0 : i32
      %dma_start3A_127 = tpu.memref_slice %arg17[%add3A_17, %dma_start3A_126] : memref<10240x128xbf16, #tpu.memory_space<vmem_shared>> -> memref<128x128xbf16, #tpu.memory_space<vmem_shared>>
      %dma_start3A_128 = arith.constant 0 : i32
      %dma_start3A_129 = tpu.memref_slice %arg17[%add3A_17, %dma_start3A_128] : memref<10240x128xbf16, #tpu.memory_space<vmem_shared>> -> memref<128x128xbf16, #tpu.memory_space<vmem_shared>>
      %dma_start3A_130 = arith.constant 0 : i32
      %dma_start3A_131 = arith.constant 0 : i32
      %dma_start3A_132 = tpu.memref_slice %arg8[%run_scoped3A_18, %dma_start3A_130, %dma_start3A_131] : memref<4x128x128xbf16, #tpu.memory_space<vmem>> -> memref<1x128x128xbf16, #tpu.memory_space<vmem>>
      %dma_start3A_133 = tpu.memref_squeeze %dma_start3A_132 : memref<1x128x128xbf16, #tpu.memory_space<vmem>> -> memref<128x128xbf16, #tpu.memory_space<vmem>>
      tpu.enqueue_dma source(%dma_start3A_133 : memref<128x128xbf16, #tpu.memory_space<vmem>>) target(%dma_start3A_129 : memref<128x128xbf16, #tpu.memory_space<vmem_shared>>) target_semaphore(%run_scoped3A_122 : memref<!tpu.dma_semaphore, #tpu.memory_space<semaphore_mem>>)
      %dma_wait3A_134 = arith.constant 0 : i32
      %dma_wait3A_135 = arith.constant 0 : i32
      %dma_wait3A_136 = tpu.memref_slice %arg8[%run_scoped3A_18, %dma_wait3A_134, %dma_wait3A_135] : memref<4x128x128xbf16, #tpu.memory_space<vmem>> -> memref<1x128x128xbf16, #tpu.memory_space<vmem>>
      %dma_wait3A_137 = tpu.memref_squeeze %dma_wait3A_136 : memref<1x128x128xbf16, #tpu.memory_space<vmem>> -> memref<128x128xbf16, #tpu.memory_space<vmem>>
      %dma_wait3A_138 = arith.constant 0 : i32
      %dma_wait3A_139 = tpu.memref_slice %arg17[%add3A_17, %dma_wait3A_138] : memref<10240x128xbf16, #tpu.memory_space<vmem_shared>> -> memref<128x128xbf16, #tpu.memory_space<vmem_shared>>
      %dma_wait3A_140 = arith.constant 0 : i32
      %dma_wait3A_141 = tpu.memref_slice %arg17[%add3A_17, %dma_wait3A_140] : memref<10240x128xbf16, #tpu.memory_space<vmem_shared>> -> memref<128x128xbf16, #tpu.memory_space<vmem_shared>>
      %dma_wait3A_142 = arith.constant 0 : i32
      %dma_wait3A_143 = arith.constant 0 : i32
      %dma_wait3A_144 = tpu.memref_slice %arg8[%run_scoped3A_18, %dma_wait3A_142, %dma_wait3A_143] : memref<4x128x128xbf16, #tpu.memory_space<vmem>> -> memref<1x128x128xbf16, #tpu.memory_space<vmem>>
      %dma_wait3A_145 = tpu.memref_squeeze %dma_wait3A_144 : memref<1x128x128xbf16, #tpu.memory_space<vmem>> -> memref<128x128xbf16, #tpu.memory_space<vmem>>
      tpu.wait_dma2 semaphore(%run_scoped3A_122 : memref<!tpu.dma_semaphore, #tpu.memory_space<semaphore_mem>>) src(%dma_wait3A_145 : memref<128x128xbf16, #tpu.memory_space<vmem>>) dst(%dma_wait3A_141 : memref<128x128xbf16, #tpu.memory_space<vmem_shared>>)
      tpu.yield
    }) : () -> ()
    %mul3A_19 = arith.constant 640 : i32
    %mul3A_20 = arith.muli %arg1, %mul3A_19 : i32
    %add3A_21 = arith.constant 384 : i32
    %add3A_22 = arith.addi %mul3A_20, %add3A_21 : i32
    %run_scoped3A_23 = arith.constant 0 : i32
    "tpu.region"() ({
      %run_scoped3A_122 = tpu.sem_alloc : memref<!tpu.dma_semaphore, #tpu.memory_space<semaphore_mem>>
      %dma_start3A = arith.constant 0 : i32
      %dma_start3A_123 = arith.constant 0 : i32
      %dma_start3A_124 = tpu.memref_slice %arg8[%run_scoped3A_23, %dma_start3A, %dma_start3A_123] : memref<4x128x128xbf16, #tpu.memory_space<vmem>> -> memref<1x128x128xbf16, #tpu.memory_space<vmem>>
      %dma_start3A_125 = tpu.memref_squeeze %dma_start3A_124 : memref<1x128x128xbf16, #tpu.memory_space<vmem>> -> memref<128x128xbf16, #tpu.memory_space<vmem>>
      %dma_start3A_126 = arith.constant 0 : i32
      %dma_start3A_127 = tpu.memref_slice %arg17[%add3A_22, %dma_start3A_126] : memref<10240x128xbf16, #tpu.memory_space<vmem_shared>> -> memref<128x128xbf16, #tpu.memory_space<vmem_shared>>
      %dma_start3A_128 = arith.constant 0 : i32
      %dma_start3A_129 = tpu.memref_slice %arg17[%add3A_22, %dma_start3A_128] : memref<10240x128xbf16, #tpu.memory_space<vmem_shared>> -> memref<128x128xbf16, #tpu.memory_space<vmem_shared>>
      %dma_start3A_130 = arith.constant 0 : i32
      %dma_start3A_131 = arith.constant 0 : i32
      %dma_start3A_132 = tpu.memref_slice %arg8[%run_scoped3A_23, %dma_start3A_130, %dma_start3A_131] : memref<4x128x128xbf16, #tpu.memory_space<vmem>> -> memref<1x128x128xbf16, #tpu.memory_space<vmem>>
      %dma_start3A_133 = tpu.memref_squeeze %dma_start3A_132 : memref<1x128x128xbf16, #tpu.memory_space<vmem>> -> memref<128x128xbf16, #tpu.memory_space<vmem>>
      tpu.enqueue_dma source(%dma_start3A_133 : memref<128x128xbf16, #tpu.memory_space<vmem>>) target(%dma_start3A_129 : memref<128x128xbf16, #tpu.memory_space<vmem_shared>>) target_semaphore(%run_scoped3A_122 : memref<!tpu.dma_semaphore, #tpu.memory_space<semaphore_mem>>)
      %dma_wait3A_134 = arith.constant 0 : i32
      %dma_wait3A_135 = arith.constant 0 : i32
      %dma_wait3A_136 = tpu.memref_slice %arg8[%run_scoped3A_23, %dma_wait3A_134, %dma_wait3A_135] : memref<4x128x128xbf16, #tpu.memory_space<vmem>> -> memref<1x128x128xbf16, #tpu.memory_space<vmem>>
      %dma_wait3A_137 = tpu.memref_squeeze %dma_wait3A_136 : memref<1x128x128xbf16, #tpu.memory_space<vmem>> -> memref<128x128xbf16, #tpu.memory_space<vmem>>
      %dma_wait3A_138 = arith.constant 0 : i32
      %dma_wait3A_139 = tpu.memref_slice %arg17[%add3A_22, %dma_wait3A_138] : memref<10240x128xbf16, #tpu.memory_space<vmem_shared>> -> memref<128x128xbf16, #tpu.memory_space<vmem_shared>>
      %dma_wait3A_140 = arith.constant 0 : i32
      %dma_wait3A_141 = tpu.memref_slice %arg17[%add3A_22, %dma_wait3A_140] : memref<10240x128xbf16, #tpu.memory_space<vmem_shared>> -> memref<128x128xbf16, #tpu.memory_space<vmem_shared>>
      %dma_wait3A_142 = arith.constant 0 : i32
      %dma_wait3A_143 = arith.constant 0 : i32
      %dma_wait3A_144 = tpu.memref_slice %arg8[%run_scoped3A_23, %dma_wait3A_142, %dma_wait3A_143] : memref<4x128x128xbf16, #tpu.memory_space<vmem>> -> memref<1x128x128xbf16, #tpu.memory_space<vmem>>
      %dma_wait3A_145 = tpu.memref_squeeze %dma_wait3A_144 : memref<1x128x128xbf16, #tpu.memory_space<vmem>> -> memref<128x128xbf16, #tpu.memory_space<vmem>>
      tpu.wait_dma2 semaphore(%run_scoped3A_122 : memref<!tpu.dma_semaphore, #tpu.memory_space<semaphore_mem>>) src(%dma_wait3A_145 : memref<128x128xbf16, #tpu.memory_space<vmem>>) dst(%dma_wait3A_141 : memref<128x128xbf16, #tpu.memory_space<vmem_shared>>)
      tpu.yield
    }) : () -> ()
    %mul3A_24 = arith.constant 640 : i32
    %mul3A_25 = arith.muli %arg1, %mul3A_24 : i32
    %add3A_26 = arith.constant 512 : i32
    %add3A_27 = arith.addi %mul3A_25, %add3A_26 : i32
    %run_scoped3A_28 = arith.constant 0 : i32
    "tpu.region"() ({
      %run_scoped3A_122 = tpu.sem_alloc : memref<!tpu.dma_semaphore, #tpu.memory_space<semaphore_mem>>
      %dma_start3A = arith.constant 0 : i32
      %dma_start3A_123 = arith.constant 0 : i32
      %dma_start3A_124 = tpu.memref_slice %arg8[%run_scoped3A_28, %dma_start3A, %dma_start3A_123] : memref<4x128x128xbf16, #tpu.memory_space<vmem>> -> memref<1x128x128xbf16, #tpu.memory_space<vmem>>
      %dma_start3A_125 = tpu.memref_squeeze %dma_start3A_124 : memref<1x128x128xbf16, #tpu.memory_space<vmem>> -> memref<128x128xbf16, #tpu.memory_space<vmem>>
      %dma_start3A_126 = arith.constant 0 : i32
      %dma_start3A_127 = tpu.memref_slice %arg17[%add3A_27, %dma_start3A_126] : memref<10240x128xbf16, #tpu.memory_space<vmem_shared>> -> memref<128x128xbf16, #tpu.memory_space<vmem_shared>>
      %dma_start3A_128 = arith.constant 0 : i32
      %dma_start3A_129 = tpu.memref_slice %arg17[%add3A_27, %dma_start3A_128] : memref<10240x128xbf16, #tpu.memory_space<vmem_shared>> -> memref<128x128xbf16, #tpu.memory_space<vmem_shared>>
      %dma_start3A_130 = arith.constant 0 : i32
      %dma_start3A_131 = arith.constant 0 : i32
      %dma_start3A_132 = tpu.memref_slice %arg8[%run_scoped3A_28, %dma_start3A_130, %dma_start3A_131] : memref<4x128x128xbf16, #tpu.memory_space<vmem>> -> memref<1x128x128xbf16, #tpu.memory_space<vmem>>
      %dma_start3A_133 = tpu.memref_squeeze %dma_start3A_132 : memref<1x128x128xbf16, #tpu.memory_space<vmem>> -> memref<128x128xbf16, #tpu.memory_space<vmem>>
      tpu.enqueue_dma source(%dma_start3A_133 : memref<128x128xbf16, #tpu.memory_space<vmem>>) target(%dma_start3A_129 : memref<128x128xbf16, #tpu.memory_space<vmem_shared>>) target_semaphore(%run_scoped3A_122 : memref<!tpu.dma_semaphore, #tpu.memory_space<semaphore_mem>>)
      %dma_wait3A_134 = arith.constant 0 : i32
      %dma_wait3A_135 = arith.constant 0 : i32
      %dma_wait3A_136 = tpu.memref_slice %arg8[%run_scoped3A_28, %dma_wait3A_134, %dma_wait3A_135] : memref<4x128x128xbf16, #tpu.memory_space<vmem>> -> memref<1x128x128xbf16, #tpu.memory_space<vmem>>
      %dma_wait3A_137 = tpu.memref_squeeze %dma_wait3A_136 : memref<1x128x128xbf16, #tpu.memory_space<vmem>> -> memref<128x128xbf16, #tpu.memory_space<vmem>>
      %dma_wait3A_138 = arith.constant 0 : i32
      %dma_wait3A_139 = tpu.memref_slice %arg17[%add3A_27, %dma_wait3A_138] : memref<10240x128xbf16, #tpu.memory_space<vmem_shared>> -> memref<128x128xbf16, #tpu.memory_space<vmem_shared>>
      %dma_wait3A_140 = arith.constant 0 : i32
      %dma_wait3A_141 = tpu.memref_slice %arg17[%add3A_27, %dma_wait3A_140] : memref<10240x128xbf16, #tpu.memory_space<vmem_shared>> -> memref<128x128xbf16, #tpu.memory_space<vmem_shared>>
      %dma_wait3A_142 = arith.constant 0 : i32
      %dma_wait3A_143 = arith.constant 0 : i32
      %dma_wait3A_144 = tpu.memref_slice %arg8[%run_scoped3A_28, %dma_wait3A_142, %dma_wait3A_143] : memref<4x128x128xbf16, #tpu.memory_space<vmem>> -> memref<1x128x128xbf16, #tpu.memory_space<vmem>>
      %dma_wait3A_145 = tpu.memref_squeeze %dma_wait3A_144 : memref<1x128x128xbf16, #tpu.memory_space<vmem>> -> memref<128x128xbf16, #tpu.memory_space<vmem>>
      tpu.wait_dma2 semaphore(%run_scoped3A_122 : memref<!tpu.dma_semaphore, #tpu.memory_space<semaphore_mem>>) src(%dma_wait3A_145 : memref<128x128xbf16, #tpu.memory_space<vmem>>) dst(%dma_wait3A_141 : memref<128x128xbf16, #tpu.memory_space<vmem_shared>>)
      tpu.yield
    }) : () -> ()
    %barrier3A = arith.constant 0 : index
    tpu.barrier barrier_id(%barrier3A)
    %scan3A_29 = arith.constant 0 : i32
    %scan3A_30 = arith.constant 5 : i32
    %scan3A_31 = arith.addi %scan3A_29, %scan3A_30 : i32
    %scan3A_32 = arith.constant 1 : i32
    scf.for %scan3A_122 = %scan3A_29 to %scan3A_31 step %scan3A_32  : i32 {
      %gt3A = arith.constant 0 : i32
      %gt3A_123 = arith.cmpi sgt, %scan3A_122, %gt3A : i32
      %convert_element_type3A = arith.extui %gt3A_123 : i1 to i32
      %cond3A = arith.constant 0 : i32
      %cond3A_124 = arith.cmpi ne, %convert_element_type3A, %cond3A : i32
      scf.if %cond3A_124 {
        %dma_wait3A_849 = arith.constant 0 : i32
        %dma_wait3A_850 = arith.constant 0 : i32
        %dma_wait3A_851 = arith.constant 0 : i32
        %dma_wait3A_852 = arith.constant 0 : i32
        %dma_wait3A_853 = tpu.memref_slice %arg8[%dma_wait3A_849, %dma_wait3A_851, %dma_wait3A_852] : memref<4x128x128xbf16, #tpu.memory_space<vmem>> -> memref<1x128x128xbf16, #tpu.memory_space<vmem>>
        %dma_wait3A_854 = tpu.memref_squeeze %dma_wait3A_853 : memref<1x128x128xbf16, #tpu.memory_space<vmem>> -> memref<128x128xbf16, #tpu.memory_space<vmem>>
        %dma_wait3A_855 = arith.constant 0 : i32
        %dma_wait3A_856 = tpu.memref_slice %arg7[%dma_wait3A_850, %dma_wait3A_855] : memref<16x128xi32, #tpu.memory_space<vmem>> -> memref<1x128xi32, #tpu.memory_space<vmem>>
        %dma_wait3A_857 = tpu.memref_squeeze %dma_wait3A_856 : memref<1x128xi32, #tpu.memory_space<vmem>> -> memref<128xi32, #tpu.memory_space<vmem>>
        %dma_wait3A_858 = arith.constant 0 : i32
        %dma_wait3A_859 = arith.constant 0 : i32
        %dma_wait3A_860 = tpu.memref_slice %arg17[%dma_wait3A_858, %dma_wait3A_859] : memref<10240x128xbf16, #tpu.memory_space<vmem_shared>> -> memref<10240x128xbf16, #tpu.memory_space<vmem_shared>>
        tpu.wait_indirect_dma semaphore(%arg13 : memref<!tpu.dma_semaphore, #tpu.memory_space<semaphore_mem>>) src(%dma_wait3A_854 : memref<128x128xbf16, #tpu.memory_space<vmem>>) dst(%dma_wait3A_860 : memref<10240x128xbf16, #tpu.memory_space<vmem_shared>>)
        %dma_wait3A_861 = arith.constant 1 : i32
        %dma_wait3A_862 = arith.constant 0 : i32
        %dma_wait3A_863 = arith.constant 0 : i32
        %dma_wait3A_864 = arith.constant 0 : i32
        %dma_wait3A_865 = tpu.memref_slice %arg8[%dma_wait3A_861, %dma_wait3A_863, %dma_wait3A_864] : memref<4x128x128xbf16, #tpu.memory_space<vmem>> -> memref<1x128x128xbf16, #tpu.memory_space<vmem>>
        %dma_wait3A_866 = tpu.memref_squeeze %dma_wait3A_865 : memref<1x128x128xbf16, #tpu.memory_space<vmem>> -> memref<128x128xbf16, #tpu.memory_space<vmem>>
        %dma_wait3A_867 = arith.constant 0 : i32
        %dma_wait3A_868 = tpu.memref_slice %arg7[%dma_wait3A_862, %dma_wait3A_867] : memref<16x128xi32, #tpu.memory_space<vmem>> -> memref<1x128xi32, #tpu.memory_space<vmem>>
        %dma_wait3A_869 = tpu.memref_squeeze %dma_wait3A_868 : memref<1x128xi32, #tpu.memory_space<vmem>> -> memref<128xi32, #tpu.memory_space<vmem>>
        %dma_wait3A_870 = arith.constant 0 : i32
        %dma_wait3A_871 = arith.constant 0 : i32
        %dma_wait3A_872 = tpu.memref_slice %arg17[%dma_wait3A_870, %dma_wait3A_871] : memref<10240x128xbf16, #tpu.memory_space<vmem_shared>> -> memref<10240x128xbf16, #tpu.memory_space<vmem_shared>>
        tpu.wait_indirect_dma semaphore(%arg14 : memref<!tpu.dma_semaphore, #tpu.memory_space<semaphore_mem>>) src(%dma_wait3A_866 : memref<128x128xbf16, #tpu.memory_space<vmem>>) dst(%dma_wait3A_872 : memref<10240x128xbf16, #tpu.memory_space<vmem_shared>>)
        %dma_wait3A_873 = arith.constant 2 : i32
        %dma_wait3A_874 = arith.constant 0 : i32
        %dma_wait3A_875 = arith.constant 0 : i32
        %dma_wait3A_876 = arith.constant 0 : i32
        %dma_wait3A_877 = tpu.memref_slice %arg8[%dma_wait3A_873, %dma_wait3A_875, %dma_wait3A_876] : memref<4x128x128xbf16, #tpu.memory_space<vmem>> -> memref<1x128x128xbf16, #tpu.memory_space<vmem>>
        %dma_wait3A_878 = tpu.memref_squeeze %dma_wait3A_877 : memref<1x128x128xbf16, #tpu.memory_space<vmem>> -> memref<128x128xbf16, #tpu.memory_space<vmem>>
        %dma_wait3A_879 = arith.constant 0 : i32
        %dma_wait3A_880 = tpu.memref_slice %arg7[%dma_wait3A_874, %dma_wait3A_879] : memref<16x128xi32, #tpu.memory_space<vmem>> -> memref<1x128xi32, #tpu.memory_space<vmem>>
        %dma_wait3A_881 = tpu.memref_squeeze %dma_wait3A_880 : memref<1x128xi32, #tpu.memory_space<vmem>> -> memref<128xi32, #tpu.memory_space<vmem>>
        %dma_wait3A_882 = arith.constant 0 : i32
        %dma_wait3A_883 = arith.constant 0 : i32
        %dma_wait3A_884 = tpu.memref_slice %arg17[%dma_wait3A_882, %dma_wait3A_883] : memref<10240x128xbf16, #tpu.memory_space<vmem_shared>> -> memref<10240x128xbf16, #tpu.memory_space<vmem_shared>>
        tpu.wait_indirect_dma semaphore(%arg15 : memref<!tpu.dma_semaphore, #tpu.memory_space<semaphore_mem>>) src(%dma_wait3A_878 : memref<128x128xbf16, #tpu.memory_space<vmem>>) dst(%dma_wait3A_884 : memref<10240x128xbf16, #tpu.memory_space<vmem_shared>>)
        %dma_wait3A_885 = arith.constant 3 : i32
        %dma_wait3A_886 = arith.constant 0 : i32
        %dma_wait3A_887 = arith.constant 0 : i32
        %dma_wait3A_888 = arith.constant 0 : i32
        %dma_wait3A_889 = tpu.memref_slice %arg8[%dma_wait3A_885, %dma_wait3A_887, %dma_wait3A_888] : memref<4x128x128xbf16, #tpu.memory_space<vmem>> -> memref<1x128x128xbf16, #tpu.memory_space<vmem>>
        %dma_wait3A_890 = tpu.memref_squeeze %dma_wait3A_889 : memref<1x128x128xbf16, #tpu.memory_space<vmem>> -> memref<128x128xbf16, #tpu.memory_space<vmem>>
        %dma_wait3A_891 = arith.constant 0 : i32
        %dma_wait3A_892 = tpu.memref_slice %arg7[%dma_wait3A_886, %dma_wait3A_891] : memref<16x128xi32, #tpu.memory_space<vmem>> -> memref<1x128xi32, #tpu.memory_space<vmem>>
        %dma_wait3A_893 = tpu.memref_squeeze %dma_wait3A_892 : memref<1x128xi32, #tpu.memory_space<vmem>> -> memref<128xi32, #tpu.memory_space<vmem>>
        %dma_wait3A_894 = arith.constant 0 : i32
        %dma_wait3A_895 = arith.constant 0 : i32
        %dma_wait3A_896 = tpu.memref_slice %arg17[%dma_wait3A_894, %dma_wait3A_895] : memref<10240x128xbf16, #tpu.memory_space<vmem_shared>> -> memref<10240x128xbf16, #tpu.memory_space<vmem_shared>>
        tpu.wait_indirect_dma semaphore(%arg16 : memref<!tpu.dma_semaphore, #tpu.memory_space<semaphore_mem>>) src(%dma_wait3A_890 : memref<128x128xbf16, #tpu.memory_space<vmem>>) dst(%dma_wait3A_896 : memref<10240x128xbf16, #tpu.memory_space<vmem_shared>>)
      } else {
      }
      %mul3A_125 = arith.constant 80 : i32
      %mul3A_126 = arith.muli %add3A, %mul3A_125 : i32
      %mul3A_127 = arith.constant 16 : i32
      %mul3A_128 = arith.muli %scan3A_122, %mul3A_127 : i32
      %add3A_129 = arith.addi %mul3A_126, %mul3A_128 : i32
      "tpu.region"() ({
        %run_scoped3A_849 = tpu.sem_alloc : memref<!tpu.dma_semaphore, #tpu.memory_space<semaphore_mem>>
        %dma_start3A_850 = arith.constant 0 : i32
        %dma_start3A_851 = tpu.memref_slice %arg3[%add3A_129, %dma_start3A_850] : memref<2560x128xi32, #tpu.memory_space<hbm>> -> memref<16x128xi32, #tpu.memory_space<hbm>>
        %dma_start3A_852 = arith.constant 0 : i32
        %dma_start3A_853 = tpu.memref_slice %arg3[%add3A_129, %dma_start3A_852] : memref<2560x128xi32, #tpu.memory_space<hbm>> -> memref<16x128xi32, #tpu.memory_space<hbm>>
        tpu.enqueue_dma source(%dma_start3A_853 : memref<16x128xi32, #tpu.memory_space<hbm>>) target(%arg6 : memref<16x128xi32, #tpu.memory_space<vmem>>) target_semaphore(%run_scoped3A_849 : memref<!tpu.dma_semaphore, #tpu.memory_space<semaphore_mem>>)
        %dma_wait3A_854 = arith.constant 0 : i32
        %dma_wait3A_855 = tpu.memref_slice %arg3[%add3A_129, %dma_wait3A_854] : memref<2560x128xi32, #tpu.memory_space<hbm>> -> memref<16x128xi32, #tpu.memory_space<hbm>>
        %dma_wait3A_856 = arith.constant 0 : i32
        %dma_wait3A_857 = tpu.memref_slice %arg3[%add3A_129, %dma_wait3A_856] : memref<2560x128xi32, #tpu.memory_space<hbm>> -> memref<16x128xi32, #tpu.memory_space<hbm>>
        tpu.wait_dma2 semaphore(%run_scoped3A_849 : memref<!tpu.dma_semaphore, #tpu.memory_space<semaphore_mem>>) src(%dma_wait3A_857 : memref<16x128xi32, #tpu.memory_space<hbm>>) dst(%arg6 : memref<16x128xi32, #tpu.memory_space<vmem>>)
        tpu.yield
      }) : () -> ()
      "tpu.region"() ({
        %run_scoped3A_849 = tpu.sem_alloc : memref<!tpu.dma_semaphore, #tpu.memory_space<semaphore_mem>>
        %dma_start3A_850 = arith.constant 0 : i32
        %dma_start3A_851 = tpu.memref_slice %arg4[%add3A_129, %dma_start3A_850] : memref<2560x128xi32, #tpu.memory_space<hbm>> -> memref<16x128xi32, #tpu.memory_space<hbm>>
        %dma_start3A_852 = arith.constant 0 : i32
        %dma_start3A_853 = tpu.memref_slice %arg4[%add3A_129, %dma_start3A_852] : memref<2560x128xi32, #tpu.memory_space<hbm>> -> memref<16x128xi32, #tpu.memory_space<hbm>>
        tpu.enqueue_dma source(%dma_start3A_853 : memref<16x128xi32, #tpu.memory_space<hbm>>) target(%arg7 : memref<16x128xi32, #tpu.memory_space<vmem>>) target_semaphore(%run_scoped3A_849 : memref<!tpu.dma_semaphore, #tpu.memory_space<semaphore_mem>>)
        %dma_wait3A_854 = arith.constant 0 : i32
        %dma_wait3A_855 = tpu.memref_slice %arg4[%add3A_129, %dma_wait3A_854] : memref<2560x128xi32, #tpu.memory_space<hbm>> -> memref<16x128xi32, #tpu.memory_space<hbm>>
        %dma_wait3A_856 = arith.constant 0 : i32
        %dma_wait3A_857 = tpu.memref_slice %arg4[%add3A_129, %dma_wait3A_856] : memref<2560x128xi32, #tpu.memory_space<hbm>> -> memref<16x128xi32, #tpu.memory_space<hbm>>
        tpu.wait_dma2 semaphore(%run_scoped3A_849 : memref<!tpu.dma_semaphore, #tpu.memory_space<semaphore_mem>>) src(%dma_wait3A_857 : memref<16x128xi32, #tpu.memory_space<hbm>>) dst(%arg7 : memref<16x128xi32, #tpu.memory_space<vmem>>)
        tpu.yield
      }) : () -> ()
      %dma_start3A = arith.constant 0 : i32
      %dma_start3A_130 = arith.constant 0 : i32
      %dma_start3A_131 = arith.constant 0 : i32
      %dma_start3A_132 = arith.constant 0 : i32
      %dma_start3A_133 = tpu.memref_slice %arg8[%dma_start3A_130, %dma_start3A_131, %dma_start3A_132] : memref<4x128x128xbf16, #tpu.memory_space<vmem>> -> memref<1x128x128xbf16, #tpu.memory_space<vmem>>
      %dma_start3A_134 = tpu.memref_squeeze %dma_start3A_133 : memref<1x128x128xbf16, #tpu.memory_space<vmem>> -> memref<128x128xbf16, #tpu.memory_space<vmem>>
      %dma_start3A_135 = arith.constant 0 : i32
      %dma_start3A_136 = tpu.memref_slice %arg6[%dma_start3A, %dma_start3A_135] : memref<16x128xi32, #tpu.memory_space<vmem>> -> memref<1x128xi32, #tpu.memory_space<vmem>>
      %dma_start3A_137 = tpu.memref_squeeze %dma_start3A_136 : memref<1x128xi32, #tpu.memory_space<vmem>> -> memref<128xi32, #tpu.memory_space<vmem>>
      %dma_start3A_138 = arith.constant 0 : i32
      %dma_start3A_139 = arith.constant 0 : i32
      %dma_start3A_140 = tpu.memref_slice %arg2[%dma_start3A_138, %dma_start3A_139] : memref<10000x128xbf16, #tpu.memory_space<hbm>> -> memref<10000x128xbf16, #tpu.memory_space<hbm>>
      tpu.enqueue_indirect_dma source(%dma_start3A_140 : memref<10000x128xbf16, #tpu.memory_space<hbm>>) target(%dma_start3A_134 : memref<128x128xbf16, #tpu.memory_space<vmem>>) offsets(%dma_start3A_137 : memref<128xi32, #tpu.memory_space<vmem>>) semaphore(%arg9 : memref<!tpu.dma_semaphore, #tpu.memory_space<semaphore_mem>>)
      %dma_start3A_141 = arith.constant 1 : i32
      %dma_start3A_142 = arith.constant 1 : i32
      %dma_start3A_143 = arith.constant 0 : i32
      %dma_start3A_144 = arith.constant 0 : i32
      %dma_start3A_145 = tpu.memref_slice %arg8[%dma_start3A_142, %dma_start3A_143, %dma_start3A_144] : memref<4x128x128xbf16, #tpu.memory_space<vmem>> -> memref<1x128x128xbf16, #tpu.memory_space<vmem>>
      %dma_start3A_146 = tpu.memref_squeeze %dma_start3A_145 : memref<1x128x128xbf16, #tpu.memory_space<vmem>> -> memref<128x128xbf16, #tpu.memory_space<vmem>>
      %dma_start3A_147 = arith.constant 0 : i32
      %dma_start3A_148 = tpu.memref_slice %arg6[%dma_start3A_141, %dma_start3A_147] : memref<16x128xi32, #tpu.memory_space<vmem>> -> memref<1x128xi32, #tpu.memory_space<vmem>>
      %dma_start3A_149 = tpu.memref_squeeze %dma_start3A_148 : memref<1x128xi32, #tpu.memory_space<vmem>> -> memref<128xi32, #tpu.memory_space<vmem>>
      %dma_start3A_150 = arith.constant 0 : i32
      %dma_start3A_151 = arith.constant 0 : i32
      %dma_start3A_152 = tpu.memref_slice %arg2[%dma_start3A_150, %dma_start3A_151] : memref<10000x128xbf16, #tpu.memory_space<hbm>> -> memref<10000x128xbf16, #tpu.memory_space<hbm>>
      tpu.enqueue_indirect_dma source(%dma_start3A_152 : memref<10000x128xbf16, #tpu.memory_space<hbm>>) target(%dma_start3A_146 : memref<128x128xbf16, #tpu.memory_space<vmem>>) offsets(%dma_start3A_149 : memref<128xi32, #tpu.memory_space<vmem>>) semaphore(%arg10 : memref<!tpu.dma_semaphore, #tpu.memory_space<semaphore_mem>>)
      %dma_start3A_153 = arith.constant 2 : i32
      %dma_start3A_154 = arith.constant 2 : i32
      %dma_start3A_155 = arith.constant 0 : i32
      %dma_start3A_156 = arith.constant 0 : i32
      %dma_start3A_157 = tpu.memref_slice %arg8[%dma_start3A_154, %dma_start3A_155, %dma_start3A_156] : memref<4x128x128xbf16, #tpu.memory_space<vmem>> -> memref<1x128x128xbf16, #tpu.memory_space<vmem>>
      %dma_start3A_158 = tpu.memref_squeeze %dma_start3A_157 : memref<1x128x128xbf16, #tpu.memory_space<vmem>> -> memref<128x128xbf16, #tpu.memory_space<vmem>>
      %dma_start3A_159 = arith.constant 0 : i32
      %dma_start3A_160 = tpu.memref_slice %arg6[%dma_start3A_153, %dma_start3A_159] : memref<16x128xi32, #tpu.memory_space<vmem>> -> memref<1x128xi32, #tpu.memory_space<vmem>>
      %dma_start3A_161 = tpu.memref_squeeze %dma_start3A_160 : memref<1x128xi32, #tpu.memory_space<vmem>> -> memref<128xi32, #tpu.memory_space<vmem>>
      %dma_start3A_162 = arith.constant 0 : i32
      %dma_start3A_163 = arith.constant 0 : i32
      %dma_start3A_164 = tpu.memref_slice %arg2[%dma_start3A_162, %dma_start3A_163] : memref<10000x128xbf16, #tpu.memory_space<hbm>> -> memref<10000x128xbf16, #tpu.memory_space<hbm>>
      tpu.enqueue_indirect_dma source(%dma_start3A_164 : memref<10000x128xbf16, #tpu.memory_space<hbm>>) target(%dma_start3A_158 : memref<128x128xbf16, #tpu.memory_space<vmem>>) offsets(%dma_start3A_161 : memref<128xi32, #tpu.memory_space<vmem>>) semaphore(%arg11 : memref<!tpu.dma_semaphore, #tpu.memory_space<semaphore_mem>>)
      %dma_wait3A_165 = arith.constant 0 : i32
      %dma_wait3A_166 = arith.constant 0 : i32
      %dma_wait3A_167 = arith.constant 0 : i32
      %dma_wait3A_168 = arith.constant 0 : i32
      %dma_wait3A_169 = tpu.memref_slice %arg8[%dma_wait3A_166, %dma_wait3A_167, %dma_wait3A_168] : memref<4x128x128xbf16, #tpu.memory_space<vmem>> -> memref<1x128x128xbf16, #tpu.memory_space<vmem>>
      %dma_wait3A_170 = tpu.memref_squeeze %dma_wait3A_169 : memref<1x128x128xbf16, #tpu.memory_space<vmem>> -> memref<128x128xbf16, #tpu.memory_space<vmem>>
      %dma_wait3A_171 = arith.constant 0 : i32
      %dma_wait3A_172 = tpu.memref_slice %arg6[%dma_wait3A_165, %dma_wait3A_171] : memref<16x128xi32, #tpu.memory_space<vmem>> -> memref<1x128xi32, #tpu.memory_space<vmem>>
      %dma_wait3A_173 = tpu.memref_squeeze %dma_wait3A_172 : memref<1x128xi32, #tpu.memory_space<vmem>> -> memref<128xi32, #tpu.memory_space<vmem>>
      %dma_wait3A_174 = arith.constant 0 : i32
      %dma_wait3A_175 = arith.constant 0 : i32
      %dma_wait3A_176 = tpu.memref_slice %arg2[%dma_wait3A_174, %dma_wait3A_175] : memref<10000x128xbf16, #tpu.memory_space<hbm>> -> memref<10000x128xbf16, #tpu.memory_space<hbm>>
      tpu.wait_indirect_dma semaphore(%arg9 : memref<!tpu.dma_semaphore, #tpu.memory_space<semaphore_mem>>) src(%dma_wait3A_176 : memref<10000x128xbf16, #tpu.memory_space<hbm>>) dst(%dma_wait3A_170 : memref<128x128xbf16, #tpu.memory_space<vmem>>)
      %dma_start3A_177 = arith.constant 0 : i32
      %dma_start3A_178 = arith.constant 0 : i32
      %dma_start3A_179 = arith.constant 0 : i32
      %dma_start3A_180 = arith.constant 0 : i32
      %dma_start3A_181 = tpu.memref_slice %arg8[%dma_start3A_177, %dma_start3A_179, %dma_start3A_180] : memref<4x128x128xbf16, #tpu.memory_space<vmem>> -> memref<1x128x128xbf16, #tpu.memory_space<vmem>>
      %dma_start3A_182 = tpu.memref_squeeze %dma_start3A_181 : memref<1x128x128xbf16, #tpu.memory_space<vmem>> -> memref<128x128xbf16, #tpu.memory_space<vmem>>
      %dma_start3A_183 = arith.constant 0 : i32
      %dma_start3A_184 = tpu.memref_slice %arg7[%dma_start3A_178, %dma_start3A_183] : memref<16x128xi32, #tpu.memory_space<vmem>> -> memref<1x128xi32, #tpu.memory_space<vmem>>
      %dma_start3A_185 = tpu.memref_squeeze %dma_start3A_184 : memref<1x128xi32, #tpu.memory_space<vmem>> -> memref<128xi32, #tpu.memory_space<vmem>>
      %dma_start3A_186 = arith.constant 0 : i32
      %dma_start3A_187 = arith.constant 0 : i32
      %dma_start3A_188 = tpu.memref_slice %arg17[%dma_start3A_186, %dma_start3A_187] : memref<10240x128xbf16, #tpu.memory_space<vmem_shared>> -> memref<10240x128xbf16, #tpu.memory_space<vmem_shared>>
      tpu.enqueue_indirect_dma source(%dma_start3A_182 : memref<128x128xbf16, #tpu.memory_space<vmem>>) target(%dma_start3A_188 : memref<10240x128xbf16, #tpu.memory_space<vmem_shared>>) offsets(%dma_start3A_185 : memref<128xi32, #tpu.memory_space<vmem>>) semaphore(%arg13 : memref<!tpu.dma_semaphore, #tpu.memory_space<semaphore_mem>>) {add = true}
      %dma_start3A_189 = arith.constant 3 : i32
      %dma_start3A_190 = arith.constant 3 : i32
      %dma_start3A_191 = arith.constant 0 : i32
      %dma_start3A_192 = arith.constant 0 : i32
      %dma_start3A_193 = tpu.memref_slice %arg8[%dma_start3A_190, %dma_start3A_191, %dma_start3A_192] : memref<4x128x128xbf16, #tpu.memory_space<vmem>> -> memref<1x128x128xbf16, #tpu.memory_space<vmem>>
      %dma_start3A_194 = tpu.memref_squeeze %dma_start3A_193 : memref<1x128x128xbf16, #tpu.memory_space<vmem>> -> memref<128x128xbf16, #tpu.memory_space<vmem>>
      %dma_start3A_195 = arith.constant 0 : i32
      %dma_start3A_196 = tpu.memref_slice %arg6[%dma_start3A_189, %dma_start3A_195] : memref<16x128xi32, #tpu.memory_space<vmem>> -> memref<1x128xi32, #tpu.memory_space<vmem>>
      %dma_start3A_197 = tpu.memref_squeeze %dma_start3A_196 : memref<1x128xi32, #tpu.memory_space<vmem>> -> memref<128xi32, #tpu.memory_space<vmem>>
      %dma_start3A_198 = arith.constant 0 : i32
      %dma_start3A_199 = arith.constant 0 : i32
      %dma_start3A_200 = tpu.memref_slice %arg2[%dma_start3A_198, %dma_start3A_199] : memref<10000x128xbf16, #tpu.memory_space<hbm>> -> memref<10000x128xbf16, #tpu.memory_space<hbm>>
      tpu.enqueue_indirect_dma source(%dma_start3A_200 : memref<10000x128xbf16, #tpu.memory_space<hbm>>) target(%dma_start3A_194 : memref<128x128xbf16, #tpu.memory_space<vmem>>) offsets(%dma_start3A_197 : memref<128xi32, #tpu.memory_space<vmem>>) semaphore(%arg12 : memref<!tpu.dma_semaphore, #tpu.memory_space<semaphore_mem>>)
      %dma_wait3A_201 = arith.constant 1 : i32
      %dma_wait3A_202 = arith.constant 1 : i32
      %dma_wait3A_203 = arith.constant 0 : i32
      %dma_wait3A_204 = arith.constant 0 : i32
      %dma_wait3A_205 = tpu.memref_slice %arg8[%dma_wait3A_202, %dma_wait3A_203, %dma_wait3A_204] : memref<4x128x128xbf16, #tpu.memory_space<vmem>> -> memref<1x128x128xbf16, #tpu.memory_space<vmem>>
      %dma_wait3A_206 = tpu.memref_squeeze %dma_wait3A_205 : memref<1x128x128xbf16, #tpu.memory_space<vmem>> -> memref<128x128xbf16, #tpu.memory_space<vmem>>
      %dma_wait3A_207 = arith.constant 0 : i32
      %dma_wait3A_208 = tpu.memref_slice %arg6[%dma_wait3A_201, %dma_wait3A_207] : memref<16x128xi32, #tpu.memory_space<vmem>> -> memref<1x128xi32, #tpu.memory_space<vmem>>
      %dma_wait3A_209 = tpu.memref_squeeze %dma_wait3A_208 : memref<1x128xi32, #tpu.memory_space<vmem>> -> memref<128xi32, #tpu.memory_space<vmem>>
      %dma_wait3A_210 = arith.constant 0 : i32
      %dma_wait3A_211 = arith.constant 0 : i32
      %dma_wait3A_212 = tpu.memref_slice %arg2[%dma_wait3A_210, %dma_wait3A_211] : memref<10000x128xbf16, #tpu.memory_space<hbm>> -> memref<10000x128xbf16, #tpu.memory_space<hbm>>
      tpu.wait_indirect_dma semaphore(%arg10 : memref<!tpu.dma_semaphore, #tpu.memory_space<semaphore_mem>>) src(%dma_wait3A_212 : memref<10000x128xbf16, #tpu.memory_space<hbm>>) dst(%dma_wait3A_206 : memref<128x128xbf16, #tpu.memory_space<vmem>>)
      %dma_start3A_213 = arith.constant 1 : i32
      %dma_start3A_214 = arith.constant 1 : i32
      %dma_start3A_215 = arith.constant 0 : i32
      %dma_start3A_216 = arith.constant 0 : i32
      %dma_start3A_217 = tpu.memref_slice %arg8[%dma_start3A_213, %dma_start3A_215, %dma_start3A_216] : memref<4x128x128xbf16, #tpu.memory_space<vmem>> -> memref<1x128x128xbf16, #tpu.memory_space<vmem>>
      %dma_start3A_218 = tpu.memref_squeeze %dma_start3A_217 : memref<1x128x128xbf16, #tpu.memory_space<vmem>> -> memref<128x128xbf16, #tpu.memory_space<vmem>>
      %dma_start3A_219 = arith.constant 0 : i32
      %dma_start3A_220 = tpu.memref_slice %arg7[%dma_start3A_214, %dma_start3A_219] : memref<16x128xi32, #tpu.memory_space<vmem>> -> memref<1x128xi32, #tpu.memory_space<vmem>>
      %dma_start3A_221 = tpu.memref_squeeze %dma_start3A_220 : memref<1x128xi32, #tpu.memory_space<vmem>> -> memref<128xi32, #tpu.memory_space<vmem>>
      %dma_start3A_222 = arith.constant 0 : i32
      %dma_start3A_223 = arith.constant 0 : i32
      %dma_start3A_224 = tpu.memref_slice %arg17[%dma_start3A_222, %dma_start3A_223] : memref<10240x128xbf16, #tpu.memory_space<vmem_shared>> -> memref<10240x128xbf16, #tpu.memory_space<vmem_shared>>
      tpu.enqueue_indirect_dma source(%dma_start3A_218 : memref<128x128xbf16, #tpu.memory_space<vmem>>) target(%dma_start3A_224 : memref<10240x128xbf16, #tpu.memory_space<vmem_shared>>) offsets(%dma_start3A_221 : memref<128xi32, #tpu.memory_space<vmem>>) semaphore(%arg14 : memref<!tpu.dma_semaphore, #tpu.memory_space<semaphore_mem>>) {add = true}
      %dma_wait3A_225 = arith.constant 0 : i32
      %dma_wait3A_226 = arith.constant 0 : i32
      %dma_wait3A_227 = arith.constant 0 : i32
      %dma_wait3A_228 = arith.constant 0 : i32
      %dma_wait3A_229 = tpu.memref_slice %arg8[%dma_wait3A_225, %dma_wait3A_227, %dma_wait3A_228] : memref<4x128x128xbf16, #tpu.memory_space<vmem>> -> memref<1x128x128xbf16, #tpu.memory_space<vmem>>
      %dma_wait3A_230 = tpu.memref_squeeze %dma_wait3A_229 : memref<1x128x128xbf16, #tpu.memory_space<vmem>> -> memref<128x128xbf16, #tpu.memory_space<vmem>>
      %dma_wait3A_231 = arith.constant 0 : i32
      %dma_wait3A_232 = tpu.memref_slice %arg7[%dma_wait3A_226, %dma_wait3A_231] : memref<16x128xi32, #tpu.memory_space<vmem>> -> memref<1x128xi32, #tpu.memory_space<vmem>>
      %dma_wait3A_233 = tpu.memref_squeeze %dma_wait3A_232 : memref<1x128xi32, #tpu.memory_space<vmem>> -> memref<128xi32, #tpu.memory_space<vmem>>
      %dma_wait3A_234 = arith.constant 0 : i32
      %dma_wait3A_235 = arith.constant 0 : i32
      %dma_wait3A_236 = tpu.memref_slice %arg17[%dma_wait3A_234, %dma_wait3A_235] : memref<10240x128xbf16, #tpu.memory_space<vmem_shared>> -> memref<10240x128xbf16, #tpu.memory_space<vmem_shared>>
      tpu.wait_indirect_dma semaphore(%arg13 : memref<!tpu.dma_semaphore, #tpu.memory_space<semaphore_mem>>) src(%dma_wait3A_230 : memref<128x128xbf16, #tpu.memory_space<vmem>>) dst(%dma_wait3A_236 : memref<10240x128xbf16, #tpu.memory_space<vmem_shared>>)
      %dma_start3A_237 = arith.constant 4 : i32
      %dma_start3A_238 = arith.constant 0 : i32
      %dma_start3A_239 = arith.constant 0 : i32
      %dma_start3A_240 = arith.constant 0 : i32
      %dma_start3A_241 = tpu.memref_slice %arg8[%dma_start3A_238, %dma_start3A_239, %dma_start3A_240] : memref<4x128x128xbf16, #tpu.memory_space<vmem>> -> memref<1x128x128xbf16, #tpu.memory_space<vmem>>
      %dma_start3A_242 = tpu.memref_squeeze %dma_start3A_241 : memref<1x128x128xbf16, #tpu.memory_space<vmem>> -> memref<128x128xbf16, #tpu.memory_space<vmem>>
      %dma_start3A_243 = arith.constant 0 : i32
      %dma_start3A_244 = tpu.memref_slice %arg6[%dma_start3A_237, %dma_start3A_243] : memref<16x128xi32, #tpu.memory_space<vmem>> -> memref<1x128xi32, #tpu.memory_space<vmem>>
      %dma_start3A_245 = tpu.memref_squeeze %dma_start3A_244 : memref<1x128xi32, #tpu.memory_space<vmem>> -> memref<128xi32, #tpu.memory_space<vmem>>
      %dma_start3A_246 = arith.constant 0 : i32
      %dma_start3A_247 = arith.constant 0 : i32
      %dma_start3A_248 = tpu.memref_slice %arg2[%dma_start3A_246, %dma_start3A_247] : memref<10000x128xbf16, #tpu.memory_space<hbm>> -> memref<10000x128xbf16, #tpu.memory_space<hbm>>
      tpu.enqueue_indirect_dma source(%dma_start3A_248 : memref<10000x128xbf16, #tpu.memory_space<hbm>>) target(%dma_start3A_242 : memref<128x128xbf16, #tpu.memory_space<vmem>>) offsets(%dma_start3A_245 : memref<128xi32, #tpu.memory_space<vmem>>) semaphore(%arg9 : memref<!tpu.dma_semaphore, #tpu.memory_space<semaphore_mem>>)
      %dma_wait3A_249 = arith.constant 2 : i32
      %dma_wait3A_250 = arith.constant 2 : i32
      %dma_wait3A_251 = arith.constant 0 : i32
      %dma_wait3A_252 = arith.constant 0 : i32
      %dma_wait3A_253 = tpu.memref_slice %arg8[%dma_wait3A_250, %dma_wait3A_251, %dma_wait3A_252] : memref<4x128x128xbf16, #tpu.memory_space<vmem>> -> memref<1x128x128xbf16, #tpu.memory_space<vmem>>
      %dma_wait3A_254 = tpu.memref_squeeze %dma_wait3A_253 : memref<1x128x128xbf16, #tpu.memory_space<vmem>> -> memref<128x128xbf16, #tpu.memory_space<vmem>>
      %dma_wait3A_255 = arith.constant 0 : i32
      %dma_wait3A_256 = tpu.memref_slice %arg6[%dma_wait3A_249, %dma_wait3A_255] : memref<16x128xi32, #tpu.memory_space<vmem>> -> memref<1x128xi32, #tpu.memory_space<vmem>>
      %dma_wait3A_257 = tpu.memref_squeeze %dma_wait3A_256 : memref<1x128xi32, #tpu.memory_space<vmem>> -> memref<128xi32, #tpu.memory_space<vmem>>
      %dma_wait3A_258 = arith.constant 0 : i32
      %dma_wait3A_259 = arith.constant 0 : i32
      %dma_wait3A_260 = tpu.memref_slice %arg2[%dma_wait3A_258, %dma_wait3A_259] : memref<10000x128xbf16, #tpu.memory_space<hbm>> -> memref<10000x128xbf16, #tpu.memory_space<hbm>>
      tpu.wait_indirect_dma semaphore(%arg11 : memref<!tpu.dma_semaphore, #tpu.memory_space<semaphore_mem>>) src(%dma_wait3A_260 : memref<10000x128xbf16, #tpu.memory_space<hbm>>) dst(%dma_wait3A_254 : memref<128x128xbf16, #tpu.memory_space<vmem>>)
      %dma_start3A_261 = arith.constant 2 : i32
      %dma_start3A_262 = arith.constant 2 : i32
      %dma_start3A_263 = arith.constant 0 : i32
      %dma_start3A_264 = arith.constant 0 : i32
      %dma_start3A_265 = tpu.memref_slice %arg8[%dma_start3A_261, %dma_start3A_263, %dma_start3A_264] : memref<4x128x128xbf16, #tpu.memory_space<vmem>> -> memref<1x128x128xbf16, #tpu.memory_space<vmem>>
      %dma_start3A_266 = tpu.memref_squeeze %dma_start3A_265 : memref<1x128x128xbf16, #tpu.memory_space<vmem>> -> memref<128x128xbf16, #tpu.memory_space<vmem>>
      %dma_start3A_267 = arith.constant 0 : i32
      %dma_start3A_268 = tpu.memref_slice %arg7[%dma_start3A_262, %dma_start3A_267] : memref<16x128xi32, #tpu.memory_space<vmem>> -> memref<1x128xi32, #tpu.memory_space<vmem>>
      %dma_start3A_269 = tpu.memref_squeeze %dma_start3A_268 : memref<1x128xi32, #tpu.memory_space<vmem>> -> memref<128xi32, #tpu.memory_space<vmem>>
      %dma_start3A_270 = arith.constant 0 : i32
      %dma_start3A_271 = arith.constant 0 : i32
      %dma_start3A_272 = tpu.memref_slice %arg17[%dma_start3A_270, %dma_start3A_271] : memref<10240x128xbf16, #tpu.memory_space<vmem_shared>> -> memref<10240x128xbf16, #tpu.memory_space<vmem_shared>>
      tpu.enqueue_indirect_dma source(%dma_start3A_266 : memref<128x128xbf16, #tpu.memory_space<vmem>>) target(%dma_start3A_272 : memref<10240x128xbf16, #tpu.memory_space<vmem_shared>>) offsets(%dma_start3A_269 : memref<128xi32, #tpu.memory_space<vmem>>) semaphore(%arg15 : memref<!tpu.dma_semaphore, #tpu.memory_space<semaphore_mem>>) {add = true}
      %dma_wait3A_273 = arith.constant 1 : i32
      %dma_wait3A_274 = arith.constant 0 : i32
      %dma_wait3A_275 = arith.constant 0 : i32
      %dma_wait3A_276 = arith.constant 0 : i32
      %dma_wait3A_277 = tpu.memref_slice %arg8[%dma_wait3A_273, %dma_wait3A_275, %dma_wait3A_276] : memref<4x128x128xbf16, #tpu.memory_space<vmem>> -> memref<1x128x128xbf16, #tpu.memory_space<vmem>>
      %dma_wait3A_278 = tpu.memref_squeeze %dma_wait3A_277 : memref<1x128x128xbf16, #tpu.memory_space<vmem>> -> memref<128x128xbf16, #tpu.memory_space<vmem>>
      %dma_wait3A_279 = arith.constant 0 : i32
      %dma_wait3A_280 = tpu.memref_slice %arg7[%dma_wait3A_274, %dma_wait3A_279] : memref<16x128xi32, #tpu.memory_space<vmem>> -> memref<1x128xi32, #tpu.memory_space<vmem>>
      %dma_wait3A_281 = tpu.memref_squeeze %dma_wait3A_280 : memref<1x128xi32, #tpu.memory_space<vmem>> -> memref<128xi32, #tpu.memory_space<vmem>>
      %dma_wait3A_282 = arith.constant 0 : i32
      %dma_wait3A_283 = arith.constant 0 : i32
      %dma_wait3A_284 = tpu.memref_slice %arg17[%dma_wait3A_282, %dma_wait3A_283] : memref<10240x128xbf16, #tpu.memory_space<vmem_shared>> -> memref<10240x128xbf16, #tpu.memory_space<vmem_shared>>
      tpu.wait_indirect_dma semaphore(%arg14 : memref<!tpu.dma_semaphore, #tpu.memory_space<semaphore_mem>>) src(%dma_wait3A_278 : memref<128x128xbf16, #tpu.memory_space<vmem>>) dst(%dma_wait3A_284 : memref<10240x128xbf16, #tpu.memory_space<vmem_shared>>)
      %dma_start3A_285 = arith.constant 5 : i32
      %dma_start3A_286 = arith.constant 1 : i32
      %dma_start3A_287 = arith.constant 0 : i32
      %dma_start3A_288 = arith.constant 0 : i32
      %dma_start3A_289 = tpu.memref_slice %arg8[%dma_start3A_286, %dma_start3A_287, %dma_start3A_288] : memref<4x128x128xbf16, #tpu.memory_space<vmem>> -> memref<1x128x128xbf16, #tpu.memory_space<vmem>>
      %dma_start3A_290 = tpu.memref_squeeze %dma_start3A_289 : memref<1x128x128xbf16, #tpu.memory_space<vmem>> -> memref<128x128xbf16, #tpu.memory_space<vmem>>
      %dma_start3A_291 = arith.constant 0 : i32
      %dma_start3A_292 = tpu.memref_slice %arg6[%dma_start3A_285, %dma_start3A_291] : memref<16x128xi32, #tpu.memory_space<vmem>> -> memref<1x128xi32, #tpu.memory_space<vmem>>
      %dma_start3A_293 = tpu.memref_squeeze %dma_start3A_292 : memref<1x128xi32, #tpu.memory_space<vmem>> -> memref<128xi32, #tpu.memory_space<vmem>>
      %dma_start3A_294 = arith.constant 0 : i32
      %dma_start3A_295 = arith.constant 0 : i32
      %dma_start3A_296 = tpu.memref_slice %arg2[%dma_start3A_294, %dma_start3A_295] : memref<10000x128xbf16, #tpu.memory_space<hbm>> -> memref<10000x128xbf16, #tpu.memory_space<hbm>>
      tpu.enqueue_indirect_dma source(%dma_start3A_296 : memref<10000x128xbf16, #tpu.memory_space<hbm>>) target(%dma_start3A_290 : memref<128x128xbf16, #tpu.memory_space<vmem>>) offsets(%dma_start3A_293 : memref<128xi32, #tpu.memory_space<vmem>>) semaphore(%arg10 : memref<!tpu.dma_semaphore, #tpu.memory_space<semaphore_mem>>)
      %dma_wait3A_297 = arith.constant 3 : i32
      %dma_wait3A_298 = arith.constant 3 : i32
      %dma_wait3A_299 = arith.constant 0 : i32
      %dma_wait3A_300 = arith.constant 0 : i32
      %dma_wait3A_301 = tpu.memref_slice %arg8[%dma_wait3A_298, %dma_wait3A_299, %dma_wait3A_300] : memref<4x128x128xbf16, #tpu.memory_space<vmem>> -> memref<1x128x128xbf16, #tpu.memory_space<vmem>>
      %dma_wait3A_302 = tpu.memref_squeeze %dma_wait3A_301 : memref<1x128x128xbf16, #tpu.memory_space<vmem>> -> memref<128x128xbf16, #tpu.memory_space<vmem>>
      %dma_wait3A_303 = arith.constant 0 : i32
      %dma_wait3A_304 = tpu.memref_slice %arg6[%dma_wait3A_297, %dma_wait3A_303] : memref<16x128xi32, #tpu.memory_space<vmem>> -> memref<1x128xi32, #tpu.memory_space<vmem>>
      %dma_wait3A_305 = tpu.memref_squeeze %dma_wait3A_304 : memref<1x128xi32, #tpu.memory_space<vmem>> -> memref<128xi32, #tpu.memory_space<vmem>>
      %dma_wait3A_306 = arith.constant 0 : i32
      %dma_wait3A_307 = arith.constant 0 : i32
      %dma_wait3A_308 = tpu.memref_slice %arg2[%dma_wait3A_306, %dma_wait3A_307] : memref<10000x128xbf16, #tpu.memory_space<hbm>> -> memref<10000x128xbf16, #tpu.memory_space<hbm>>
      tpu.wait_indirect_dma semaphore(%arg12 : memref<!tpu.dma_semaphore, #tpu.memory_space<semaphore_mem>>) src(%dma_wait3A_308 : memref<10000x128xbf16, #tpu.memory_space<hbm>>) dst(%dma_wait3A_302 : memref<128x128xbf16, #tpu.memory_space<vmem>>)
      %dma_start3A_309 = arith.constant 3 : i32
      %dma_start3A_310 = arith.constant 3 : i32
      %dma_start3A_311 = arith.constant 0 : i32
      %dma_start3A_312 = arith.constant 0 : i32
      %dma_start3A_313 = tpu.memref_slice %arg8[%dma_start3A_309, %dma_start3A_311, %dma_start3A_312] : memref<4x128x128xbf16, #tpu.memory_space<vmem>> -> memref<1x128x128xbf16, #tpu.memory_space<vmem>>
      %dma_start3A_314 = tpu.memref_squeeze %dma_start3A_313 : memref<1x128x128xbf16, #tpu.memory_space<vmem>> -> memref<128x128xbf16, #tpu.memory_space<vmem>>
      %dma_start3A_315 = arith.constant 0 : i32
      %dma_start3A_316 = tpu.memref_slice %arg7[%dma_start3A_310, %dma_start3A_315] : memref<16x128xi32, #tpu.memory_space<vmem>> -> memref<1x128xi32, #tpu.memory_space<vmem>>
      %dma_start3A_317 = tpu.memref_squeeze %dma_start3A_316 : memref<1x128xi32, #tpu.memory_space<vmem>> -> memref<128xi32, #tpu.memory_space<vmem>>
      %dma_start3A_318 = arith.constant 0 : i32
      %dma_start3A_319 = arith.constant 0 : i32
      %dma_start3A_320 = tpu.memref_slice %arg17[%dma_start3A_318, %dma_start3A_319] : memref<10240x128xbf16, #tpu.memory_space<vmem_shared>> -> memref<10240x128xbf16, #tpu.memory_space<vmem_shared>>
      tpu.enqueue_indirect_dma source(%dma_start3A_314 : memref<128x128xbf16, #tpu.memory_space<vmem>>) target(%dma_start3A_320 : memref<10240x128xbf16, #tpu.memory_space<vmem_shared>>) offsets(%dma_start3A_317 : memref<128xi32, #tpu.memory_space<vmem>>) semaphore(%arg16 : memref<!tpu.dma_semaphore, #tpu.memory_space<semaphore_mem>>) {add = true}
      %dma_wait3A_321 = arith.constant 2 : i32
      %dma_wait3A_322 = arith.constant 0 : i32
      %dma_wait3A_323 = arith.constant 0 : i32
      %dma_wait3A_324 = arith.constant 0 : i32
      %dma_wait3A_325 = tpu.memref_slice %arg8[%dma_wait3A_321, %dma_wait3A_323, %dma_wait3A_324] : memref<4x128x128xbf16, #tpu.memory_space<vmem>> -> memref<1x128x128xbf16, #tpu.memory_space<vmem>>
      %dma_wait3A_326 = tpu.memref_squeeze %dma_wait3A_325 : memref<1x128x128xbf16, #tpu.memory_space<vmem>> -> memref<128x128xbf16, #tpu.memory_space<vmem>>
      %dma_wait3A_327 = arith.constant 0 : i32
      %dma_wait3A_328 = tpu.memref_slice %arg7[%dma_wait3A_322, %dma_wait3A_327] : memref<16x128xi32, #tpu.memory_space<vmem>> -> memref<1x128xi32, #tpu.memory_space<vmem>>
      %dma_wait3A_329 = tpu.memref_squeeze %dma_wait3A_328 : memref<1x128xi32, #tpu.memory_space<vmem>> -> memref<128xi32, #tpu.memory_space<vmem>>
      %dma_wait3A_330 = arith.constant 0 : i32
      %dma_wait3A_331 = arith.constant 0 : i32
      %dma_wait3A_332 = tpu.memref_slice %arg17[%dma_wait3A_330, %dma_wait3A_331] : memref<10240x128xbf16, #tpu.memory_space<vmem_shared>> -> memref<10240x128xbf16, #tpu.memory_space<vmem_shared>>
      tpu.wait_indirect_dma semaphore(%arg15 : memref<!tpu.dma_semaphore, #tpu.memory_space<semaphore_mem>>) src(%dma_wait3A_326 : memref<128x128xbf16, #tpu.memory_space<vmem>>) dst(%dma_wait3A_332 : memref<10240x128xbf16, #tpu.memory_space<vmem_shared>>)
      %dma_start3A_333 = arith.constant 6 : i32
      %dma_start3A_334 = arith.constant 2 : i32
      %dma_start3A_335 = arith.constant 0 : i32
      %dma_start3A_336 = arith.constant 0 : i32
      %dma_start3A_337 = tpu.memref_slice %arg8[%dma_start3A_334, %dma_start3A_335, %dma_start3A_336] : memref<4x128x128xbf16, #tpu.memory_space<vmem>> -> memref<1x128x128xbf16, #tpu.memory_space<vmem>>
      %dma_start3A_338 = tpu.memref_squeeze %dma_start3A_337 : memref<1x128x128xbf16, #tpu.memory_space<vmem>> -> memref<128x128xbf16, #tpu.memory_space<vmem>>
      %dma_start3A_339 = arith.constant 0 : i32
      %dma_start3A_340 = tpu.memref_slice %arg6[%dma_start3A_333, %dma_start3A_339] : memref<16x128xi32, #tpu.memory_space<vmem>> -> memref<1x128xi32, #tpu.memory_space<vmem>>
      %dma_start3A_341 = tpu.memref_squeeze %dma_start3A_340 : memref<1x128xi32, #tpu.memory_space<vmem>> -> memref<128xi32, #tpu.memory_space<vmem>>
      %dma_start3A_342 = arith.constant 0 : i32
      %dma_start3A_343 = arith.constant 0 : i32
      %dma_start3A_344 = tpu.memref_slice %arg2[%dma_start3A_342, %dma_start3A_343] : memref<10000x128xbf16, #tpu.memory_space<hbm>> -> memref<10000x128xbf16, #tpu.memory_space<hbm>>
      tpu.enqueue_indirect_dma source(%dma_start3A_344 : memref<10000x128xbf16, #tpu.memory_space<hbm>>) target(%dma_start3A_338 : memref<128x128xbf16, #tpu.memory_space<vmem>>) offsets(%dma_start3A_341 : memref<128xi32, #tpu.memory_space<vmem>>) semaphore(%arg11 : memref<!tpu.dma_semaphore, #tpu.memory_space<semaphore_mem>>)
      %dma_wait3A_345 = arith.constant 4 : i32
      %dma_wait3A_346 = arith.constant 0 : i32
      %dma_wait3A_347 = arith.constant 0 : i32
      %dma_wait3A_348 = arith.constant 0 : i32
      %dma_wait3A_349 = tpu.memref_slice %arg8[%dma_wait3A_346, %dma_wait3A_347, %dma_wait3A_348] : memref<4x128x128xbf16, #tpu.memory_space<vmem>> -> memref<1x128x128xbf16, #tpu.memory_space<vmem>>
      %dma_wait3A_350 = tpu.memref_squeeze %dma_wait3A_349 : memref<1x128x128xbf16, #tpu.memory_space<vmem>> -> memref<128x128xbf16, #tpu.memory_space<vmem>>
      %dma_wait3A_351 = arith.constant 0 : i32
      %dma_wait3A_352 = tpu.memref_slice %arg6[%dma_wait3A_345, %dma_wait3A_351] : memref<16x128xi32, #tpu.memory_space<vmem>> -> memref<1x128xi32, #tpu.memory_space<vmem>>
      %dma_wait3A_353 = tpu.memref_squeeze %dma_wait3A_352 : memref<1x128xi32, #tpu.memory_space<vmem>> -> memref<128xi32, #tpu.memory_space<vmem>>
      %dma_wait3A_354 = arith.constant 0 : i32
      %dma_wait3A_355 = arith.constant 0 : i32
      %dma_wait3A_356 = tpu.memref_slice %arg2[%dma_wait3A_354, %dma_wait3A_355] : memref<10000x128xbf16, #tpu.memory_space<hbm>> -> memref<10000x128xbf16, #tpu.memory_space<hbm>>
      tpu.wait_indirect_dma semaphore(%arg9 : memref<!tpu.dma_semaphore, #tpu.memory_space<semaphore_mem>>) src(%dma_wait3A_356 : memref<10000x128xbf16, #tpu.memory_space<hbm>>) dst(%dma_wait3A_350 : memref<128x128xbf16, #tpu.memory_space<vmem>>)
      %dma_start3A_357 = arith.constant 0 : i32
      %dma_start3A_358 = arith.constant 4 : i32
      %dma_start3A_359 = arith.constant 0 : i32
      %dma_start3A_360 = arith.constant 0 : i32
      %dma_start3A_361 = tpu.memref_slice %arg8[%dma_start3A_357, %dma_start3A_359, %dma_start3A_360] : memref<4x128x128xbf16, #tpu.memory_space<vmem>> -> memref<1x128x128xbf16, #tpu.memory_space<vmem>>
      %dma_start3A_362 = tpu.memref_squeeze %dma_start3A_361 : memref<1x128x128xbf16, #tpu.memory_space<vmem>> -> memref<128x128xbf16, #tpu.memory_space<vmem>>
      %dma_start3A_363 = arith.constant 0 : i32
      %dma_start3A_364 = tpu.memref_slice %arg7[%dma_start3A_358, %dma_start3A_363] : memref<16x128xi32, #tpu.memory_space<vmem>> -> memref<1x128xi32, #tpu.memory_space<vmem>>
      %dma_start3A_365 = tpu.memref_squeeze %dma_start3A_364 : memref<1x128xi32, #tpu.memory_space<vmem>> -> memref<128xi32, #tpu.memory_space<vmem>>
      %dma_start3A_366 = arith.constant 0 : i32
      %dma_start3A_367 = arith.constant 0 : i32
      %dma_start3A_368 = tpu.memref_slice %arg17[%dma_start3A_366, %dma_start3A_367] : memref<10240x128xbf16, #tpu.memory_space<vmem_shared>> -> memref<10240x128xbf16, #tpu.memory_space<vmem_shared>>
      tpu.enqueue_indirect_dma source(%dma_start3A_362 : memref<128x128xbf16, #tpu.memory_space<vmem>>) target(%dma_start3A_368 : memref<10240x128xbf16, #tpu.memory_space<vmem_shared>>) offsets(%dma_start3A_365 : memref<128xi32, #tpu.memory_space<vmem>>) semaphore(%arg13 : memref<!tpu.dma_semaphore, #tpu.memory_space<semaphore_mem>>) {add = true}
      %dma_wait3A_369 = arith.constant 3 : i32
      %dma_wait3A_370 = arith.constant 0 : i32
      %dma_wait3A_371 = arith.constant 0 : i32
      %dma_wait3A_372 = arith.constant 0 : i32
      %dma_wait3A_373 = tpu.memref_slice %arg8[%dma_wait3A_369, %dma_wait3A_371, %dma_wait3A_372] : memref<4x128x128xbf16, #tpu.memory_space<vmem>> -> memref<1x128x128xbf16, #tpu.memory_space<vmem>>
      %dma_wait3A_374 = tpu.memref_squeeze %dma_wait3A_373 : memref<1x128x128xbf16, #tpu.memory_space<vmem>> -> memref<128x128xbf16, #tpu.memory_space<vmem>>
      %dma_wait3A_375 = arith.constant 0 : i32
      %dma_wait3A_376 = tpu.memref_slice %arg7[%dma_wait3A_370, %dma_wait3A_375] : memref<16x128xi32, #tpu.memory_space<vmem>> -> memref<1x128xi32, #tpu.memory_space<vmem>>
      %dma_wait3A_377 = tpu.memref_squeeze %dma_wait3A_376 : memref<1x128xi32, #tpu.memory_space<vmem>> -> memref<128xi32, #tpu.memory_space<vmem>>
      %dma_wait3A_378 = arith.constant 0 : i32
      %dma_wait3A_379 = arith.constant 0 : i32
      %dma_wait3A_380 = tpu.memref_slice %arg17[%dma_wait3A_378, %dma_wait3A_379] : memref<10240x128xbf16, #tpu.memory_space<vmem_shared>> -> memref<10240x128xbf16, #tpu.memory_space<vmem_shared>>
      tpu.wait_indirect_dma semaphore(%arg16 : memref<!tpu.dma_semaphore, #tpu.memory_space<semaphore_mem>>) src(%dma_wait3A_374 : memref<128x128xbf16, #tpu.memory_space<vmem>>) dst(%dma_wait3A_380 : memref<10240x128xbf16, #tpu.memory_space<vmem_shared>>)
      %dma_start3A_381 = arith.constant 7 : i32
      %dma_start3A_382 = arith.constant 3 : i32
      %dma_start3A_383 = arith.constant 0 : i32
      %dma_start3A_384 = arith.constant 0 : i32
      %dma_start3A_385 = tpu.memref_slice %arg8[%dma_start3A_382, %dma_start3A_383, %dma_start3A_384] : memref<4x128x128xbf16, #tpu.memory_space<vmem>> -> memref<1x128x128xbf16, #tpu.memory_space<vmem>>
      %dma_start3A_386 = tpu.memref_squeeze %dma_start3A_385 : memref<1x128x128xbf16, #tpu.memory_space<vmem>> -> memref<128x128xbf16, #tpu.memory_space<vmem>>
      %dma_start3A_387 = arith.constant 0 : i32
      %dma_start3A_388 = tpu.memref_slice %arg6[%dma_start3A_381, %dma_start3A_387] : memref<16x128xi32, #tpu.memory_space<vmem>> -> memref<1x128xi32, #tpu.memory_space<vmem>>
      %dma_start3A_389 = tpu.memref_squeeze %dma_start3A_388 : memref<1x128xi32, #tpu.memory_space<vmem>> -> memref<128xi32, #tpu.memory_space<vmem>>
      %dma_start3A_390 = arith.constant 0 : i32
      %dma_start3A_391 = arith.constant 0 : i32
      %dma_start3A_392 = tpu.memref_slice %arg2[%dma_start3A_390, %dma_start3A_391] : memref<10000x128xbf16, #tpu.memory_space<hbm>> -> memref<10000x128xbf16, #tpu.memory_space<hbm>>
      tpu.enqueue_indirect_dma source(%dma_start3A_392 : memref<10000x128xbf16, #tpu.memory_space<hbm>>) target(%dma_start3A_386 : memref<128x128xbf16, #tpu.memory_space<vmem>>) offsets(%dma_start3A_389 : memref<128xi32, #tpu.memory_space<vmem>>) semaphore(%arg12 : memref<!tpu.dma_semaphore, #tpu.memory_space<semaphore_mem>>)
      %dma_wait3A_393 = arith.constant 5 : i32
      %dma_wait3A_394 = arith.constant 1 : i32
      %dma_wait3A_395 = arith.constant 0 : i32
      %dma_wait3A_396 = arith.constant 0 : i32
      %dma_wait3A_397 = tpu.memref_slice %arg8[%dma_wait3A_394, %dma_wait3A_395, %dma_wait3A_396] : memref<4x128x128xbf16, #tpu.memory_space<vmem>> -> memref<1x128x128xbf16, #tpu.memory_space<vmem>>
      %dma_wait3A_398 = tpu.memref_squeeze %dma_wait3A_397 : memref<1x128x128xbf16, #tpu.memory_space<vmem>> -> memref<128x128xbf16, #tpu.memory_space<vmem>>
      %dma_wait3A_399 = arith.constant 0 : i32
      %dma_wait3A_400 = tpu.memref_slice %arg6[%dma_wait3A_393, %dma_wait3A_399] : memref<16x128xi32, #tpu.memory_space<vmem>> -> memref<1x128xi32, #tpu.memory_space<vmem>>
      %dma_wait3A_401 = tpu.memref_squeeze %dma_wait3A_400 : memref<1x128xi32, #tpu.memory_space<vmem>> -> memref<128xi32, #tpu.memory_space<vmem>>
      %dma_wait3A_402 = arith.constant 0 : i32
      %dma_wait3A_403 = arith.constant 0 : i32
      %dma_wait3A_404 = tpu.memref_slice %arg2[%dma_wait3A_402, %dma_wait3A_403] : memref<10000x128xbf16, #tpu.memory_space<hbm>> -> memref<10000x128xbf16, #tpu.memory_space<hbm>>
      tpu.wait_indirect_dma semaphore(%arg10 : memref<!tpu.dma_semaphore, #tpu.memory_space<semaphore_mem>>) src(%dma_wait3A_404 : memref<10000x128xbf16, #tpu.memory_space<hbm>>) dst(%dma_wait3A_398 : memref<128x128xbf16, #tpu.memory_space<vmem>>)
      %dma_start3A_405 = arith.constant 1 : i32
      %dma_start3A_406 = arith.constant 5 : i32
      %dma_start3A_407 = arith.constant 0 : i32
      %dma_start3A_408 = arith.constant 0 : i32
      %dma_start3A_409 = tpu.memref_slice %arg8[%dma_start3A_405, %dma_start3A_407, %dma_start3A_408] : memref<4x128x128xbf16, #tpu.memory_space<vmem>> -> memref<1x128x128xbf16, #tpu.memory_space<vmem>>
      %dma_start3A_410 = tpu.memref_squeeze %dma_start3A_409 : memref<1x128x128xbf16, #tpu.memory_space<vmem>> -> memref<128x128xbf16, #tpu.memory_space<vmem>>
      %dma_start3A_411 = arith.constant 0 : i32
      %dma_start3A_412 = tpu.memref_slice %arg7[%dma_start3A_406, %dma_start3A_411] : memref<16x128xi32, #tpu.memory_space<vmem>> -> memref<1x128xi32, #tpu.memory_space<vmem>>
      %dma_start3A_413 = tpu.memref_squeeze %dma_start3A_412 : memref<1x128xi32, #tpu.memory_space<vmem>> -> memref<128xi32, #tpu.memory_space<vmem>>
      %dma_start3A_414 = arith.constant 0 : i32
      %dma_start3A_415 = arith.constant 0 : i32
      %dma_start3A_416 = tpu.memref_slice %arg17[%dma_start3A_414, %dma_start3A_415] : memref<10240x128xbf16, #tpu.memory_space<vmem_shared>> -> memref<10240x128xbf16, #tpu.memory_space<vmem_shared>>
      tpu.enqueue_indirect_dma source(%dma_start3A_410 : memref<128x128xbf16, #tpu.memory_space<vmem>>) target(%dma_start3A_416 : memref<10240x128xbf16, #tpu.memory_space<vmem_shared>>) offsets(%dma_start3A_413 : memref<128xi32, #tpu.memory_space<vmem>>) semaphore(%arg14 : memref<!tpu.dma_semaphore, #tpu.memory_space<semaphore_mem>>) {add = true}
      %dma_wait3A_417 = arith.constant 0 : i32
      %dma_wait3A_418 = arith.constant 0 : i32
      %dma_wait3A_419 = arith.constant 0 : i32
      %dma_wait3A_420 = arith.constant 0 : i32
      %dma_wait3A_421 = tpu.memref_slice %arg8[%dma_wait3A_417, %dma_wait3A_419, %dma_wait3A_420] : memref<4x128x128xbf16, #tpu.memory_space<vmem>> -> memref<1x128x128xbf16, #tpu.memory_space<vmem>>
      %dma_wait3A_422 = tpu.memref_squeeze %dma_wait3A_421 : memref<1x128x128xbf16, #tpu.memory_space<vmem>> -> memref<128x128xbf16, #tpu.memory_space<vmem>>
      %dma_wait3A_423 = arith.constant 0 : i32
      %dma_wait3A_424 = tpu.memref_slice %arg7[%dma_wait3A_418, %dma_wait3A_423] : memref<16x128xi32, #tpu.memory_space<vmem>> -> memref<1x128xi32, #tpu.memory_space<vmem>>
      %dma_wait3A_425 = tpu.memref_squeeze %dma_wait3A_424 : memref<1x128xi32, #tpu.memory_space<vmem>> -> memref<128xi32, #tpu.memory_space<vmem>>
      %dma_wait3A_426 = arith.constant 0 : i32
      %dma_wait3A_427 = arith.constant 0 : i32
      %dma_wait3A_428 = tpu.memref_slice %arg17[%dma_wait3A_426, %dma_wait3A_427] : memref<10240x128xbf16, #tpu.memory_space<vmem_shared>> -> memref<10240x128xbf16, #tpu.memory_space<vmem_shared>>
      tpu.wait_indirect_dma semaphore(%arg13 : memref<!tpu.dma_semaphore, #tpu.memory_space<semaphore_mem>>) src(%dma_wait3A_422 : memref<128x128xbf16, #tpu.memory_space<vmem>>) dst(%dma_wait3A_428 : memref<10240x128xbf16, #tpu.memory_space<vmem_shared>>)
      %dma_start3A_429 = arith.constant 8 : i32
      %dma_start3A_430 = arith.constant 0 : i32
      %dma_start3A_431 = arith.constant 0 : i32
      %dma_start3A_432 = arith.constant 0 : i32
      %dma_start3A_433 = tpu.memref_slice %arg8[%dma_start3A_430, %dma_start3A_431, %dma_start3A_432] : memref<4x128x128xbf16, #tpu.memory_space<vmem>> -> memref<1x128x128xbf16, #tpu.memory_space<vmem>>
      %dma_start3A_434 = tpu.memref_squeeze %dma_start3A_433 : memref<1x128x128xbf16, #tpu.memory_space<vmem>> -> memref<128x128xbf16, #tpu.memory_space<vmem>>
      %dma_start3A_435 = arith.constant 0 : i32
      %dma_start3A_436 = tpu.memref_slice %arg6[%dma_start3A_429, %dma_start3A_435] : memref<16x128xi32, #tpu.memory_space<vmem>> -> memref<1x128xi32, #tpu.memory_space<vmem>>
      %dma_start3A_437 = tpu.memref_squeeze %dma_start3A_436 : memref<1x128xi32, #tpu.memory_space<vmem>> -> memref<128xi32, #tpu.memory_space<vmem>>
      %dma_start3A_438 = arith.constant 0 : i32
      %dma_start3A_439 = arith.constant 0 : i32
      %dma_start3A_440 = tpu.memref_slice %arg2[%dma_start3A_438, %dma_start3A_439] : memref<10000x128xbf16, #tpu.memory_space<hbm>> -> memref<10000x128xbf16, #tpu.memory_space<hbm>>
      tpu.enqueue_indirect_dma source(%dma_start3A_440 : memref<10000x128xbf16, #tpu.memory_space<hbm>>) target(%dma_start3A_434 : memref<128x128xbf16, #tpu.memory_space<vmem>>) offsets(%dma_start3A_437 : memref<128xi32, #tpu.memory_space<vmem>>) semaphore(%arg9 : memref<!tpu.dma_semaphore, #tpu.memory_space<semaphore_mem>>)
      %dma_wait3A_441 = arith.constant 6 : i32
      %dma_wait3A_442 = arith.constant 2 : i32
      %dma_wait3A_443 = arith.constant 0 : i32
      %dma_wait3A_444 = arith.constant 0 : i32
      %dma_wait3A_445 = tpu.memref_slice %arg8[%dma_wait3A_442, %dma_wait3A_443, %dma_wait3A_444] : memref<4x128x128xbf16, #tpu.memory_space<vmem>> -> memref<1x128x128xbf16, #tpu.memory_space<vmem>>
      %dma_wait3A_446 = tpu.memref_squeeze %dma_wait3A_445 : memref<1x128x128xbf16, #tpu.memory_space<vmem>> -> memref<128x128xbf16, #tpu.memory_space<vmem>>
      %dma_wait3A_447 = arith.constant 0 : i32
      %dma_wait3A_448 = tpu.memref_slice %arg6[%dma_wait3A_441, %dma_wait3A_447] : memref<16x128xi32, #tpu.memory_space<vmem>> -> memref<1x128xi32, #tpu.memory_space<vmem>>
      %dma_wait3A_449 = tpu.memref_squeeze %dma_wait3A_448 : memref<1x128xi32, #tpu.memory_space<vmem>> -> memref<128xi32, #tpu.memory_space<vmem>>
      %dma_wait3A_450 = arith.constant 0 : i32
      %dma_wait3A_451 = arith.constant 0 : i32
      %dma_wait3A_452 = tpu.memref_slice %arg2[%dma_wait3A_450, %dma_wait3A_451] : memref<10000x128xbf16, #tpu.memory_space<hbm>> -> memref<10000x128xbf16, #tpu.memory_space<hbm>>
      tpu.wait_indirect_dma semaphore(%arg11 : memref<!tpu.dma_semaphore, #tpu.memory_space<semaphore_mem>>) src(%dma_wait3A_452 : memref<10000x128xbf16, #tpu.memory_space<hbm>>) dst(%dma_wait3A_446 : memref<128x128xbf16, #tpu.memory_space<vmem>>)
      %dma_start3A_453 = arith.constant 2 : i32
      %dma_start3A_454 = arith.constant 6 : i32
      %dma_start3A_455 = arith.constant 0 : i32
      %dma_start3A_456 = arith.constant 0 : i32
      %dma_start3A_457 = tpu.memref_slice %arg8[%dma_start3A_453, %dma_start3A_455, %dma_start3A_456] : memref<4x128x128xbf16, #tpu.memory_space<vmem>> -> memref<1x128x128xbf16, #tpu.memory_space<vmem>>
      %dma_start3A_458 = tpu.memref_squeeze %dma_start3A_457 : memref<1x128x128xbf16, #tpu.memory_space<vmem>> -> memref<128x128xbf16, #tpu.memory_space<vmem>>
      %dma_start3A_459 = arith.constant 0 : i32
      %dma_start3A_460 = tpu.memref_slice %arg7[%dma_start3A_454, %dma_start3A_459] : memref<16x128xi32, #tpu.memory_space<vmem>> -> memref<1x128xi32, #tpu.memory_space<vmem>>
      %dma_start3A_461 = tpu.memref_squeeze %dma_start3A_460 : memref<1x128xi32, #tpu.memory_space<vmem>> -> memref<128xi32, #tpu.memory_space<vmem>>
      %dma_start3A_462 = arith.constant 0 : i32
      %dma_start3A_463 = arith.constant 0 : i32
      %dma_start3A_464 = tpu.memref_slice %arg17[%dma_start3A_462, %dma_start3A_463] : memref<10240x128xbf16, #tpu.memory_space<vmem_shared>> -> memref<10240x128xbf16, #tpu.memory_space<vmem_shared>>
      tpu.enqueue_indirect_dma source(%dma_start3A_458 : memref<128x128xbf16, #tpu.memory_space<vmem>>) target(%dma_start3A_464 : memref<10240x128xbf16, #tpu.memory_space<vmem_shared>>) offsets(%dma_start3A_461 : memref<128xi32, #tpu.memory_space<vmem>>) semaphore(%arg15 : memref<!tpu.dma_semaphore, #tpu.memory_space<semaphore_mem>>) {add = true}
      %dma_wait3A_465 = arith.constant 1 : i32
      %dma_wait3A_466 = arith.constant 0 : i32
      %dma_wait3A_467 = arith.constant 0 : i32
      %dma_wait3A_468 = arith.constant 0 : i32
      %dma_wait3A_469 = tpu.memref_slice %arg8[%dma_wait3A_465, %dma_wait3A_467, %dma_wait3A_468] : memref<4x128x128xbf16, #tpu.memory_space<vmem>> -> memref<1x128x128xbf16, #tpu.memory_space<vmem>>
      %dma_wait3A_470 = tpu.memref_squeeze %dma_wait3A_469 : memref<1x128x128xbf16, #tpu.memory_space<vmem>> -> memref<128x128xbf16, #tpu.memory_space<vmem>>
      %dma_wait3A_471 = arith.constant 0 : i32
      %dma_wait3A_472 = tpu.memref_slice %arg7[%dma_wait3A_466, %dma_wait3A_471] : memref<16x128xi32, #tpu.memory_space<vmem>> -> memref<1x128xi32, #tpu.memory_space<vmem>>
      %dma_wait3A_473 = tpu.memref_squeeze %dma_wait3A_472 : memref<1x128xi32, #tpu.memory_space<vmem>> -> memref<128xi32, #tpu.memory_space<vmem>>
      %dma_wait3A_474 = arith.constant 0 : i32
      %dma_wait3A_475 = arith.constant 0 : i32
      %dma_wait3A_476 = tpu.memref_slice %arg17[%dma_wait3A_474, %dma_wait3A_475] : memref<10240x128xbf16, #tpu.memory_space<vmem_shared>> -> memref<10240x128xbf16, #tpu.memory_space<vmem_shared>>
      tpu.wait_indirect_dma semaphore(%arg14 : memref<!tpu.dma_semaphore, #tpu.memory_space<semaphore_mem>>) src(%dma_wait3A_470 : memref<128x128xbf16, #tpu.memory_space<vmem>>) dst(%dma_wait3A_476 : memref<10240x128xbf16, #tpu.memory_space<vmem_shared>>)
      %dma_start3A_477 = arith.constant 9 : i32
      %dma_start3A_478 = arith.constant 1 : i32
      %dma_start3A_479 = arith.constant 0 : i32
      %dma_start3A_480 = arith.constant 0 : i32
      %dma_start3A_481 = tpu.memref_slice %arg8[%dma_start3A_478, %dma_start3A_479, %dma_start3A_480] : memref<4x128x128xbf16, #tpu.memory_space<vmem>> -> memref<1x128x128xbf16, #tpu.memory_space<vmem>>
      %dma_start3A_482 = tpu.memref_squeeze %dma_start3A_481 : memref<1x128x128xbf16, #tpu.memory_space<vmem>> -> memref<128x128xbf16, #tpu.memory_space<vmem>>
      %dma_start3A_483 = arith.constant 0 : i32
      %dma_start3A_484 = tpu.memref_slice %arg6[%dma_start3A_477, %dma_start3A_483] : memref<16x128xi32, #tpu.memory_space<vmem>> -> memref<1x128xi32, #tpu.memory_space<vmem>>
      %dma_start3A_485 = tpu.memref_squeeze %dma_start3A_484 : memref<1x128xi32, #tpu.memory_space<vmem>> -> memref<128xi32, #tpu.memory_space<vmem>>
      %dma_start3A_486 = arith.constant 0 : i32
      %dma_start3A_487 = arith.constant 0 : i32
      %dma_start3A_488 = tpu.memref_slice %arg2[%dma_start3A_486, %dma_start3A_487] : memref<10000x128xbf16, #tpu.memory_space<hbm>> -> memref<10000x128xbf16, #tpu.memory_space<hbm>>
      tpu.enqueue_indirect_dma source(%dma_start3A_488 : memref<10000x128xbf16, #tpu.memory_space<hbm>>) target(%dma_start3A_482 : memref<128x128xbf16, #tpu.memory_space<vmem>>) offsets(%dma_start3A_485 : memref<128xi32, #tpu.memory_space<vmem>>) semaphore(%arg10 : memref<!tpu.dma_semaphore, #tpu.memory_space<semaphore_mem>>)
      %dma_wait3A_489 = arith.constant 7 : i32
      %dma_wait3A_490 = arith.constant 3 : i32
      %dma_wait3A_491 = arith.constant 0 : i32
      %dma_wait3A_492 = arith.constant 0 : i32
      %dma_wait3A_493 = tpu.memref_slice %arg8[%dma_wait3A_490, %dma_wait3A_491, %dma_wait3A_492] : memref<4x128x128xbf16, #tpu.memory_space<vmem>> -> memref<1x128x128xbf16, #tpu.memory_space<vmem>>
      %dma_wait3A_494 = tpu.memref_squeeze %dma_wait3A_493 : memref<1x128x128xbf16, #tpu.memory_space<vmem>> -> memref<128x128xbf16, #tpu.memory_space<vmem>>
      %dma_wait3A_495 = arith.constant 0 : i32
      %dma_wait3A_496 = tpu.memref_slice %arg6[%dma_wait3A_489, %dma_wait3A_495] : memref<16x128xi32, #tpu.memory_space<vmem>> -> memref<1x128xi32, #tpu.memory_space<vmem>>
      %dma_wait3A_497 = tpu.memref_squeeze %dma_wait3A_496 : memref<1x128xi32, #tpu.memory_space<vmem>> -> memref<128xi32, #tpu.memory_space<vmem>>
      %dma_wait3A_498 = arith.constant 0 : i32
      %dma_wait3A_499 = arith.constant 0 : i32
      %dma_wait3A_500 = tpu.memref_slice %arg2[%dma_wait3A_498, %dma_wait3A_499] : memref<10000x128xbf16, #tpu.memory_space<hbm>> -> memref<10000x128xbf16, #tpu.memory_space<hbm>>
      tpu.wait_indirect_dma semaphore(%arg12 : memref<!tpu.dma_semaphore, #tpu.memory_space<semaphore_mem>>) src(%dma_wait3A_500 : memref<10000x128xbf16, #tpu.memory_space<hbm>>) dst(%dma_wait3A_494 : memref<128x128xbf16, #tpu.memory_space<vmem>>)
      %dma_start3A_501 = arith.constant 3 : i32
      %dma_start3A_502 = arith.constant 7 : i32
      %dma_start3A_503 = arith.constant 0 : i32
      %dma_start3A_504 = arith.constant 0 : i32
      %dma_start3A_505 = tpu.memref_slice %arg8[%dma_start3A_501, %dma_start3A_503, %dma_start3A_504] : memref<4x128x128xbf16, #tpu.memory_space<vmem>> -> memref<1x128x128xbf16, #tpu.memory_space<vmem>>
      %dma_start3A_506 = tpu.memref_squeeze %dma_start3A_505 : memref<1x128x128xbf16, #tpu.memory_space<vmem>> -> memref<128x128xbf16, #tpu.memory_space<vmem>>
      %dma_start3A_507 = arith.constant 0 : i32
      %dma_start3A_508 = tpu.memref_slice %arg7[%dma_start3A_502, %dma_start3A_507] : memref<16x128xi32, #tpu.memory_space<vmem>> -> memref<1x128xi32, #tpu.memory_space<vmem>>
      %dma_start3A_509 = tpu.memref_squeeze %dma_start3A_508 : memref<1x128xi32, #tpu.memory_space<vmem>> -> memref<128xi32, #tpu.memory_space<vmem>>
      %dma_start3A_510 = arith.constant 0 : i32
      %dma_start3A_511 = arith.constant 0 : i32
      %dma_start3A_512 = tpu.memref_slice %arg17[%dma_start3A_510, %dma_start3A_511] : memref<10240x128xbf16, #tpu.memory_space<vmem_shared>> -> memref<10240x128xbf16, #tpu.memory_space<vmem_shared>>
      tpu.enqueue_indirect_dma source(%dma_start3A_506 : memref<128x128xbf16, #tpu.memory_space<vmem>>) target(%dma_start3A_512 : memref<10240x128xbf16, #tpu.memory_space<vmem_shared>>) offsets(%dma_start3A_509 : memref<128xi32, #tpu.memory_space<vmem>>) semaphore(%arg16 : memref<!tpu.dma_semaphore, #tpu.memory_space<semaphore_mem>>) {add = true}
      %dma_wait3A_513 = arith.constant 2 : i32
      %dma_wait3A_514 = arith.constant 0 : i32
      %dma_wait3A_515 = arith.constant 0 : i32
      %dma_wait3A_516 = arith.constant 0 : i32
      %dma_wait3A_517 = tpu.memref_slice %arg8[%dma_wait3A_513, %dma_wait3A_515, %dma_wait3A_516] : memref<4x128x128xbf16, #tpu.memory_space<vmem>> -> memref<1x128x128xbf16, #tpu.memory_space<vmem>>
      %dma_wait3A_518 = tpu.memref_squeeze %dma_wait3A_517 : memref<1x128x128xbf16, #tpu.memory_space<vmem>> -> memref<128x128xbf16, #tpu.memory_space<vmem>>
      %dma_wait3A_519 = arith.constant 0 : i32
      %dma_wait3A_520 = tpu.memref_slice %arg7[%dma_wait3A_514, %dma_wait3A_519] : memref<16x128xi32, #tpu.memory_space<vmem>> -> memref<1x128xi32, #tpu.memory_space<vmem>>
      %dma_wait3A_521 = tpu.memref_squeeze %dma_wait3A_520 : memref<1x128xi32, #tpu.memory_space<vmem>> -> memref<128xi32, #tpu.memory_space<vmem>>
      %dma_wait3A_522 = arith.constant 0 : i32
      %dma_wait3A_523 = arith.constant 0 : i32
      %dma_wait3A_524 = tpu.memref_slice %arg17[%dma_wait3A_522, %dma_wait3A_523] : memref<10240x128xbf16, #tpu.memory_space<vmem_shared>> -> memref<10240x128xbf16, #tpu.memory_space<vmem_shared>>
      tpu.wait_indirect_dma semaphore(%arg15 : memref<!tpu.dma_semaphore, #tpu.memory_space<semaphore_mem>>) src(%dma_wait3A_518 : memref<128x128xbf16, #tpu.memory_space<vmem>>) dst(%dma_wait3A_524 : memref<10240x128xbf16, #tpu.memory_space<vmem_shared>>)
      %dma_start3A_525 = arith.constant 10 : i32
      %dma_start3A_526 = arith.constant 2 : i32
      %dma_start3A_527 = arith.constant 0 : i32
      %dma_start3A_528 = arith.constant 0 : i32
      %dma_start3A_529 = tpu.memref_slice %arg8[%dma_start3A_526, %dma_start3A_527, %dma_start3A_528] : memref<4x128x128xbf16, #tpu.memory_space<vmem>> -> memref<1x128x128xbf16, #tpu.memory_space<vmem>>
      %dma_start3A_530 = tpu.memref_squeeze %dma_start3A_529 : memref<1x128x128xbf16, #tpu.memory_space<vmem>> -> memref<128x128xbf16, #tpu.memory_space<vmem>>
      %dma_start3A_531 = arith.constant 0 : i32
      %dma_start3A_532 = tpu.memref_slice %arg6[%dma_start3A_525, %dma_start3A_531] : memref<16x128xi32, #tpu.memory_space<vmem>> -> memref<1x128xi32, #tpu.memory_space<vmem>>
      %dma_start3A_533 = tpu.memref_squeeze %dma_start3A_532 : memref<1x128xi32, #tpu.memory_space<vmem>> -> memref<128xi32, #tpu.memory_space<vmem>>
      %dma_start3A_534 = arith.constant 0 : i32
      %dma_start3A_535 = arith.constant 0 : i32
      %dma_start3A_536 = tpu.memref_slice %arg2[%dma_start3A_534, %dma_start3A_535] : memref<10000x128xbf16, #tpu.memory_space<hbm>> -> memref<10000x128xbf16, #tpu.memory_space<hbm>>
      tpu.enqueue_indirect_dma source(%dma_start3A_536 : memref<10000x128xbf16, #tpu.memory_space<hbm>>) target(%dma_start3A_530 : memref<128x128xbf16, #tpu.memory_space<vmem>>) offsets(%dma_start3A_533 : memref<128xi32, #tpu.memory_space<vmem>>) semaphore(%arg11 : memref<!tpu.dma_semaphore, #tpu.memory_space<semaphore_mem>>)
      %dma_wait3A_537 = arith.constant 8 : i32
      %dma_wait3A_538 = arith.constant 0 : i32
      %dma_wait3A_539 = arith.constant 0 : i32
      %dma_wait3A_540 = arith.constant 0 : i32
      %dma_wait3A_541 = tpu.memref_slice %arg8[%dma_wait3A_538, %dma_wait3A_539, %dma_wait3A_540] : memref<4x128x128xbf16, #tpu.memory_space<vmem>> -> memref<1x128x128xbf16, #tpu.memory_space<vmem>>
      %dma_wait3A_542 = tpu.memref_squeeze %dma_wait3A_541 : memref<1x128x128xbf16, #tpu.memory_space<vmem>> -> memref<128x128xbf16, #tpu.memory_space<vmem>>
      %dma_wait3A_543 = arith.constant 0 : i32
      %dma_wait3A_544 = tpu.memref_slice %arg6[%dma_wait3A_537, %dma_wait3A_543] : memref<16x128xi32, #tpu.memory_space<vmem>> -> memref<1x128xi32, #tpu.memory_space<vmem>>
      %dma_wait3A_545 = tpu.memref_squeeze %dma_wait3A_544 : memref<1x128xi32, #tpu.memory_space<vmem>> -> memref<128xi32, #tpu.memory_space<vmem>>
      %dma_wait3A_546 = arith.constant 0 : i32
      %dma_wait3A_547 = arith.constant 0 : i32
      %dma_wait3A_548 = tpu.memref_slice %arg2[%dma_wait3A_546, %dma_wait3A_547] : memref<10000x128xbf16, #tpu.memory_space<hbm>> -> memref<10000x128xbf16, #tpu.memory_space<hbm>>
      tpu.wait_indirect_dma semaphore(%arg9 : memref<!tpu.dma_semaphore, #tpu.memory_space<semaphore_mem>>) src(%dma_wait3A_548 : memref<10000x128xbf16, #tpu.memory_space<hbm>>) dst(%dma_wait3A_542 : memref<128x128xbf16, #tpu.memory_space<vmem>>)
      %dma_start3A_549 = arith.constant 0 : i32
      %dma_start3A_550 = arith.constant 8 : i32
      %dma_start3A_551 = arith.constant 0 : i32
      %dma_start3A_552 = arith.constant 0 : i32
      %dma_start3A_553 = tpu.memref_slice %arg8[%dma_start3A_549, %dma_start3A_551, %dma_start3A_552] : memref<4x128x128xbf16, #tpu.memory_space<vmem>> -> memref<1x128x128xbf16, #tpu.memory_space<vmem>>
      %dma_start3A_554 = tpu.memref_squeeze %dma_start3A_553 : memref<1x128x128xbf16, #tpu.memory_space<vmem>> -> memref<128x128xbf16, #tpu.memory_space<vmem>>
      %dma_start3A_555 = arith.constant 0 : i32
      %dma_start3A_556 = tpu.memref_slice %arg7[%dma_start3A_550, %dma_start3A_555] : memref<16x128xi32, #tpu.memory_space<vmem>> -> memref<1x128xi32, #tpu.memory_space<vmem>>
      %dma_start3A_557 = tpu.memref_squeeze %dma_start3A_556 : memref<1x128xi32, #tpu.memory_space<vmem>> -> memref<128xi32, #tpu.memory_space<vmem>>
      %dma_start3A_558 = arith.constant 0 : i32
      %dma_start3A_559 = arith.constant 0 : i32
      %dma_start3A_560 = tpu.memref_slice %arg17[%dma_start3A_558, %dma_start3A_559] : memref<10240x128xbf16, #tpu.memory_space<vmem_shared>> -> memref<10240x128xbf16, #tpu.memory_space<vmem_shared>>
      tpu.enqueue_indirect_dma source(%dma_start3A_554 : memref<128x128xbf16, #tpu.memory_space<vmem>>) target(%dma_start3A_560 : memref<10240x128xbf16, #tpu.memory_space<vmem_shared>>) offsets(%dma_start3A_557 : memref<128xi32, #tpu.memory_space<vmem>>) semaphore(%arg13 : memref<!tpu.dma_semaphore, #tpu.memory_space<semaphore_mem>>) {add = true}
      %dma_wait3A_561 = arith.constant 3 : i32
      %dma_wait3A_562 = arith.constant 0 : i32
      %dma_wait3A_563 = arith.constant 0 : i32
      %dma_wait3A_564 = arith.constant 0 : i32
      %dma_wait3A_565 = tpu.memref_slice %arg8[%dma_wait3A_561, %dma_wait3A_563, %dma_wait3A_564] : memref<4x128x128xbf16, #tpu.memory_space<vmem>> -> memref<1x128x128xbf16, #tpu.memory_space<vmem>>
      %dma_wait3A_566 = tpu.memref_squeeze %dma_wait3A_565 : memref<1x128x128xbf16, #tpu.memory_space<vmem>> -> memref<128x128xbf16, #tpu.memory_space<vmem>>
      %dma_wait3A_567 = arith.constant 0 : i32
      %dma_wait3A_568 = tpu.memref_slice %arg7[%dma_wait3A_562, %dma_wait3A_567] : memref<16x128xi32, #tpu.memory_space<vmem>> -> memref<1x128xi32, #tpu.memory_space<vmem>>
      %dma_wait3A_569 = tpu.memref_squeeze %dma_wait3A_568 : memref<1x128xi32, #tpu.memory_space<vmem>> -> memref<128xi32, #tpu.memory_space<vmem>>
      %dma_wait3A_570 = arith.constant 0 : i32
      %dma_wait3A_571 = arith.constant 0 : i32
      %dma_wait3A_572 = tpu.memref_slice %arg17[%dma_wait3A_570, %dma_wait3A_571] : memref<10240x128xbf16, #tpu.memory_space<vmem_shared>> -> memref<10240x128xbf16, #tpu.memory_space<vmem_shared>>
      tpu.wait_indirect_dma semaphore(%arg16 : memref<!tpu.dma_semaphore, #tpu.memory_space<semaphore_mem>>) src(%dma_wait3A_566 : memref<128x128xbf16, #tpu.memory_space<vmem>>) dst(%dma_wait3A_572 : memref<10240x128xbf16, #tpu.memory_space<vmem_shared>>)
      %dma_start3A_573 = arith.constant 11 : i32
      %dma_start3A_574 = arith.constant 3 : i32
      %dma_start3A_575 = arith.constant 0 : i32
      %dma_start3A_576 = arith.constant 0 : i32
      %dma_start3A_577 = tpu.memref_slice %arg8[%dma_start3A_574, %dma_start3A_575, %dma_start3A_576] : memref<4x128x128xbf16, #tpu.memory_space<vmem>> -> memref<1x128x128xbf16, #tpu.memory_space<vmem>>
      %dma_start3A_578 = tpu.memref_squeeze %dma_start3A_577 : memref<1x128x128xbf16, #tpu.memory_space<vmem>> -> memref<128x128xbf16, #tpu.memory_space<vmem>>
      %dma_start3A_579 = arith.constant 0 : i32
      %dma_start3A_580 = tpu.memref_slice %arg6[%dma_start3A_573, %dma_start3A_579] : memref<16x128xi32, #tpu.memory_space<vmem>> -> memref<1x128xi32, #tpu.memory_space<vmem>>
      %dma_start3A_581 = tpu.memref_squeeze %dma_start3A_580 : memref<1x128xi32, #tpu.memory_space<vmem>> -> memref<128xi32, #tpu.memory_space<vmem>>
      %dma_start3A_582 = arith.constant 0 : i32
      %dma_start3A_583 = arith.constant 0 : i32
      %dma_start3A_584 = tpu.memref_slice %arg2[%dma_start3A_582, %dma_start3A_583] : memref<10000x128xbf16, #tpu.memory_space<hbm>> -> memref<10000x128xbf16, #tpu.memory_space<hbm>>
      tpu.enqueue_indirect_dma source(%dma_start3A_584 : memref<10000x128xbf16, #tpu.memory_space<hbm>>) target(%dma_start3A_578 : memref<128x128xbf16, #tpu.memory_space<vmem>>) offsets(%dma_start3A_581 : memref<128xi32, #tpu.memory_space<vmem>>) semaphore(%arg12 : memref<!tpu.dma_semaphore, #tpu.memory_space<semaphore_mem>>)
      %dma_wait3A_585 = arith.constant 9 : i32
      %dma_wait3A_586 = arith.constant 1 : i32
      %dma_wait3A_587 = arith.constant 0 : i32
      %dma_wait3A_588 = arith.constant 0 : i32
      %dma_wait3A_589 = tpu.memref_slice %arg8[%dma_wait3A_586, %dma_wait3A_587, %dma_wait3A_588] : memref<4x128x128xbf16, #tpu.memory_space<vmem>> -> memref<1x128x128xbf16, #tpu.memory_space<vmem>>
      %dma_wait3A_590 = tpu.memref_squeeze %dma_wait3A_589 : memref<1x128x128xbf16, #tpu.memory_space<vmem>> -> memref<128x128xbf16, #tpu.memory_space<vmem>>
      %dma_wait3A_591 = arith.constant 0 : i32
      %dma_wait3A_592 = tpu.memref_slice %arg6[%dma_wait3A_585, %dma_wait3A_591] : memref<16x128xi32, #tpu.memory_space<vmem>> -> memref<1x128xi32, #tpu.memory_space<vmem>>
      %dma_wait3A_593 = tpu.memref_squeeze %dma_wait3A_592 : memref<1x128xi32, #tpu.memory_space<vmem>> -> memref<128xi32, #tpu.memory_space<vmem>>
      %dma_wait3A_594 = arith.constant 0 : i32
      %dma_wait3A_595 = arith.constant 0 : i32
      %dma_wait3A_596 = tpu.memref_slice %arg2[%dma_wait3A_594, %dma_wait3A_595] : memref<10000x128xbf16, #tpu.memory_space<hbm>> -> memref<10000x128xbf16, #tpu.memory_space<hbm>>
      tpu.wait_indirect_dma semaphore(%arg10 : memref<!tpu.dma_semaphore, #tpu.memory_space<semaphore_mem>>) src(%dma_wait3A_596 : memref<10000x128xbf16, #tpu.memory_space<hbm>>) dst(%dma_wait3A_590 : memref<128x128xbf16, #tpu.memory_space<vmem>>)
      %dma_start3A_597 = arith.constant 1 : i32
      %dma_start3A_598 = arith.constant 9 : i32
      %dma_start3A_599 = arith.constant 0 : i32
      %dma_start3A_600 = arith.constant 0 : i32
      %dma_start3A_601 = tpu.memref_slice %arg8[%dma_start3A_597, %dma_start3A_599, %dma_start3A_600] : memref<4x128x128xbf16, #tpu.memory_space<vmem>> -> memref<1x128x128xbf16, #tpu.memory_space<vmem>>
      %dma_start3A_602 = tpu.memref_squeeze %dma_start3A_601 : memref<1x128x128xbf16, #tpu.memory_space<vmem>> -> memref<128x128xbf16, #tpu.memory_space<vmem>>
      %dma_start3A_603 = arith.constant 0 : i32
      %dma_start3A_604 = tpu.memref_slice %arg7[%dma_start3A_598, %dma_start3A_603] : memref<16x128xi32, #tpu.memory_space<vmem>> -> memref<1x128xi32, #tpu.memory_space<vmem>>
      %dma_start3A_605 = tpu.memref_squeeze %dma_start3A_604 : memref<1x128xi32, #tpu.memory_space<vmem>> -> memref<128xi32, #tpu.memory_space<vmem>>
      %dma_start3A_606 = arith.constant 0 : i32
      %dma_start3A_607 = arith.constant 0 : i32
      %dma_start3A_608 = tpu.memref_slice %arg17[%dma_start3A_606, %dma_start3A_607] : memref<10240x128xbf16, #tpu.memory_space<vmem_shared>> -> memref<10240x128xbf16, #tpu.memory_space<vmem_shared>>
      tpu.enqueue_indirect_dma source(%dma_start3A_602 : memref<128x128xbf16, #tpu.memory_space<vmem>>) target(%dma_start3A_608 : memref<10240x128xbf16, #tpu.memory_space<vmem_shared>>) offsets(%dma_start3A_605 : memref<128xi32, #tpu.memory_space<vmem>>) semaphore(%arg14 : memref<!tpu.dma_semaphore, #tpu.memory_space<semaphore_mem>>) {add = true}
      %dma_wait3A_609 = arith.constant 0 : i32
      %dma_wait3A_610 = arith.constant 0 : i32
      %dma_wait3A_611 = arith.constant 0 : i32
      %dma_wait3A_612 = arith.constant 0 : i32
      %dma_wait3A_613 = tpu.memref_slice %arg8[%dma_wait3A_609, %dma_wait3A_611, %dma_wait3A_612] : memref<4x128x128xbf16, #tpu.memory_space<vmem>> -> memref<1x128x128xbf16, #tpu.memory_space<vmem>>
      %dma_wait3A_614 = tpu.memref_squeeze %dma_wait3A_613 : memref<1x128x128xbf16, #tpu.memory_space<vmem>> -> memref<128x128xbf16, #tpu.memory_space<vmem>>
      %dma_wait3A_615 = arith.constant 0 : i32
      %dma_wait3A_616 = tpu.memref_slice %arg7[%dma_wait3A_610, %dma_wait3A_615] : memref<16x128xi32, #tpu.memory_space<vmem>> -> memref<1x128xi32, #tpu.memory_space<vmem>>
      %dma_wait3A_617 = tpu.memref_squeeze %dma_wait3A_616 : memref<1x128xi32, #tpu.memory_space<vmem>> -> memref<128xi32, #tpu.memory_space<vmem>>
      %dma_wait3A_618 = arith.constant 0 : i32
      %dma_wait3A_619 = arith.constant 0 : i32
      %dma_wait3A_620 = tpu.memref_slice %arg17[%dma_wait3A_618, %dma_wait3A_619] : memref<10240x128xbf16, #tpu.memory_space<vmem_shared>> -> memref<10240x128xbf16, #tpu.memory_space<vmem_shared>>
      tpu.wait_indirect_dma semaphore(%arg13 : memref<!tpu.dma_semaphore, #tpu.memory_space<semaphore_mem>>) src(%dma_wait3A_614 : memref<128x128xbf16, #tpu.memory_space<vmem>>) dst(%dma_wait3A_620 : memref<10240x128xbf16, #tpu.memory_space<vmem_shared>>)
      %dma_start3A_621 = arith.constant 12 : i32
      %dma_start3A_622 = arith.constant 0 : i32
      %dma_start3A_623 = arith.constant 0 : i32
      %dma_start3A_624 = arith.constant 0 : i32
      %dma_start3A_625 = tpu.memref_slice %arg8[%dma_start3A_622, %dma_start3A_623, %dma_start3A_624] : memref<4x128x128xbf16, #tpu.memory_space<vmem>> -> memref<1x128x128xbf16, #tpu.memory_space<vmem>>
      %dma_start3A_626 = tpu.memref_squeeze %dma_start3A_625 : memref<1x128x128xbf16, #tpu.memory_space<vmem>> -> memref<128x128xbf16, #tpu.memory_space<vmem>>
      %dma_start3A_627 = arith.constant 0 : i32
      %dma_start3A_628 = tpu.memref_slice %arg6[%dma_start3A_621, %dma_start3A_627] : memref<16x128xi32, #tpu.memory_space<vmem>> -> memref<1x128xi32, #tpu.memory_space<vmem>>
      %dma_start3A_629 = tpu.memref_squeeze %dma_start3A_628 : memref<1x128xi32, #tpu.memory_space<vmem>> -> memref<128xi32, #tpu.memory_space<vmem>>
      %dma_start3A_630 = arith.constant 0 : i32
      %dma_start3A_631 = arith.constant 0 : i32
      %dma_start3A_632 = tpu.memref_slice %arg2[%dma_start3A_630, %dma_start3A_631] : memref<10000x128xbf16, #tpu.memory_space<hbm>> -> memref<10000x128xbf16, #tpu.memory_space<hbm>>
      tpu.enqueue_indirect_dma source(%dma_start3A_632 : memref<10000x128xbf16, #tpu.memory_space<hbm>>) target(%dma_start3A_626 : memref<128x128xbf16, #tpu.memory_space<vmem>>) offsets(%dma_start3A_629 : memref<128xi32, #tpu.memory_space<vmem>>) semaphore(%arg9 : memref<!tpu.dma_semaphore, #tpu.memory_space<semaphore_mem>>)
      %dma_wait3A_633 = arith.constant 10 : i32
      %dma_wait3A_634 = arith.constant 2 : i32
      %dma_wait3A_635 = arith.constant 0 : i32
      %dma_wait3A_636 = arith.constant 0 : i32
      %dma_wait3A_637 = tpu.memref_slice %arg8[%dma_wait3A_634, %dma_wait3A_635, %dma_wait3A_636] : memref<4x128x128xbf16, #tpu.memory_space<vmem>> -> memref<1x128x128xbf16, #tpu.memory_space<vmem>>
      %dma_wait3A_638 = tpu.memref_squeeze %dma_wait3A_637 : memref<1x128x128xbf16, #tpu.memory_space<vmem>> -> memref<128x128xbf16, #tpu.memory_space<vmem>>
      %dma_wait3A_639 = arith.constant 0 : i32
      %dma_wait3A_640 = tpu.memref_slice %arg6[%dma_wait3A_633, %dma_wait3A_639] : memref<16x128xi32, #tpu.memory_space<vmem>> -> memref<1x128xi32, #tpu.memory_space<vmem>>
      %dma_wait3A_641 = tpu.memref_squeeze %dma_wait3A_640 : memref<1x128xi32, #tpu.memory_space<vmem>> -> memref<128xi32, #tpu.memory_space<vmem>>
      %dma_wait3A_642 = arith.constant 0 : i32
      %dma_wait3A_643 = arith.constant 0 : i32
      %dma_wait3A_644 = tpu.memref_slice %arg2[%dma_wait3A_642, %dma_wait3A_643] : memref<10000x128xbf16, #tpu.memory_space<hbm>> -> memref<10000x128xbf16, #tpu.memory_space<hbm>>
      tpu.wait_indirect_dma semaphore(%arg11 : memref<!tpu.dma_semaphore, #tpu.memory_space<semaphore_mem>>) src(%dma_wait3A_644 : memref<10000x128xbf16, #tpu.memory_space<hbm>>) dst(%dma_wait3A_638 : memref<128x128xbf16, #tpu.memory_space<vmem>>)
      %dma_start3A_645 = arith.constant 2 : i32
      %dma_start3A_646 = arith.constant 10 : i32
      %dma_start3A_647 = arith.constant 0 : i32
      %dma_start3A_648 = arith.constant 0 : i32
      %dma_start3A_649 = tpu.memref_slice %arg8[%dma_start3A_645, %dma_start3A_647, %dma_start3A_648] : memref<4x128x128xbf16, #tpu.memory_space<vmem>> -> memref<1x128x128xbf16, #tpu.memory_space<vmem>>
      %dma_start3A_650 = tpu.memref_squeeze %dma_start3A_649 : memref<1x128x128xbf16, #tpu.memory_space<vmem>> -> memref<128x128xbf16, #tpu.memory_space<vmem>>
      %dma_start3A_651 = arith.constant 0 : i32
      %dma_start3A_652 = tpu.memref_slice %arg7[%dma_start3A_646, %dma_start3A_651] : memref<16x128xi32, #tpu.memory_space<vmem>> -> memref<1x128xi32, #tpu.memory_space<vmem>>
      %dma_start3A_653 = tpu.memref_squeeze %dma_start3A_652 : memref<1x128xi32, #tpu.memory_space<vmem>> -> memref<128xi32, #tpu.memory_space<vmem>>
      %dma_start3A_654 = arith.constant 0 : i32
      %dma_start3A_655 = arith.constant 0 : i32
      %dma_start3A_656 = tpu.memref_slice %arg17[%dma_start3A_654, %dma_start3A_655] : memref<10240x128xbf16, #tpu.memory_space<vmem_shared>> -> memref<10240x128xbf16, #tpu.memory_space<vmem_shared>>
      tpu.enqueue_indirect_dma source(%dma_start3A_650 : memref<128x128xbf16, #tpu.memory_space<vmem>>) target(%dma_start3A_656 : memref<10240x128xbf16, #tpu.memory_space<vmem_shared>>) offsets(%dma_start3A_653 : memref<128xi32, #tpu.memory_space<vmem>>) semaphore(%arg15 : memref<!tpu.dma_semaphore, #tpu.memory_space<semaphore_mem>>) {add = true}
      %dma_wait3A_657 = arith.constant 1 : i32
      %dma_wait3A_658 = arith.constant 0 : i32
      %dma_wait3A_659 = arith.constant 0 : i32
      %dma_wait3A_660 = arith.constant 0 : i32
      %dma_wait3A_661 = tpu.memref_slice %arg8[%dma_wait3A_657, %dma_wait3A_659, %dma_wait3A_660] : memref<4x128x128xbf16, #tpu.memory_space<vmem>> -> memref<1x128x128xbf16, #tpu.memory_space<vmem>>
      %dma_wait3A_662 = tpu.memref_squeeze %dma_wait3A_661 : memref<1x128x128xbf16, #tpu.memory_space<vmem>> -> memref<128x128xbf16, #tpu.memory_space<vmem>>
      %dma_wait3A_663 = arith.constant 0 : i32
      %dma_wait3A_664 = tpu.memref_slice %arg7[%dma_wait3A_658, %dma_wait3A_663] : memref<16x128xi32, #tpu.memory_space<vmem>> -> memref<1x128xi32, #tpu.memory_space<vmem>>
      %dma_wait3A_665 = tpu.memref_squeeze %dma_wait3A_664 : memref<1x128xi32, #tpu.memory_space<vmem>> -> memref<128xi32, #tpu.memory_space<vmem>>
      %dma_wait3A_666 = arith.constant 0 : i32
      %dma_wait3A_667 = arith.constant 0 : i32
      %dma_wait3A_668 = tpu.memref_slice %arg17[%dma_wait3A_666, %dma_wait3A_667] : memref<10240x128xbf16, #tpu.memory_space<vmem_shared>> -> memref<10240x128xbf16, #tpu.memory_space<vmem_shared>>
      tpu.wait_indirect_dma semaphore(%arg14 : memref<!tpu.dma_semaphore, #tpu.memory_space<semaphore_mem>>) src(%dma_wait3A_662 : memref<128x128xbf16, #tpu.memory_space<vmem>>) dst(%dma_wait3A_668 : memref<10240x128xbf16, #tpu.memory_space<vmem_shared>>)
      %dma_start3A_669 = arith.constant 13 : i32
      %dma_start3A_670 = arith.constant 1 : i32
      %dma_start3A_671 = arith.constant 0 : i32
      %dma_start3A_672 = arith.constant 0 : i32
      %dma_start3A_673 = tpu.memref_slice %arg8[%dma_start3A_670, %dma_start3A_671, %dma_start3A_672] : memref<4x128x128xbf16, #tpu.memory_space<vmem>> -> memref<1x128x128xbf16, #tpu.memory_space<vmem>>
      %dma_start3A_674 = tpu.memref_squeeze %dma_start3A_673 : memref<1x128x128xbf16, #tpu.memory_space<vmem>> -> memref<128x128xbf16, #tpu.memory_space<vmem>>
      %dma_start3A_675 = arith.constant 0 : i32
      %dma_start3A_676 = tpu.memref_slice %arg6[%dma_start3A_669, %dma_start3A_675] : memref<16x128xi32, #tpu.memory_space<vmem>> -> memref<1x128xi32, #tpu.memory_space<vmem>>
      %dma_start3A_677 = tpu.memref_squeeze %dma_start3A_676 : memref<1x128xi32, #tpu.memory_space<vmem>> -> memref<128xi32, #tpu.memory_space<vmem>>
      %dma_start3A_678 = arith.constant 0 : i32
      %dma_start3A_679 = arith.constant 0 : i32
      %dma_start3A_680 = tpu.memref_slice %arg2[%dma_start3A_678, %dma_start3A_679] : memref<10000x128xbf16, #tpu.memory_space<hbm>> -> memref<10000x128xbf16, #tpu.memory_space<hbm>>
      tpu.enqueue_indirect_dma source(%dma_start3A_680 : memref<10000x128xbf16, #tpu.memory_space<hbm>>) target(%dma_start3A_674 : memref<128x128xbf16, #tpu.memory_space<vmem>>) offsets(%dma_start3A_677 : memref<128xi32, #tpu.memory_space<vmem>>) semaphore(%arg10 : memref<!tpu.dma_semaphore, #tpu.memory_space<semaphore_mem>>)
      %dma_wait3A_681 = arith.constant 11 : i32
      %dma_wait3A_682 = arith.constant 3 : i32
      %dma_wait3A_683 = arith.constant 0 : i32
      %dma_wait3A_684 = arith.constant 0 : i32
      %dma_wait3A_685 = tpu.memref_slice %arg8[%dma_wait3A_682, %dma_wait3A_683, %dma_wait3A_684] : memref<4x128x128xbf16, #tpu.memory_space<vmem>> -> memref<1x128x128xbf16, #tpu.memory_space<vmem>>
      %dma_wait3A_686 = tpu.memref_squeeze %dma_wait3A_685 : memref<1x128x128xbf16, #tpu.memory_space<vmem>> -> memref<128x128xbf16, #tpu.memory_space<vmem>>
      %dma_wait3A_687 = arith.constant 0 : i32
      %dma_wait3A_688 = tpu.memref_slice %arg6[%dma_wait3A_681, %dma_wait3A_687] : memref<16x128xi32, #tpu.memory_space<vmem>> -> memref<1x128xi32, #tpu.memory_space<vmem>>
      %dma_wait3A_689 = tpu.memref_squeeze %dma_wait3A_688 : memref<1x128xi32, #tpu.memory_space<vmem>> -> memref<128xi32, #tpu.memory_space<vmem>>
      %dma_wait3A_690 = arith.constant 0 : i32
      %dma_wait3A_691 = arith.constant 0 : i32
      %dma_wait3A_692 = tpu.memref_slice %arg2[%dma_wait3A_690, %dma_wait3A_691] : memref<10000x128xbf16, #tpu.memory_space<hbm>> -> memref<10000x128xbf16, #tpu.memory_space<hbm>>
      tpu.wait_indirect_dma semaphore(%arg12 : memref<!tpu.dma_semaphore, #tpu.memory_space<semaphore_mem>>) src(%dma_wait3A_692 : memref<10000x128xbf16, #tpu.memory_space<hbm>>) dst(%dma_wait3A_686 : memref<128x128xbf16, #tpu.memory_space<vmem>>)
      %dma_start3A_693 = arith.constant 3 : i32
      %dma_start3A_694 = arith.constant 11 : i32
      %dma_start3A_695 = arith.constant 0 : i32
      %dma_start3A_696 = arith.constant 0 : i32
      %dma_start3A_697 = tpu.memref_slice %arg8[%dma_start3A_693, %dma_start3A_695, %dma_start3A_696] : memref<4x128x128xbf16, #tpu.memory_space<vmem>> -> memref<1x128x128xbf16, #tpu.memory_space<vmem>>
      %dma_start3A_698 = tpu.memref_squeeze %dma_start3A_697 : memref<1x128x128xbf16, #tpu.memory_space<vmem>> -> memref<128x128xbf16, #tpu.memory_space<vmem>>
      %dma_start3A_699 = arith.constant 0 : i32
      %dma_start3A_700 = tpu.memref_slice %arg7[%dma_start3A_694, %dma_start3A_699] : memref<16x128xi32, #tpu.memory_space<vmem>> -> memref<1x128xi32, #tpu.memory_space<vmem>>
      %dma_start3A_701 = tpu.memref_squeeze %dma_start3A_700 : memref<1x128xi32, #tpu.memory_space<vmem>> -> memref<128xi32, #tpu.memory_space<vmem>>
      %dma_start3A_702 = arith.constant 0 : i32
      %dma_start3A_703 = arith.constant 0 : i32
      %dma_start3A_704 = tpu.memref_slice %arg17[%dma_start3A_702, %dma_start3A_703] : memref<10240x128xbf16, #tpu.memory_space<vmem_shared>> -> memref<10240x128xbf16, #tpu.memory_space<vmem_shared>>
      tpu.enqueue_indirect_dma source(%dma_start3A_698 : memref<128x128xbf16, #tpu.memory_space<vmem>>) target(%dma_start3A_704 : memref<10240x128xbf16, #tpu.memory_space<vmem_shared>>) offsets(%dma_start3A_701 : memref<128xi32, #tpu.memory_space<vmem>>) semaphore(%arg16 : memref<!tpu.dma_semaphore, #tpu.memory_space<semaphore_mem>>) {add = true}
      %dma_wait3A_705 = arith.constant 2 : i32
      %dma_wait3A_706 = arith.constant 0 : i32
      %dma_wait3A_707 = arith.constant 0 : i32
      %dma_wait3A_708 = arith.constant 0 : i32
      %dma_wait3A_709 = tpu.memref_slice %arg8[%dma_wait3A_705, %dma_wait3A_707, %dma_wait3A_708] : memref<4x128x128xbf16, #tpu.memory_space<vmem>> -> memref<1x128x128xbf16, #tpu.memory_space<vmem>>
      %dma_wait3A_710 = tpu.memref_squeeze %dma_wait3A_709 : memref<1x128x128xbf16, #tpu.memory_space<vmem>> -> memref<128x128xbf16, #tpu.memory_space<vmem>>
      %dma_wait3A_711 = arith.constant 0 : i32
      %dma_wait3A_712 = tpu.memref_slice %arg7[%dma_wait3A_706, %dma_wait3A_711] : memref<16x128xi32, #tpu.memory_space<vmem>> -> memref<1x128xi32, #tpu.memory_space<vmem>>
      %dma_wait3A_713 = tpu.memref_squeeze %dma_wait3A_712 : memref<1x128xi32, #tpu.memory_space<vmem>> -> memref<128xi32, #tpu.memory_space<vmem>>
      %dma_wait3A_714 = arith.constant 0 : i32
      %dma_wait3A_715 = arith.constant 0 : i32
      %dma_wait3A_716 = tpu.memref_slice %arg17[%dma_wait3A_714, %dma_wait3A_715] : memref<10240x128xbf16, #tpu.memory_space<vmem_shared>> -> memref<10240x128xbf16, #tpu.memory_space<vmem_shared>>
      tpu.wait_indirect_dma semaphore(%arg15 : memref<!tpu.dma_semaphore, #tpu.memory_space<semaphore_mem>>) src(%dma_wait3A_710 : memref<128x128xbf16, #tpu.memory_space<vmem>>) dst(%dma_wait3A_716 : memref<10240x128xbf16, #tpu.memory_space<vmem_shared>>)
      %dma_start3A_717 = arith.constant 14 : i32
      %dma_start3A_718 = arith.constant 2 : i32
      %dma_start3A_719 = arith.constant 0 : i32
      %dma_start3A_720 = arith.constant 0 : i32
      %dma_start3A_721 = tpu.memref_slice %arg8[%dma_start3A_718, %dma_start3A_719, %dma_start3A_720] : memref<4x128x128xbf16, #tpu.memory_space<vmem>> -> memref<1x128x128xbf16, #tpu.memory_space<vmem>>
      %dma_start3A_722 = tpu.memref_squeeze %dma_start3A_721 : memref<1x128x128xbf16, #tpu.memory_space<vmem>> -> memref<128x128xbf16, #tpu.memory_space<vmem>>
      %dma_start3A_723 = arith.constant 0 : i32
      %dma_start3A_724 = tpu.memref_slice %arg6[%dma_start3A_717, %dma_start3A_723] : memref<16x128xi32, #tpu.memory_space<vmem>> -> memref<1x128xi32, #tpu.memory_space<vmem>>
      %dma_start3A_725 = tpu.memref_squeeze %dma_start3A_724 : memref<1x128xi32, #tpu.memory_space<vmem>> -> memref<128xi32, #tpu.memory_space<vmem>>
      %dma_start3A_726 = arith.constant 0 : i32
      %dma_start3A_727 = arith.constant 0 : i32
      %dma_start3A_728 = tpu.memref_slice %arg2[%dma_start3A_726, %dma_start3A_727] : memref<10000x128xbf16, #tpu.memory_space<hbm>> -> memref<10000x128xbf16, #tpu.memory_space<hbm>>
      tpu.enqueue_indirect_dma source(%dma_start3A_728 : memref<10000x128xbf16, #tpu.memory_space<hbm>>) target(%dma_start3A_722 : memref<128x128xbf16, #tpu.memory_space<vmem>>) offsets(%dma_start3A_725 : memref<128xi32, #tpu.memory_space<vmem>>) semaphore(%arg11 : memref<!tpu.dma_semaphore, #tpu.memory_space<semaphore_mem>>)
      %dma_wait3A_729 = arith.constant 12 : i32
      %dma_wait3A_730 = arith.constant 0 : i32
      %dma_wait3A_731 = arith.constant 0 : i32
      %dma_wait3A_732 = arith.constant 0 : i32
      %dma_wait3A_733 = tpu.memref_slice %arg8[%dma_wait3A_730, %dma_wait3A_731, %dma_wait3A_732] : memref<4x128x128xbf16, #tpu.memory_space<vmem>> -> memref<1x128x128xbf16, #tpu.memory_space<vmem>>
      %dma_wait3A_734 = tpu.memref_squeeze %dma_wait3A_733 : memref<1x128x128xbf16, #tpu.memory_space<vmem>> -> memref<128x128xbf16, #tpu.memory_space<vmem>>
      %dma_wait3A_735 = arith.constant 0 : i32
      %dma_wait3A_736 = tpu.memref_slice %arg6[%dma_wait3A_729, %dma_wait3A_735] : memref<16x128xi32, #tpu.memory_space<vmem>> -> memref<1x128xi32, #tpu.memory_space<vmem>>
      %dma_wait3A_737 = tpu.memref_squeeze %dma_wait3A_736 : memref<1x128xi32, #tpu.memory_space<vmem>> -> memref<128xi32, #tpu.memory_space<vmem>>
      %dma_wait3A_738 = arith.constant 0 : i32
      %dma_wait3A_739 = arith.constant 0 : i32
      %dma_wait3A_740 = tpu.memref_slice %arg2[%dma_wait3A_738, %dma_wait3A_739] : memref<10000x128xbf16, #tpu.memory_space<hbm>> -> memref<10000x128xbf16, #tpu.memory_space<hbm>>
      tpu.wait_indirect_dma semaphore(%arg9 : memref<!tpu.dma_semaphore, #tpu.memory_space<semaphore_mem>>) src(%dma_wait3A_740 : memref<10000x128xbf16, #tpu.memory_space<hbm>>) dst(%dma_wait3A_734 : memref<128x128xbf16, #tpu.memory_space<vmem>>)
      %dma_start3A_741 = arith.constant 0 : i32
      %dma_start3A_742 = arith.constant 12 : i32
      %dma_start3A_743 = arith.constant 0 : i32
      %dma_start3A_744 = arith.constant 0 : i32
      %dma_start3A_745 = tpu.memref_slice %arg8[%dma_start3A_741, %dma_start3A_743, %dma_start3A_744] : memref<4x128x128xbf16, #tpu.memory_space<vmem>> -> memref<1x128x128xbf16, #tpu.memory_space<vmem>>
      %dma_start3A_746 = tpu.memref_squeeze %dma_start3A_745 : memref<1x128x128xbf16, #tpu.memory_space<vmem>> -> memref<128x128xbf16, #tpu.memory_space<vmem>>
      %dma_start3A_747 = arith.constant 0 : i32
      %dma_start3A_748 = tpu.memref_slice %arg7[%dma_start3A_742, %dma_start3A_747] : memref<16x128xi32, #tpu.memory_space<vmem>> -> memref<1x128xi32, #tpu.memory_space<vmem>>
      %dma_start3A_749 = tpu.memref_squeeze %dma_start3A_748 : memref<1x128xi32, #tpu.memory_space<vmem>> -> memref<128xi32, #tpu.memory_space<vmem>>
      %dma_start3A_750 = arith.constant 0 : i32
      %dma_start3A_751 = arith.constant 0 : i32
      %dma_start3A_752 = tpu.memref_slice %arg17[%dma_start3A_750, %dma_start3A_751] : memref<10240x128xbf16, #tpu.memory_space<vmem_shared>> -> memref<10240x128xbf16, #tpu.memory_space<vmem_shared>>
      tpu.enqueue_indirect_dma source(%dma_start3A_746 : memref<128x128xbf16, #tpu.memory_space<vmem>>) target(%dma_start3A_752 : memref<10240x128xbf16, #tpu.memory_space<vmem_shared>>) offsets(%dma_start3A_749 : memref<128xi32, #tpu.memory_space<vmem>>) semaphore(%arg13 : memref<!tpu.dma_semaphore, #tpu.memory_space<semaphore_mem>>) {add = true}
      %dma_wait3A_753 = arith.constant 3 : i32
      %dma_wait3A_754 = arith.constant 0 : i32
      %dma_wait3A_755 = arith.constant 0 : i32
      %dma_wait3A_756 = arith.constant 0 : i32
      %dma_wait3A_757 = tpu.memref_slice %arg8[%dma_wait3A_753, %dma_wait3A_755, %dma_wait3A_756] : memref<4x128x128xbf16, #tpu.memory_space<vmem>> -> memref<1x128x128xbf16, #tpu.memory_space<vmem>>
      %dma_wait3A_758 = tpu.memref_squeeze %dma_wait3A_757 : memref<1x128x128xbf16, #tpu.memory_space<vmem>> -> memref<128x128xbf16, #tpu.memory_space<vmem>>
      %dma_wait3A_759 = arith.constant 0 : i32
      %dma_wait3A_760 = tpu.memref_slice %arg7[%dma_wait3A_754, %dma_wait3A_759] : memref<16x128xi32, #tpu.memory_space<vmem>> -> memref<1x128xi32, #tpu.memory_space<vmem>>
      %dma_wait3A_761 = tpu.memref_squeeze %dma_wait3A_760 : memref<1x128xi32, #tpu.memory_space<vmem>> -> memref<128xi32, #tpu.memory_space<vmem>>
      %dma_wait3A_762 = arith.constant 0 : i32
      %dma_wait3A_763 = arith.constant 0 : i32
      %dma_wait3A_764 = tpu.memref_slice %arg17[%dma_wait3A_762, %dma_wait3A_763] : memref<10240x128xbf16, #tpu.memory_space<vmem_shared>> -> memref<10240x128xbf16, #tpu.memory_space<vmem_shared>>
      tpu.wait_indirect_dma semaphore(%arg16 : memref<!tpu.dma_semaphore, #tpu.memory_space<semaphore_mem>>) src(%dma_wait3A_758 : memref<128x128xbf16, #tpu.memory_space<vmem>>) dst(%dma_wait3A_764 : memref<10240x128xbf16, #tpu.memory_space<vmem_shared>>)
      %dma_start3A_765 = arith.constant 15 : i32
      %dma_start3A_766 = arith.constant 3 : i32
      %dma_start3A_767 = arith.constant 0 : i32
      %dma_start3A_768 = arith.constant 0 : i32
      %dma_start3A_769 = tpu.memref_slice %arg8[%dma_start3A_766, %dma_start3A_767, %dma_start3A_768] : memref<4x128x128xbf16, #tpu.memory_space<vmem>> -> memref<1x128x128xbf16, #tpu.memory_space<vmem>>
      %dma_start3A_770 = tpu.memref_squeeze %dma_start3A_769 : memref<1x128x128xbf16, #tpu.memory_space<vmem>> -> memref<128x128xbf16, #tpu.memory_space<vmem>>
      %dma_start3A_771 = arith.constant 0 : i32
      %dma_start3A_772 = tpu.memref_slice %arg6[%dma_start3A_765, %dma_start3A_771] : memref<16x128xi32, #tpu.memory_space<vmem>> -> memref<1x128xi32, #tpu.memory_space<vmem>>
      %dma_start3A_773 = tpu.memref_squeeze %dma_start3A_772 : memref<1x128xi32, #tpu.memory_space<vmem>> -> memref<128xi32, #tpu.memory_space<vmem>>
      %dma_start3A_774 = arith.constant 0 : i32
      %dma_start3A_775 = arith.constant 0 : i32
      %dma_start3A_776 = tpu.memref_slice %arg2[%dma_start3A_774, %dma_start3A_775] : memref<10000x128xbf16, #tpu.memory_space<hbm>> -> memref<10000x128xbf16, #tpu.memory_space<hbm>>
      tpu.enqueue_indirect_dma source(%dma_start3A_776 : memref<10000x128xbf16, #tpu.memory_space<hbm>>) target(%dma_start3A_770 : memref<128x128xbf16, #tpu.memory_space<vmem>>) offsets(%dma_start3A_773 : memref<128xi32, #tpu.memory_space<vmem>>) semaphore(%arg12 : memref<!tpu.dma_semaphore, #tpu.memory_space<semaphore_mem>>)
      %dma_wait3A_777 = arith.constant 13 : i32
      %dma_wait3A_778 = arith.constant 1 : i32
      %dma_wait3A_779 = arith.constant 0 : i32
      %dma_wait3A_780 = arith.constant 0 : i32
      %dma_wait3A_781 = tpu.memref_slice %arg8[%dma_wait3A_778, %dma_wait3A_779, %dma_wait3A_780] : memref<4x128x128xbf16, #tpu.memory_space<vmem>> -> memref<1x128x128xbf16, #tpu.memory_space<vmem>>
      %dma_wait3A_782 = tpu.memref_squeeze %dma_wait3A_781 : memref<1x128x128xbf16, #tpu.memory_space<vmem>> -> memref<128x128xbf16, #tpu.memory_space<vmem>>
      %dma_wait3A_783 = arith.constant 0 : i32
      %dma_wait3A_784 = tpu.memref_slice %arg6[%dma_wait3A_777, %dma_wait3A_783] : memref<16x128xi32, #tpu.memory_space<vmem>> -> memref<1x128xi32, #tpu.memory_space<vmem>>
      %dma_wait3A_785 = tpu.memref_squeeze %dma_wait3A_784 : memref<1x128xi32, #tpu.memory_space<vmem>> -> memref<128xi32, #tpu.memory_space<vmem>>
      %dma_wait3A_786 = arith.constant 0 : i32
      %dma_wait3A_787 = arith.constant 0 : i32
      %dma_wait3A_788 = tpu.memref_slice %arg2[%dma_wait3A_786, %dma_wait3A_787] : memref<10000x128xbf16, #tpu.memory_space<hbm>> -> memref<10000x128xbf16, #tpu.memory_space<hbm>>
      tpu.wait_indirect_dma semaphore(%arg10 : memref<!tpu.dma_semaphore, #tpu.memory_space<semaphore_mem>>) src(%dma_wait3A_788 : memref<10000x128xbf16, #tpu.memory_space<hbm>>) dst(%dma_wait3A_782 : memref<128x128xbf16, #tpu.memory_space<vmem>>)
      %dma_start3A_789 = arith.constant 1 : i32
      %dma_start3A_790 = arith.constant 13 : i32
      %dma_start3A_791 = arith.constant 0 : i32
      %dma_start3A_792 = arith.constant 0 : i32
      %dma_start3A_793 = tpu.memref_slice %arg8[%dma_start3A_789, %dma_start3A_791, %dma_start3A_792] : memref<4x128x128xbf16, #tpu.memory_space<vmem>> -> memref<1x128x128xbf16, #tpu.memory_space<vmem>>
      %dma_start3A_794 = tpu.memref_squeeze %dma_start3A_793 : memref<1x128x128xbf16, #tpu.memory_space<vmem>> -> memref<128x128xbf16, #tpu.memory_space<vmem>>
      %dma_start3A_795 = arith.constant 0 : i32
      %dma_start3A_796 = tpu.memref_slice %arg7[%dma_start3A_790, %dma_start3A_795] : memref<16x128xi32, #tpu.memory_space<vmem>> -> memref<1x128xi32, #tpu.memory_space<vmem>>
      %dma_start3A_797 = tpu.memref_squeeze %dma_start3A_796 : memref<1x128xi32, #tpu.memory_space<vmem>> -> memref<128xi32, #tpu.memory_space<vmem>>
      %dma_start3A_798 = arith.constant 0 : i32
      %dma_start3A_799 = arith.constant 0 : i32
      %dma_start3A_800 = tpu.memref_slice %arg17[%dma_start3A_798, %dma_start3A_799] : memref<10240x128xbf16, #tpu.memory_space<vmem_shared>> -> memref<10240x128xbf16, #tpu.memory_space<vmem_shared>>
      tpu.enqueue_indirect_dma source(%dma_start3A_794 : memref<128x128xbf16, #tpu.memory_space<vmem>>) target(%dma_start3A_800 : memref<10240x128xbf16, #tpu.memory_space<vmem_shared>>) offsets(%dma_start3A_797 : memref<128xi32, #tpu.memory_space<vmem>>) semaphore(%arg14 : memref<!tpu.dma_semaphore, #tpu.memory_space<semaphore_mem>>) {add = true}
      %dma_wait3A_801 = arith.constant 14 : i32
      %dma_wait3A_802 = arith.constant 2 : i32
      %dma_wait3A_803 = arith.constant 0 : i32
      %dma_wait3A_804 = arith.constant 0 : i32
      %dma_wait3A_805 = tpu.memref_slice %arg8[%dma_wait3A_802, %dma_wait3A_803, %dma_wait3A_804] : memref<4x128x128xbf16, #tpu.memory_space<vmem>> -> memref<1x128x128xbf16, #tpu.memory_space<vmem>>
      %dma_wait3A_806 = tpu.memref_squeeze %dma_wait3A_805 : memref<1x128x128xbf16, #tpu.memory_space<vmem>> -> memref<128x128xbf16, #tpu.memory_space<vmem>>
      %dma_wait3A_807 = arith.constant 0 : i32
      %dma_wait3A_808 = tpu.memref_slice %arg6[%dma_wait3A_801, %dma_wait3A_807] : memref<16x128xi32, #tpu.memory_space<vmem>> -> memref<1x128xi32, #tpu.memory_space<vmem>>
      %dma_wait3A_809 = tpu.memref_squeeze %dma_wait3A_808 : memref<1x128xi32, #tpu.memory_space<vmem>> -> memref<128xi32, #tpu.memory_space<vmem>>
      %dma_wait3A_810 = arith.constant 0 : i32
      %dma_wait3A_811 = arith.constant 0 : i32
      %dma_wait3A_812 = tpu.memref_slice %arg2[%dma_wait3A_810, %dma_wait3A_811] : memref<10000x128xbf16, #tpu.memory_space<hbm>> -> memref<10000x128xbf16, #tpu.memory_space<hbm>>
      tpu.wait_indirect_dma semaphore(%arg11 : memref<!tpu.dma_semaphore, #tpu.memory_space<semaphore_mem>>) src(%dma_wait3A_812 : memref<10000x128xbf16, #tpu.memory_space<hbm>>) dst(%dma_wait3A_806 : memref<128x128xbf16, #tpu.memory_space<vmem>>)
      %dma_start3A_813 = arith.constant 2 : i32
      %dma_start3A_814 = arith.constant 14 : i32
      %dma_start3A_815 = arith.constant 0 : i32
      %dma_start3A_816 = arith.constant 0 : i32
      %dma_start3A_817 = tpu.memref_slice %arg8[%dma_start3A_813, %dma_start3A_815, %dma_start3A_816] : memref<4x128x128xbf16, #tpu.memory_space<vmem>> -> memref<1x128x128xbf16, #tpu.memory_space<vmem>>
      %dma_start3A_818 = tpu.memref_squeeze %dma_start3A_817 : memref<1x128x128xbf16, #tpu.memory_space<vmem>> -> memref<128x128xbf16, #tpu.memory_space<vmem>>
      %dma_start3A_819 = arith.constant 0 : i32
      %dma_start3A_820 = tpu.memref_slice %arg7[%dma_start3A_814, %dma_start3A_819] : memref<16x128xi32, #tpu.memory_space<vmem>> -> memref<1x128xi32, #tpu.memory_space<vmem>>
      %dma_start3A_821 = tpu.memref_squeeze %dma_start3A_820 : memref<1x128xi32, #tpu.memory_space<vmem>> -> memref<128xi32, #tpu.memory_space<vmem>>
      %dma_start3A_822 = arith.constant 0 : i32
      %dma_start3A_823 = arith.constant 0 : i32
      %dma_start3A_824 = tpu.memref_slice %arg17[%dma_start3A_822, %dma_start3A_823] : memref<10240x128xbf16, #tpu.memory_space<vmem_shared>> -> memref<10240x128xbf16, #tpu.memory_space<vmem_shared>>
      tpu.enqueue_indirect_dma source(%dma_start3A_818 : memref<128x128xbf16, #tpu.memory_space<vmem>>) target(%dma_start3A_824 : memref<10240x128xbf16, #tpu.memory_space<vmem_shared>>) offsets(%dma_start3A_821 : memref<128xi32, #tpu.memory_space<vmem>>) semaphore(%arg15 : memref<!tpu.dma_semaphore, #tpu.memory_space<semaphore_mem>>) {add = true}
      %dma_wait3A_825 = arith.constant 15 : i32
      %dma_wait3A_826 = arith.constant 3 : i32
      %dma_wait3A_827 = arith.constant 0 : i32
      %dma_wait3A_828 = arith.constant 0 : i32
      %dma_wait3A_829 = tpu.memref_slice %arg8[%dma_wait3A_826, %dma_wait3A_827, %dma_wait3A_828] : memref<4x128x128xbf16, #tpu.memory_space<vmem>> -> memref<1x128x128xbf16, #tpu.memory_space<vmem>>
      %dma_wait3A_830 = tpu.memref_squeeze %dma_wait3A_829 : memref<1x128x128xbf16, #tpu.memory_space<vmem>> -> memref<128x128xbf16, #tpu.memory_space<vmem>>
      %dma_wait3A_831 = arith.constant 0 : i32
      %dma_wait3A_832 = tpu.memref_slice %arg6[%dma_wait3A_825, %dma_wait3A_831] : memref<16x128xi32, #tpu.memory_space<vmem>> -> memref<1x128xi32, #tpu.memory_space<vmem>>
      %dma_wait3A_833 = tpu.memref_squeeze %dma_wait3A_832 : memref<1x128xi32, #tpu.memory_space<vmem>> -> memref<128xi32, #tpu.memory_space<vmem>>
      %dma_wait3A_834 = arith.constant 0 : i32
      %dma_wait3A_835 = arith.constant 0 : i32
      %dma_wait3A_836 = tpu.memref_slice %arg2[%dma_wait3A_834, %dma_wait3A_835] : memref<10000x128xbf16, #tpu.memory_space<hbm>> -> memref<10000x128xbf16, #tpu.memory_space<hbm>>
      tpu.wait_indirect_dma semaphore(%arg12 : memref<!tpu.dma_semaphore, #tpu.memory_space<semaphore_mem>>) src(%dma_wait3A_836 : memref<10000x128xbf16, #tpu.memory_space<hbm>>) dst(%dma_wait3A_830 : memref<128x128xbf16, #tpu.memory_space<vmem>>)
      %dma_start3A_837 = arith.constant 3 : i32
      %dma_start3A_838 = arith.constant 15 : i32
      %dma_start3A_839 = arith.constant 0 : i32
      %dma_start3A_840 = arith.constant 0 : i32
      %dma_start3A_841 = tpu.memref_slice %arg8[%dma_start3A_837, %dma_start3A_839, %dma_start3A_840] : memref<4x128x128xbf16, #tpu.memory_space<vmem>> -> memref<1x128x128xbf16, #tpu.memory_space<vmem>>
      %dma_start3A_842 = tpu.memref_squeeze %dma_start3A_841 : memref<1x128x128xbf16, #tpu.memory_space<vmem>> -> memref<128x128xbf16, #tpu.memory_space<vmem>>
      %dma_start3A_843 = arith.constant 0 : i32
      %dma_start3A_844 = tpu.memref_slice %arg7[%dma_start3A_838, %dma_start3A_843] : memref<16x128xi32, #tpu.memory_space<vmem>> -> memref<1x128xi32, #tpu.memory_space<vmem>>
      %dma_start3A_845 = tpu.memref_squeeze %dma_start3A_844 : memref<1x128xi32, #tpu.memory_space<vmem>> -> memref<128xi32, #tpu.memory_space<vmem>>
      %dma_start3A_846 = arith.constant 0 : i32
      %dma_start3A_847 = arith.constant 0 : i32
      %dma_start3A_848 = tpu.memref_slice %arg17[%dma_start3A_846, %dma_start3A_847] : memref<10240x128xbf16, #tpu.memory_space<vmem_shared>> -> memref<10240x128xbf16, #tpu.memory_space<vmem_shared>>
      tpu.enqueue_indirect_dma source(%dma_start3A_842 : memref<128x128xbf16, #tpu.memory_space<vmem>>) target(%dma_start3A_848 : memref<10240x128xbf16, #tpu.memory_space<vmem_shared>>) offsets(%dma_start3A_845 : memref<128xi32, #tpu.memory_space<vmem>>) semaphore(%arg16 : memref<!tpu.dma_semaphore, #tpu.memory_space<semaphore_mem>>) {add = true}
    }
    %scan3A_33 = arith.constant 5 : i32
    %dma_wait3A = arith.constant 0 : i32
    %dma_wait3A_34 = arith.constant 0 : i32
    %dma_wait3A_35 = arith.constant 0 : i32
    %dma_wait3A_36 = arith.constant 0 : i32
    %dma_wait3A_37 = tpu.memref_slice %arg8[%dma_wait3A, %dma_wait3A_35, %dma_wait3A_36] : memref<4x128x128xbf16, #tpu.memory_space<vmem>> -> memref<1x128x128xbf16, #tpu.memory_space<vmem>>
    %dma_wait3A_38 = tpu.memref_squeeze %dma_wait3A_37 : memref<1x128x128xbf16, #tpu.memory_space<vmem>> -> memref<128x128xbf16, #tpu.memory_space<vmem>>
    %dma_wait3A_39 = arith.constant 0 : i32
    %dma_wait3A_40 = tpu.memref_slice %arg7[%dma_wait3A_34, %dma_wait3A_39] : memref<16x128xi32, #tpu.memory_space<vmem>> -> memref<1x128xi32, #tpu.memory_space<vmem>>
    %dma_wait3A_41 = tpu.memref_squeeze %dma_wait3A_40 : memref<1x128xi32, #tpu.memory_space<vmem>> -> memref<128xi32, #tpu.memory_space<vmem>>
    %dma_wait3A_42 = arith.constant 0 : i32
    %dma_wait3A_43 = arith.constant 0 : i32
    %dma_wait3A_44 = tpu.memref_slice %arg17[%dma_wait3A_42, %dma_wait3A_43] : memref<10240x128xbf16, #tpu.memory_space<vmem_shared>> -> memref<10240x128xbf16, #tpu.memory_space<vmem_shared>>
    tpu.wait_indirect_dma semaphore(%arg13 : memref<!tpu.dma_semaphore, #tpu.memory_space<semaphore_mem>>) src(%dma_wait3A_38 : memref<128x128xbf16, #tpu.memory_space<vmem>>) dst(%dma_wait3A_44 : memref<10240x128xbf16, #tpu.memory_space<vmem_shared>>)
    %dma_wait3A_45 = arith.constant 1 : i32
    %dma_wait3A_46 = arith.constant 0 : i32
    %dma_wait3A_47 = arith.constant 0 : i32
    %dma_wait3A_48 = arith.constant 0 : i32
    %dma_wait3A_49 = tpu.memref_slice %arg8[%dma_wait3A_45, %dma_wait3A_47, %dma_wait3A_48] : memref<4x128x128xbf16, #tpu.memory_space<vmem>> -> memref<1x128x128xbf16, #tpu.memory_space<vmem>>
    %dma_wait3A_50 = tpu.memref_squeeze %dma_wait3A_49 : memref<1x128x128xbf16, #tpu.memory_space<vmem>> -> memref<128x128xbf16, #tpu.memory_space<vmem>>
    %dma_wait3A_51 = arith.constant 0 : i32
    %dma_wait3A_52 = tpu.memref_slice %arg7[%dma_wait3A_46, %dma_wait3A_51] : memref<16x128xi32, #tpu.memory_space<vmem>> -> memref<1x128xi32, #tpu.memory_space<vmem>>
    %dma_wait3A_53 = tpu.memref_squeeze %dma_wait3A_52 : memref<1x128xi32, #tpu.memory_space<vmem>> -> memref<128xi32, #tpu.memory_space<vmem>>
    %dma_wait3A_54 = arith.constant 0 : i32
    %dma_wait3A_55 = arith.constant 0 : i32
    %dma_wait3A_56 = tpu.memref_slice %arg17[%dma_wait3A_54, %dma_wait3A_55] : memref<10240x128xbf16, #tpu.memory_space<vmem_shared>> -> memref<10240x128xbf16, #tpu.memory_space<vmem_shared>>
    tpu.wait_indirect_dma semaphore(%arg14 : memref<!tpu.dma_semaphore, #tpu.memory_space<semaphore_mem>>) src(%dma_wait3A_50 : memref<128x128xbf16, #tpu.memory_space<vmem>>) dst(%dma_wait3A_56 : memref<10240x128xbf16, #tpu.memory_space<vmem_shared>>)
    %dma_wait3A_57 = arith.constant 2 : i32
    %dma_wait3A_58 = arith.constant 0 : i32
    %dma_wait3A_59 = arith.constant 0 : i32
    %dma_wait3A_60 = arith.constant 0 : i32
    %dma_wait3A_61 = tpu.memref_slice %arg8[%dma_wait3A_57, %dma_wait3A_59, %dma_wait3A_60] : memref<4x128x128xbf16, #tpu.memory_space<vmem>> -> memref<1x128x128xbf16, #tpu.memory_space<vmem>>
    %dma_wait3A_62 = tpu.memref_squeeze %dma_wait3A_61 : memref<1x128x128xbf16, #tpu.memory_space<vmem>> -> memref<128x128xbf16, #tpu.memory_space<vmem>>
    %dma_wait3A_63 = arith.constant 0 : i32
    %dma_wait3A_64 = tpu.memref_slice %arg7[%dma_wait3A_58, %dma_wait3A_63] : memref<16x128xi32, #tpu.memory_space<vmem>> -> memref<1x128xi32, #tpu.memory_space<vmem>>
    %dma_wait3A_65 = tpu.memref_squeeze %dma_wait3A_64 : memref<1x128xi32, #tpu.memory_space<vmem>> -> memref<128xi32, #tpu.memory_space<vmem>>
    %dma_wait3A_66 = arith.constant 0 : i32
    %dma_wait3A_67 = arith.constant 0 : i32
    %dma_wait3A_68 = tpu.memref_slice %arg17[%dma_wait3A_66, %dma_wait3A_67] : memref<10240x128xbf16, #tpu.memory_space<vmem_shared>> -> memref<10240x128xbf16, #tpu.memory_space<vmem_shared>>
    tpu.wait_indirect_dma semaphore(%arg15 : memref<!tpu.dma_semaphore, #tpu.memory_space<semaphore_mem>>) src(%dma_wait3A_62 : memref<128x128xbf16, #tpu.memory_space<vmem>>) dst(%dma_wait3A_68 : memref<10240x128xbf16, #tpu.memory_space<vmem_shared>>)
    %dma_wait3A_69 = arith.constant 3 : i32
    %dma_wait3A_70 = arith.constant 0 : i32
    %dma_wait3A_71 = arith.constant 0 : i32
    %dma_wait3A_72 = arith.constant 0 : i32
    %dma_wait3A_73 = tpu.memref_slice %arg8[%dma_wait3A_69, %dma_wait3A_71, %dma_wait3A_72] : memref<4x128x128xbf16, #tpu.memory_space<vmem>> -> memref<1x128x128xbf16, #tpu.memory_space<vmem>>
    %dma_wait3A_74 = tpu.memref_squeeze %dma_wait3A_73 : memref<1x128x128xbf16, #tpu.memory_space<vmem>> -> memref<128x128xbf16, #tpu.memory_space<vmem>>
    %dma_wait3A_75 = arith.constant 0 : i32
    %dma_wait3A_76 = tpu.memref_slice %arg7[%dma_wait3A_70, %dma_wait3A_75] : memref<16x128xi32, #tpu.memory_space<vmem>> -> memref<1x128xi32, #tpu.memory_space<vmem>>
    %dma_wait3A_77 = tpu.memref_squeeze %dma_wait3A_76 : memref<1x128xi32, #tpu.memory_space<vmem>> -> memref<128xi32, #tpu.memory_space<vmem>>
    %dma_wait3A_78 = arith.constant 0 : i32
    %dma_wait3A_79 = arith.constant 0 : i32
    %dma_wait3A_80 = tpu.memref_slice %arg17[%dma_wait3A_78, %dma_wait3A_79] : memref<10240x128xbf16, #tpu.memory_space<vmem_shared>> -> memref<10240x128xbf16, #tpu.memory_space<vmem_shared>>
    tpu.wait_indirect_dma semaphore(%arg16 : memref<!tpu.dma_semaphore, #tpu.memory_space<semaphore_mem>>) src(%dma_wait3A_74 : memref<128x128xbf16, #tpu.memory_space<vmem>>) dst(%dma_wait3A_80 : memref<10240x128xbf16, #tpu.memory_space<vmem_shared>>)
    %barrier3A_81 = arith.constant 0 : index
    tpu.barrier barrier_id(%barrier3A_81)
    %mul3A_82 = arith.constant 640 : i32
    %mul3A_83 = arith.muli %arg1, %mul3A_82 : i32
    %add3A_84 = arith.constant 0 : i32
    %add3A_85 = arith.addi %mul3A_83, %add3A_84 : i32
    %mul3A_86 = arith.constant 640 : i32
    %mul3A_87 = arith.muli %arg1, %mul3A_86 : i32
    %add3A_88 = arith.constant 0 : i32
    %add3A_89 = arith.addi %mul3A_87, %add3A_88 : i32
    "tpu.region"() ({
      %run_scoped3A_122 = tpu.sem_alloc : memref<!tpu.dma_semaphore, #tpu.memory_space<semaphore_mem>>
      %dma_start3A = arith.constant 0 : i32
      %dma_start3A_123 = tpu.memref_slice %arg5[%arg0, %add3A_89, %dma_start3A] : memref<2x10240x128xbf16, #tpu.memory_space<hbm>> -> memref<1x128x128xbf16, #tpu.memory_space<hbm>>
      %dma_start3A_124 = tpu.memref_squeeze %dma_start3A_123 : memref<1x128x128xbf16, #tpu.memory_space<hbm>> -> memref<128x128xbf16, #tpu.memory_space<hbm>>
      %dma_start3A_125 = arith.constant 0 : i32
      %dma_start3A_126 = tpu.memref_slice %arg17[%add3A_85, %dma_start3A_125] : memref<10240x128xbf16, #tpu.memory_space<vmem_shared>> -> memref<128x128xbf16, #tpu.memory_space<vmem_shared>>
      tpu.enqueue_dma source(%dma_start3A_126 : memref<128x128xbf16, #tpu.memory_space<vmem_shared>>) target(%dma_start3A_124 : memref<128x128xbf16, #tpu.memory_space<hbm>>) target_semaphore(%run_scoped3A_122 : memref<!tpu.dma_semaphore, #tpu.memory_space<semaphore_mem>>)
      %dma_wait3A_127 = arith.constant 0 : i32
      %dma_wait3A_128 = tpu.memref_slice %arg5[%arg0, %add3A_89, %dma_wait3A_127] : memref<2x10240x128xbf16, #tpu.memory_space<hbm>> -> memref<1x128x128xbf16, #tpu.memory_space<hbm>>
      %dma_wait3A_129 = tpu.memref_squeeze %dma_wait3A_128 : memref<1x128x128xbf16, #tpu.memory_space<hbm>> -> memref<128x128xbf16, #tpu.memory_space<hbm>>
      %dma_wait3A_130 = arith.constant 0 : i32
      %dma_wait3A_131 = tpu.memref_slice %arg17[%add3A_85, %dma_wait3A_130] : memref<10240x128xbf16, #tpu.memory_space<vmem_shared>> -> memref<128x128xbf16, #tpu.memory_space<vmem_shared>>
      tpu.wait_dma2 semaphore(%run_scoped3A_122 : memref<!tpu.dma_semaphore, #tpu.memory_space<semaphore_mem>>) src(%dma_wait3A_131 : memref<128x128xbf16, #tpu.memory_space<vmem_shared>>) dst(%dma_wait3A_129 : memref<128x128xbf16, #tpu.memory_space<hbm>>)
      tpu.yield
    }) : () -> ()
    %mul3A_90 = arith.constant 640 : i32
    %mul3A_91 = arith.muli %arg1, %mul3A_90 : i32
    %add3A_92 = arith.constant 128 : i32
    %add3A_93 = arith.addi %mul3A_91, %add3A_92 : i32
    %mul3A_94 = arith.constant 640 : i32
    %mul3A_95 = arith.muli %arg1, %mul3A_94 : i32
    %add3A_96 = arith.constant 128 : i32
    %add3A_97 = arith.addi %mul3A_95, %add3A_96 : i32
    "tpu.region"() ({
      %run_scoped3A_122 = tpu.sem_alloc : memref<!tpu.dma_semaphore, #tpu.memory_space<semaphore_mem>>
      %dma_start3A = arith.constant 0 : i32
      %dma_start3A_123 = tpu.memref_slice %arg5[%arg0, %add3A_97, %dma_start3A] : memref<2x10240x128xbf16, #tpu.memory_space<hbm>> -> memref<1x128x128xbf16, #tpu.memory_space<hbm>>
      %dma_start3A_124 = tpu.memref_squeeze %dma_start3A_123 : memref<1x128x128xbf16, #tpu.memory_space<hbm>> -> memref<128x128xbf16, #tpu.memory_space<hbm>>
      %dma_start3A_125 = arith.constant 0 : i32
      %dma_start3A_126 = tpu.memref_slice %arg17[%add3A_93, %dma_start3A_125] : memref<10240x128xbf16, #tpu.memory_space<vmem_shared>> -> memref<128x128xbf16, #tpu.memory_space<vmem_shared>>
      tpu.enqueue_dma source(%dma_start3A_126 : memref<128x128xbf16, #tpu.memory_space<vmem_shared>>) target(%dma_start3A_124 : memref<128x128xbf16, #tpu.memory_space<hbm>>) target_semaphore(%run_scoped3A_122 : memref<!tpu.dma_semaphore, #tpu.memory_space<semaphore_mem>>)
      %dma_wait3A_127 = arith.constant 0 : i32
      %dma_wait3A_128 = tpu.memref_slice %arg5[%arg0, %add3A_97, %dma_wait3A_127] : memref<2x10240x128xbf16, #tpu.memory_space<hbm>> -> memref<1x128x128xbf16, #tpu.memory_space<hbm>>
      %dma_wait3A_129 = tpu.memref_squeeze %dma_wait3A_128 : memref<1x128x128xbf16, #tpu.memory_space<hbm>> -> memref<128x128xbf16, #tpu.memory_space<hbm>>
      %dma_wait3A_130 = arith.constant 0 : i32
      %dma_wait3A_131 = tpu.memref_slice %arg17[%add3A_93, %dma_wait3A_130] : memref<10240x128xbf16, #tpu.memory_space<vmem_shared>> -> memref<128x128xbf16, #tpu.memory_space<vmem_shared>>
      tpu.wait_dma2 semaphore(%run_scoped3A_122 : memref<!tpu.dma_semaphore, #tpu.memory_space<semaphore_mem>>) src(%dma_wait3A_131 : memref<128x128xbf16, #tpu.memory_space<vmem_shared>>) dst(%dma_wait3A_129 : memref<128x128xbf16, #tpu.memory_space<hbm>>)
      tpu.yield
    }) : () -> ()
    %mul3A_98 = arith.constant 640 : i32
    %mul3A_99 = arith.muli %arg1, %mul3A_98 : i32
    %add3A_100 = arith.constant 256 : i32
    %add3A_101 = arith.addi %mul3A_99, %add3A_100 : i32
    %mul3A_102 = arith.constant 640 : i32
    %mul3A_103 = arith.muli %arg1, %mul3A_102 : i32
    %add3A_104 = arith.constant 256 : i32
    %add3A_105 = arith.addi %mul3A_103, %add3A_104 : i32
    "tpu.region"() ({
      %run_scoped3A_122 = tpu.sem_alloc : memref<!tpu.dma_semaphore, #tpu.memory_space<semaphore_mem>>
      %dma_start3A = arith.constant 0 : i32
      %dma_start3A_123 = tpu.memref_slice %arg5[%arg0, %add3A_105, %dma_start3A] : memref<2x10240x128xbf16, #tpu.memory_space<hbm>> -> memref<1x128x128xbf16, #tpu.memory_space<hbm>>
      %dma_start3A_124 = tpu.memref_squeeze %dma_start3A_123 : memref<1x128x128xbf16, #tpu.memory_space<hbm>> -> memref<128x128xbf16, #tpu.memory_space<hbm>>
      %dma_start3A_125 = arith.constant 0 : i32
      %dma_start3A_126 = tpu.memref_slice %arg17[%add3A_101, %dma_start3A_125] : memref<10240x128xbf16, #tpu.memory_space<vmem_shared>> -> memref<128x128xbf16, #tpu.memory_space<vmem_shared>>
      tpu.enqueue_dma source(%dma_start3A_126 : memref<128x128xbf16, #tpu.memory_space<vmem_shared>>) target(%dma_start3A_124 : memref<128x128xbf16, #tpu.memory_space<hbm>>) target_semaphore(%run_scoped3A_122 : memref<!tpu.dma_semaphore, #tpu.memory_space<semaphore_mem>>)
      %dma_wait3A_127 = arith.constant 0 : i32
      %dma_wait3A_128 = tpu.memref_slice %arg5[%arg0, %add3A_105, %dma_wait3A_127] : memref<2x10240x128xbf16, #tpu.memory_space<hbm>> -> memref<1x128x128xbf16, #tpu.memory_space<hbm>>
      %dma_wait3A_129 = tpu.memref_squeeze %dma_wait3A_128 : memref<1x128x128xbf16, #tpu.memory_space<hbm>> -> memref<128x128xbf16, #tpu.memory_space<hbm>>
      %dma_wait3A_130 = arith.constant 0 : i32
      %dma_wait3A_131 = tpu.memref_slice %arg17[%add3A_101, %dma_wait3A_130] : memref<10240x128xbf16, #tpu.memory_space<vmem_shared>> -> memref<128x128xbf16, #tpu.memory_space<vmem_shared>>
      tpu.wait_dma2 semaphore(%run_scoped3A_122 : memref<!tpu.dma_semaphore, #tpu.memory_space<semaphore_mem>>) src(%dma_wait3A_131 : memref<128x128xbf16, #tpu.memory_space<vmem_shared>>) dst(%dma_wait3A_129 : memref<128x128xbf16, #tpu.memory_space<hbm>>)
      tpu.yield
    }) : () -> ()
    %mul3A_106 = arith.constant 640 : i32
    %mul3A_107 = arith.muli %arg1, %mul3A_106 : i32
    %add3A_108 = arith.constant 384 : i32
    %add3A_109 = arith.addi %mul3A_107, %add3A_108 : i32
    %mul3A_110 = arith.constant 640 : i32
    %mul3A_111 = arith.muli %arg1, %mul3A_110 : i32
    %add3A_112 = arith.constant 384 : i32
    %add3A_113 = arith.addi %mul3A_111, %add3A_112 : i32
    "tpu.region"() ({
      %run_scoped3A_122 = tpu.sem_alloc : memref<!tpu.dma_semaphore, #tpu.memory_space<semaphore_mem>>
      %dma_start3A = arith.constant 0 : i32
      %dma_start3A_123 = tpu.memref_slice %arg5[%arg0, %add3A_113, %dma_start3A] : memref<2x10240x128xbf16, #tpu.memory_space<hbm>> -> memref<1x128x128xbf16, #tpu.memory_space<hbm>>
      %dma_start3A_124 = tpu.memref_squeeze %dma_start3A_123 : memref<1x128x128xbf16, #tpu.memory_space<hbm>> -> memref<128x128xbf16, #tpu.memory_space<hbm>>
      %dma_start3A_125 = arith.constant 0 : i32
      %dma_start3A_126 = tpu.memref_slice %arg17[%add3A_109, %dma_start3A_125] : memref<10240x128xbf16, #tpu.memory_space<vmem_shared>> -> memref<128x128xbf16, #tpu.memory_space<vmem_shared>>
      tpu.enqueue_dma source(%dma_start3A_126 : memref<128x128xbf16, #tpu.memory_space<vmem_shared>>) target(%dma_start3A_124 : memref<128x128xbf16, #tpu.memory_space<hbm>>) target_semaphore(%run_scoped3A_122 : memref<!tpu.dma_semaphore, #tpu.memory_space<semaphore_mem>>)
      %dma_wait3A_127 = arith.constant 0 : i32
      %dma_wait3A_128 = tpu.memref_slice %arg5[%arg0, %add3A_113, %dma_wait3A_127] : memref<2x10240x128xbf16, #tpu.memory_space<hbm>> -> memref<1x128x128xbf16, #tpu.memory_space<hbm>>
      %dma_wait3A_129 = tpu.memref_squeeze %dma_wait3A_128 : memref<1x128x128xbf16, #tpu.memory_space<hbm>> -> memref<128x128xbf16, #tpu.memory_space<hbm>>
      %dma_wait3A_130 = arith.constant 0 : i32
      %dma_wait3A_131 = tpu.memref_slice %arg17[%add3A_109, %dma_wait3A_130] : memref<10240x128xbf16, #tpu.memory_space<vmem_shared>> -> memref<128x128xbf16, #tpu.memory_space<vmem_shared>>
      tpu.wait_dma2 semaphore(%run_scoped3A_122 : memref<!tpu.dma_semaphore, #tpu.memory_space<semaphore_mem>>) src(%dma_wait3A_131 : memref<128x128xbf16, #tpu.memory_space<vmem_shared>>) dst(%dma_wait3A_129 : memref<128x128xbf16, #tpu.memory_space<hbm>>)
      tpu.yield
    }) : () -> ()
    %mul3A_114 = arith.constant 640 : i32
    %mul3A_115 = arith.muli %arg1, %mul3A_114 : i32
    %add3A_116 = arith.constant 512 : i32
    %add3A_117 = arith.addi %mul3A_115, %add3A_116 : i32
    %mul3A_118 = arith.constant 640 : i32
    %mul3A_119 = arith.muli %arg1, %mul3A_118 : i32
    %add3A_120 = arith.constant 512 : i32
    %add3A_121 = arith.addi %mul3A_119, %add3A_120 : i32
    "tpu.region"() ({
      %run_scoped3A_122 = tpu.sem_alloc : memref<!tpu.dma_semaphore, #tpu.memory_space<semaphore_mem>>
      %dma_start3A = arith.constant 0 : i32
      %dma_start3A_123 = tpu.memref_slice %arg5[%arg0, %add3A_121, %dma_start3A] : memref<2x10240x128xbf16, #tpu.memory_space<hbm>> -> memref<1x128x128xbf16, #tpu.memory_space<hbm>>
      %dma_start3A_124 = tpu.memref_squeeze %dma_start3A_123 : memref<1x128x128xbf16, #tpu.memory_space<hbm>> -> memref<128x128xbf16, #tpu.memory_space<hbm>>
      %dma_start3A_125 = arith.constant 0 : i32
      %dma_start3A_126 = tpu.memref_slice %arg17[%add3A_117, %dma_start3A_125] : memref<10240x128xbf16, #tpu.memory_space<vmem_shared>> -> memref<128x128xbf16, #tpu.memory_space<vmem_shared>>
      tpu.enqueue_dma source(%dma_start3A_126 : memref<128x128xbf16, #tpu.memory_space<vmem_shared>>) target(%dma_start3A_124 : memref<128x128xbf16, #tpu.memory_space<hbm>>) target_semaphore(%run_scoped3A_122 : memref<!tpu.dma_semaphore, #tpu.memory_space<semaphore_mem>>)
      %dma_wait3A_127 = arith.constant 0 : i32
      %dma_wait3A_128 = tpu.memref_slice %arg5[%arg0, %add3A_121, %dma_wait3A_127] : memref<2x10240x128xbf16, #tpu.memory_space<hbm>> -> memref<1x128x128xbf16, #tpu.memory_space<hbm>>
      %dma_wait3A_129 = tpu.memref_squeeze %dma_wait3A_128 : memref<1x128x128xbf16, #tpu.memory_space<hbm>> -> memref<128x128xbf16, #tpu.memory_space<hbm>>
      %dma_wait3A_130 = arith.constant 0 : i32
      %dma_wait3A_131 = tpu.memref_slice %arg17[%add3A_117, %dma_wait3A_130] : memref<10240x128xbf16, #tpu.memory_space<vmem_shared>> -> memref<128x128xbf16, #tpu.memory_space<vmem_shared>>
      tpu.wait_dma2 semaphore(%run_scoped3A_122 : memref<!tpu.dma_semaphore, #tpu.memory_space<semaphore_mem>>) src(%dma_wait3A_131 : memref<128x128xbf16, #tpu.memory_space<vmem_shared>>) dst(%dma_wait3A_129 : memref<128x128xbf16, #tpu.memory_space<hbm>>)
      tpu.yield
    }) : () -> ()
    return
  }
}

module attributes {stable_mosaic.version = 14 : i64} {
  func.func @_tc1_body(%arg0: memref<10000x128xf32, #tpu.memory_space<vmem>>, %arg1: memref<128x128xf32, #tpu.memory_space<vmem>>, %arg2: memref<2x10240x1xf32, #tpu.memory_space<vmem>>, %arg3: memref<10240x1xf32, #tpu.memory_space<vmem>>, %arg4: memref<10000x128xbf16, #tpu.memory_space<vmem>>) attributes {dimension_semantics = [], scalar_prefetch = 0 : i64, scratch_operands = 0 : i64, tpu.core_type = #tpu.core_type<tc>} {
    %get3A = arith.constant 0 : index
    %get3A_0 = arith.constant 0 : index
    %get3A_1 = arith.constant 0 : index
    %get3A_2 = vector.load %arg2[%get3A, %get3A_0, %get3A_1] : memref<2x10240x1xf32, #tpu.memory_space<vmem>>, vector<1x10240x1xf32>
    %get3A_3 = vector.shape_cast %get3A_2 : vector<1x10240x1xf32> to vector<10240x1xf32>
    %add3A = arith.constant 1.000000e+00 : f32
    %add3A_4 = vector.broadcast %add3A : f32 to vector<10240x1xf32>
    %add3A_5 = arith.addf %add3A_4, %get3A_3 : vector<10240x1xf32>
    %get3A_6 = arith.constant 1 : index
    %get3A_7 = arith.constant 0 : index
    %get3A_8 = arith.constant 0 : index
    %get3A_9 = vector.load %arg2[%get3A_6, %get3A_7, %get3A_8] : memref<2x10240x1xf32, #tpu.memory_space<vmem>>, vector<1x10240x1xf32>
    %get3A_10 = vector.shape_cast %get3A_9 : vector<1x10240x1xf32> to vector<10240x1xf32>
    %add3A_11 = arith.addf %add3A_5, %get3A_10 : vector<10240x1xf32>
    %rsqrt3A = math.rsqrt %add3A_11 : vector<10240x1xf32>
    %swap3A = arith.constant 0 : index
    %swap3A_12 = arith.constant 0 : index
    %swap3A_13 = vector.load %arg3[%swap3A, %swap3A_12] : memref<10240x1xf32, #tpu.memory_space<vmem>>, vector<10240x1xf32>
    tpu.vector_store %arg3[%swap3A, %swap3A_12], %rsqrt3A {strides = array<i32>} : memref<10240x1xf32, #tpu.memory_space<vmem>>, vector<10240x1xf32>,
    %get3A_14 = arith.constant 0 : index
    %get3A_15 = arith.constant 0 : index
    %get3A_16 = vector.load %arg0[%get3A_14, %get3A_15] : memref<10000x128xf32, #tpu.memory_space<vmem>>, vector<10000x128xf32>
    %get3A_17 = arith.constant 0 : index
    %get3A_18 = arith.constant 0 : index
    %get3A_19 = vector.load %arg1[%get3A_17, %get3A_18] : memref<128x128xf32, #tpu.memory_space<vmem>>, vector<128x128xf32>
    %dot_general3A = arith.constant dense<0.000000e+00> : vector<10000x128xf32>
    %dot_general3A_20 = tpu.matmul %get3A_16, %get3A_19, %dot_general3A {dimension_numbers = #tpu.dot_dimension_numbers<[1], [0], [0], [1], [0, 0, 1, 1], [], []>, transpose_lhs_hint = false} : vector<10000x128xf32>, vector<128x128xf32>, vector<10000x128xf32> -> vector<10000x128xf32>
    %slice3A = vector.extract_strided_slice %rsqrt3A {offsets = [0, 0], sizes = [10000, 1], strides = [1, 1]} : vector<10240x1xf32> to vector<10000x1xf32>
    %mul3A = vector.broadcast %slice3A : vector<10000x1xf32> to vector<10000x128xf32>
    %mul3A_21 = arith.mulf %dot_general3A_20, %mul3A : vector<10000x128xf32>
    %convert_element_type3A = arith.truncf %mul3A_21 : vector<10000x128xf32> to vector<10000x128xbf16>
    %swap3A_22 = arith.constant 0 : index
    %swap3A_23 = arith.constant 0 : index
    %swap3A_24 = vector.load %arg4[%swap3A_22, %swap3A_23] : memref<10000x128xbf16, #tpu.memory_space<vmem>>, vector<10000x128xbf16>
    tpu.vector_store %arg4[%swap3A_22, %swap3A_23], %convert_element_type3A {strides = array<i32>} : memref<10000x128xbf16, #tpu.memory_space<vmem>>, vector<10000x128xbf16>,
    return
  }
}

module attributes {stable_mosaic.version = 14 : i64} {
  func.func @_tc2_body(%arg0: memref<2x10240x128xbf16, #tpu.memory_space<vmem>>, %arg1: memref<10000x128xbf16, #tpu.memory_space<vmem>>, %arg2: memref<10240x1xf32, #tpu.memory_space<vmem>>, %arg3: memref<1x128xf32, #tpu.memory_space<vmem>>, %arg4: memref<128x16xf32, #tpu.memory_space<vmem>>, %arg5: memref<10000x16xf32, #tpu.memory_space<vmem>>) attributes {dimension_semantics = [], scalar_prefetch = 0 : i64, scratch_operands = 0 : i64, tpu.core_type = #tpu.core_type<tc>} {
    %get3A = arith.constant 0 : index
    %get3A_0 = arith.constant 0 : index
    %get3A_1 = vector.load %arg2[%get3A, %get3A_0] : memref<10240x1xf32, #tpu.memory_space<vmem>>, vector<10240x1xf32>
    %slice3A = vector.extract_strided_slice %get3A_1 {offsets = [0, 0], sizes = [10000, 1], strides = [1, 1]} : vector<10240x1xf32> to vector<10000x1xf32>
    %get3A_2 = arith.constant 0 : index
    %get3A_3 = arith.constant 0 : index
    %get3A_4 = arith.constant 0 : index
    %get3A_5 = vector.load %arg0[%get3A_2, %get3A_3, %get3A_4] : memref<2x10240x128xbf16, #tpu.memory_space<vmem>>, vector<1x10000x128xbf16>
    %get3A_6 = vector.shape_cast %get3A_5 : vector<1x10000x128xbf16> to vector<10000x128xbf16>
    %convert_element_type3A = arith.extf %get3A_6 : vector<10000x128xbf16> to vector<10000x128xf32>
    %get3A_7 = arith.constant 1 : index
    %get3A_8 = arith.constant 0 : index
    %get3A_9 = arith.constant 0 : index
    %get3A_10 = vector.load %arg0[%get3A_7, %get3A_8, %get3A_9] : memref<2x10240x128xbf16, #tpu.memory_space<vmem>>, vector<1x10000x128xbf16>
    %get3A_11 = vector.shape_cast %get3A_10 : vector<1x10000x128xbf16> to vector<10000x128xbf16>
    %convert_element_type3A_12 = arith.extf %get3A_11 : vector<10000x128xbf16> to vector<10000x128xf32>
    %add3A = arith.addf %convert_element_type3A, %convert_element_type3A_12 : vector<10000x128xf32>
    %get3A_13 = arith.constant 0 : index
    %get3A_14 = arith.constant 0 : index
    %get3A_15 = vector.load %arg1[%get3A_13, %get3A_14] : memref<10000x128xbf16, #tpu.memory_space<vmem>>, vector<10000x128xbf16>
    %convert_element_type3A_16 = arith.extf %get3A_15 : vector<10000x128xbf16> to vector<10000x128xf32>
    %add3A_17 = arith.addf %add3A, %convert_element_type3A_16 : vector<10000x128xf32>
    %mul3A = vector.broadcast %slice3A : vector<10000x1xf32> to vector<10000x128xf32>
    %mul3A_18 = arith.mulf %add3A_17, %mul3A : vector<10000x128xf32>
    %get3A_19 = arith.constant 0 : index
    %get3A_20 = arith.constant 0 : index
    %get3A_21 = vector.load %arg3[%get3A_19, %get3A_20] : memref<1x128xf32, #tpu.memory_space<vmem>>, vector<1x128xf32>
    %add3A_22 = vector.broadcast %get3A_21 : vector<1x128xf32> to vector<10000x128xf32>
    %add3A_23 = arith.addf %mul3A_18, %add3A_22 : vector<10000x128xf32>
    %max3A = arith.constant 0.000000e+00 : f32
    %max3A_24 = vector.broadcast %max3A : f32 to vector<10000x128xf32>
    %max3A_25 = arith.maximumf %add3A_23, %max3A_24 : vector<10000x128xf32>
    %get3A_26 = arith.constant 0 : index
    %get3A_27 = arith.constant 0 : index
    %get3A_28 = vector.load %arg4[%get3A_26, %get3A_27] : memref<128x16xf32, #tpu.memory_space<vmem>>, vector<128x16xf32>
    %dot_general3A = arith.constant dense<0.000000e+00> : vector<10000x16xf32>
    %dot_general3A_29 = tpu.matmul %max3A_25, %get3A_28, %dot_general3A {dimension_numbers = #tpu.dot_dimension_numbers<[1], [0], [0], [1], [0, 0, 1, 1], [], []>, transpose_lhs_hint = false} : vector<10000x128xf32>, vector<128x16xf32>, vector<10000x16xf32> -> vector<10000x16xf32>
    %mul3A_30 = vector.broadcast %slice3A : vector<10000x1xf32> to vector<10000x16xf32>
    %mul3A_31 = arith.mulf %dot_general3A_29, %mul3A_30 : vector<10000x16xf32>
    %swap3A = arith.constant 0 : index
    %swap3A_32 = arith.constant 0 : index
    %swap3A_33 = vector.load %arg5[%swap3A, %swap3A_32] : memref<10000x16xf32, #tpu.memory_space<vmem>>, vector<10000x16xf32>
    tpu.vector_store %arg5[%swap3A, %swap3A_32], %mul3A_31 {strides = array<i32>} : memref<10000x16xf32, #tpu.memory_space<vmem>>, vector<10000x16xf32>,
    return
  }
}

module attributes {stable_mosaic.version = 14 : i64} {
  func.func @_tc3_body(%arg0: memref<2x10240x16xf32, #tpu.memory_space<vmem>>, %arg1: memref<10000x16xf32, #tpu.memory_space<vmem>>, %arg2: memref<10240x1xf32, #tpu.memory_space<vmem>>, %arg3: memref<1x16xf32, #tpu.memory_space<vmem>>, %arg4: memref<10000x16xf32, #tpu.memory_space<vmem>>) attributes {dimension_semantics = [], scalar_prefetch = 0 : i64, scratch_operands = 0 : i64, tpu.core_type = #tpu.core_type<tc>} {
    %get3A = arith.constant 0 : index
    %get3A_0 = arith.constant 0 : index
    %get3A_1 = vector.load %arg2[%get3A, %get3A_0] : memref<10240x1xf32, #tpu.memory_space<vmem>>, vector<10240x1xf32>
    %slice3A = vector.extract_strided_slice %get3A_1 {offsets = [0, 0], sizes = [10000, 1], strides = [1, 1]} : vector<10240x1xf32> to vector<10000x1xf32>
    %get3A_2 = arith.constant 0 : index
    %get3A_3 = arith.constant 0 : index
    %get3A_4 = arith.constant 0 : index
    %get3A_5 = vector.load %arg0[%get3A_2, %get3A_3, %get3A_4] : memref<2x10240x16xf32, #tpu.memory_space<vmem>>, vector<1x10000x16xf32>
    %get3A_6 = vector.shape_cast %get3A_5 : vector<1x10000x16xf32> to vector<10000x16xf32>
    %get3A_7 = arith.constant 1 : index
    %get3A_8 = arith.constant 0 : index
    %get3A_9 = arith.constant 0 : index
    %get3A_10 = vector.load %arg0[%get3A_7, %get3A_8, %get3A_9] : memref<2x10240x16xf32, #tpu.memory_space<vmem>>, vector<1x10000x16xf32>
    %get3A_11 = vector.shape_cast %get3A_10 : vector<1x10000x16xf32> to vector<10000x16xf32>
    %add3A = arith.addf %get3A_6, %get3A_11 : vector<10000x16xf32>
    %get3A_12 = arith.constant 0 : index
    %get3A_13 = arith.constant 0 : index
    %get3A_14 = vector.load %arg1[%get3A_12, %get3A_13] : memref<10000x16xf32, #tpu.memory_space<vmem>>, vector<10000x16xf32>
    %add3A_15 = arith.addf %add3A, %get3A_14 : vector<10000x16xf32>
    %mul3A = vector.broadcast %slice3A : vector<10000x1xf32> to vector<10000x16xf32>
    %mul3A_16 = arith.mulf %add3A_15, %mul3A : vector<10000x16xf32>
    %get3A_17 = arith.constant 0 : index
    %get3A_18 = arith.constant 0 : index
    %get3A_19 = vector.load %arg3[%get3A_17, %get3A_18] : memref<1x16xf32, #tpu.memory_space<vmem>>, vector<1x16xf32>
    %add3A_20 = vector.broadcast %get3A_19 : vector<1x16xf32> to vector<10000x16xf32>
    %add3A_21 = arith.addf %mul3A_16, %add3A_20 : vector<10000x16xf32>
    %reduce_max3A = arith.constant dense<0xFF800000> : vector<10000xf32>
    %reduce_max3A_22 = vector.multi_reduction <maximumf>, %add3A_21, %reduce_max3A [1] : vector<10000x16xf32> to vector<10000xf32>
    %broadcast_in_dim3A = vector.shape_cast %reduce_max3A_22 : vector<10000xf32> to vector<10000x1xf32>
    %sub3A = vector.broadcast %broadcast_in_dim3A : vector<10000x1xf32> to vector<10000x16xf32>
    %sub3A_23 = arith.subf %add3A_21, %sub3A : vector<10000x16xf32>
    %exp3A = math.exp %sub3A_23 : vector<10000x16xf32>
    %reduce_sum3A = arith.constant dense<0.000000e+00> : vector<10000xf32>
    %reduce_sum3A_24 = vector.multi_reduction <add>, %exp3A, %reduce_sum3A [1] : vector<10000x16xf32> to vector<10000xf32>
    %broadcast_in_dim3A_25 = vector.shape_cast %reduce_sum3A_24 : vector<10000xf32> to vector<10000x1xf32>
    %log3A = math.log %broadcast_in_dim3A_25 : vector<10000x1xf32>
    %add3A_26 = arith.addf %log3A, %broadcast_in_dim3A : vector<10000x1xf32>
    %sub3A_27 = vector.broadcast %add3A_26 : vector<10000x1xf32> to vector<10000x16xf32>
    %sub3A_28 = arith.subf %add3A_21, %sub3A_27 : vector<10000x16xf32>
    %swap3A = arith.constant 0 : index
    %swap3A_29 = arith.constant 0 : index
    %swap3A_30 = vector.load %arg4[%swap3A, %swap3A_29] : memref<10000x16xf32, #tpu.memory_space<vmem>>, vector<10000x16xf32>
    tpu.vector_store %arg4[%swap3A, %swap3A_29], %sub3A_28 {strides = array<i32>} : memref<10000x16xf32, #tpu.memory_space<vmem>>, vector<10000x16xf32>,
    return
  }
}

</mosaic_0001>

<sc_bundles>
// kernel: kernel.11.cloned.1.call-start
scs
__scs_entry_jumppad:
0x0: {  	(pc) =	sbr.rel $0x88, $3  }
0x1: {  	(tag) =	ssettag $0x0;
	lr =	simm.s32 $0x1  }
0x2: {  	[smem:$0x3F9B] =	sst lr;
	_ =	strace $0xD0000000  }
0x3: {  	_ = 	snop  }
0x4: {  	_ = 	snop  }
0x5: {  	_ = 	snop  }
0x6: {  	_ = 	snop  }
0x7: {  	_ = 	snop  }
__scs_overlays_trampoline_lowered:
0x8: {  	[smem:$0x3FAA] =	sst s0  }
0x9: {  	[smem:$0x3FAB] =	sst s1  }
0xa: {  	[smem:$0x3FAC] =	sst s2  }
0xb: {  	[smem:$0x3FAD] =	sst s3  }
0xc: {  	[smem:$0x3FAE] =	sst s4  }
0xd: {  	[smem:$0x3FAF] =	sst s5  }
0xe: {  	[smem:$0x3FB0] =	sst s6  }
0xf: {  	[smem:$0x3FB1] =	sst s7  }
0x10: {  	[smem:$0x3FB2] =	sst s8  }
0x11: {  	[smem:$0x3FB3] =	sst s9;
	s0 =	simm.s32 @!p0 $0x0  }
0x12: {  	s1 =	sld [smem:$0x3F99];
	s0 =	simm.s32 @p0 $0x1  }
0x13: {  	[smem:$0x3FB4] =	sst s0;
	s0 =	simm.s32 @!p1 $0x0  }
0x14: {  	s2 =	sld [smem:$0x3F98];
	s0 =	simm.s32 @p1 $0x1  }
0x15: {  	[smem:$0x3FB5] =	sst s0;
	s0 =	simm.s32 @!p2 $0x0  }
0x16: {  	s3 =	sld [smem:$0x3FDB];
	s0 =	simm.s32 @p2 $0x1  }
0x17: {  	s4 =	simm.s32 $0x1BF5;
	[smem:$0x3FB7] =	sst s0  }
0x18: {  	s0 =	sld [smem:$0x3F9A];
	_ =	swait.ge [sflag:s4], $0x0  }
0x19: {  	s7 =	sld [smem:$0x3F9B]  }
0x1a: {  	s8 =	sadd.s32 $0xFFFFE003, lr  }
0x1b: {  	s9 =	sadd.s32 $0xFFFFFEF7, lr;
	s5 =	simm.s32 $0xFFFFFFFF;
	p2 =	slt.u32 s8, $0xFFFFF086  }
0x1c: {  	p1 =	slt.u32 s9, $0xF7A;
	s5 =	simm.s32 @!p2 $0x0  }
0x1d: {  	s5 =	simm.s32 @p1 $0x1;
	p0 =	seq.s32 s7, s2  }
0x1e: {  	s7 =	smul.u32 @!p0 $0xF7A, s2;
	p2 =	seq.s32 @!p0 s5, $0x0  }
0x1f: {  	s9 =	smul.u32 $0xF7A, s1;
	s8 =	simm.s32 @!p0 $0x1BF5;
	p2 =	por !p2, p0  }
0x20: {  	[sflag:s8] =	ssyncset.s32 @!p0 $0xFFFFF086;
	s6 =	sadd.s32 @!p0 s3, s7;
	s7 =	simm.s32 @!p0 $0x108  }
0x21: {  	s3 =	sadd.s32 s3, s9;
	s6 =	sadd.s32 @!p0 $0x88, s6;
	s7 =	simm.s32 @p2 $0x1082  }
0x22: {  	[simem:s7], [sflag:s8] =	dma.local @!p0 [hbm:s6], $0xF7A  }
0x23: {  	s9 =	sor.u32 $0xD0000000, s2;
	s6 =	simm.s32 $0x108;
	_ =	swait.ge @!p0 [sflag:s8], $0x0  }
0x24: {  	s3 =	sadd.s32 $0x88, s3;
	s6 =	simm.s32 @!p1 $0x1082;
	[sflag:s4] =	ssyncset.s32 $0xFFFFF086  }
0x25: {  	[simem:s6], [sflag:s4] =	dma.local [hbm:s3], $0xF7A  }
0x26: {  	[smem:$0x3F9B] =	sst s1;
	(tag) =	ssettag s2;
	_ =	strace s9  }
0x27: {  	s1 =	sld [smem:$0x3FAB]  }
0x28: {  	s2 =	sld [smem:$0x3FAC]  }
0x29: {  	s4 =	sld [smem:$0x3FAE]  }
0x2a: {  	p0 =	seq.s32 s5, $0x0;
	s5 =	sld [smem:$0x3FAF]  }
0x2b: {  	s6 =	sld [smem:$0x3FB0]  }
0x2c: {  	s7 =	sld [smem:$0x3FB1]  }
0x2d: {  	s3 =	simm.s32 $0x108;
	s8 =	sld [smem:$0x3FB2]  }
0x2e: {  	s3 =	simm.s32 @!p0 $0x1082;
	s9 =	sld [smem:$0x3FB3]  }
0x2f: {  	lr =	sadd.s32 s0, s3;
	s0 =	sld [smem:$0x3FAA]  }
0x30: {  	s3 =	sld [smem:$0x3FAD]  }
0x31: {  	[smem:$0x3FB6] =	sst s10  }
0x32: {  	s10 =	sld [smem:$0x3FB4];
	_ =	sdelay $0x3  }
0x33: {  	p0 =	seq.s32 s10, $0x1;
	s10 =	sld [smem:$0x3FB6];
	_ =	sdelay $0x3  }
0x34: {  	[smem:$0x3FB6] =	sst s10  }
0x35: {  	s10 =	sld [smem:$0x3FB5];
	_ =	sdelay $0x3  }
0x36: {  	p1 =	seq.s32 s10, $0x1;
	s10 =	sld [smem:$0x3FB6];
	_ =	sdelay $0x3  }
0x37: {  	[smem:$0x3FB6] =	sst s10  }
0x38: {  	s10 =	sld [smem:$0x3FB7]  }
0x39: {  	_ = 	snop;
	(pc) =	sbr.ind lr, $3  }
0x3a: {  	_ = 	snop  }
0x3b: {  	_ = 	snop  }
0x3c: {  	p2 =	seq.s32 s10, $0x1;
	s10 =	sld [smem:$0x3FB6]  }
0x3d: {  	_ =	shalt  }
0x3e: {  	_ =	shalt  }
0x3f: {  	_ =	shalt  }
0x40: {  	_ =	shalt  }
0x41: {  	_ =	shalt  }
0x42: {  	_ =	shalt  }
0x43: {  	_ =	shalt  }
0x44: {  	_ =	shalt  }
0x45: {  	_ =	shalt  }
0x46: {  	_ =	shalt  }
0x47: {  	_ =	shalt  }
0x48: {  	_ =	shalt  }
0x49: {  	_ =	shalt  }
0x4a: {  	_ =	shalt  }
0x4b: {  	_ =	shalt  }
0x4c: {  	_ =	shalt  }
0x4d: {  	_ =	shalt  }
0x4e: {  	_ =	shalt  }
0x4f: {  	_ =	shalt  }
0x50: {  	_ =	shalt  }
0x51: {  	_ =	shalt  }
0x52: {  	_ =	shalt  }
0x53: {  	_ =	shalt  }
0x54: {  	_ =	shalt  }
0x55: {  	_ =	shalt  }
0x56: {  	_ =	shalt  }
0x57: {  	_ =	shalt  }
0x58: {  	_ =	shalt  }
0x59: {  	_ =	shalt  }
0x5a: {  	_ =	shalt  }
0x5b: {  	_ =	shalt  }
0x5c: {  	_ =	shalt  }
0x5d: {  	_ =	shalt  }
0x5e: {  	_ =	shalt  }
0x5f: {  	_ =	shalt  }
0x60: {  	_ =	shalt  }
0x61: {  	_ =	shalt  }
0x62: {  	_ =	shalt  }
0x63: {  	_ =	shalt  }
0x64: {  	_ =	shalt  }
0x65: {  	_ =	shalt  }
0x66: {  	_ =	shalt  }
0x67: {  	_ =	shalt  }
0x68: {  	_ =	shalt  }
0x69: {  	_ =	shalt  }
0x6a: {  	_ =	shalt  }
0x6b: {  	_ =	shalt  }
0x6c: {  	_ =	shalt  }
0x6d: {  	_ =	shalt  }
0x6e: {  	_ =	shalt  }
0x6f: {  	_ =	shalt  }
0x70: {  	_ =	shalt  }
0x71: {  	_ =	shalt  }
0x72: {  	_ =	shalt  }
0x73: {  	_ =	shalt  }
0x74: {  	_ =	shalt  }
0x75: {  	_ =	shalt  }
0x76: {  	_ =	shalt  }
0x77: {  	_ =	shalt  }
0x78: {  	_ =	shalt  }
0x79: {  	_ =	shalt  }
0x7a: {  	_ =	shalt  }
0x7b: {  	_ =	shalt  }
0x7c: {  	_ =	shalt  }
0x7d: {  	_ =	shalt  }
0x7e: {  	_ =	shalt  }
0x7f: {  	_ =	shalt  }
0x80: {  	_ =	shalt  }
0x81: {  	_ =	shalt  }
0x82: {  	_ =	shalt  }
0x83: {  	_ =	shalt  }
0x84: {  	_ =	shalt  }
0x85: {  	_ =	shalt  }
0x86: {  	_ =	shalt  }
0x87: {  	_ =	shalt  }
.Lfunc_end0:
.L_simem_size_0:
called_computation.1_lowered:
.L_overlay_start_0:
0x88: {  	s2 =	sld [smem:$0x3FD9]  }
0x89: {  	s3 =	sld [smem:$0x3FFE];
	_ =	sdelay $0x1  }
0x8a: {  	s1 =	srdreg.scid  }
0x8b: {  	s0 =	sand.u32 $0x1, s1  }
0x8c: {  	s16 =	sshll.u32 s0, $0xA;
	s2 =	sadd.s32 s3, s2  }
0x8d: {  	s2 =	sadd.s32 s2, s16  }
0x8e: {  	[smem:$0x3FC2] =	sst s2  }
0x8f: {  	_ = 	snop  }
0x90: {  	(tm) =	ssettm $0x1  }
0x91: {  	s17 =	sld [smem:$0x3FFB];
	_ =	sdelay $0x3  }
0x92: {  	_ =	strace s17  }
0x93: {  	s2 =	sld [smem:$0x3FFC];
	_ =	sdelay $0x3  }
0x94: {  	_ =	strace s2  }
0x95: {  	s2 =	sld [smem:$0x3FFD];
	_ =	sdelay $0x3  }
0x96: {  	_ =	strace s2  }
0x97: {  	_ =	strace $0x8FFFFFFF  }
0x98: {  	s18 =	sld [smem:$0x3FDB];
	_ =	sdelay $0x1  }
0x99: {  	s19 =	simm.s32 $_scs_section_size  }
0x9a: {  	s4 =	simm.s32 $_size__tile_overlayer_lowered;
	s5 =	simm.s32 $_tile_overlayer_lowered  }
0x9b: {  	s22 =	simm.s32 $0x1BFF;
	s21 =	sshll.u32 s5, $0x1;
	s2 =	sadd.s32 s19, s18  }
0x9c: {  	s6 =	simm.s32 $0x0;
	s20 =	sshll.u32 s4, $0x1;
	s4 =	sadd.s32 s21, s2  }
0x9d: {  	[timem:s6], [sflag:s22] =	dma.local [hbm:s4], s20  }
0x9e: {  	_ =	swait.ge [sflag:s22], s20  }
0x9f: {  	s3 =	ssub.s32 $0x0, s20;
	[sflag:s22] =	ssyncset.done $0x0  }
0xa0: {  	[sflag:s22] =	ssyncadd.s32 s3;
	_ =	sdelay $0x1  }
0xa1: {  	s23 =	simm.s32 $0x1B8B  }
0xa2: {  	_ =	swait.ge [sflag:s23], $0x1  }
0xa3: {  	[sflag:s23] =	ssyncset.done $0x0  }
0xa4: {  	s25 =	simm.s32 $0x1B8E;
	s24 =	sld [smem:$0x3FFE];
	[sflag:s23] =	ssyncadd.s32 $0xFFFFFFFF  }
0xa5: {  	s26 =	simm.s32 $execute0_lowered;
	[smem:$0x3FD2] =	sst s25  }
0xa6: {  	s4 =	sshll.u32 s26, $0x1;
	_ =	strace $0x80000049;
	[dreg:$0x1] =	wrdreg $0xFFFFFFFF  }
0xa7: {  	s28 =	simm.s32 $_size_execute0_lowered;
	s2 =	sadd.s32 s2, s4;
	[dreg:$0x0] =	wrdreg $0x0  }
0xa8: {  	s4 =	sshll.u32 s28, $0x1;
	[dreg:$0x2] =	wrdreg s2  }
0xa9: {  	[dreg:$0x3] =	wrdreg s4  }
0xaa: {  	[dreg:$0x4] =	wrdreg $0xC0  }
0xab: {  	_ =	task [dreg:s6], $0x5FFFF  }
0xac: {  	[dreg:$0x1] =	wrdreg $0xFFFFFFFF  }
0xad: {  	[dreg:$0x0] =	wrdreg $0x60  }
0xae: {  	[dreg:$0x2] =	wrdreg s24  }
0xaf: {  	[dreg:$0x3] =	wrdreg $0x90000  }
0xb0: {  	[dreg:$0x4] =	wrdreg $0x9  }
0xb1: {  	_ =	task.clear_ibuf [dreg:s6], $0x5FFFF;
	_ =	strace $0x90000049  }
0xb2: {  	s29 =	simm.s32 $0x9;
	_ =	strace $0x8000004B  }
0xb3: {  	_ =	swait.ge [sflag:s29], $0x1  }
0xb4: {  	[sflag:s29] =	ssyncadd.s32 $0xFFFFFFFF  }
0xb5: {  	_ =	strace $0x9000004B  }
0xb6: {  	_ =	sfence  }
0xb7: {  	s30 =	sld [smem:$0x0];
	_ =	sdelay $0x2  }
0xb8: {  	s31 =	sshll.u32 s1, $0xD;
	s1 =	sshrl.u32 s1, $0x2  }
0xb9: {  	s3 =	sand.u32 $0x4000, s31;
	s1 =	sadd.s32 s1, s30  }
0xba: {  	s0 =	sor.u32 s3, s0;
	s1 =	sshll.u32 s1, $0x11  }
0xbb: {  	s0 =	sor.u32 s1, s0  }
0xbc: {  	s0 =	sadd.s32 $0x8F2B, s0  }
0xbd: {  	[sflag:s0] =	ssyncadd.remote.s32 $0x1  }
0xbe: {  	_ =	sfence.sel $0xFFFF  }
0xbf: {  	[dreg:$0x0] =	wrdreg $0xFFFFFFFF;
	(pc) =	sbr.abs _section_cstart, $3  }
0xc0: {  	[dreg:$0x1] =	wrdreg $0xFFFFFFFF  }
0xc1: {  	_ =	task.clear_ibuf [dreg:s6], $0x2FFFF;
	_ =	strace $0x9FFFFFFF  }
0xc2: {  	(tm) =	ssettm $0x7FFFFFFF  }
0xc3: {  	_ =	shalt  }
tec
execute0_lowered:
.L_overlay_start_1:
0x0: {  	(tag) =	ssettag $0x1  }
0x1: {  	s0 =	rddreg [dreg:$0x0]  }
0x2: {  	s1 =	srdreg.scid;
	s2 =	rddreg [dreg:$0x1]  }
0x3: {  	s7 =	stileid.u32;
	s3 =	simm.s32 $0x0;
	s26 =	simm.s32 $0x100  }
0x4: {  	s17 =	simm.s32 $0x880;
	s18 =	simm.s32 $0x200;
	s28 =	simm.s32 $0x6  }
0x5: {  	s29 =	simm.s32 $0x4;
	s30 =	simm.s32 $0x7;
	s31 =	simm.s32 $0x8  }
0x6: {  	s1 =	sand.u32 $0x1, s1;
	s5 =	smul.u32 $0x2800, s7;
	[smem:$0x7FF] =	sst s3  }
0x7: {  	s10 =	smul.u32 $0x14000, s7;
	_ =	strace $0x8000004A;
	[dreg:$0x5] =	wrdreg s26  }
0x8: {  	s4 =	smul.u32 $0x28000, s1;
	s6 =	ssub.s32 $0x2, s1;
	[dreg:$0x7] =	wrdreg s17  }
0x9: {  	s1 =	smul.u32 $0x140000, s1;
	[dreg:$0x8] =	wrdreg s18;
	s18 =	simm.s32 $0xB80  }
0xa: {  	s20 =	sshrl.u32 s6, $0x1;
	s12 =	sadd.s32 $0x4000, s10;
	s21 =	sshrl.u32 s10, $0x1  }
0xb: {  	s13 =	sadd.s32 $0x8000, s10;
	s14 =	sadd.s32 $0xC000, s10;
	s15 =	sadd.s32 $0x10000, s10  }
0xc: {  	[dreg:$0x13] =	wrdreg s18;
	s18 =	simm.s32 $0x800;
	s11 =	ssub.s32 s6, s20  }
0xd: {  	s22 =	sshrl.u32 s12, $0x1;
	s6 =	sadd.s32 s21, s2;
	s24 =	sshrl.u32 s13, $0x1  }
0xe: {  	s8 =	sshrl.u32 s14, $0x1;
	s20 =	simm.s32 $0x900;
	[dreg:$0x1c] =	wrdreg s6  }
0xf: {  	s21 =	sadd.s32 s1, s13;
	s13 =	simm.s32 $0xA80;
	[dreg:$0x9] =	wrdreg s20  }
0x10: {  	s26 =	sadd.s32 s1, s14;
	s14 =	simm.s32 $0x400;
	[dreg:$0xf] =	wrdreg s13  }
0x11: {  	s9 =	sshrl.u32 s15, $0x1;
	s23 =	sadd.s32 s22, s2;
	[dreg:$0x10] =	wrdreg s14  }
0x12: {  	s4 =	sadd.s32 s5, s4;
	s25 =	sadd.s32 s9, s2;
	[dreg:$0x1d] =	wrdreg s23  }
0x13: {  	s10 =	sadd.s32 s10, s1;
	s22 =	simm.s32 $0x280;
	[dreg:$0x1f] =	wrdreg s25  }
0x14: {  	s5 =	sshrl.u32 s4, $0x3;
	s6 =	simm.s32 $0xA00;
	[dreg:$0xa] =	wrdreg s22  }
0x15: {  	s4 =	sadd.s32 $0x15A00, s0;
	s17 =	smax.u32 s11, $0x1;
	[dreg:$0xd] =	wrdreg s6  }
0x16: {  	s7 =	sadd.s32 s24, s2;
	s20 =	simm.s32 $0xC00;
	[smem:$0x7FD] =	sst s17  }
0x17: {  	s8 =	sadd.s32 s8, s2;
	s10 =	sshrl.u32 s10, $0x4;
	[dreg:$0x15] =	wrdreg s20  }
0x18: {  	s11 =	simm.s32 $0xE80;
	s23 =	simm.s32 $0x980;
	[dreg:$0x1e] =	wrdreg s8  }
0x19: {  	s13 =	simm.s32 $0xF80;
	s25 =	simm.s32 $0x300;
	[dreg:$0xb] =	wrdreg s23  }
0x1a: {  	s5 =	sadd.s32 s5, s0;
	s22 =	simm.s32 $0xC80;
	[dreg:$0xc] =	wrdreg s25  }
0x1b: {  	s14 =	simm.s32 $0x0;
	s16 =	sadd.s32 $0xBA00, s5;
	[dreg:$0x17] =	wrdreg s22  }
0x1c: {  	s0 =	sadd.s32 $0x29400, s0;
	s5 =	sadd.s32 $0x1A00, s5;
	[dreg:$0x3] =	wrdreg s16  }
0x1d: {  	s17 =	simm.s32 $0x9;
	s9 =	sadd.s32 s0, s10;
	[dreg:$0x4] =	wrdreg s5  }
0x1e: {  	s20 =	simm.s32 $0x3000;
	s10 =	simm.s32 $0x180;
	[smem:$0x7F8] =	sst s9  }
0x1f: {  	s23 =	simm.s32 $0x600;
	s22 =	simm.s32 $0x1;
	[dreg:$0x6] =	wrdreg s10  }
0x20: {  	s25 =	simm.s32 $0x680;
	s16 =	sadd.s32 s1, s12;
	[dreg:$0x18] =	wrdreg s23  }
0x21: {  	s9 =	simm.s32 $0x380;
	s1 =	sadd.s32 s1, s15;
	[dreg:$0x1a] =	wrdreg s25  }
0x22: {  	s15 =	simm.s32 $0xB00;
	s23 =	simm.s32 $0x7000;
	[dreg:$0xe] =	wrdreg s9  }
0x23: {  	s10 =	sshrl.u32 s16, $0x4;
	[dreg:$0x11] =	wrdreg s15;
	s16 =	simm.s32 $0x480  }
0x24: {  	s25 =	simm.s32 $0x5;
	s19 =	sadd.s32 s0, s10;
	[dreg:$0x12] =	wrdreg s16  }
0x25: {  	s10 =	sshrl.u32 s21, $0x4;
	s21 =	simm.s32 $0x580;
	[smem:$0x7F9] =	sst s19  }
0x26: {  	s1 =	sshrl.u32 s1, $0x4;
	s24 =	sadd.s32 s0, s10;
	[dreg:$0x16] =	wrdreg s21  }
0x27: {  	s16 =	simm.s32 $0x1000;
	s19 =	simm.s32 $0x500;
	[smem:$0x7FA] =	sst s24  }
0x28: {  	s10 =	sshrl.u32 s26, $0x4;
	s26 =	simm.s32 $0xD80;
	[dreg:$0x14] =	wrdreg s19  }
0x29: {  	s21 =	simm.s32 $0x5000;
	s12 =	sadd.s32 s0, s10;
	[dreg:$0x1b] =	wrdreg s26  }
0x2a: {  	s0 =	sadd.s32 s0, s1;
	s19 =	simm.s32 $0x80;
	[smem:$0x7FB] =	sst s12  }
0x2b: {  	s24 =	simm.s32 $0xD00;
	s26 =	simm.s32 $0x3;
	[smem:$0x7FC] =	sst s0  }
0x2c: {  	s1 =	simm.s32 $0xE00;
	s10 =	simm.s32 $0x780;
	[dreg:$0x19] =	wrdreg s24  }
0x2d: {  	v0 =	vimm.bf16 $0.0e+00;
	s24 =	simm.s32 $0x2;
	s0 =	simm.s32 $0x700;
	s12 =	simm.s32 $0xF00  }
.LBB2_1:
0x2e: {  	s15 =	simm.s32 $0x100;
	s5 =	simm.s32 $0x0  }
.LBB2_2:
0x2f: {  	p0 =	sne.s32 s15, $0x7F00;
	[tilespmem:s5+$0x1030] =	vst v0;
	s6 =	smov.u32 s15;
	s15 =	sadd.s32 $0x100, s15  }
.Ltmp0:
0x30: {  	[tilespmem:s5+$0x1020] =	vst v0;
	(pc) =	sbr.rel @p0 .LBB2_2-.Ltmp0, $3  }
0x31: {  	[tilespmem:s5+$0x1000] =	vst v0  }
0x32: {  	[tilespmem:s5+$0x1010] =	vst v0;
	_ =	sdelay $0x1  }
0x33: {  	s5 =	sshra.s32 s6, $0x2  }
0x34: {  	[tilespmem:s5+$0x1030] =	vst v0  }
0x35: {  	[tilespmem:s5+$0x1020] =	vst v0  }
0x36: {  	[tilespmem:s5+$0x1000] =	vst v0  }
0x37: {  	[tilespmem:s5+$0x1010] =	vst v0;
	s15 =	rddreg [dreg:$0x1c]  }
0x38: {  	[spmem:s15] =	stream.linear.scatter [tilespmem:s16], [sflag:$0x9], $0x2000, $0x38;
	[tilespmem:$0x13000] =	vst v63  }
0x39: {  	_ =	swait.ge [sflag:s17], $0x2000  }
0x3a: {  	[sflag:s17] =	ssyncset.done $0x0  }
0x3b: {  	s6 =	rddreg [dreg:$0x1d];
	[sflag:s17] =	ssyncadd.s32 $0xFFFFE000  }
0x3c: {  	[spmem:s6] =	stream.linear.scatter [tilespmem:s16], [sflag:$0x9], $0x2000, $0x38;
	[tilespmem:$0x13000] =	vst v63  }
0x3d: {  	_ =	swait.ge [sflag:s17], $0x2000  }
0x3e: {  	[sflag:s17] =	ssyncset.done $0x0  }
0x3f: {  	[sflag:s17] =	ssyncadd.s32 $0xFFFFE000  }
0x40: {  	[spmem:s7] =	stream.linear.scatter [tilespmem:s16], [sflag:$0x9], $0x2000, $0x38;
	[tilespmem:$0x13000] =	vst v63  }
0x41: {  	_ =	swait.ge [sflag:s17], $0x2000  }
0x42: {  	[sflag:s17] =	ssyncset.done $0x0  }
0x43: {  	[sflag:s17] =	ssyncadd.s32 $0xFFFFE000  }
0x44: {  	[spmem:s8] =	stream.linear.scatter [tilespmem:s16], [sflag:$0x9], $0x2000, $0x38;
	[tilespmem:$0x13000] =	vst v63  }
0x45: {  	_ =	swait.ge [sflag:s17], $0x2000  }
0x46: {  	[sflag:s17] =	ssyncset.done $0x0  }
0x47: {  	s8 =	rddreg [dreg:$0x1f];
	[sflag:s17] =	ssyncadd.s32 $0xFFFFE000  }
0x48: {  	[spmem:s8] =	stream.linear.scatter [tilespmem:s16], [sflag:$0x9], $0x2000, $0x38;
	[tilespmem:$0x13000] =	vst v63  }
0x49: {  	_ =	swait.ge [sflag:s17], $0x2000  }
0x4a: {  	[sflag:s17] =	ssyncset.done $0x0  }
0x4b: {  	p0 =	por $0x1, $0x1;
	[sflag:s17] =	ssyncadd.s32 $0xFFFFE000  }
0x4c: {  	s5 =	simm.s32 @!p0 $0x5;
	[bflag:$0x0] =	sbarrier.arrive $0xFFFF  }
0x4d: {  	_ =	swait.ge @!p0 [sflag:s5], $0x2000  }
0x4e: {  	[sflag:s5] =	ssyncset.done @!p0 $0x0  }
0x4f: {  	[sflag:s5] =	ssyncadd.s32 @!p0 $0xFFFFE000;
	s5 =	simm.s32 @!p0 $0x6  }
0x50: {  	_ =	swait.ge @!p0 [sflag:s5], $0x2000  }
0x51: {  	[sflag:s5] =	ssyncset.done @!p0 $0x0  }
0x52: {  	[sflag:s5] =	ssyncadd.s32 @!p0 $0xFFFFE000;
	s5 =	simm.s32 @!p0 $0x7  }
0x53: {  	_ =	swait.ge @!p0 [sflag:s5], $0x2000  }
0x54: {  	[sflag:s5] =	ssyncset.done @!p0 $0x0  }
0x55: {  	[sflag:s5] =	ssyncadd.s32 @!p0 $0xFFFFE000;
	s5 =	simm.s32 @!p0 $0x8  }
0x56: {  	_ =	swait.ge @!p0 [sflag:s5], $0x2000  }
0x57: {  	s6 =	rddreg [dreg:$0x4];
	[sflag:s5] =	ssyncset.done @!p0 $0x0  }
0x58: {  	[sflag:s5] =	ssyncadd.s32 @!p0 $0xFFFFE000;
	s15 =	sadd.s32 $0x0, s6  }
0x59: {  	[tilespmem:s3], [sflag:$0x9] =	stream.linear.gather [hbm4b:s15+s3], $0x800, $0x38;
	[tilespmem:$0x13000] =	vst v63  }
0x5a: {  	_ =	swait.ge [sflag:s17], $0x800  }
0x5b: {  	s6 =	rddreg [dreg:$0x3];
	[sflag:s17] =	ssyncset.done $0x0  }
0x5c: {  	[sflag:s17] =	ssyncadd.s32 $0xFFFFF800;
	s5 =	sadd.s32 $0x0, s6  }
0x5d: {  	[tilespmem:s18], [sflag:$0x9] =	stream.linear.gather [hbm4b:s5+s3], $0x800, $0x38;
	[tilespmem:$0x13000] =	vst v63  }
0x5e: {  	_ =	swait.ge [sflag:s17], $0x800  }
0x5f: {  	[sflag:s17] =	ssyncset.done $0x0  }
0x60: {  	[sflag:s17] =	ssyncadd.s32 $0xFFFFF800  }
0x61: {  	[tilespmem:s16], [sflag:$0x1] =	stream.indirect.gather [hbm4b:s4+s19], $0x40, s3, s19, $0xb8;
	[tilespmem:$0x13000] =	vst v63  }
0x62: {  	_ = 	snop  }
0x63: {  	[tilespmem:s20], [sflag:$0x2] =	stream.indirect.gather [hbm4b:s4+s19], $0x40, s19, s19, $0xb8;
	[tilespmem:$0x13000] =	vst v63  }
0x64: {  	s9 =	smov.u32 s7;
	s7 =	rddreg [dreg:$0x5]  }
0x65: {  	[tilespmem:s21], [sflag:$0x3] =	stream.indirect.gather [hbm4b:s4+s19], $0x40, s7, s19, $0xb8;
	[tilespmem:$0x13000] =	vst v63  }
0x66: {  	_ =	swait.ge [sflag:s22], $0x2000  }
0x67: {  	[sflag:s22] =	ssyncset.done $0x0  }
0x68: {  	[sflag:s22] =	ssyncadd.s32 $0xFFFFE000  }
0x69: {  	[spmem:s2] =	stream.indirect.scatter.add.bf16 [tilespmem:s16], [sflag:$0x5], $0x40, s18, s19, $0xb8;
	[tilespmem:$0x13000] =	vst v63  }
0x6a: {  	s8 =	rddreg [dreg:$0x6]  }
0x6b: {  	[tilespmem:s23], [sflag:$0x4] =	stream.indirect.gather [hbm4b:s4+s19], $0x40, s8, s19, $0xb8;
	[tilespmem:$0x13000] =	vst v63  }
0x6c: {  	_ =	swait.ge [sflag:s24], $0x2000  }
0x6d: {  	[sflag:s24] =	ssyncset.done $0x0  }
0x6e: {  	s15 =	rddreg [dreg:$0x7];
	[sflag:s24] =	ssyncadd.s32 $0xFFFFE000  }
0x6f: {  	[spmem:s2] =	stream.indirect.scatter.add.bf16 [tilespmem:s20], [sflag:$0x6], $0x40, s15, s19, $0xb8;
	[tilespmem:$0x13000] =	vst v63  }
0x70: {  	_ =	swait.ge [sflag:s25], $0x2000  }
0x71: {  	[sflag:s25] =	ssyncset.done $0x0  }
0x72: {  	s6 =	rddreg [dreg:$0x8];
	[sflag:s25] =	ssyncadd.s32 $0xFFFFE000  }
0x73: {  	[tilespmem:s16], [sflag:$0x1] =	stream.indirect.gather [hbm4b:s4+s19], $0x40, s6, s19, $0xb8;
	[tilespmem:$0x13000] =	vst v63  }
0x74: {  	_ =	swait.ge [sflag:s26], $0x2000  }
0x75: {  	[sflag:s26] =	ssyncset.done $0x0  }
0x76: {  	s7 =	rddreg [dreg:$0x9];
	[sflag:s26] =	ssyncadd.s32 $0xFFFFE000  }
0x77: {  	[spmem:s2] =	stream.indirect.scatter.add.bf16 [tilespmem:s21], [sflag:$0x7], $0x40, s7, s19, $0xb8;
	[tilespmem:$0x13000] =	vst v63  }
0x78: {  	_ =	swait.ge [sflag:s28], $0x2000  }
0x79: {  	[sflag:s28] =	ssyncset.done $0x0  }
0x7a: {  	s8 =	rddreg [dreg:$0xa];
	[sflag:s28] =	ssyncadd.s32 $0xFFFFE000  }
0x7b: {  	[tilespmem:s20], [sflag:$0x2] =	stream.indirect.gather [hbm4b:s4+s19], $0x40, s8, s19, $0xb8;
	[tilespmem:$0x13000] =	vst v63  }
0x7c: {  	_ =	swait.ge [sflag:s29], $0x2000  }
0x7d: {  	[sflag:s29] =	ssyncset.done $0x0  }
0x7e: {  	s15 =	rddreg [dreg:$0xb];
	[sflag:s29] =	ssyncadd.s32 $0xFFFFE000  }
0x7f: {  	[spmem:s2] =	stream.indirect.scatter.add.bf16 [tilespmem:s23], [sflag:$0x8], $0x40, s15, s19, $0xb8;
	[tilespmem:$0x13000] =	vst v63  }
0x80: {  	_ =	swait.ge [sflag:s30], $0x2000  }
0x81: {  	[sflag:s30] =	ssyncset.done $0x0  }
0x82: {  	s6 =	rddreg [dreg:$0xc];
	[sflag:s30] =	ssyncadd.s32 $0xFFFFE000  }
0x83: {  	[tilespmem:s21], [sflag:$0x3] =	stream.indirect.gather [hbm4b:s4+s19], $0x40, s6, s19, $0xb8;
	[tilespmem:$0x13000] =	vst v63  }
0x84: {  	_ =	swait.ge [sflag:s22], $0x2000  }
0x85: {  	[sflag:s22] =	ssyncset.done $0x0  }
0x86: {  	s7 =	rddreg [dreg:$0xd];
	[sflag:s22] =	ssyncadd.s32 $0xFFFFE000  }
0x87: {  	[spmem:s2] =	stream.indirect.scatter.add.bf16 [tilespmem:s16], [sflag:$0x5], $0x40, s7, s19, $0xb8;
	[tilespmem:$0x13000] =	vst v63  }
0x88: {  	_ =	swait.ge [sflag:s31], $0x2000  }
0x89: {  	[sflag:s31] =	ssyncset.done $0x0  }
0x8a: {  	s8 =	rddreg [dreg:$0xe];
	[sflag:s31] =	ssyncadd.s32 $0xFFFFE000  }
0x8b: {  	[tilespmem:s23], [sflag:$0x4] =	stream.indirect.gather [hbm4b:s4+s19], $0x40, s8, s19, $0xb8;
	[tilespmem:$0x13000] =	vst v63  }
0x8c: {  	_ =	swait.ge [sflag:s24], $0x2000  }
0x8d: {  	[sflag:s24] =	ssyncset.done $0x0  }
0x8e: {  	s15 =	rddreg [dreg:$0xf];
	[sflag:s24] =	ssyncadd.s32 $0xFFFFE000  }
0x8f: {  	[spmem:s2] =	stream.indirect.scatter.add.bf16 [tilespmem:s20], [sflag:$0x6], $0x40, s15, s19, $0xb8;
	[tilespmem:$0x13000] =	vst v63  }
0x90: {  	_ =	swait.ge [sflag:s25], $0x2000  }
0x91: {  	[sflag:s25] =	ssyncset.done $0x0  }
0x92: {  	s6 =	rddreg [dreg:$0x10];
	[sflag:s25] =	ssyncadd.s32 $0xFFFFE000  }
0x93: {  	[tilespmem:s16], [sflag:$0x1] =	stream.indirect.gather [hbm4b:s4+s19], $0x40, s6, s19, $0xb8;
	[tilespmem:$0x13000] =	vst v63  }
0x94: {  	_ =	swait.ge [sflag:s26], $0x2000  }
0x95: {  	[sflag:s26] =	ssyncset.done $0x0  }
0x96: {  	s7 =	rddreg [dreg:$0x11];
	[sflag:s26] =	ssyncadd.s32 $0xFFFFE000  }
0x97: {  	[spmem:s2] =	stream.indirect.scatter.add.bf16 [tilespmem:s21], [sflag:$0x7], $0x40, s7, s19, $0xb8;
	[tilespmem:$0x13000] =	vst v63  }
0x98: {  	_ =	swait.ge [sflag:s28], $0x2000  }
0x99: {  	[sflag:s28] =	ssyncset.done $0x0  }
0x9a: {  	s8 =	rddreg [dreg:$0x12];
	[sflag:s28] =	ssyncadd.s32 $0xFFFFE000  }
0x9b: {  	[tilespmem:s20], [sflag:$0x2] =	stream.indirect.gather [hbm4b:s4+s19], $0x40, s8, s19, $0xb8;
	[tilespmem:$0x13000] =	vst v63  }
0x9c: {  	_ =	swait.ge [sflag:s29], $0x2000  }
0x9d: {  	[sflag:s29] =	ssyncset.done $0x0  }
0x9e: {  	s15 =	rddreg [dreg:$0x13];
	[sflag:s29] =	ssyncadd.s32 $0xFFFFE000  }
0x9f: {  	[spmem:s2] =	stream.indirect.scatter.add.bf16 [tilespmem:s23], [sflag:$0x8], $0x40, s15, s19, $0xb8;
	[tilespmem:$0x13000] =	vst v63  }
0xa0: {  	_ =	swait.ge [sflag:s30], $0x2000  }
0xa1: {  	[sflag:s30] =	ssyncset.done $0x0  }
0xa2: {  	s6 =	rddreg [dreg:$0x14];
	[sflag:s30] =	ssyncadd.s32 $0xFFFFE000  }
0xa3: {  	[tilespmem:s21], [sflag:$0x3] =	stream.indirect.gather [hbm4b:s4+s19], $0x40, s6, s19, $0xb8;
	[tilespmem:$0x13000] =	vst v63  }
0xa4: {  	_ =	swait.ge [sflag:s22], $0x2000  }
0xa5: {  	[sflag:s22] =	ssyncset.done $0x0  }
0xa6: {  	s7 =	rddreg [dreg:$0x15];
	[sflag:s22] =	ssyncadd.s32 $0xFFFFE000  }
0xa7: {  	[spmem:s2] =	stream.indirect.scatter.add.bf16 [tilespmem:s16], [sflag:$0x5], $0x40, s7, s19, $0xb8;
	[tilespmem:$0x13000] =	vst v63  }
0xa8: {  	_ =	swait.ge [sflag:s31], $0x2000  }
0xa9: {  	[sflag:s31] =	ssyncset.done $0x0  }
0xaa: {  	s8 =	rddreg [dreg:$0x16];
	[sflag:s31] =	ssyncadd.s32 $0xFFFFE000  }
0xab: {  	[tilespmem:s23], [sflag:$0x4] =	stream.indirect.gather [hbm4b:s4+s19], $0x40, s8, s19, $0xb8;
	[tilespmem:$0x13000] =	vst v63  }
0xac: {  	_ =	swait.ge [sflag:s24], $0x2000  }
0xad: {  	[sflag:s24] =	ssyncset.done $0x0  }
0xae: {  	s15 =	rddreg [dreg:$0x17];
	[sflag:s24] =	ssyncadd.s32 $0xFFFFE000  }
0xaf: {  	[spmem:s2] =	stream.indirect.scatter.add.bf16 [tilespmem:s20], [sflag:$0x6], $0x40, s15, s19, $0xb8;
	[tilespmem:$0x13000] =	vst v63  }
0xb0: {  	_ =	swait.ge [sflag:s25], $0x2000  }
0xb1: {  	[sflag:s25] =	ssyncset.done $0x0  }
0xb2: {  	s6 =	rddreg [dreg:$0x18];
	[sflag:s25] =	ssyncadd.s32 $0xFFFFE000  }
0xb3: {  	[tilespmem:s16], [sflag:$0x1] =	stream.indirect.gather [hbm4b:s4+s19], $0x40, s6, s19, $0xb8;
	[tilespmem:$0x13000] =	vst v63  }
0xb4: {  	_ =	swait.ge [sflag:s26], $0x2000  }
0xb5: {  	[sflag:s26] =	ssyncset.done $0x0  }
0xb6: {  	s7 =	rddreg [dreg:$0x19];
	[sflag:s26] =	ssyncadd.s32 $0xFFFFE000  }
0xb7: {  	[spmem:s2] =	stream.indirect.scatter.add.bf16 [tilespmem:s21], [sflag:$0x7], $0x40, s7, s19, $0xb8;
	[tilespmem:$0x13000] =	vst v63  }
0xb8: {  	_ =	swait.ge [sflag:s28], $0x2000  }
0xb9: {  	[sflag:s28] =	ssyncset.done $0x0  }
0xba: {  	s8 =	rddreg [dreg:$0x1a];
	[sflag:s28] =	ssyncadd.s32 $0xFFFFE000  }
0xbb: {  	[tilespmem:s20], [sflag:$0x2] =	stream.indirect.gather [hbm4b:s4+s19], $0x40, s8, s19, $0xb8;
	[tilespmem:$0x13000] =	vst v63  }
0xbc: {  	_ =	swait.ge [sflag:s29], $0x2000  }
0xbd: {  	[sflag:s29] =	ssyncset.done $0x0  }
0xbe: {  	s15 =	rddreg [dreg:$0x1b];
	[sflag:s29] =	ssyncadd.s32 $0xFFFFE000  }
0xbf: {  	[spmem:s2] =	stream.indirect.scatter.add.bf16 [tilespmem:s23], [sflag:$0x8], $0x40, s15, s19, $0xb8;
	[tilespmem:$0x13000] =	vst v63  }
0xc0: {  	_ =	swait.ge [sflag:s30], $0x2000  }
0xc1: {  	[sflag:s30] =	ssyncset.done $0x0  }
0xc2: {  	[sflag:s30] =	ssyncadd.s32 $0xFFFFE000  }
0xc3: {  	[tilespmem:s21], [sflag:$0x3] =	stream.indirect.gather [hbm4b:s4+s19], $0x40, s0, s19, $0xb8;
	[tilespmem:$0x13000] =	vst v63  }
0xc4: {  	_ =	swait.ge [sflag:s22], $0x2000  }
0xc5: {  	[sflag:s22] =	ssyncset.done $0x0  }
0xc6: {  	[sflag:s22] =	ssyncadd.s32 $0xFFFFE000  }
0xc7: {  	[spmem:s2] =	stream.indirect.scatter.add.bf16 [tilespmem:s16], [sflag:$0x5], $0x40, s1, s19, $0xb8;
	[tilespmem:$0x13000] =	vst v63  }
0xc8: {  	_ =	swait.ge [sflag:s31], $0x2000  }
0xc9: {  	[sflag:s31] =	ssyncset.done $0x0  }
0xca: {  	[sflag:s31] =	ssyncadd.s32 $0xFFFFE000  }
0xcb: {  	[tilespmem:s23], [sflag:$0x4] =	stream.indirect.gather [hbm4b:s4+s19], $0x40, s10, s19, $0xb8;
	[tilespmem:$0x13000] =	vst v63  }
0xcc: {  	_ =	swait.ge [sflag:s24], $0x2000  }
0xcd: {  	[sflag:s24] =	ssyncset.done $0x0  }
0xce: {  	[sflag:s24] =	ssyncadd.s32 $0xFFFFE000  }
0xcf: {  	[spmem:s2] =	stream.indirect.scatter.add.bf16 [tilespmem:s20], [sflag:$0x6], $0x40, s11, s19, $0xb8;
	[tilespmem:$0x13000] =	vst v63  }
0xd0: {  	_ =	swait.ge [sflag:s26], $0x2000  }
0xd1: {  	[sflag:s26] =	ssyncset.done $0x0  }
0xd2: {  	[sflag:s26] =	ssyncadd.s32 $0xFFFFE000  }
0xd3: {  	[spmem:s2] =	stream.indirect.scatter.add.bf16 [tilespmem:s21], [sflag:$0x7], $0x40, s12, s19, $0xb8;
	[tilespmem:$0x13000] =	vst v63  }
0xd4: {  	p1 =	por $0x0, $0x0;
	_ =	swait.ge [sflag:s29], $0x2000  }
0xd5: {  	s5 =	simm.s32 $0x200;
	s15 =	simm.s32 $0x100;
	[sflag:s29] =	ssyncset.done $0x0  }
.LBB2_4:
0xd6: {  	s6 =	simm.s32 @!p1 $0x5;
	[sflag:s29] =	ssyncadd.s32 $0xFFFFE000  }
0xd7: {  	[spmem:s2] =	stream.indirect.scatter.add.bf16 [tilespmem:s23], [sflag:$0x8], $0x40, s13, s19, $0xb8;
	[tilespmem:$0x13000] =	vst v63  }
0xd8: {  	_ =	swait.ge @!p1 [sflag:s6], $0x2000  }
0xd9: {  	[sflag:s6] =	ssyncset.done @!p1 $0x0  }
0xda: {  	[sflag:s6] =	ssyncadd.s32 @!p1 $0xFFFFE000;
	s6 =	simm.s32 @!p1 $0x6  }
0xdb: {  	_ =	swait.ge @!p1 [sflag:s6], $0x2000  }
0xdc: {  	[sflag:s6] =	ssyncset.done @!p1 $0x0  }
0xdd: {  	[sflag:s6] =	ssyncadd.s32 @!p1 $0xFFFFE000;
	s6 =	simm.s32 @!p1 $0x7  }
0xde: {  	_ =	swait.ge @!p1 [sflag:s6], $0x2000  }
0xdf: {  	[sflag:s6] =	ssyncset.done @!p1 $0x0  }
0xe0: {  	[sflag:s6] =	ssyncadd.s32 @!p1 $0xFFFFE000;
	s6 =	simm.s32 @!p1 $0x8  }
0xe1: {  	_ =	swait.ge @!p1 [sflag:s6], $0x2000  }
0xe2: {  	[sflag:s6] =	ssyncset.done @!p1 $0x0;
	s8 =	rddreg [dreg:$0x4]  }
0xe3: {  	[sflag:s6] =	ssyncadd.s32 @!p1 $0xFFFFE000;
	s8 =	sadd.s32 s15, s8  }
0xe4: {  	[tilespmem:s3], [sflag:$0x9] =	stream.linear.gather [hbm4b:s8+s3], $0x800, $0x38;
	[tilespmem:$0x13000] =	vst v63  }
0xe5: {  	_ =	swait.ge [sflag:s17], $0x800  }
0xe6: {  	s8 =	rddreg [dreg:$0x3];
	[sflag:s17] =	ssyncset.done $0x0  }
0xe7: {  	[sflag:s17] =	ssyncadd.s32 $0xFFFFF800;
	s6 =	sadd.s32 s15, s8  }
0xe8: {  	[tilespmem:s18], [sflag:$0x9] =	stream.linear.gather [hbm4b:s6+s3], $0x800, $0x38;
	[tilespmem:$0x13000] =	vst v63  }
0xe9: {  	_ =	swait.ge [sflag:s17], $0x800  }
0xea: {  	[sflag:s17] =	ssyncset.done $0x0  }
0xeb: {  	[sflag:s17] =	ssyncadd.s32 $0xFFFFF800  }
0xec: {  	[tilespmem:s16], [sflag:$0x1] =	stream.indirect.gather [hbm4b:s4+s19], $0x40, s3, s19, $0xb8;
	[tilespmem:$0x13000] =	vst v63  }
0xed: {  	_ = 	snop  }
0xee: {  	[tilespmem:s20], [sflag:$0x2] =	stream.indirect.gather [hbm4b:s4+s19], $0x40, s19, s19, $0xb8;
	[tilespmem:$0x13000] =	vst v63  }
0xef: {  	s8 =	rddreg [dreg:$0x5]  }
0xf0: {  	[tilespmem:s21], [sflag:$0x3] =	stream.indirect.gather [hbm4b:s4+s19], $0x40, s8, s19, $0xb8;
	[tilespmem:$0x13000] =	vst v63  }
0xf1: {  	_ =	swait.ge [sflag:s22], $0x2000  }
0xf2: {  	[sflag:s22] =	ssyncset.done $0x0  }
0xf3: {  	s7 =	smov.u32 s5;
	[sflag:s22] =	ssyncadd.s32 $0xFFFFE000  }
0xf4: {  	[spmem:s2] =	stream.indirect.scatter.add.bf16 [tilespmem:s16], [sflag:$0x5], $0x40, s18, s19, $0xb8;
	[tilespmem:$0x13000] =	vst v63  }
0xf5: {  	s15 =	smov.u32 s7;
	s7 =	rddreg [dreg:$0x6]  }
0xf6: {  	[tilespmem:s23], [sflag:$0x4] =	stream.indirect.gather [hbm4b:s4+s19], $0x40, s7, s19, $0xb8;
	[tilespmem:$0x13000] =	vst v63  }
0xf7: {  	_ =	swait.ge [sflag:s24], $0x2000  }
0xf8: {  	[sflag:s24] =	ssyncset.done $0x0  }
0xf9: {  	s8 =	rddreg [dreg:$0x7];
	[sflag:s24] =	ssyncadd.s32 $0xFFFFE000  }
0xfa: {  	[spmem:s2] =	stream.indirect.scatter.add.bf16 [tilespmem:s20], [sflag:$0x6], $0x40, s8, s19, $0xb8;
	[tilespmem:$0x13000] =	vst v63  }
0xfb: {  	_ =	swait.ge [sflag:s25], $0x2000  }
0xfc: {  	[sflag:s25] =	ssyncset.done $0x0  }
0xfd: {  	s7 =	rddreg [dreg:$0x8];
	[sflag:s25] =	ssyncadd.s32 $0xFFFFE000  }
0xfe: {  	[tilespmem:s16], [sflag:$0x1] =	stream.indirect.gather [hbm4b:s4+s19], $0x40, s7, s19, $0xb8;
	[tilespmem:$0x13000] =	vst v63  }
0xff: {  	_ =	swait.ge [sflag:s26], $0x2000  }
0x100: {  	[sflag:s26] =	ssyncset.done $0x0  }
0x101: {  	s8 =	rddreg [dreg:$0x9];
	[sflag:s26] =	ssyncadd.s32 $0xFFFFE000  }
0x102: {  	[spmem:s2] =	stream.indirect.scatter.add.bf16 [tilespmem:s21], [sflag:$0x7], $0x40, s8, s19, $0xb8;
	[tilespmem:$0x13000] =	vst v63  }
0x103: {  	_ =	swait.ge [sflag:s28], $0x2000  }
0x104: {  	[sflag:s28] =	ssyncset.done $0x0  }
0x105: {  	s7 =	rddreg [dreg:$0xa];
	[sflag:s28] =	ssyncadd.s32 $0xFFFFE000  }
0x106: {  	[tilespmem:s20], [sflag:$0x2] =	stream.indirect.gather [hbm4b:s4+s19], $0x40, s7, s19, $0xb8;
	[tilespmem:$0x13000] =	vst v63  }
0x107: {  	_ =	swait.ge [sflag:s29], $0x2000  }
0x108: {  	[sflag:s29] =	ssyncset.done $0x0  }
0x109: {  	s8 =	rddreg [dreg:$0xb];
	[sflag:s29] =	ssyncadd.s32 $0xFFFFE000  }
0x10a: {  	[spmem:s2] =	stream.indirect.scatter.add.bf16 [tilespmem:s23], [sflag:$0x8], $0x40, s8, s19, $0xb8;
	[tilespmem:$0x13000] =	vst v63  }
0x10b: {  	_ =	swait.ge [sflag:s30], $0x2000  }
0x10c: {  	[sflag:s30] =	ssyncset.done $0x0  }
0x10d: {  	s7 =	rddreg [dreg:$0xc];
	[sflag:s30] =	ssyncadd.s32 $0xFFFFE000  }
0x10e: {  	[tilespmem:s21], [sflag:$0x3] =	stream.indirect.gather [hbm4b:s4+s19], $0x40, s7, s19, $0xb8;
	[tilespmem:$0x13000] =	vst v63  }
0x10f: {  	_ =	swait.ge [sflag:s22], $0x2000  }
0x110: {  	[sflag:s22] =	ssyncset.done $0x0  }
0x111: {  	s8 =	rddreg [dreg:$0xd];
	[sflag:s22] =	ssyncadd.s32 $0xFFFFE000  }
0x112: {  	[spmem:s2] =	stream.indirect.scatter.add.bf16 [tilespmem:s16], [sflag:$0x5], $0x40, s8, s19, $0xb8;
	[tilespmem:$0x13000] =	vst v63  }
0x113: {  	_ =	swait.ge [sflag:s31], $0x2000  }
0x114: {  	[sflag:s31] =	ssyncset.done $0x0  }
0x115: {  	s7 =	rddreg [dreg:$0xe];
	[sflag:s31] =	ssyncadd.s32 $0xFFFFE000  }
0x116: {  	[tilespmem:s23], [sflag:$0x4] =	stream.indirect.gather [hbm4b:s4+s19], $0x40, s7, s19, $0xb8;
	[tilespmem:$0x13000] =	vst v63  }
0x117: {  	_ =	swait.ge [sflag:s24], $0x2000  }
0x118: {  	[sflag:s24] =	ssyncset.done $0x0  }
0x119: {  	s8 =	rddreg [dreg:$0xf];
	[sflag:s24] =	ssyncadd.s32 $0xFFFFE000  }
0x11a: {  	[spmem:s2] =	stream.indirect.scatter.add.bf16 [tilespmem:s20], [sflag:$0x6], $0x40, s8, s19, $0xb8;
	[tilespmem:$0x13000] =	vst v63  }
0x11b: {  	_ =	swait.ge [sflag:s25], $0x2000  }
0x11c: {  	[sflag:s25] =	ssyncset.done $0x0  }
0x11d: {  	s7 =	rddreg [dreg:$0x10];
	[sflag:s25] =	ssyncadd.s32 $0xFFFFE000  }
0x11e: {  	[tilespmem:s16], [sflag:$0x1] =	stream.indirect.gather [hbm4b:s4+s19], $0x40, s7, s19, $0xb8;
	[tilespmem:$0x13000] =	vst v63  }
0x11f: {  	_ =	swait.ge [sflag:s26], $0x2000  }
0x120: {  	[sflag:s26] =	ssyncset.done $0x0  }
0x121: {  	s8 =	rddreg [dreg:$0x11];
	[sflag:s26] =	ssyncadd.s32 $0xFFFFE000  }
0x122: {  	[spmem:s2] =	stream.indirect.scatter.add.bf16 [tilespmem:s21], [sflag:$0x7], $0x40, s8, s19, $0xb8;
	[tilespmem:$0x13000] =	vst v63  }
0x123: {  	_ =	swait.ge [sflag:s28], $0x2000  }
0x124: {  	[sflag:s28] =	ssyncset.done $0x0  }
0x125: {  	s7 =	rddreg [dreg:$0x12];
	[sflag:s28] =	ssyncadd.s32 $0xFFFFE000  }
0x126: {  	[tilespmem:s20], [sflag:$0x2] =	stream.indirect.gather [hbm4b:s4+s19], $0x40, s7, s19, $0xb8;
	[tilespmem:$0x13000] =	vst v63  }
0x127: {  	_ =	swait.ge [sflag:s29], $0x2000  }
0x128: {  	[sflag:s29] =	ssyncset.done $0x0  }
0x129: {  	s8 =	rddreg [dreg:$0x13];
	[sflag:s29] =	ssyncadd.s32 $0xFFFFE000  }
0x12a: {  	[spmem:s2] =	stream.indirect.scatter.add.bf16 [tilespmem:s23], [sflag:$0x8], $0x40, s8, s19, $0xb8;
	[tilespmem:$0x13000] =	vst v63  }
0x12b: {  	_ =	swait.ge [sflag:s30], $0x2000  }
0x12c: {  	[sflag:s30] =	ssyncset.done $0x0  }
0x12d: {  	s7 =	rddreg [dreg:$0x14];
	[sflag:s30] =	ssyncadd.s32 $0xFFFFE000  }
0x12e: {  	[tilespmem:s21], [sflag:$0x3] =	stream.indirect.gather [hbm4b:s4+s19], $0x40, s7, s19, $0xb8;
	[tilespmem:$0x13000] =	vst v63  }
0x12f: {  	_ =	swait.ge [sflag:s22], $0x2000  }
0x130: {  	[sflag:s22] =	ssyncset.done $0x0  }
0x131: {  	s8 =	rddreg [dreg:$0x15];
	[sflag:s22] =	ssyncadd.s32 $0xFFFFE000  }
0x132: {  	[spmem:s2] =	stream.indirect.scatter.add.bf16 [tilespmem:s16], [sflag:$0x5], $0x40, s8, s19, $0xb8;
	[tilespmem:$0x13000] =	vst v63  }
0x133: {  	_ =	swait.ge [sflag:s31], $0x2000  }
0x134: {  	[sflag:s31] =	ssyncset.done $0x0  }
0x135: {  	s7 =	rddreg [dreg:$0x16];
	[sflag:s31] =	ssyncadd.s32 $0xFFFFE000  }
0x136: {  	[tilespmem:s23], [sflag:$0x4] =	stream.indirect.gather [hbm4b:s4+s19], $0x40, s7, s19, $0xb8;
	[tilespmem:$0x13000] =	vst v63  }
0x137: {  	_ =	swait.ge [sflag:s24], $0x2000  }
0x138: {  	[sflag:s24] =	ssyncset.done $0x0  }
0x139: {  	s8 =	rddreg [dreg:$0x17];
	[sflag:s24] =	ssyncadd.s32 $0xFFFFE000  }
0x13a: {  	[spmem:s2] =	stream.indirect.scatter.add.bf16 [tilespmem:s20], [sflag:$0x6], $0x40, s8, s19, $0xb8;
	[tilespmem:$0x13000] =	vst v63  }
0x13b: {  	_ =	swait.ge [sflag:s25], $0x2000  }
0x13c: {  	[sflag:s25] =	ssyncset.done $0x0  }
0x13d: {  	s7 =	rddreg [dreg:$0x18];
	[sflag:s25] =	ssyncadd.s32 $0xFFFFE000  }
0x13e: {  	[tilespmem:s16], [sflag:$0x1] =	stream.indirect.gather [hbm4b:s4+s19], $0x40, s7, s19, $0xb8;
	[tilespmem:$0x13000] =	vst v63  }
0x13f: {  	_ =	swait.ge [sflag:s26], $0x2000  }
0x140: {  	[sflag:s26] =	ssyncset.done $0x0  }
0x141: {  	s8 =	rddreg [dreg:$0x19];
	[sflag:s26] =	ssyncadd.s32 $0xFFFFE000  }
0x142: {  	[spmem:s2] =	stream.indirect.scatter.add.bf16 [tilespmem:s21], [sflag:$0x7], $0x40, s8, s19, $0xb8;
	[tilespmem:$0x13000] =	vst v63  }
0x143: {  	_ =	swait.ge [sflag:s28], $0x2000  }
0x144: {  	[sflag:s28] =	ssyncset.done $0x0  }
0x145: {  	s7 =	rddreg [dreg:$0x1a];
	[sflag:s28] =	ssyncadd.s32 $0xFFFFE000  }
0x146: {  	[tilespmem:s20], [sflag:$0x2] =	stream.indirect.gather [hbm4b:s4+s19], $0x40, s7, s19, $0xb8;
	[tilespmem:$0x13000] =	vst v63  }
0x147: {  	_ =	swait.ge [sflag:s29], $0x2000  }
0x148: {  	[sflag:s29] =	ssyncset.done $0x0  }
0x149: {  	s8 =	rddreg [dreg:$0x1b];
	[sflag:s29] =	ssyncadd.s32 $0xFFFFE000  }
0x14a: {  	[spmem:s2] =	stream.indirect.scatter.add.bf16 [tilespmem:s23], [sflag:$0x8], $0x40, s8, s19, $0xb8;
	[tilespmem:$0x13000] =	vst v63  }
0x14b: {  	_ =	swait.ge [sflag:s30], $0x2000  }
0x14c: {  	[sflag:s30] =	ssyncset.done $0x0  }
0x14d: {  	[sflag:s30] =	ssyncadd.s32 $0xFFFFE000  }
0x14e: {  	[tilespmem:s21], [sflag:$0x3] =	stream.indirect.gather [hbm4b:s4+s19], $0x40, s0, s19, $0xb8;
	[tilespmem:$0x13000] =	vst v63  }
0x14f: {  	_ =	swait.ge [sflag:s22], $0x2000  }
0x150: {  	[sflag:s22] =	ssyncset.done $0x0  }
0x151: {  	[sflag:s22] =	ssyncadd.s32 $0xFFFFE000  }
0x152: {  	[spmem:s2] =	stream.indirect.scatter.add.bf16 [tilespmem:s16], [sflag:$0x5], $0x40, s1, s19, $0xb8;
	[tilespmem:$0x13000] =	vst v63  }
0x153: {  	_ =	swait.ge [sflag:s31], $0x2000  }
0x154: {  	[sflag:s31] =	ssyncset.done $0x0  }
0x155: {  	[sflag:s31] =	ssyncadd.s32 $0xFFFFE000  }
0x156: {  	[tilespmem:s23], [sflag:$0x4] =	stream.indirect.gather [hbm4b:s4+s19], $0x40, s10, s19, $0xb8;
	[tilespmem:$0x13000] =	vst v63  }
0x157: {  	_ =	swait.ge [sflag:s24], $0x2000  }
0x158: {  	[sflag:s24] =	ssyncset.done $0x0  }
0x159: {  	s5 =	sadd.s32 $0x100, s5;
	[sflag:s24] =	ssyncadd.s32 $0xFFFFE000  }
0x15a: {  	[spmem:s2] =	stream.indirect.scatter.add.bf16 [tilespmem:s20], [sflag:$0x6], $0x40, s11, s19, $0xb8;
	[tilespmem:$0x13000] =	vst v63  }
0x15b: {  	p0 =	sne.s32 s5, $0x500;
	_ =	swait.ge [sflag:s26], $0x2000  }
.Ltmp1:
0x15c: {  	[sflag:s26] =	ssyncset.done $0x0;
	(pc) =	sbr.rel @p0 .LBB2_4-.Ltmp1, $4  }
0x15d: {  	[sflag:s26] =	ssyncadd.s32 $0xFFFFE000  }
0x15e: {  	[spmem:s2] =	stream.indirect.scatter.add.bf16 [tilespmem:s21], [sflag:$0x7], $0x40, s12, s19, $0xb8;
	[tilespmem:$0x13000] =	vst v63  }
0x15f: {  	_ =	swait.ge [sflag:s29], $0x2000  }
0x160: {  	p1 =	seq.s32 s15, $0x0;
	[sflag:s29] =	ssyncset.done $0x0  }
0x161: {  	s5 =	simm.s32 @!p1 $0x5;
	[sflag:s29] =	ssyncadd.s32 $0xFFFFE000  }
0x162: {  	[spmem:s2] =	stream.indirect.scatter.add.bf16 [tilespmem:s23], [sflag:$0x8], $0x40, s13, s19, $0xb8;
	[tilespmem:$0x13000] =	vst v63  }
0x163: {  	_ =	swait.ge @!p1 [sflag:s5], $0x2000  }
0x164: {  	[sflag:s5] =	ssyncset.done @!p1 $0x0  }
0x165: {  	[sflag:s5] =	ssyncadd.s32 @!p1 $0xFFFFE000;
	s5 =	simm.s32 @!p1 $0x6  }
0x166: {  	_ =	swait.ge @!p1 [sflag:s5], $0x2000  }
0x167: {  	[sflag:s5] =	ssyncset.done @!p1 $0x0  }
0x168: {  	[sflag:s5] =	ssyncadd.s32 @!p1 $0xFFFFE000;
	s5 =	simm.s32 @!p1 $0x7  }
0x169: {  	_ =	swait.ge @!p1 [sflag:s5], $0x2000  }
0x16a: {  	[sflag:s5] =	ssyncset.done @!p1 $0x0  }
0x16b: {  	[sflag:s5] =	ssyncadd.s32 @!p1 $0xFFFFE000;
	s5 =	simm.s32 @!p1 $0x8  }
0x16c: {  	_ =	swait.ge @!p1 [sflag:s5], $0x2000  }
0x16d: {  	s6 =	rddreg [dreg:$0x4];
	[sflag:s5] =	ssyncset.done @!p1 $0x0  }
0x16e: {  	[sflag:s5] =	ssyncadd.s32 @!p1 $0xFFFFE000;
	s7 =	sadd.s32 s15, s6  }
0x16f: {  	[tilespmem:s3], [sflag:$0x9] =	stream.linear.gather [hbm4b:s7+s3], $0x800, $0x38;
	[tilespmem:$0x13000] =	vst v63  }
0x170: {  	_ =	swait.ge [sflag:s17], $0x800  }
0x171: {  	s8 =	rddreg [dreg:$0x3];
	[sflag:s17] =	ssyncset.done $0x0  }
0x172: {  	[sflag:s17] =	ssyncadd.s32 $0xFFFFF800;
	s5 =	sadd.s32 s15, s8  }
0x173: {  	[tilespmem:s18], [sflag:$0x9] =	stream.linear.gather [hbm4b:s5+s3], $0x800, $0x38;
	[tilespmem:$0x13000] =	vst v63  }
0x174: {  	_ =	swait.ge [sflag:s17], $0x800  }
0x175: {  	[sflag:s17] =	ssyncset.done $0x0  }
0x176: {  	[sflag:s17] =	ssyncadd.s32 $0xFFFFF800  }
0x177: {  	[tilespmem:s16], [sflag:$0x1] =	stream.indirect.gather [hbm4b:s4+s19], $0x40, s3, s19, $0xb8;
	[tilespmem:$0x13000] =	vst v63  }
0x178: {  	_ = 	snop  }
0x179: {  	[tilespmem:s20], [sflag:$0x2] =	stream.indirect.gather [hbm4b:s4+s19], $0x40, s19, s19, $0xb8;
	[tilespmem:$0x13000] =	vst v63  }
0x17a: {  	s15 =	rddreg [dreg:$0x5]  }
0x17b: {  	[tilespmem:s21], [sflag:$0x3] =	stream.indirect.gather [hbm4b:s4+s19], $0x40, s15, s19, $0xb8;
	[tilespmem:$0x13000] =	vst v63  }
0x17c: {  	_ =	swait.ge [sflag:s22], $0x2000  }
0x17d: {  	[sflag:s22] =	ssyncset.done $0x0  }
0x17e: {  	[sflag:s22] =	ssyncadd.s32 $0xFFFFE000  }
0x17f: {  	[spmem:s2] =	stream.indirect.scatter.add.bf16 [tilespmem:s16], [sflag:$0x5], $0x40, s18, s19, $0xb8;
	[tilespmem:$0x13000] =	vst v63  }
0x180: {  	s6 =	rddreg [dreg:$0x6]  }
0x181: {  	[tilespmem:s23], [sflag:$0x4] =	stream.indirect.gather [hbm4b:s4+s19], $0x40, s6, s19, $0xb8;
	[tilespmem:$0x13000] =	vst v63  }
0x182: {  	_ =	swait.ge [sflag:s24], $0x2000  }
0x183: {  	[sflag:s24] =	ssyncset.done $0x0  }
0x184: {  	s7 =	rddreg [dreg:$0x7];
	[sflag:s24] =	ssyncadd.s32 $0xFFFFE000  }
0x185: {  	[spmem:s2] =	stream.indirect.scatter.add.bf16 [tilespmem:s20], [sflag:$0x6], $0x40, s7, s19, $0xb8;
	[tilespmem:$0x13000] =	vst v63  }
0x186: {  	_ =	swait.ge [sflag:s25], $0x2000  }
0x187: {  	[sflag:s25] =	ssyncset.done $0x0  }
0x188: {  	s8 =	rddreg [dreg:$0x8];
	[sflag:s25] =	ssyncadd.s32 $0xFFFFE000  }
0x189: {  	[tilespmem:s16], [sflag:$0x1] =	stream.indirect.gather [hbm4b:s4+s19], $0x40, s8, s19, $0xb8;
	[tilespmem:$0x13000] =	vst v63  }
0x18a: {  	_ =	swait.ge [sflag:s26], $0x2000  }
0x18b: {  	[sflag:s26] =	ssyncset.done $0x0  }
0x18c: {  	s15 =	rddreg [dreg:$0x9];
	[sflag:s26] =	ssyncadd.s32 $0xFFFFE000  }
0x18d: {  	[spmem:s2] =	stream.indirect.scatter.add.bf16 [tilespmem:s21], [sflag:$0x7], $0x40, s15, s19, $0xb8;
	[tilespmem:$0x13000] =	vst v63  }
0x18e: {  	_ =	swait.ge [sflag:s28], $0x2000  }
0x18f: {  	[sflag:s28] =	ssyncset.done $0x0  }
0x190: {  	s6 =	rddreg [dreg:$0xa];
	[sflag:s28] =	ssyncadd.s32 $0xFFFFE000  }
0x191: {  	[tilespmem:s20], [sflag:$0x2] =	stream.indirect.gather [hbm4b:s4+s19], $0x40, s6, s19, $0xb8;
	[tilespmem:$0x13000] =	vst v63  }
0x192: {  	_ =	swait.ge [sflag:s29], $0x2000  }
0x193: {  	[sflag:s29] =	ssyncset.done $0x0  }
0x194: {  	s7 =	rddreg [dreg:$0xb];
	[sflag:s29] =	ssyncadd.s32 $0xFFFFE000  }
0x195: {  	[spmem:s2] =	stream.indirect.scatter.add.bf16 [tilespmem:s23], [sflag:$0x8], $0x40, s7, s19, $0xb8;
	[tilespmem:$0x13000] =	vst v63  }
0x196: {  	_ =	swait.ge [sflag:s30], $0x2000  }
0x197: {  	[sflag:s30] =	ssyncset.done $0x0  }
0x198: {  	s8 =	rddreg [dreg:$0xc];
	[sflag:s30] =	ssyncadd.s32 $0xFFFFE000  }
0x199: {  	[tilespmem:s21], [sflag:$0x3] =	stream.indirect.gather [hbm4b:s4+s19], $0x40, s8, s19, $0xb8;
	[tilespmem:$0x13000] =	vst v63  }
0x19a: {  	_ =	swait.ge [sflag:s22], $0x2000  }
0x19b: {  	[sflag:s22] =	ssyncset.done $0x0  }
0x19c: {  	s15 =	rddreg [dreg:$0xd];
	[sflag:s22] =	ssyncadd.s32 $0xFFFFE000  }
0x19d: {  	[spmem:s2] =	stream.indirect.scatter.add.bf16 [tilespmem:s16], [sflag:$0x5], $0x40, s15, s19, $0xb8;
	[tilespmem:$0x13000] =	vst v63  }
0x19e: {  	_ =	swait.ge [sflag:s31], $0x2000  }
0x19f: {  	[sflag:s31] =	ssyncset.done $0x0  }
0x1a0: {  	s6 =	rddreg [dreg:$0xe];
	[sflag:s31] =	ssyncadd.s32 $0xFFFFE000  }
0x1a1: {  	[tilespmem:s23], [sflag:$0x4] =	stream.indirect.gather [hbm4b:s4+s19], $0x40, s6, s19, $0xb8;
	[tilespmem:$0x13000] =	vst v63  }
0x1a2: {  	_ =	swait.ge [sflag:s24], $0x2000  }
0x1a3: {  	[sflag:s24] =	ssyncset.done $0x0  }
0x1a4: {  	s7 =	rddreg [dreg:$0xf];
	[sflag:s24] =	ssyncadd.s32 $0xFFFFE000  }
0x1a5: {  	[spmem:s2] =	stream.indirect.scatter.add.bf16 [tilespmem:s20], [sflag:$0x6], $0x40, s7, s19, $0xb8;
	[tilespmem:$0x13000] =	vst v63  }
0x1a6: {  	_ =	swait.ge [sflag:s25], $0x2000  }
0x1a7: {  	[sflag:s25] =	ssyncset.done $0x0  }
0x1a8: {  	s8 =	rddreg [dreg:$0x10];
	[sflag:s25] =	ssyncadd.s32 $0xFFFFE000  }
0x1a9: {  	[tilespmem:s16], [sflag:$0x1] =	stream.indirect.gather [hbm4b:s4+s19], $0x40, s8, s19, $0xb8;
	[tilespmem:$0x13000] =	vst v63  }
0x1aa: {  	_ =	swait.ge [sflag:s26], $0x2000  }
0x1ab: {  	[sflag:s26] =	ssyncset.done $0x0  }
0x1ac: {  	s15 =	rddreg [dreg:$0x11];
	[sflag:s26] =	ssyncadd.s32 $0xFFFFE000  }
0x1ad: {  	[spmem:s2] =	stream.indirect.scatter.add.bf16 [tilespmem:s21], [sflag:$0x7], $0x40, s15, s19, $0xb8;
	[tilespmem:$0x13000] =	vst v63  }
0x1ae: {  	_ =	swait.ge [sflag:s28], $0x2000  }
0x1af: {  	[sflag:s28] =	ssyncset.done $0x0  }
0x1b0: {  	s6 =	rddreg [dreg:$0x12];
	[sflag:s28] =	ssyncadd.s32 $0xFFFFE000  }
0x1b1: {  	[tilespmem:s20], [sflag:$0x2] =	stream.indirect.gather [hbm4b:s4+s19], $0x40, s6, s19, $0xb8;
	[tilespmem:$0x13000] =	vst v63  }
0x1b2: {  	_ =	swait.ge [sflag:s29], $0x2000  }
0x1b3: {  	[sflag:s29] =	ssyncset.done $0x0  }
0x1b4: {  	s7 =	rddreg [dreg:$0x13];
	[sflag:s29] =	ssyncadd.s32 $0xFFFFE000  }
0x1b5: {  	[spmem:s2] =	stream.indirect.scatter.add.bf16 [tilespmem:s23], [sflag:$0x8], $0x40, s7, s19, $0xb8;
	[tilespmem:$0x13000] =	vst v63  }
0x1b6: {  	_ =	swait.ge [sflag:s30], $0x2000  }
0x1b7: {  	[sflag:s30] =	ssyncset.done $0x0  }
0x1b8: {  	s8 =	rddreg [dreg:$0x14];
	[sflag:s30] =	ssyncadd.s32 $0xFFFFE000  }
0x1b9: {  	[tilespmem:s21], [sflag:$0x3] =	stream.indirect.gather [hbm4b:s4+s19], $0x40, s8, s19, $0xb8;
	[tilespmem:$0x13000] =	vst v63  }
0x1ba: {  	_ =	swait.ge [sflag:s22], $0x2000  }
0x1bb: {  	[sflag:s22] =	ssyncset.done $0x0  }
0x1bc: {  	s15 =	rddreg [dreg:$0x15];
	[sflag:s22] =	ssyncadd.s32 $0xFFFFE000  }
0x1bd: {  	[spmem:s2] =	stream.indirect.scatter.add.bf16 [tilespmem:s16], [sflag:$0x5], $0x40, s15, s19, $0xb8;
	[tilespmem:$0x13000] =	vst v63  }
0x1be: {  	_ =	swait.ge [sflag:s31], $0x2000  }
0x1bf: {  	[sflag:s31] =	ssyncset.done $0x0  }
0x1c0: {  	s6 =	rddreg [dreg:$0x16];
	[sflag:s31] =	ssyncadd.s32 $0xFFFFE000  }
0x1c1: {  	[tilespmem:s23], [sflag:$0x4] =	stream.indirect.gather [hbm4b:s4+s19], $0x40, s6, s19, $0xb8;
	[tilespmem:$0x13000] =	vst v63  }
0x1c2: {  	_ =	swait.ge [sflag:s24], $0x2000  }
0x1c3: {  	[sflag:s24] =	ssyncset.done $0x0  }
0x1c4: {  	s7 =	rddreg [dreg:$0x17];
	[sflag:s24] =	ssyncadd.s32 $0xFFFFE000  }
0x1c5: {  	[spmem:s2] =	stream.indirect.scatter.add.bf16 [tilespmem:s20], [sflag:$0x6], $0x40, s7, s19, $0xb8;
	[tilespmem:$0x13000] =	vst v63  }
0x1c6: {  	_ =	swait.ge [sflag:s25], $0x2000  }
0x1c7: {  	[sflag:s25] =	ssyncset.done $0x0  }
0x1c8: {  	s8 =	rddreg [dreg:$0x18];
	[sflag:s25] =	ssyncadd.s32 $0xFFFFE000  }
0x1c9: {  	[tilespmem:s16], [sflag:$0x1] =	stream.indirect.gather [hbm4b:s4+s19], $0x40, s8, s19, $0xb8;
	[tilespmem:$0x13000] =	vst v63  }
0x1ca: {  	_ =	swait.ge [sflag:s26], $0x2000  }
0x1cb: {  	[sflag:s26] =	ssyncset.done $0x0  }
0x1cc: {  	s15 =	rddreg [dreg:$0x19];
	[sflag:s26] =	ssyncadd.s32 $0xFFFFE000  }
0x1cd: {  	[spmem:s2] =	stream.indirect.scatter.add.bf16 [tilespmem:s21], [sflag:$0x7], $0x40, s15, s19, $0xb8;
	[tilespmem:$0x13000] =	vst v63  }
0x1ce: {  	_ =	swait.ge [sflag:s28], $0x2000  }
0x1cf: {  	[sflag:s28] =	ssyncset.done $0x0  }
0x1d0: {  	s6 =	rddreg [dreg:$0x1a];
	[sflag:s28] =	ssyncadd.s32 $0xFFFFE000  }
0x1d1: {  	[tilespmem:s20], [sflag:$0x2] =	stream.indirect.gather [hbm4b:s4+s19], $0x40, s6, s19, $0xb8;
	[tilespmem:$0x13000] =	vst v63  }
0x1d2: {  	_ =	swait.ge [sflag:s29], $0x2000  }
0x1d3: {  	[sflag:s29] =	ssyncset.done $0x0  }
0x1d4: {  	s7 =	rddreg [dreg:$0x1b];
	[sflag:s29] =	ssyncadd.s32 $0xFFFFE000  }
0x1d5: {  	[spmem:s2] =	stream.indirect.scatter.add.bf16 [tilespmem:s23], [sflag:$0x8], $0x40, s7, s19, $0xb8;
	[tilespmem:$0x13000] =	vst v63  }
0x1d6: {  	_ =	swait.ge [sflag:s30], $0x2000  }
0x1d7: {  	[sflag:s30] =	ssyncset.done $0x0  }
0x1d8: {  	[sflag:s30] =	ssyncadd.s32 $0xFFFFE000  }
0x1d9: {  	[tilespmem:s21], [sflag:$0x3] =	stream.indirect.gather [hbm4b:s4+s19], $0x40, s0, s19, $0xb8;
	[tilespmem:$0x13000] =	vst v63  }
0x1da: {  	_ =	swait.ge [sflag:s22], $0x2000  }
0x1db: {  	[sflag:s22] =	ssyncset.done $0x0  }
0x1dc: {  	[sflag:s22] =	ssyncadd.s32 $0xFFFFE000  }
0x1dd: {  	[spmem:s2] =	stream.indirect.scatter.add.bf16 [tilespmem:s16], [sflag:$0x5], $0x40, s1, s19, $0xb8;
	[tilespmem:$0x13000] =	vst v63  }
0x1de: {  	_ =	swait.ge [sflag:s31], $0x2000  }
0x1df: {  	[sflag:s31] =	ssyncset.done $0x0  }
0x1e0: {  	[sflag:s31] =	ssyncadd.s32 $0xFFFFE000  }
0x1e1: {  	[tilespmem:s23], [sflag:$0x4] =	stream.indirect.gather [hbm4b:s4+s19], $0x40, s10, s19, $0xb8;
	[tilespmem:$0x13000] =	vst v63  }
0x1e2: {  	_ =	swait.ge [sflag:s24], $0x2000  }
0x1e3: {  	[sflag:s24] =	ssyncset.done $0x0  }
0x1e4: {  	[sflag:s24] =	ssyncadd.s32 $0xFFFFE000  }
0x1e5: {  	[spmem:s2] =	stream.indirect.scatter.add.bf16 [tilespmem:s20], [sflag:$0x6], $0x40, s11, s19, $0xb8;
	[tilespmem:$0x13000] =	vst v63  }
0x1e6: {  	_ =	swait.ge [sflag:s26], $0x2000  }
0x1e7: {  	[sflag:s26] =	ssyncset.done $0x0  }
0x1e8: {  	[sflag:s26] =	ssyncadd.s32 $0xFFFFE000  }
0x1e9: {  	[spmem:s2] =	stream.indirect.scatter.add.bf16 [tilespmem:s21], [sflag:$0x7], $0x40, s12, s19, $0xb8;
	[tilespmem:$0x13000] =	vst v63  }
0x1ea: {  	_ =	swait.ge [sflag:s29], $0x2000  }
0x1eb: {  	[sflag:s29] =	ssyncset.done $0x0  }
0x1ec: {  	[sflag:s29] =	ssyncadd.s32 $0xFFFFE000  }
0x1ed: {  	[spmem:s2] =	stream.indirect.scatter.add.bf16 [tilespmem:s23], [sflag:$0x8], $0x40, s13, s19, $0xb8;
	[tilespmem:$0x13000] =	vst v63  }
0x1ee: {  	_ =	swait.ge [sflag:s25], $0x2000  }
0x1ef: {  	[sflag:s25] =	ssyncset.done $0x0  }
0x1f0: {  	[sflag:s25] =	ssyncadd.s32 $0xFFFFE000  }
0x1f1: {  	_ =	swait.ge [sflag:s28], $0x2000  }
0x1f2: {  	[sflag:s28] =	ssyncset.done $0x0  }
0x1f3: {  	[sflag:s28] =	ssyncadd.s32 $0xFFFFE000  }
0x1f4: {  	_ =	swait.ge [sflag:s30], $0x2000  }
0x1f5: {  	[sflag:s30] =	ssyncset.done $0x0  }
0x1f6: {  	[sflag:s30] =	ssyncadd.s32 $0xFFFFE000  }
0x1f7: {  	_ =	swait.ge [sflag:s31], $0x2000  }
0x1f8: {  	[sflag:s31] =	ssyncset.done $0x0  }
0x1f9: {  	[sflag:s31] =	ssyncadd.s32 $0xFFFFE000  }
0x1fa: {  	[bflag:$0x0] =	sbarrier.arrive $0xFFFF  }
0x1fb: {  	s8 =	stileid.u32;
	s7 =	sld [smem:$0x7F8]  }
0x1fc: {  	s5 =	sshll.u32 s8, $0x6;
	s15 =	rddreg [dreg:$0x1c]  }
0x1fd: {  	s5 =	sor.u32 $0x1C09, s5;
	s6 =	sshrl.u32 s15, $0x3  }
0x1fe: {  	[hbm:s7], [sflag:s5] =	dma.local [spmem:s6], $0x400  }
0x1ff: {  	_ =	swait.ge [sflag:s17], $0x400  }
0x200: {  	s8 =	sld [smem:$0x7F9]  }
0x201: {  	[sflag:s17] =	ssyncset.done $0x0;
	s7 =	rddreg [dreg:$0x1d]  }
0x202: {  	[sflag:s17] =	ssyncadd.s32 $0xFFFFFC00;
	s6 =	sshrl.u32 s7, $0x3  }
0x203: {  	[hbm:s8], [sflag:s5] =	dma.local [spmem:s6], $0x400  }
0x204: {  	_ =	swait.ge [sflag:s17], $0x400  }
0x205: {  	s8 =	sld [smem:$0x7FA]  }
0x206: {  	[sflag:s17] =	ssyncset.done $0x0  }
0x207: {  	s15 =	sshrl.u32 s9, $0x3;
	[sflag:s17] =	ssyncadd.s32 $0xFFFFFC00  }
0x208: {  	[hbm:s8], [sflag:s5] =	dma.local [spmem:s15], $0x400  }
0x209: {  	_ =	swait.ge [sflag:s17], $0x400  }
0x20a: {  	s15 =	sld [smem:$0x7FB]  }
0x20b: {  	[sflag:s17] =	ssyncset.done $0x0;
	s8 =	rddreg [dreg:$0x1e]  }
0x20c: {  	s7 =	smov.u32 s9;
	[sflag:s17] =	ssyncadd.s32 $0xFFFFFC00;
	s9 =	sshrl.u32 s8, $0x3  }
0x20d: {  	[hbm:s15], [sflag:s5] =	dma.local [spmem:s9], $0x400  }
0x20e: {  	_ =	swait.ge [sflag:s17], $0x400  }
0x20f: {  	s15 =	sld [smem:$0x7FC]  }
0x210: {  	[sflag:s17] =	ssyncset.done $0x0;
	s9 =	rddreg [dreg:$0x1f]  }
0x211: {  	[sflag:s17] =	ssyncadd.s32 $0xFFFFFC00;
	s6 =	sshrl.u32 s9, $0x3  }
0x212: {  	[hbm:s15], [sflag:s5] =	dma.local [spmem:s6], $0x400  }
0x213: {  	_ =	swait.ge [sflag:s17], $0x400  }
0x214: {  	s15 =	sld [smem:$0x7FD];
	_ =	sdelay $0x1  }
0x215: {  	s14 =	sadd.s32 $0x1, s14  }
0x216: {  	p0 =	sne.s32 s14, s15  }
.Ltmp2:
0x217: {  	_ = 	snop;
	(pc) =	sbr.rel @p0 .LBB2_1-.Ltmp2, $3  }
0x218: {  	_ =	sdelay $0x1  }
0x219: {  	[sflag:s17] =	ssyncset.done $0x0  }
0x21a: {  	[sflag:s17] =	ssyncadd.s32 $0xFFFFFC00  }
0x21b: {  	_ =	sfence.sel $0x180000  }
0x21c: {  	[bflag:$0x0] =	sbarrier.arrive $0xFFFF  }
0x21d: {  	_ =	strace $0x9000004A  }
0x21e: {  	s0 =	stileid.u32;
	[bflag:$0x2] =	sbarrier.arrive $0xFFFF  }
0x21f: {  	p0 =	sne.s32 s0, $0x0;
	s0 =	rddreg [dreg:$0x2]  }
0x220: {  	s0 =	sadd.s32 @!p0 $0x100000, s0  }
0x221: {  	[sflag:s0] =	ssyncadd.tile.s32 @!p0 $0x1;
	_ =	shalt  }
.Lfunc_end2:
_tile_overlayer_lowered:
.L_overlay_start_2:
0x222: {  	(tag) =	ssettag $0x2  }
0x223: {  	s0 =	rddreg [dreg:$0x0];
	s2 =	stileid.u32  }
0x224: {  	s1 =	rddreg [dreg:$0x1];
	p0 =	sne.s32 s2, $0x0  }
0x225: {  	s3 =	rddreg [dreg:$0x2];
	[bflag:$0x3] =	sbarrier.arrive $0xFFFF;
	s2 =	simm.s32 @!p0 $0x1C09  }
0x226: {  	[timem:s3], [sflag:s2] =	dma.local @!p0 [hbm:s0], s1  }
0x227: {  	s0 =	simm.s32 @!p0 $0x9  }
0x228: {  	_ =	swait.ge @!p0 [sflag:s0], s1  }
0x229: {  	s1 =	ssub.s32 @!p0 $0x0, s1;
	[sflag:s0] =	ssyncset.done @!p0 $0x0  }
0x22a: {  	[sflag:s0] =	ssyncadd.s32 @!p0 s1  }
0x22b: {  	[bflag:$0x3] =	sbarrier.arrive $0xFFFF  }
0x22c: {  	_ =	shalt  }

// kernel: kernel.14.cloned.1.call-start
scs
__scs_entry_jumppad:
0x0: {  	(pc) =	sbr.rel $0x88, $3  }
0x1: {  	(tag) =	ssettag $0x0;
	lr =	simm.s32 $0x1  }
0x2: {  	[smem:$0x3F9B] =	sst lr;
	_ =	strace $0xD0000000  }
0x3: {  	_ = 	snop  }
0x4: {  	_ = 	snop  }
0x5: {  	_ = 	snop  }
0x6: {  	_ = 	snop  }
0x7: {  	_ = 	snop  }
__scs_overlays_trampoline_lowered:
0x8: {  	[smem:$0x3FAA] =	sst s0  }
0x9: {  	[smem:$0x3FAB] =	sst s1  }
0xa: {  	[smem:$0x3FAC] =	sst s2  }
0xb: {  	[smem:$0x3FAD] =	sst s3  }
0xc: {  	[smem:$0x3FAE] =	sst s4  }
0xd: {  	[smem:$0x3FAF] =	sst s5  }
0xe: {  	[smem:$0x3FB0] =	sst s6  }
0xf: {  	[smem:$0x3FB1] =	sst s7  }
0x10: {  	[smem:$0x3FB2] =	sst s8  }
0x11: {  	[smem:$0x3FB3] =	sst s9;
	s0 =	simm.s32 @!p0 $0x0  }
0x12: {  	s1 =	sld [smem:$0x3F99];
	s0 =	simm.s32 @p0 $0x1  }
0x13: {  	[smem:$0x3FB4] =	sst s0;
	s0 =	simm.s32 @!p1 $0x0  }
0x14: {  	s2 =	sld [smem:$0x3F98];
	s0 =	simm.s32 @p1 $0x1  }
0x15: {  	[smem:$0x3FB5] =	sst s0;
	s0 =	simm.s32 @!p2 $0x0  }
0x16: {  	s3 =	sld [smem:$0x3FDB];
	s0 =	simm.s32 @p2 $0x1  }
0x17: {  	s4 =	simm.s32 $0x1BF5;
	[smem:$0x3FB7] =	sst s0  }
0x18: {  	s0 =	sld [smem:$0x3F9A];
	_ =	swait.ge [sflag:s4], $0x0  }
0x19: {  	s7 =	sld [smem:$0x3F9B]  }
0x1a: {  	s8 =	sadd.s32 $0xFFFFE003, lr  }
0x1b: {  	s9 =	sadd.s32 $0xFFFFFEF7, lr;
	s5 =	simm.s32 $0xFFFFFFFF;
	p2 =	slt.u32 s8, $0xFFFFF086  }
0x1c: {  	p1 =	slt.u32 s9, $0xF7A;
	s5 =	simm.s32 @!p2 $0x0  }
0x1d: {  	s5 =	simm.s32 @p1 $0x1;
	p0 =	seq.s32 s7, s2  }
0x1e: {  	s7 =	smul.u32 @!p0 $0xF7A, s2;
	p2 =	seq.s32 @!p0 s5, $0x0  }
0x1f: {  	s9 =	smul.u32 $0xF7A, s1;
	s8 =	simm.s32 @!p0 $0x1BF5;
	p2 =	por !p2, p0  }
0x20: {  	[sflag:s8] =	ssyncset.s32 @!p0 $0xFFFFF086;
	s6 =	sadd.s32 @!p0 s3, s7;
	s7 =	simm.s32 @!p0 $0x108  }
0x21: {  	s3 =	sadd.s32 s3, s9;
	s6 =	sadd.s32 @!p0 $0x88, s6;
	s7 =	simm.s32 @p2 $0x1082  }
0x22: {  	[simem:s7], [sflag:s8] =	dma.local @!p0 [hbm:s6], $0xF7A  }
0x23: {  	s9 =	sor.u32 $0xD0000000, s2;
	s6 =	simm.s32 $0x108;
	_ =	swait.ge @!p0 [sflag:s8], $0x0  }
0x24: {  	s3 =	sadd.s32 $0x88, s3;
	s6 =	simm.s32 @!p1 $0x1082;
	[sflag:s4] =	ssyncset.s32 $0xFFFFF086  }
0x25: {  	[simem:s6], [sflag:s4] =	dma.local [hbm:s3], $0xF7A  }
0x26: {  	[smem:$0x3F9B] =	sst s1;
	(tag) =	ssettag s2;
	_ =	strace s9  }
0x27: {  	s1 =	sld [smem:$0x3FAB]  }
0x28: {  	s2 =	sld [smem:$0x3FAC]  }
0x29: {  	s4 =	sld [smem:$0x3FAE]  }
0x2a: {  	p0 =	seq.s32 s5, $0x0;
	s5 =	sld [smem:$0x3FAF]  }
0x2b: {  	s6 =	sld [smem:$0x3FB0]  }
0x2c: {  	s7 =	sld [smem:$0x3FB1]  }
0x2d: {  	s3 =	simm.s32 $0x108;
	s8 =	sld [smem:$0x3FB2]  }
0x2e: {  	s3 =	simm.s32 @!p0 $0x1082;
	s9 =	sld [smem:$0x3FB3]  }
0x2f: {  	lr =	sadd.s32 s0, s3;
	s0 =	sld [smem:$0x3FAA]  }
0x30: {  	s3 =	sld [smem:$0x3FAD]  }
0x31: {  	[smem:$0x3FB6] =	sst s10  }
0x32: {  	s10 =	sld [smem:$0x3FB4];
	_ =	sdelay $0x3  }
0x33: {  	p0 =	seq.s32 s10, $0x1;
	s10 =	sld [smem:$0x3FB6];
	_ =	sdelay $0x3  }
0x34: {  	[smem:$0x3FB6] =	sst s10  }
0x35: {  	s10 =	sld [smem:$0x3FB5];
	_ =	sdelay $0x3  }
0x36: {  	p1 =	seq.s32 s10, $0x1;
	s10 =	sld [smem:$0x3FB6];
	_ =	sdelay $0x3  }
0x37: {  	[smem:$0x3FB6] =	sst s10  }
0x38: {  	s10 =	sld [smem:$0x3FB7]  }
0x39: {  	_ = 	snop;
	(pc) =	sbr.ind lr, $3  }
0x3a: {  	_ = 	snop  }
0x3b: {  	_ = 	snop  }
0x3c: {  	p2 =	seq.s32 s10, $0x1;
	s10 =	sld [smem:$0x3FB6]  }
0x3d: {  	_ =	shalt  }
0x3e: {  	_ =	shalt  }
0x3f: {  	_ =	shalt  }
0x40: {  	_ =	shalt  }
0x41: {  	_ =	shalt  }
0x42: {  	_ =	shalt  }
0x43: {  	_ =	shalt  }
0x44: {  	_ =	shalt  }
0x45: {  	_ =	shalt  }
0x46: {  	_ =	shalt  }
0x47: {  	_ =	shalt  }
0x48: {  	_ =	shalt  }
0x49: {  	_ =	shalt  }
0x4a: {  	_ =	shalt  }
0x4b: {  	_ =	shalt  }
0x4c: {  	_ =	shalt  }
0x4d: {  	_ =	shalt  }
0x4e: {  	_ =	shalt  }
0x4f: {  	_ =	shalt  }
0x50: {  	_ =	shalt  }
0x51: {  	_ =	shalt  }
0x52: {  	_ =	shalt  }
0x53: {  	_ =	shalt  }
0x54: {  	_ =	shalt  }
0x55: {  	_ =	shalt  }
0x56: {  	_ =	shalt  }
0x57: {  	_ =	shalt  }
0x58: {  	_ =	shalt  }
0x59: {  	_ =	shalt  }
0x5a: {  	_ =	shalt  }
0x5b: {  	_ =	shalt  }
0x5c: {  	_ =	shalt  }
0x5d: {  	_ =	shalt  }
0x5e: {  	_ =	shalt  }
0x5f: {  	_ =	shalt  }
0x60: {  	_ =	shalt  }
0x61: {  	_ =	shalt  }
0x62: {  	_ =	shalt  }
0x63: {  	_ =	shalt  }
0x64: {  	_ =	shalt  }
0x65: {  	_ =	shalt  }
0x66: {  	_ =	shalt  }
0x67: {  	_ =	shalt  }
0x68: {  	_ =	shalt  }
0x69: {  	_ =	shalt  }
0x6a: {  	_ =	shalt  }
0x6b: {  	_ =	shalt  }
0x6c: {  	_ =	shalt  }
0x6d: {  	_ =	shalt  }
0x6e: {  	_ =	shalt  }
0x6f: {  	_ =	shalt  }
0x70: {  	_ =	shalt  }
0x71: {  	_ =	shalt  }
0x72: {  	_ =	shalt  }
0x73: {  	_ =	shalt  }
0x74: {  	_ =	shalt  }
0x75: {  	_ =	shalt  }
0x76: {  	_ =	shalt  }
0x77: {  	_ =	shalt  }
0x78: {  	_ =	shalt  }
0x79: {  	_ =	shalt  }
0x7a: {  	_ =	shalt  }
0x7b: {  	_ =	shalt  }
0x7c: {  	_ =	shalt  }
0x7d: {  	_ =	shalt  }
0x7e: {  	_ =	shalt  }
0x7f: {  	_ =	shalt  }
0x80: {  	_ =	shalt  }
0x81: {  	_ =	shalt  }
0x82: {  	_ =	shalt  }
0x83: {  	_ =	shalt  }
0x84: {  	_ =	shalt  }
0x85: {  	_ =	shalt  }
0x86: {  	_ =	shalt  }
0x87: {  	_ =	shalt  }
.Lfunc_end0:
.L_simem_size_0:
called_computation.2_lowered:
.L_overlay_start_0:
0x88: {  	s2 =	sld [smem:$0x3FD9]  }
0x89: {  	s3 =	sld [smem:$0x3FFE];
	_ =	sdelay $0x1  }
0x8a: {  	s1 =	srdreg.scid  }
0x8b: {  	s0 =	sand.u32 $0x1, s1  }
0x8c: {  	s17 =	sshll.u32 s0, $0xA;
	s2 =	sadd.s32 s3, s2  }
0x8d: {  	s2 =	sadd.s32 s2, s17  }
0x8e: {  	[smem:$0x3FC2] =	sst s2  }
0x8f: {  	_ = 	snop  }
0x90: {  	s2 =	sld [smem:$0x3FD0];
	(tm) =	ssettm $0x1  }
0x91: {  	s18 =	sld [smem:$0x3FFB];
	_ =	sdelay $0x3  }
0x92: {  	_ =	strace s18  }
0x93: {  	s3 =	sld [smem:$0x3FFC];
	_ =	sdelay $0x3  }
0x94: {  	_ =	strace s3  }
0x95: {  	s3 =	sld [smem:$0x3FFD];
	_ =	sdelay $0x3  }
0x96: {  	_ =	strace s3  }
0x97: {  	_ =	strace $0x8FFFFFFF  }
0x98: {  	s19 =	sld [smem:$0x3FDB];
	_ =	sdelay $0x1  }
0x99: {  	s4 =	simm.s32 $_scs_section_size  }
0x9a: {  	s5 =	simm.s32 $_size__tile_overlayer_lowered;
	s6 =	simm.s32 $_tile_overlayer_lowered  }
0x9b: {  	s22 =	simm.s32 $0x1BFF;
	s21 =	sshll.u32 s6, $0x1;
	s3 =	sadd.s32 s4, s19  }
0x9c: {  	s7 =	simm.s32 $0x0;
	s20 =	sshll.u32 s5, $0x1;
	s5 =	sadd.s32 s21, s3  }
0x9d: {  	[timem:s7], [sflag:s22] =	dma.local [hbm:s5], s20  }
0x9e: {  	_ =	swait.ge [sflag:s22], s20  }
0x9f: {  	s4 =	ssub.s32 $0x0, s20;
	[sflag:s22] =	ssyncset.done $0x0  }
0xa0: {  	[sflag:s22] =	ssyncadd.s32 s4;
	_ =	sdelay $0x1  }
0xa1: {  	s23 =	simm.s32 $0x1B8B  }
0xa2: {  	_ =	swait.ge [sflag:s23], $0x1  }
0xa3: {  	[sflag:s23] =	ssyncset.done $0x0  }
0xa4: {  	s25 =	simm.s32 $0x1B8E;
	s24 =	sld [smem:$0x3FFE];
	[sflag:s23] =	ssyncadd.s32 $0xFFFFFFFF  }
0xa5: {  	s26 =	simm.s32 $execute0_lowered;
	[smem:$0x3FD2] =	sst s25  }
0xa6: {  	s5 =	sshll.u32 s26, $0x1;
	_ =	strace $0x8000004C;
	[dreg:$0x1] =	wrdreg $0xFFFFFFFF  }
0xa7: {  	s28 =	simm.s32 $_size_execute0_lowered;
	s3 =	sadd.s32 s3, s5;
	[dreg:$0x0] =	wrdreg $0x0  }
0xa8: {  	s5 =	sshll.u32 s28, $0x1;
	[dreg:$0x2] =	wrdreg s3  }
0xa9: {  	[dreg:$0x3] =	wrdreg s5  }
0xaa: {  	[dreg:$0x4] =	wrdreg $0xC0  }
0xab: {  	_ =	task [dreg:s7], $0x5FFFF  }
0xac: {  	[dreg:$0x1] =	wrdreg $0xFFFFFFFF  }
0xad: {  	[dreg:$0x0] =	wrdreg $0x60  }
0xae: {  	[dreg:$0x2] =	wrdreg s2  }
0xaf: {  	[dreg:$0x3] =	wrdreg s24  }
0xb0: {  	[dreg:$0x4] =	wrdreg $0x40000  }
0xb1: {  	[dreg:$0x5] =	wrdreg $0x9  }
0xb2: {  	_ =	task.clear_ibuf [dreg:s7], $0x6FFFF;
	_ =	strace $0x9000004C  }
0xb3: {  	s29 =	simm.s32 $0x9;
	_ =	strace $0x8000004E  }
0xb4: {  	_ =	swait.ge [sflag:s29], $0x1  }
0xb5: {  	[sflag:s29] =	ssyncadd.s32 $0xFFFFFFFF  }
0xb6: {  	_ =	strace $0x9000004E  }
0xb7: {  	_ =	sfence  }
0xb8: {  	s30 =	sld [smem:$0x0];
	_ =	sdelay $0x2  }
0xb9: {  	s31 =	sshll.u32 s1, $0xD;
	s1 =	sshrl.u32 s1, $0x2  }
0xba: {  	s3 =	sand.u32 $0x4000, s31;
	s1 =	sadd.s32 s1, s30  }
0xbb: {  	s0 =	sor.u32 s3, s0;
	s1 =	sshll.u32 s1, $0x11  }
0xbc: {  	s0 =	sor.u32 s1, s0  }
0xbd: {  	s0 =	sadd.s32 $0x8F2B, s0  }
0xbe: {  	[sflag:s0] =	ssyncadd.remote.s32 $0x1  }
0xbf: {  	_ =	sfence.sel $0xFFFF  }
0xc0: {  	[dreg:$0x0] =	wrdreg $0xFFFFFFFF;
	(pc) =	sbr.abs _section_cstart, $3  }
0xc1: {  	[dreg:$0x1] =	wrdreg $0xFFFFFFFF  }
0xc2: {  	_ =	task.clear_ibuf [dreg:s7], $0x2FFFF;
	_ =	strace $0x9FFFFFFF  }
0xc3: {  	(tm) =	ssettm $0x7FFFFFFF  }
tec
execute0_lowered:
.L_overlay_start_1:
0x0: {  	(tag) =	ssettag $0x1  }
0x1: {  	s1 =	rddreg [dreg:$0x0]  }
0x2: {  	s3 =	stileid.u32;
	s2 =	rddreg [dreg:$0x1]  }
0x3: {  	s4 =	simm.s32 $0x0;
	s6 =	smul.u32 $0x2800, s3;
	s3 =	rddreg [dreg:$0x2]  }
0x4: {  	s0 =	srdreg.scid;
	s20 =	simm.s32 $0x100;
	[smem:$0x7FF] =	sst s4  }
0x5: {  	s21 =	simm.s32 $0x180;
	_ =	strace $0x8000004D;
	[dreg:$0x6] =	wrdreg s20  }
0x6: {  	s22 =	simm.s32 $0x200;
	s9 =	simm.s32 $0x880;
	[dreg:$0x7] =	wrdreg s21  }
0x7: {  	s23 =	simm.s32 $0x280;
	s14 =	simm.s32 $0x900;
	[dreg:$0x8] =	wrdreg s22  }
0x8: {  	s25 =	simm.s32 $0x300;
	s28 =	simm.s32 $0x3;
	[dreg:$0x9] =	wrdreg s9  }
0x9: {  	s29 =	simm.s32 $0x7;
	s30 =	simm.s32 $0x4;
	[dreg:$0xa] =	wrdreg s23  }
0xa: {  	s31 =	simm.s32 $0x8;
	s5 =	sand.u32 $0x1, s0;
	[dreg:$0xb] =	wrdreg s14  }
0xb: {  	s0 =	smul.u32 $0x28000, s5;
	[dreg:$0xc] =	wrdreg s25;
	s9 =	simm.s32 $0x980  }
0xc: {  	s15 =	ssub.s32 $0x2, s5;
	s14 =	simm.s32 $0x380;
	[dreg:$0xd] =	wrdreg s9  }
0xd: {  	s5 =	sadd.s32 $0x15A00, s2;
	s20 =	simm.s32 $0xA80;
	[dreg:$0xe] =	wrdreg s14  }
0xe: {  	s21 =	simm.s32 $0x480;
	s23 =	simm.s32 $0xB00;
	[dreg:$0x11] =	wrdreg s20  }
0xf: {  	s25 =	simm.s32 $0x500;
	s16 =	sshrl.u32 s15, $0x1;
	[dreg:$0x12] =	wrdreg s21  }
0x10: {  	s11 =	sadd.s32 $0x800, s6;
	s12 =	sadd.s32 $0x1000, s6;
	[dreg:$0x13] =	wrdreg s23  }
0x11: {  	s13 =	sadd.s32 $0x1800, s6;
	[dreg:$0x14] =	wrdreg s25;
	s14 =	simm.s32 $0xC00  }
0x12: {  	s20 =	simm.s32 $0x700;
	s21 =	simm.s32 $0xD80;
	[dreg:$0x17] =	wrdreg s14  }
0x13: {  	s23 =	simm.s32 $0xE00;
	s25 =	simm.s32 $0xF00;
	[dreg:$0x1c] =	wrdreg s20  }
0x14: {  	s7 =	sadd.s32 s6, s0;
	s19 =	sadd.s32 s11, s3;
	[dreg:$0x1d] =	wrdreg s21  }
0x15: {  	s11 =	sadd.s32 s0, s11;
	s20 =	simm.s32 $0x1800;
	[dreg:$0x1f] =	wrdreg s23  }
0x16: {  	s21 =	simm.s32 $0x2000;
	s23 =	simm.s32 $0x1;
	[smem:$0x7FA] =	sst s25  }
0x17: {  	s10 =	sshrl.u32 s7, $0x3;
	[smem:$0x7F1] =	sst s19;
	s7 =	sadd.s32 s12, s3  }
0x18: {  	s8 =	sadd.s32 s10, s2;
	s26 =	sadd.s32 s5, s10;
	[smem:$0x7FC] =	sst s7  }
0x19: {  	s2 =	ssub.s32 s15, s16;
	s16 =	simm.s32 $0xA00;
	[smem:$0x7F3] =	sst s26  }
0x1a: {  	s15 =	sadd.s32 s6, s3;
	s17 =	sadd.s32 $0xBA00, s8;
	[dreg:$0xf] =	wrdreg s16  }
0x1b: {  	s6 =	sadd.s32 $0x2000, s6;
	s18 =	sadd.s32 $0x1A00, s8;
	[dreg:$0x4] =	wrdreg s17  }
0x1c: {  	s25 =	simm.s32 $0x2;
	s24 =	sadd.s32 s6, s3;
	[dreg:$0x5] =	wrdreg s18  }
0x1d: {  	s14 =	simm.s32 $0x0;
	s26 =	simm.s32 $0xB80;
	[smem:$0x7F2] =	sst s24  }
0x1e: {  	s11 =	sshrl.u32 s11, $0x3;
	s16 =	simm.s32 $0x600;
	[dreg:$0x15] =	wrdreg s26  }
0x1f: {  	s19 =	sadd.s32 s0, s12;
	s2 =	smax.u32 s2, $0x1;
	[dreg:$0x18] =	wrdreg s16  }
0x20: {  	s10 =	simm.s32 $0x6;
	s8 =	sadd.s32 s13, s3;
	[smem:$0x7F8] =	sst s2  }
0x21: {  	s17 =	sadd.s32 s5, s11;
	s18 =	simm.s32 $0x400;
	[smem:$0x7FD] =	sst s8  }
0x22: {  	s11 =	sshrl.u32 s19, $0x3;
	s24 =	sadd.s32 s0, s13;
	[smem:$0x7F4] =	sst s17  }
0x23: {  	s13 =	simm.s32 $0x580;
	s0 =	sadd.s32 s0, s6;
	[dreg:$0x10] =	wrdreg s18  }
0x24: {  	s16 =	simm.s32 $0x1000;
	s19 =	simm.s32 $0xD00;
	[dreg:$0x16] =	wrdreg s13  }
0x25: {  	s26 =	simm.s32 $0xF80;
	s2 =	simm.s32 $0x5;
	[dreg:$0x1b] =	wrdreg s19  }
0x26: {  	s22 =	sadd.s32 s5, s11;
	s11 =	sshrl.u32 s24, $0x3;
	[smem:$0x7FB] =	sst s26  }
0x27: {  	s0 =	sshrl.u32 s0, $0x3;
	s17 =	simm.s32 $0xC80;
	[smem:$0x7F5] =	sst s22  }
0x28: {  	s18 =	simm.s32 $0x680;
	s19 =	simm.s32 $0x80;
	[dreg:$0x19] =	wrdreg s17  }
0x29: {  	s24 =	simm.s32 $0xE80;
	s26 =	simm.s32 $0x3800;
	[dreg:$0x1a] =	wrdreg s18  }
0x2a: {  	s13 =	simm.s32 $0xC;
	s12 =	sadd.s32 s5, s11;
	[smem:$0x7F9] =	sst s24  }
0x2b: {  	s0 =	sadd.s32 s5, s0;
	s17 =	simm.s32 $0xD;
	[smem:$0x7F6] =	sst s12  }
0x2c: {  	s18 =	simm.s32 $0x800;
	s22 =	simm.s32 $0x780;
	[smem:$0x7F7] =	sst s0  }
0x2d: {  	s24 =	simm.s32 $0x3000;
	s11 =	simm.s32 $0xA;
	[dreg:$0x1e] =	wrdreg s22  }
0x2e: {  	v0 =	vimm.f32 $0.0e+00;
	s22 =	simm.s32 $0x2800;
	s0 =	simm.s32 $0x9;
	s12 =	simm.s32 $0xB  }
.LBB2_1:
0x2f: {  	s5 =	simm.s32 $0x40;
	s6 =	simm.s32 $0x0  }
.LBB2_2:
0x30: {  	p0 =	sne.s32 s5, $0x1FC0;
	[tilespmem:s6+$0x1000] =	vst v0;
	s6 =	smov.u32 s5;
	s5 =	sadd.s32 $0x40, s5  }
.Ltmp0:
0x31: {  	(pc) =	sbr.rel @p0 .LBB2_2-.Ltmp0, $2  }
0x32: {  	_ =	sdelay $0x2  }
0x33: {  	s6 =	sshra.s32 s6, $0x2  }
0x34: {  	[tilespmem:s6+$0x1000] =	vst v0  }
0x35: {  	[spmem:s15] =	stream.linear.scatter [tilespmem:s16], [sflag:$0xD], $0x800, $0x38;
	[tilespmem:$0x6800] =	vst v63  }
0x36: {  	_ =	swait.ge [sflag:s17], $0x800  }
0x37: {  	s5 =	sld [smem:$0x7F1]  }
0x38: {  	[sflag:s17] =	ssyncset.done $0x0  }
0x39: {  	[sflag:s17] =	ssyncadd.s32 $0xFFFFF800  }
0x3a: {  	[spmem:s5] =	stream.linear.scatter [tilespmem:s16], [sflag:$0xD], $0x800, $0x38;
	[tilespmem:$0x6800] =	vst v63  }
0x3b: {  	_ =	swait.ge [sflag:s17], $0x800  }
0x3c: {  	[sflag:s17] =	ssyncset.done $0x0  }
0x3d: {  	[sflag:s17] =	ssyncadd.s32 $0xFFFFF800  }
0x3e: {  	[spmem:s7] =	stream.linear.scatter [tilespmem:s16], [sflag:$0xD], $0x800, $0x38;
	[tilespmem:$0x6800] =	vst v63  }
0x3f: {  	_ =	swait.ge [sflag:s17], $0x800  }
0x40: {  	[sflag:s17] =	ssyncset.done $0x0  }
0x41: {  	[sflag:s17] =	ssyncadd.s32 $0xFFFFF800  }
0x42: {  	[spmem:s8] =	stream.linear.scatter [tilespmem:s16], [sflag:$0xD], $0x800, $0x38;
	[tilespmem:$0x6800] =	vst v63  }
0x43: {  	_ =	swait.ge [sflag:s17], $0x800  }
0x44: {  	s8 =	sld [smem:$0x7F2]  }
0x45: {  	[sflag:s17] =	ssyncset.done $0x0  }
0x46: {  	[sflag:s17] =	ssyncadd.s32 $0xFFFFF800  }
0x47: {  	[spmem:s8] =	stream.linear.scatter [tilespmem:s16], [sflag:$0xD], $0x800, $0x38;
	[tilespmem:$0x6800] =	vst v63  }
0x48: {  	_ =	swait.ge [sflag:s17], $0x800  }
0x49: {  	p0 =	por $0x1, $0x1;
	[sflag:s17] =	ssyncset.done $0x0  }
0x4a: {  	p0 =	por p0, p0;
	[sflag:s17] =	ssyncadd.s32 $0xFFFFF800  }
0x4b: {  	s5 =	simm.s32 @!p0 $0x7;
	[bflag:$0x0] =	sbarrier.arrive $0xFFFF  }
0x4c: {  	_ =	swait.ge @!p0 [sflag:s5], $0x800  }
0x4d: {  	[sflag:s5] =	ssyncset.done @!p0 $0x0  }
0x4e: {  	[sflag:s5] =	ssyncadd.s32 @!p0 $0xFFFFF800;
	s5 =	simm.s32 @!p0 $0x8  }
0x4f: {  	_ =	swait.ge @!p0 [sflag:s5], $0x800  }
0x50: {  	[sflag:s5] =	ssyncset.done @!p0 $0x0  }
0x51: {  	[sflag:s5] =	ssyncadd.s32 @!p0 $0xFFFFF800;
	s5 =	simm.s32 @!p0 $0x9  }
0x52: {  	_ =	swait.ge @!p0 [sflag:s5], $0x800  }
0x53: {  	[sflag:s5] =	ssyncset.done @!p0 $0x0  }
0x54: {  	[sflag:s5] =	ssyncadd.s32 @!p0 $0xFFFFF800;
	s5 =	simm.s32 @!p0 $0xA  }
0x55: {  	_ =	swait.ge @!p0 [sflag:s5], $0x800  }
0x56: {  	[sflag:s5] =	ssyncset.done @!p0 $0x0  }
0x57: {  	[sflag:s5] =	ssyncadd.s32 @!p0 $0xFFFFF800;
	s5 =	simm.s32 @!p0 $0xB  }
0x58: {  	_ =	swait.ge @!p0 [sflag:s5], $0x800  }
0x59: {  	[sflag:s5] =	ssyncset.done @!p0 $0x0  }
0x5a: {  	[sflag:s5] =	ssyncadd.s32 @!p0 $0xFFFFF800;
	s5 =	simm.s32 @!p0 $0xC  }
0x5b: {  	_ =	swait.ge @!p0 [sflag:s5], $0x800  }
0x5c: {  	s9 =	smov.u32 s15;
	s15 =	rddreg [dreg:$0x5];
	[sflag:s5] =	ssyncset.done @!p0 $0x0  }
0x5d: {  	[sflag:s5] =	ssyncadd.s32 @!p0 $0xFFFFF800;
	s6 =	sadd.s32 $0x0, s15  }
0x5e: {  	[tilespmem:s4], [sflag:$0xD] =	stream.linear.gather [hbm4b:s6+s4], $0x800, $0x38;
	[tilespmem:$0x6800] =	vst v63  }
0x5f: {  	_ =	swait.ge [sflag:s17], $0x800  }
0x60: {  	s7 =	rddreg [dreg:$0x4];
	[sflag:s17] =	ssyncset.done $0x0  }
0x61: {  	[sflag:s17] =	ssyncadd.s32 $0xFFFFF800;
	s5 =	sadd.s32 $0x0, s7  }
0x62: {  	[tilespmem:s18], [sflag:$0xD] =	stream.linear.gather [hbm4b:s5+s4], $0x800, $0x38;
	[tilespmem:$0x6800] =	vst v63  }
0x63: {  	_ =	swait.ge [sflag:s17], $0x800  }
0x64: {  	[sflag:s17] =	ssyncset.done $0x0  }
0x65: {  	[sflag:s17] =	ssyncadd.s32 $0xFFFFF800  }
0x66: {  	[tilespmem:s16], [sflag:$0x1] =	stream.indirect.gather [hbm4b:s1+s19], $0x10, s4, s19, $0xb8;
	[tilespmem:$0x6800] =	vst v63  }
0x67: {  	_ = 	snop  }
0x68: {  	[tilespmem:s20], [sflag:$0x2] =	stream.indirect.gather [hbm4b:s1+s19], $0x10, s19, s19, $0xb8;
	[tilespmem:$0x6800] =	vst v63  }
0x69: {  	s8 =	rddreg [dreg:$0x6]  }
0x6a: {  	[tilespmem:s21], [sflag:$0x3] =	stream.indirect.gather [hbm4b:s1+s19], $0x10, s8, s19, $0xb8;
	[tilespmem:$0x6800] =	vst v63  }
0x6b: {  	s15 =	rddreg [dreg:$0x7]  }
0x6c: {  	[tilespmem:s22], [sflag:$0x4] =	stream.indirect.gather [hbm4b:s1+s19], $0x10, s15, s19, $0xb8;
	[tilespmem:$0x6800] =	vst v63  }
0x6d: {  	_ =	swait.ge [sflag:s23], $0x800  }
0x6e: {  	[sflag:s23] =	ssyncset.done $0x0  }
0x6f: {  	[sflag:s23] =	ssyncadd.s32 $0xFFFFF800  }
0x70: {  	[spmem:s3] =	stream.indirect.scatter.add.f32 [tilespmem:s16], [sflag:$0x7], $0x10, s18, s19, $0xb8;
	[tilespmem:$0x6800] =	vst v63  }
0x71: {  	s7 =	rddreg [dreg:$0x8]  }
0x72: {  	[tilespmem:s24], [sflag:$0x5] =	stream.indirect.gather [hbm4b:s1+s19], $0x10, s7, s19, $0xb8;
	[tilespmem:$0x6800] =	vst v63  }
0x73: {  	_ =	swait.ge [sflag:s25], $0x800  }
0x74: {  	[sflag:s25] =	ssyncset.done $0x0  }
0x75: {  	s8 =	rddreg [dreg:$0x9];
	[sflag:s25] =	ssyncadd.s32 $0xFFFFF800  }
0x76: {  	[spmem:s3] =	stream.indirect.scatter.add.f32 [tilespmem:s20], [sflag:$0x8], $0x10, s8, s19, $0xb8;
	[tilespmem:$0x6800] =	vst v63  }
0x77: {  	s15 =	rddreg [dreg:$0xa]  }
0x78: {  	[tilespmem:s26], [sflag:$0x6] =	stream.indirect.gather [hbm4b:s1+s19], $0x10, s15, s19, $0xb8;
	[tilespmem:$0x6800] =	vst v63  }
0x79: {  	_ =	swait.ge [sflag:s28], $0x800  }
0x7a: {  	[sflag:s28] =	ssyncset.done $0x0  }
0x7b: {  	s7 =	rddreg [dreg:$0xb];
	[sflag:s28] =	ssyncadd.s32 $0xFFFFF800  }
0x7c: {  	[spmem:s3] =	stream.indirect.scatter.add.f32 [tilespmem:s21], [sflag:$0x9], $0x10, s7, s19, $0xb8;
	[tilespmem:$0x6800] =	vst v63  }
0x7d: {  	_ =	swait.ge [sflag:s29], $0x800  }
0x7e: {  	[sflag:s29] =	ssyncset.done $0x0  }
0x7f: {  	s8 =	rddreg [dreg:$0xc];
	[sflag:s29] =	ssyncadd.s32 $0xFFFFF800  }
0x80: {  	[tilespmem:s16], [sflag:$0x1] =	stream.indirect.gather [hbm4b:s1+s19], $0x10, s8, s19, $0xb8;
	[tilespmem:$0x6800] =	vst v63  }
0x81: {  	_ =	swait.ge [sflag:s30], $0x800  }
0x82: {  	[sflag:s30] =	ssyncset.done $0x0  }
0x83: {  	s15 =	rddreg [dreg:$0xd];
	[sflag:s30] =	ssyncadd.s32 $0xFFFFF800  }
0x84: {  	[spmem:s3] =	stream.indirect.scatter.add.f32 [tilespmem:s22], [sflag:$0xA], $0x10, s15, s19, $0xb8;
	[tilespmem:$0x6800] =	vst v63  }
0x85: {  	_ =	swait.ge [sflag:s31], $0x800  }
0x86: {  	[sflag:s31] =	ssyncset.done $0x0  }
0x87: {  	s6 =	rddreg [dreg:$0xe];
	[sflag:s31] =	ssyncadd.s32 $0xFFFFF800  }
0x88: {  	[tilespmem:s20], [sflag:$0x2] =	stream.indirect.gather [hbm4b:s1+s19], $0x10, s6, s19, $0xb8;
	[tilespmem:$0x6800] =	vst v63  }
0x89: {  	_ =	swait.ge [sflag:s2], $0x800  }
0x8a: {  	[sflag:s2] =	ssyncset.done $0x0  }
0x8b: {  	s7 =	rddreg [dreg:$0xf];
	[sflag:s2] =	ssyncadd.s32 $0xFFFFF800  }
0x8c: {  	[spmem:s3] =	stream.indirect.scatter.add.f32 [tilespmem:s24], [sflag:$0xB], $0x10, s7, s19, $0xb8;
	[tilespmem:$0x6800] =	vst v63  }
0x8d: {  	_ =	swait.ge [sflag:s0], $0x800  }
0x8e: {  	[sflag:s0] =	ssyncset.done $0x0  }
0x8f: {  	s8 =	rddreg [dreg:$0x10];
	[sflag:s0] =	ssyncadd.s32 $0xFFFFF800  }
0x90: {  	[tilespmem:s21], [sflag:$0x3] =	stream.indirect.gather [hbm4b:s1+s19], $0x10, s8, s19, $0xb8;
	[tilespmem:$0x6800] =	vst v63  }
0x91: {  	_ =	swait.ge [sflag:s10], $0x800  }
0x92: {  	[sflag:s10] =	ssyncset.done $0x0  }
0x93: {  	s15 =	rddreg [dreg:$0x11];
	[sflag:s10] =	ssyncadd.s32 $0xFFFFF800  }
0x94: {  	[spmem:s3] =	stream.indirect.scatter.add.f32 [tilespmem:s26], [sflag:$0xC], $0x10, s15, s19, $0xb8;
	[tilespmem:$0x6800] =	vst v63  }
0x95: {  	_ =	swait.ge [sflag:s11], $0x800  }
0x96: {  	[sflag:s11] =	ssyncset.done $0x0  }
0x97: {  	s6 =	rddreg [dreg:$0x12];
	[sflag:s11] =	ssyncadd.s32 $0xFFFFF800  }
0x98: {  	[tilespmem:s22], [sflag:$0x4] =	stream.indirect.gather [hbm4b:s1+s19], $0x10, s6, s19, $0xb8;
	[tilespmem:$0x6800] =	vst v63  }
0x99: {  	_ =	swait.ge [sflag:s23], $0x800  }
0x9a: {  	[sflag:s23] =	ssyncset.done $0x0  }
0x9b: {  	s7 =	rddreg [dreg:$0x13];
	[sflag:s23] =	ssyncadd.s32 $0xFFFFF800  }
0x9c: {  	[spmem:s3] =	stream.indirect.scatter.add.f32 [tilespmem:s16], [sflag:$0x7], $0x10, s7, s19, $0xb8;
	[tilespmem:$0x6800] =	vst v63  }
0x9d: {  	_ =	swait.ge [sflag:s12], $0x800  }
0x9e: {  	[sflag:s12] =	ssyncset.done $0x0  }
0x9f: {  	s8 =	rddreg [dreg:$0x14];
	[sflag:s12] =	ssyncadd.s32 $0xFFFFF800  }
0xa0: {  	[tilespmem:s24], [sflag:$0x5] =	stream.indirect.gather [hbm4b:s1+s19], $0x10, s8, s19, $0xb8;
	[tilespmem:$0x6800] =	vst v63  }
0xa1: {  	_ =	swait.ge [sflag:s25], $0x800  }
0xa2: {  	[sflag:s25] =	ssyncset.done $0x0  }
0xa3: {  	s15 =	rddreg [dreg:$0x15];
	[sflag:s25] =	ssyncadd.s32 $0xFFFFF800  }
0xa4: {  	[spmem:s3] =	stream.indirect.scatter.add.f32 [tilespmem:s20], [sflag:$0x8], $0x10, s15, s19, $0xb8;
	[tilespmem:$0x6800] =	vst v63  }
0xa5: {  	_ =	swait.ge [sflag:s13], $0x800  }
0xa6: {  	[sflag:s13] =	ssyncset.done $0x0  }
0xa7: {  	s6 =	rddreg [dreg:$0x16];
	[sflag:s13] =	ssyncadd.s32 $0xFFFFF800  }
0xa8: {  	[tilespmem:s26], [sflag:$0x6] =	stream.indirect.gather [hbm4b:s1+s19], $0x10, s6, s19, $0xb8;
	[tilespmem:$0x6800] =	vst v63  }
0xa9: {  	_ =	swait.ge [sflag:s28], $0x800  }
0xaa: {  	[sflag:s28] =	ssyncset.done $0x0  }
0xab: {  	s7 =	rddreg [dreg:$0x17];
	[sflag:s28] =	ssyncadd.s32 $0xFFFFF800  }
0xac: {  	[spmem:s3] =	stream.indirect.scatter.add.f32 [tilespmem:s21], [sflag:$0x9], $0x10, s7, s19, $0xb8;
	[tilespmem:$0x6800] =	vst v63  }
0xad: {  	_ =	swait.ge [sflag:s29], $0x800  }
0xae: {  	[sflag:s29] =	ssyncset.done $0x0  }
0xaf: {  	s8 =	rddreg [dreg:$0x18];
	[sflag:s29] =	ssyncadd.s32 $0xFFFFF800  }
0xb0: {  	[tilespmem:s16], [sflag:$0x1] =	stream.indirect.gather [hbm4b:s1+s19], $0x10, s8, s19, $0xb8;
	[tilespmem:$0x6800] =	vst v63  }
0xb1: {  	_ =	swait.ge [sflag:s30], $0x800  }
0xb2: {  	[sflag:s30] =	ssyncset.done $0x0  }
0xb3: {  	s15 =	rddreg [dreg:$0x19];
	[sflag:s30] =	ssyncadd.s32 $0xFFFFF800  }
0xb4: {  	[spmem:s3] =	stream.indirect.scatter.add.f32 [tilespmem:s22], [sflag:$0xA], $0x10, s15, s19, $0xb8;
	[tilespmem:$0x6800] =	vst v63  }
0xb5: {  	_ =	swait.ge [sflag:s31], $0x800  }
0xb6: {  	[sflag:s31] =	ssyncset.done $0x0  }
0xb7: {  	s6 =	rddreg [dreg:$0x1a];
	[sflag:s31] =	ssyncadd.s32 $0xFFFFF800  }
0xb8: {  	[tilespmem:s20], [sflag:$0x2] =	stream.indirect.gather [hbm4b:s1+s19], $0x10, s6, s19, $0xb8;
	[tilespmem:$0x6800] =	vst v63  }
0xb9: {  	_ =	swait.ge [sflag:s2], $0x800  }
0xba: {  	[sflag:s2] =	ssyncset.done $0x0  }
0xbb: {  	s7 =	rddreg [dreg:$0x1b];
	[sflag:s2] =	ssyncadd.s32 $0xFFFFF800  }
0xbc: {  	[spmem:s3] =	stream.indirect.scatter.add.f32 [tilespmem:s24], [sflag:$0xB], $0x10, s7, s19, $0xb8;
	[tilespmem:$0x6800] =	vst v63  }
0xbd: {  	_ =	swait.ge [sflag:s0], $0x800  }
0xbe: {  	[sflag:s0] =	ssyncset.done $0x0  }
0xbf: {  	s8 =	rddreg [dreg:$0x1c];
	[sflag:s0] =	ssyncadd.s32 $0xFFFFF800  }
0xc0: {  	[tilespmem:s21], [sflag:$0x3] =	stream.indirect.gather [hbm4b:s1+s19], $0x10, s8, s19, $0xb8;
	[tilespmem:$0x6800] =	vst v63  }
0xc1: {  	_ =	swait.ge [sflag:s10], $0x800  }
0xc2: {  	[sflag:s10] =	ssyncset.done $0x0  }
0xc3: {  	s15 =	rddreg [dreg:$0x1d];
	[sflag:s10] =	ssyncadd.s32 $0xFFFFF800  }
0xc4: {  	[spmem:s3] =	stream.indirect.scatter.add.f32 [tilespmem:s26], [sflag:$0xC], $0x10, s15, s19, $0xb8;
	[tilespmem:$0x6800] =	vst v63  }
0xc5: {  	_ =	swait.ge [sflag:s11], $0x800  }
0xc6: {  	[sflag:s11] =	ssyncset.done $0x0  }
0xc7: {  	s6 =	rddreg [dreg:$0x1e];
	[sflag:s11] =	ssyncadd.s32 $0xFFFFF800  }
0xc8: {  	[tilespmem:s22], [sflag:$0x4] =	stream.indirect.gather [hbm4b:s1+s19], $0x10, s6, s19, $0xb8;
	[tilespmem:$0x6800] =	vst v63  }
0xc9: {  	_ =	swait.ge [sflag:s23], $0x800  }
0xca: {  	[sflag:s23] =	ssyncset.done $0x0  }
0xcb: {  	s7 =	rddreg [dreg:$0x1f];
	[sflag:s23] =	ssyncadd.s32 $0xFFFFF800  }
0xcc: {  	[spmem:s3] =	stream.indirect.scatter.add.f32 [tilespmem:s16], [sflag:$0x7], $0x10, s7, s19, $0xb8;
	[tilespmem:$0x6800] =	vst v63  }
0xcd: {  	_ =	swait.ge [sflag:s25], $0x800  }
0xce: {  	s8 =	sld [smem:$0x7F9]  }
0xcf: {  	[sflag:s25] =	ssyncset.done $0x0  }
0xd0: {  	[sflag:s25] =	ssyncadd.s32 $0xFFFFF800  }
0xd1: {  	[spmem:s3] =	stream.indirect.scatter.add.f32 [tilespmem:s20], [sflag:$0x8], $0x10, s8, s19, $0xb8;
	[tilespmem:$0x6800] =	vst v63  }
0xd2: {  	_ =	swait.ge [sflag:s28], $0x800  }
0xd3: {  	s15 =	sld [smem:$0x7FA]  }
0xd4: {  	[sflag:s28] =	ssyncset.done $0x0  }
0xd5: {  	[sflag:s28] =	ssyncadd.s32 $0xFFFFF800  }
0xd6: {  	[spmem:s3] =	stream.indirect.scatter.add.f32 [tilespmem:s21], [sflag:$0x9], $0x10, s15, s19, $0xb8;
	[tilespmem:$0x6800] =	vst v63  }
0xd7: {  	p6 =	por $0x0, $0x0;
	_ =	swait.ge [sflag:s30], $0x800  }
0xd8: {  	p0 =	por p6, p6;
	s5 =	simm.s32 $0x200;
	[sflag:s30] =	ssyncset.done $0x0  }
0xd9: {  	s15 =	simm.s32 $0x100;
	s6 =	sld [smem:$0x7FB];
	[sflag:s30] =	ssyncadd.s32 $0xFFFFF800  }
.LBB2_4:
0xda: {  	_ = 	snop  }
0xdb: {  	s7 =	simm.s32 @!p0 $0x7  }
0xdc: {  	[spmem:s3] =	stream.indirect.scatter.add.f32 [tilespmem:s22], [sflag:$0xA], $0x10, s6, s19, $0xb8;
	[tilespmem:$0x6800] =	vst v63  }
0xdd: {  	_ =	swait.ge @!p0 [sflag:s7], $0x800  }
0xde: {  	[sflag:s7] =	ssyncset.done @!p0 $0x0  }
0xdf: {  	[sflag:s7] =	ssyncadd.s32 @!p0 $0xFFFFF800;
	s7 =	simm.s32 @!p0 $0x8  }
0xe0: {  	_ =	swait.ge @!p0 [sflag:s7], $0x800  }
0xe1: {  	[sflag:s7] =	ssyncset.done @!p0 $0x0  }
0xe2: {  	[sflag:s7] =	ssyncadd.s32 @!p0 $0xFFFFF800;
	s7 =	simm.s32 @!p0 $0x9  }
0xe3: {  	_ =	swait.ge @!p0 [sflag:s7], $0x800  }
0xe4: {  	[sflag:s7] =	ssyncset.done @!p0 $0x0  }
0xe5: {  	[sflag:s7] =	ssyncadd.s32 @!p0 $0xFFFFF800;
	s7 =	simm.s32 @!p0 $0xA  }
0xe6: {  	_ =	swait.ge @!p0 [sflag:s7], $0x800  }
0xe7: {  	[sflag:s7] =	ssyncset.done @!p0 $0x0  }
0xe8: {  	[sflag:s7] =	ssyncadd.s32 @!p0 $0xFFFFF800;
	s7 =	simm.s32 @!p0 $0xB  }
0xe9: {  	_ =	swait.ge @!p0 [sflag:s7], $0x800  }
0xea: {  	[sflag:s7] =	ssyncset.done @!p0 $0x0  }
0xeb: {  	[sflag:s7] =	ssyncadd.s32 @!p0 $0xFFFFF800;
	s7 =	simm.s32 @!p0 $0xC  }
0xec: {  	_ =	swait.ge @!p0 [sflag:s7], $0x800  }
0xed: {  	s8 =	rddreg [dreg:$0x5];
	[sflag:s7] =	ssyncset.done @!p0 $0x0  }
0xee: {  	[sflag:s7] =	ssyncadd.s32 @!p0 $0xFFFFF800;
	s8 =	sadd.s32 s15, s8  }
0xef: {  	[tilespmem:s4], [sflag:$0xD] =	stream.linear.gather [hbm4b:s8+s4], $0x800, $0x38;
	[tilespmem:$0x6800] =	vst v63  }
0xf0: {  	_ =	swait.ge [sflag:s17], $0x800  }
0xf1: {  	s8 =	rddreg [dreg:$0x4];
	[sflag:s17] =	ssyncset.done $0x0  }
0xf2: {  	[sflag:s17] =	ssyncadd.s32 $0xFFFFF800;
	s7 =	sadd.s32 s15, s8  }
0xf3: {  	[tilespmem:s18], [sflag:$0xD] =	stream.linear.gather [hbm4b:s7+s4], $0x800, $0x38;
	[tilespmem:$0x6800] =	vst v63  }
0xf4: {  	_ =	swait.ge [sflag:s17], $0x800  }
0xf5: {  	[sflag:s17] =	ssyncset.done $0x0  }
0xf6: {  	[sflag:s17] =	ssyncadd.s32 $0xFFFFF800  }
0xf7: {  	[tilespmem:s16], [sflag:$0x1] =	stream.indirect.gather [hbm4b:s1+s19], $0x10, s4, s19, $0xb8;
	[tilespmem:$0x6800] =	vst v63  }
0xf8: {  	_ = 	snop  }
0xf9: {  	[tilespmem:s20], [sflag:$0x2] =	stream.indirect.gather [hbm4b:s1+s19], $0x10, s19, s19, $0xb8;
	[tilespmem:$0x6800] =	vst v63  }
0xfa: {  	s7 =	rddreg [dreg:$0x6]  }
0xfb: {  	[tilespmem:s21], [sflag:$0x3] =	stream.indirect.gather [hbm4b:s1+s19], $0x10, s7, s19, $0xb8;
	[tilespmem:$0x6800] =	vst v63  }
0xfc: {  	s8 =	rddreg [dreg:$0x7]  }
0xfd: {  	[tilespmem:s22], [sflag:$0x4] =	stream.indirect.gather [hbm4b:s1+s19], $0x10, s8, s19, $0xb8;
	[tilespmem:$0x6800] =	vst v63  }
0xfe: {  	_ =	swait.ge [sflag:s23], $0x800  }
0xff: {  	[sflag:s23] =	ssyncset.done $0x0  }
0x100: {  	[sflag:s23] =	ssyncadd.s32 $0xFFFFF800  }
0x101: {  	[spmem:s3] =	stream.indirect.scatter.add.f32 [tilespmem:s16], [sflag:$0x7], $0x10, s18, s19, $0xb8;
	[tilespmem:$0x6800] =	vst v63  }
0x102: {  	s8 =	rddreg [dreg:$0x8]  }
0x103: {  	[tilespmem:s24], [sflag:$0x5] =	stream.indirect.gather [hbm4b:s1+s19], $0x10, s8, s19, $0xb8;
	[tilespmem:$0x6800] =	vst v63  }
0x104: {  	_ =	swait.ge [sflag:s25], $0x800  }
0x105: {  	[sflag:s25] =	ssyncset.done $0x0  }
0x106: {  	s7 =	rddreg [dreg:$0x9];
	[sflag:s25] =	ssyncadd.s32 $0xFFFFF800  }
0x107: {  	[spmem:s3] =	stream.indirect.scatter.add.f32 [tilespmem:s20], [sflag:$0x8], $0x10, s7, s19, $0xb8;
	[tilespmem:$0x6800] =	vst v63  }
0x108: {  	s8 =	rddreg [dreg:$0xa]  }
0x109: {  	[tilespmem:s26], [sflag:$0x6] =	stream.indirect.gather [hbm4b:s1+s19], $0x10, s8, s19, $0xb8;
	[tilespmem:$0x6800] =	vst v63  }
0x10a: {  	_ =	swait.ge [sflag:s28], $0x800  }
0x10b: {  	[sflag:s28] =	ssyncset.done $0x0  }
0x10c: {  	s8 =	rddreg [dreg:$0xb];
	[sflag:s28] =	ssyncadd.s32 $0xFFFFF800  }
0x10d: {  	[spmem:s3] =	stream.indirect.scatter.add.f32 [tilespmem:s21], [sflag:$0x9], $0x10, s8, s19, $0xb8;
	[tilespmem:$0x6800] =	vst v63  }
0x10e: {  	_ =	swait.ge [sflag:s29], $0x800  }
0x10f: {  	[sflag:s29] =	ssyncset.done $0x0  }
0x110: {  	s7 =	rddreg [dreg:$0xc];
	[sflag:s29] =	ssyncadd.s32 $0xFFFFF800  }
0x111: {  	[tilespmem:s16], [sflag:$0x1] =	stream.indirect.gather [hbm4b:s1+s19], $0x10, s7, s19, $0xb8;
	[tilespmem:$0x6800] =	vst v63  }
0x112: {  	_ =	swait.ge [sflag:s30], $0x800  }
0x113: {  	[sflag:s30] =	ssyncset.done $0x0  }
0x114: {  	s8 =	rddreg [dreg:$0xd];
	[sflag:s30] =	ssyncadd.s32 $0xFFFFF800  }
0x115: {  	[spmem:s3] =	stream.indirect.scatter.add.f32 [tilespmem:s22], [sflag:$0xA], $0x10, s8, s19, $0xb8;
	[tilespmem:$0x6800] =	vst v63  }
0x116: {  	_ =	swait.ge [sflag:s31], $0x800  }
0x117: {  	[sflag:s31] =	ssyncset.done $0x0  }
0x118: {  	s7 =	rddreg [dreg:$0xe];
	[sflag:s31] =	ssyncadd.s32 $0xFFFFF800  }
0x119: {  	[tilespmem:s20], [sflag:$0x2] =	stream.indirect.gather [hbm4b:s1+s19], $0x10, s7, s19, $0xb8;
	[tilespmem:$0x6800] =	vst v63  }
0x11a: {  	_ =	swait.ge [sflag:s2], $0x800  }
0x11b: {  	[sflag:s2] =	ssyncset.done $0x0  }
0x11c: {  	s8 =	rddreg [dreg:$0xf];
	[sflag:s2] =	ssyncadd.s32 $0xFFFFF800  }
0x11d: {  	[spmem:s3] =	stream.indirect.scatter.add.f32 [tilespmem:s24], [sflag:$0xB], $0x10, s8, s19, $0xb8;
	[tilespmem:$0x6800] =	vst v63  }
0x11e: {  	_ =	swait.ge [sflag:s0], $0x800  }
0x11f: {  	[sflag:s0] =	ssyncset.done $0x0  }
0x120: {  	s7 =	rddreg [dreg:$0x10];
	[sflag:s0] =	ssyncadd.s32 $0xFFFFF800  }
0x121: {  	[tilespmem:s21], [sflag:$0x3] =	stream.indirect.gather [hbm4b:s1+s19], $0x10, s7, s19, $0xb8;
	[tilespmem:$0x6800] =	vst v63  }
0x122: {  	_ =	swait.ge [sflag:s10], $0x800  }
0x123: {  	[sflag:s10] =	ssyncset.done $0x0  }
0x124: {  	s8 =	rddreg [dreg:$0x11];
	[sflag:s10] =	ssyncadd.s32 $0xFFFFF800  }
0x125: {  	[spmem:s3] =	stream.indirect.scatter.add.f32 [tilespmem:s26], [sflag:$0xC], $0x10, s8, s19, $0xb8;
	[tilespmem:$0x6800] =	vst v63  }
0x126: {  	_ =	swait.ge [sflag:s11], $0x800  }
0x127: {  	[sflag:s11] =	ssyncset.done $0x0  }
0x128: {  	s7 =	rddreg [dreg:$0x12];
	[sflag:s11] =	ssyncadd.s32 $0xFFFFF800  }
0x129: {  	[tilespmem:s22], [sflag:$0x4] =	stream.indirect.gather [hbm4b:s1+s19], $0x10, s7, s19, $0xb8;
	[tilespmem:$0x6800] =	vst v63  }
0x12a: {  	_ =	swait.ge [sflag:s23], $0x800  }
0x12b: {  	[sflag:s23] =	ssyncset.done $0x0  }
0x12c: {  	s8 =	rddreg [dreg:$0x13];
	[sflag:s23] =	ssyncadd.s32 $0xFFFFF800  }
0x12d: {  	[spmem:s3] =	stream.indirect.scatter.add.f32 [tilespmem:s16], [sflag:$0x7], $0x10, s8, s19, $0xb8;
	[tilespmem:$0x6800] =	vst v63  }
0x12e: {  	_ =	swait.ge [sflag:s12], $0x800  }
0x12f: {  	[sflag:s12] =	ssyncset.done $0x0  }
0x130: {  	s7 =	rddreg [dreg:$0x14];
	[sflag:s12] =	ssyncadd.s32 $0xFFFFF800  }
0x131: {  	[tilespmem:s24], [sflag:$0x5] =	stream.indirect.gather [hbm4b:s1+s19], $0x10, s7, s19, $0xb8;
	[tilespmem:$0x6800] =	vst v63  }
0x132: {  	_ =	swait.ge [sflag:s25], $0x800  }
0x133: {  	[sflag:s25] =	ssyncset.done $0x0  }
0x134: {  	s8 =	rddreg [dreg:$0x15];
	[sflag:s25] =	ssyncadd.s32 $0xFFFFF800  }
0x135: {  	[spmem:s3] =	stream.indirect.scatter.add.f32 [tilespmem:s20], [sflag:$0x8], $0x10, s8, s19, $0xb8;
	[tilespmem:$0x6800] =	vst v63  }
0x136: {  	_ =	swait.ge [sflag:s13], $0x800  }
0x137: {  	[sflag:s13] =	ssyncset.done $0x0  }
0x138: {  	s7 =	rddreg [dreg:$0x16];
	[sflag:s13] =	ssyncadd.s32 $0xFFFFF800  }
0x139: {  	[tilespmem:s26], [sflag:$0x6] =	stream.indirect.gather [hbm4b:s1+s19], $0x10, s7, s19, $0xb8;
	[tilespmem:$0x6800] =	vst v63  }
0x13a: {  	_ =	swait.ge [sflag:s28], $0x800  }
0x13b: {  	[sflag:s28] =	ssyncset.done $0x0  }
0x13c: {  	s8 =	rddreg [dreg:$0x17];
	[sflag:s28] =	ssyncadd.s32 $0xFFFFF800  }
0x13d: {  	[spmem:s3] =	stream.indirect.scatter.add.f32 [tilespmem:s21], [sflag:$0x9], $0x10, s8, s19, $0xb8;
	[tilespmem:$0x6800] =	vst v63  }
0x13e: {  	_ =	swait.ge [sflag:s29], $0x800  }
0x13f: {  	[sflag:s29] =	ssyncset.done $0x0  }
0x140: {  	s7 =	rddreg [dreg:$0x18];
	[sflag:s29] =	ssyncadd.s32 $0xFFFFF800  }
0x141: {  	[tilespmem:s16], [sflag:$0x1] =	stream.indirect.gather [hbm4b:s1+s19], $0x10, s7, s19, $0xb8;
	[tilespmem:$0x6800] =	vst v63  }
0x142: {  	_ =	swait.ge [sflag:s30], $0x800  }
0x143: {  	[sflag:s30] =	ssyncset.done $0x0  }
0x144: {  	s8 =	rddreg [dreg:$0x19];
	[sflag:s30] =	ssyncadd.s32 $0xFFFFF800  }
0x145: {  	[spmem:s3] =	stream.indirect.scatter.add.f32 [tilespmem:s22], [sflag:$0xA], $0x10, s8, s19, $0xb8;
	[tilespmem:$0x6800] =	vst v63  }
0x146: {  	_ =	swait.ge [sflag:s31], $0x800  }
0x147: {  	[sflag:s31] =	ssyncset.done $0x0  }
0x148: {  	s7 =	rddreg [dreg:$0x1a];
	[sflag:s31] =	ssyncadd.s32 $0xFFFFF800  }
0x149: {  	[tilespmem:s20], [sflag:$0x2] =	stream.indirect.gather [hbm4b:s1+s19], $0x10, s7, s19, $0xb8;
	[tilespmem:$0x6800] =	vst v63  }
0x14a: {  	_ =	swait.ge [sflag:s2], $0x800  }
0x14b: {  	[sflag:s2] =	ssyncset.done $0x0  }
0x14c: {  	s8 =	rddreg [dreg:$0x1b];
	[sflag:s2] =	ssyncadd.s32 $0xFFFFF800  }
0x14d: {  	[spmem:s3] =	stream.indirect.scatter.add.f32 [tilespmem:s24], [sflag:$0xB], $0x10, s8, s19, $0xb8;
	[tilespmem:$0x6800] =	vst v63  }
0x14e: {  	_ =	swait.ge [sflag:s0], $0x800  }
0x14f: {  	[sflag:s0] =	ssyncset.done $0x0  }
0x150: {  	s7 =	rddreg [dreg:$0x1c];
	[sflag:s0] =	ssyncadd.s32 $0xFFFFF800  }
0x151: {  	[tilespmem:s21], [sflag:$0x3] =	stream.indirect.gather [hbm4b:s1+s19], $0x10, s7, s19, $0xb8;
	[tilespmem:$0x6800] =	vst v63  }
0x152: {  	_ =	swait.ge [sflag:s10], $0x800  }
0x153: {  	[sflag:s10] =	ssyncset.done $0x0  }
0x154: {  	s8 =	rddreg [dreg:$0x1d];
	[sflag:s10] =	ssyncadd.s32 $0xFFFFF800  }
0x155: {  	[spmem:s3] =	stream.indirect.scatter.add.f32 [tilespmem:s26], [sflag:$0xC], $0x10, s8, s19, $0xb8;
	[tilespmem:$0x6800] =	vst v63  }
0x156: {  	_ =	swait.ge [sflag:s11], $0x800  }
0x157: {  	[sflag:s11] =	ssyncset.done $0x0  }
0x158: {  	s7 =	rddreg [dreg:$0x1e];
	[sflag:s11] =	ssyncadd.s32 $0xFFFFF800  }
0x159: {  	[tilespmem:s22], [sflag:$0x4] =	stream.indirect.gather [hbm4b:s1+s19], $0x10, s7, s19, $0xb8;
	[tilespmem:$0x6800] =	vst v63  }
0x15a: {  	_ =	swait.ge [sflag:s23], $0x800  }
0x15b: {  	[sflag:s23] =	ssyncset.done $0x0  }
0x15c: {  	s8 =	rddreg [dreg:$0x1f];
	[sflag:s23] =	ssyncadd.s32 $0xFFFFF800  }
0x15d: {  	[spmem:s3] =	stream.indirect.scatter.add.f32 [tilespmem:s16], [sflag:$0x7], $0x10, s8, s19, $0xb8;
	[tilespmem:$0x6800] =	vst v63  }
0x15e: {  	_ =	swait.ge [sflag:s25], $0x800  }
0x15f: {  	s7 =	sld [smem:$0x7F9]  }
0x160: {  	[sflag:s25] =	ssyncset.done $0x0  }
0x161: {  	[sflag:s25] =	ssyncadd.s32 $0xFFFFF800  }
0x162: {  	[spmem:s3] =	stream.indirect.scatter.add.f32 [tilespmem:s20], [sflag:$0x8], $0x10, s7, s19, $0xb8;
	[tilespmem:$0x6800] =	vst v63  }
0x163: {  	_ =	swait.ge [sflag:s28], $0x800  }
0x164: {  	s6 =	smov.u32 s5;
	s5 =	sadd.s32 $0x100, s5;
	s8 =	sld [smem:$0x7FA]  }
0x165: {  	p1 =	sne.s32 s5, $0x500;
	[sflag:s28] =	ssyncset.done $0x0  }
.Ltmp1:
0x166: {  	[sflag:s28] =	ssyncadd.s32 $0xFFFFF800;
	(pc) =	sbr.rel @p1 .LBB2_4-.Ltmp1, $4  }
0x167: {  	[spmem:s3] =	stream.indirect.scatter.add.f32 [tilespmem:s21], [sflag:$0x9], $0x10, s8, s19, $0xb8;
	[tilespmem:$0x6800] =	vst v63  }
0x168: {  	p2 =	seq.s32 s6, $0x0;
	_ =	swait.ge [sflag:s30], $0x800  }
0x169: {  	p0 =	por p2, p2;
	[sflag:s30] =	ssyncset.done $0x0  }
0x16a: {  	s15 =	smov.u32 s6;
	s6 =	sld [smem:$0x7FB];
	[sflag:s30] =	ssyncadd.s32 $0xFFFFF800  }
0x16b: {  	_ = 	snop  }
0x16c: {  	s5 =	simm.s32 @!p0 $0x7  }
0x16d: {  	[spmem:s3] =	stream.indirect.scatter.add.f32 [tilespmem:s22], [sflag:$0xA], $0x10, s6, s19, $0xb8;
	[tilespmem:$0x6800] =	vst v63  }
0x16e: {  	_ =	swait.ge @!p0 [sflag:s5], $0x800  }
0x16f: {  	[sflag:s5] =	ssyncset.done @!p0 $0x0  }
0x170: {  	[sflag:s5] =	ssyncadd.s32 @!p0 $0xFFFFF800;
	s5 =	simm.s32 @!p0 $0x8  }
0x171: {  	_ =	swait.ge @!p0 [sflag:s5], $0x800  }
0x172: {  	[sflag:s5] =	ssyncset.done @!p0 $0x0  }
0x173: {  	[sflag:s5] =	ssyncadd.s32 @!p0 $0xFFFFF800;
	s5 =	simm.s32 @!p0 $0x9  }
0x174: {  	_ =	swait.ge @!p0 [sflag:s5], $0x800  }
0x175: {  	[sflag:s5] =	ssyncset.done @!p0 $0x0  }
0x176: {  	[sflag:s5] =	ssyncadd.s32 @!p0 $0xFFFFF800;
	s5 =	simm.s32 @!p0 $0xA  }
0x177: {  	_ =	swait.ge @!p0 [sflag:s5], $0x800  }
0x178: {  	[sflag:s5] =	ssyncset.done @!p0 $0x0  }
0x179: {  	[sflag:s5] =	ssyncadd.s32 @!p0 $0xFFFFF800;
	s5 =	simm.s32 @!p0 $0xB  }
0x17a: {  	_ =	swait.ge @!p0 [sflag:s5], $0x800  }
0x17b: {  	[sflag:s5] =	ssyncset.done @!p0 $0x0  }
0x17c: {  	[sflag:s5] =	ssyncadd.s32 @!p0 $0xFFFFF800;
	s5 =	simm.s32 @!p0 $0xC  }
0x17d: {  	_ =	swait.ge @!p0 [sflag:s5], $0x800  }
0x17e: {  	s7 =	rddreg [dreg:$0x5];
	[sflag:s5] =	ssyncset.done @!p0 $0x0  }
0x17f: {  	[sflag:s5] =	ssyncadd.s32 @!p0 $0xFFFFF800;
	s8 =	sadd.s32 s15, s7  }
0x180: {  	[tilespmem:s4], [sflag:$0xD] =	stream.linear.gather [hbm4b:s8+s4], $0x800, $0x38;
	[tilespmem:$0x6800] =	vst v63  }
0x181: {  	_ =	swait.ge [sflag:s17], $0x800  }
0x182: {  	s6 =	rddreg [dreg:$0x4];
	[sflag:s17] =	ssyncset.done $0x0  }
0x183: {  	[sflag:s17] =	ssyncadd.s32 $0xFFFFF800;
	s5 =	sadd.s32 s15, s6  }
0x184: {  	[tilespmem:s18], [sflag:$0xD] =	stream.linear.gather [hbm4b:s5+s4], $0x800, $0x38;
	[tilespmem:$0x6800] =	vst v63  }
0x185: {  	_ =	swait.ge [sflag:s17], $0x800  }
0x186: {  	[sflag:s17] =	ssyncset.done $0x0  }
0x187: {  	[sflag:s17] =	ssyncadd.s32 $0xFFFFF800  }
0x188: {  	[tilespmem:s16], [sflag:$0x1] =	stream.indirect.gather [hbm4b:s1+s19], $0x10, s4, s19, $0xb8;
	[tilespmem:$0x6800] =	vst v63  }
0x189: {  	_ = 	snop  }
0x18a: {  	[tilespmem:s20], [sflag:$0x2] =	stream.indirect.gather [hbm4b:s1+s19], $0x10, s19, s19, $0xb8;
	[tilespmem:$0x6800] =	vst v63  }
0x18b: {  	s7 =	rddreg [dreg:$0x6]  }
0x18c: {  	[tilespmem:s21], [sflag:$0x3] =	stream.indirect.gather [hbm4b:s1+s19], $0x10, s7, s19, $0xb8;
	[tilespmem:$0x6800] =	vst v63  }
0x18d: {  	s8 =	rddreg [dreg:$0x7]  }
0x18e: {  	[tilespmem:s22], [sflag:$0x4] =	stream.indirect.gather [hbm4b:s1+s19], $0x10, s8, s19, $0xb8;
	[tilespmem:$0x6800] =	vst v63  }
0x18f: {  	_ =	swait.ge [sflag:s23], $0x800  }
0x190: {  	[sflag:s23] =	ssyncset.done $0x0  }
0x191: {  	[sflag:s23] =	ssyncadd.s32 $0xFFFFF800  }
0x192: {  	[spmem:s3] =	stream.indirect.scatter.add.f32 [tilespmem:s16], [sflag:$0x7], $0x10, s18, s19, $0xb8;
	[tilespmem:$0x6800] =	vst v63  }
0x193: {  	s15 =	rddreg [dreg:$0x8]  }
0x194: {  	[tilespmem:s24], [sflag:$0x5] =	stream.indirect.gather [hbm4b:s1+s19], $0x10, s15, s19, $0xb8;
	[tilespmem:$0x6800] =	vst v63  }
0x195: {  	_ =	swait.ge [sflag:s25], $0x800  }
0x196: {  	[sflag:s25] =	ssyncset.done $0x0  }
0x197: {  	s6 =	rddreg [dreg:$0x9];
	[sflag:s25] =	ssyncadd.s32 $0xFFFFF800  }
0x198: {  	[spmem:s3] =	stream.indirect.scatter.add.f32 [tilespmem:s20], [sflag:$0x8], $0x10, s6, s19, $0xb8;
	[tilespmem:$0x6800] =	vst v63  }
0x199: {  	s7 =	rddreg [dreg:$0xa]  }
0x19a: {  	[tilespmem:s26], [sflag:$0x6] =	stream.indirect.gather [hbm4b:s1+s19], $0x10, s7, s19, $0xb8;
	[tilespmem:$0x6800] =	vst v63  }
0x19b: {  	_ =	swait.ge [sflag:s28], $0x800  }
0x19c: {  	[sflag:s28] =	ssyncset.done $0x0  }
0x19d: {  	s8 =	rddreg [dreg:$0xb];
	[sflag:s28] =	ssyncadd.s32 $0xFFFFF800  }
0x19e: {  	[spmem:s3] =	stream.indirect.scatter.add.f32 [tilespmem:s21], [sflag:$0x9], $0x10, s8, s19, $0xb8;
	[tilespmem:$0x6800] =	vst v63  }
0x19f: {  	_ =	swait.ge [sflag:s29], $0x800  }
0x1a0: {  	[sflag:s29] =	ssyncset.done $0x0  }
0x1a1: {  	s15 =	rddreg [dreg:$0xc];
	[sflag:s29] =	ssyncadd.s32 $0xFFFFF800  }
0x1a2: {  	[tilespmem:s16], [sflag:$0x1] =	stream.indirect.gather [hbm4b:s1+s19], $0x10, s15, s19, $0xb8;
	[tilespmem:$0x6800] =	vst v63  }
0x1a3: {  	_ =	swait.ge [sflag:s30], $0x800  }
0x1a4: {  	[sflag:s30] =	ssyncset.done $0x0  }
0x1a5: {  	s6 =	rddreg [dreg:$0xd];
	[sflag:s30] =	ssyncadd.s32 $0xFFFFF800  }
0x1a6: {  	[spmem:s3] =	stream.indirect.scatter.add.f32 [tilespmem:s22], [sflag:$0xA], $0x10, s6, s19, $0xb8;
	[tilespmem:$0x6800] =	vst v63  }
0x1a7: {  	_ =	swait.ge [sflag:s31], $0x800  }
0x1a8: {  	[sflag:s31] =	ssyncset.done $0x0  }
0x1a9: {  	s7 =	rddreg [dreg:$0xe];
	[sflag:s31] =	ssyncadd.s32 $0xFFFFF800  }
0x1aa: {  	[tilespmem:s20], [sflag:$0x2] =	stream.indirect.gather [hbm4b:s1+s19], $0x10, s7, s19, $0xb8;
	[tilespmem:$0x6800] =	vst v63  }
0x1ab: {  	_ =	swait.ge [sflag:s2], $0x800  }
0x1ac: {  	[sflag:s2] =	ssyncset.done $0x0  }
0x1ad: {  	s8 =	rddreg [dreg:$0xf];
	[sflag:s2] =	ssyncadd.s32 $0xFFFFF800  }
0x1ae: {  	[spmem:s3] =	stream.indirect.scatter.add.f32 [tilespmem:s24], [sflag:$0xB], $0x10, s8, s19, $0xb8;
	[tilespmem:$0x6800] =	vst v63  }
0x1af: {  	_ =	swait.ge [sflag:s0], $0x800  }
0x1b0: {  	[sflag:s0] =	ssyncset.done $0x0  }
0x1b1: {  	s15 =	rddreg [dreg:$0x10];
	[sflag:s0] =	ssyncadd.s32 $0xFFFFF800  }
0x1b2: {  	[tilespmem:s21], [sflag:$0x3] =	stream.indirect.gather [hbm4b:s1+s19], $0x10, s15, s19, $0xb8;
	[tilespmem:$0x6800] =	vst v63  }
0x1b3: {  	_ =	swait.ge [sflag:s10], $0x800  }
0x1b4: {  	[sflag:s10] =	ssyncset.done $0x0  }
0x1b5: {  	s6 =	rddreg [dreg:$0x11];
	[sflag:s10] =	ssyncadd.s32 $0xFFFFF800  }
0x1b6: {  	[spmem:s3] =	stream.indirect.scatter.add.f32 [tilespmem:s26], [sflag:$0xC], $0x10, s6, s19, $0xb8;
	[tilespmem:$0x6800] =	vst v63  }
0x1b7: {  	_ =	swait.ge [sflag:s11], $0x800  }
0x1b8: {  	[sflag:s11] =	ssyncset.done $0x0  }
0x1b9: {  	s7 =	rddreg [dreg:$0x12];
	[sflag:s11] =	ssyncadd.s32 $0xFFFFF800  }
0x1ba: {  	[tilespmem:s22], [sflag:$0x4] =	stream.indirect.gather [hbm4b:s1+s19], $0x10, s7, s19, $0xb8;
	[tilespmem:$0x6800] =	vst v63  }
0x1bb: {  	_ =	swait.ge [sflag:s23], $0x800  }
0x1bc: {  	[sflag:s23] =	ssyncset.done $0x0  }
0x1bd: {  	s8 =	rddreg [dreg:$0x13];
	[sflag:s23] =	ssyncadd.s32 $0xFFFFF800  }
0x1be: {  	[spmem:s3] =	stream.indirect.scatter.add.f32 [tilespmem:s16], [sflag:$0x7], $0x10, s8, s19, $0xb8;
	[tilespmem:$0x6800] =	vst v63  }
0x1bf: {  	_ =	swait.ge [sflag:s12], $0x800  }
0x1c0: {  	[sflag:s12] =	ssyncset.done $0x0  }
0x1c1: {  	s15 =	rddreg [dreg:$0x14];
	[sflag:s12] =	ssyncadd.s32 $0xFFFFF800  }
0x1c2: {  	[tilespmem:s24], [sflag:$0x5] =	stream.indirect.gather [hbm4b:s1+s19], $0x10, s15, s19, $0xb8;
	[tilespmem:$0x6800] =	vst v63  }
0x1c3: {  	_ =	swait.ge [sflag:s25], $0x800  }
0x1c4: {  	[sflag:s25] =	ssyncset.done $0x0  }
0x1c5: {  	s6 =	rddreg [dreg:$0x15];
	[sflag:s25] =	ssyncadd.s32 $0xFFFFF800  }
0x1c6: {  	[spmem:s3] =	stream.indirect.scatter.add.f32 [tilespmem:s20], [sflag:$0x8], $0x10, s6, s19, $0xb8;
	[tilespmem:$0x6800] =	vst v63  }
0x1c7: {  	_ =	swait.ge [sflag:s13], $0x800  }
0x1c8: {  	[sflag:s13] =	ssyncset.done $0x0  }
0x1c9: {  	s7 =	rddreg [dreg:$0x16];
	[sflag:s13] =	ssyncadd.s32 $0xFFFFF800  }
0x1ca: {  	[tilespmem:s26], [sflag:$0x6] =	stream.indirect.gather [hbm4b:s1+s19], $0x10, s7, s19, $0xb8;
	[tilespmem:$0x6800] =	vst v63  }
0x1cb: {  	_ =	swait.ge [sflag:s28], $0x800  }
0x1cc: {  	[sflag:s28] =	ssyncset.done $0x0  }
0x1cd: {  	s8 =	rddreg [dreg:$0x17];
	[sflag:s28] =	ssyncadd.s32 $0xFFFFF800  }
0x1ce: {  	[spmem:s3] =	stream.indirect.scatter.add.f32 [tilespmem:s21], [sflag:$0x9], $0x10, s8, s19, $0xb8;
	[tilespmem:$0x6800] =	vst v63  }
0x1cf: {  	_ =	swait.ge [sflag:s29], $0x800  }
0x1d0: {  	[sflag:s29] =	ssyncset.done $0x0  }
0x1d1: {  	s15 =	rddreg [dreg:$0x18];
	[sflag:s29] =	ssyncadd.s32 $0xFFFFF800  }
0x1d2: {  	[tilespmem:s16], [sflag:$0x1] =	stream.indirect.gather [hbm4b:s1+s19], $0x10, s15, s19, $0xb8;
	[tilespmem:$0x6800] =	vst v63  }
0x1d3: {  	_ =	swait.ge [sflag:s30], $0x800  }
0x1d4: {  	[sflag:s30] =	ssyncset.done $0x0  }
0x1d5: {  	s6 =	rddreg [dreg:$0x19];
	[sflag:s30] =	ssyncadd.s32 $0xFFFFF800  }
0x1d6: {  	[spmem:s3] =	stream.indirect.scatter.add.f32 [tilespmem:s22], [sflag:$0xA], $0x10, s6, s19, $0xb8;
	[tilespmem:$0x6800] =	vst v63  }
0x1d7: {  	_ =	swait.ge [sflag:s31], $0x800  }
0x1d8: {  	[sflag:s31] =	ssyncset.done $0x0  }
0x1d9: {  	s7 =	rddreg [dreg:$0x1a];
	[sflag:s31] =	ssyncadd.s32 $0xFFFFF800  }
0x1da: {  	[tilespmem:s20], [sflag:$0x2] =	stream.indirect.gather [hbm4b:s1+s19], $0x10, s7, s19, $0xb8;
	[tilespmem:$0x6800] =	vst v63  }
0x1db: {  	_ =	swait.ge [sflag:s2], $0x800  }
0x1dc: {  	[sflag:s2] =	ssyncset.done $0x0  }
0x1dd: {  	s8 =	rddreg [dreg:$0x1b];
	[sflag:s2] =	ssyncadd.s32 $0xFFFFF800  }
0x1de: {  	[spmem:s3] =	stream.indirect.scatter.add.f32 [tilespmem:s24], [sflag:$0xB], $0x10, s8, s19, $0xb8;
	[tilespmem:$0x6800] =	vst v63  }
0x1df: {  	_ =	swait.ge [sflag:s0], $0x800  }
0x1e0: {  	[sflag:s0] =	ssyncset.done $0x0  }
0x1e1: {  	s15 =	rddreg [dreg:$0x1c];
	[sflag:s0] =	ssyncadd.s32 $0xFFFFF800  }
0x1e2: {  	[tilespmem:s21], [sflag:$0x3] =	stream.indirect.gather [hbm4b:s1+s19], $0x10, s15, s19, $0xb8;
	[tilespmem:$0x6800] =	vst v63  }
0x1e3: {  	_ =	swait.ge [sflag:s10], $0x800  }
0x1e4: {  	[sflag:s10] =	ssyncset.done $0x0  }
0x1e5: {  	s6 =	rddreg [dreg:$0x1d];
	[sflag:s10] =	ssyncadd.s32 $0xFFFFF800  }
0x1e6: {  	[spmem:s3] =	stream.indirect.scatter.add.f32 [tilespmem:s26], [sflag:$0xC], $0x10, s6, s19, $0xb8;
	[tilespmem:$0x6800] =	vst v63  }
0x1e7: {  	_ =	swait.ge [sflag:s11], $0x800  }
0x1e8: {  	[sflag:s11] =	ssyncset.done $0x0  }
0x1e9: {  	s7 =	rddreg [dreg:$0x1e];
	[sflag:s11] =	ssyncadd.s32 $0xFFFFF800  }
0x1ea: {  	[tilespmem:s22], [sflag:$0x4] =	stream.indirect.gather [hbm4b:s1+s19], $0x10, s7, s19, $0xb8;
	[tilespmem:$0x6800] =	vst v63  }
0x1eb: {  	_ =	swait.ge [sflag:s23], $0x800  }
0x1ec: {  	[sflag:s23] =	ssyncset.done $0x0  }
0x1ed: {  	s8 =	rddreg [dreg:$0x1f];
	[sflag:s23] =	ssyncadd.s32 $0xFFFFF800  }
0x1ee: {  	[spmem:s3] =	stream.indirect.scatter.add.f32 [tilespmem:s16], [sflag:$0x7], $0x10, s8, s19, $0xb8;
	[tilespmem:$0x6800] =	vst v63  }
0x1ef: {  	_ =	swait.ge [sflag:s25], $0x800  }
0x1f0: {  	s15 =	sld [smem:$0x7F9]  }
0x1f1: {  	[sflag:s25] =	ssyncset.done $0x0  }
0x1f2: {  	[sflag:s25] =	ssyncadd.s32 $0xFFFFF800  }
0x1f3: {  	[spmem:s3] =	stream.indirect.scatter.add.f32 [tilespmem:s20], [sflag:$0x8], $0x10, s15, s19, $0xb8;
	[tilespmem:$0x6800] =	vst v63  }
0x1f4: {  	_ =	swait.ge [sflag:s28], $0x800  }
0x1f5: {  	s6 =	sld [smem:$0x7FA]  }
0x1f6: {  	[sflag:s28] =	ssyncset.done $0x0  }
0x1f7: {  	[sflag:s28] =	ssyncadd.s32 $0xFFFFF800  }
0x1f8: {  	[spmem:s3] =	stream.indirect.scatter.add.f32 [tilespmem:s21], [sflag:$0x9], $0x10, s6, s19, $0xb8;
	[tilespmem:$0x6800] =	vst v63  }
0x1f9: {  	_ =	swait.ge [sflag:s30], $0x800  }
0x1fa: {  	s7 =	sld [smem:$0x7FB]  }
0x1fb: {  	[sflag:s30] =	ssyncset.done $0x0  }
0x1fc: {  	[sflag:s30] =	ssyncadd.s32 $0xFFFFF800  }
0x1fd: {  	[spmem:s3] =	stream.indirect.scatter.add.f32 [tilespmem:s22], [sflag:$0xA], $0x10, s7, s19, $0xb8;
	[tilespmem:$0x6800] =	vst v63  }
0x1fe: {  	_ =	swait.ge [sflag:s29], $0x800  }
0x1ff: {  	[sflag:s29] =	ssyncset.done $0x0  }
0x200: {  	[sflag:s29] =	ssyncadd.s32 $0xFFFFF800  }
0x201: {  	_ =	swait.ge [sflag:s31], $0x800  }
0x202: {  	[sflag:s31] =	ssyncset.done $0x0  }
0x203: {  	[sflag:s31] =	ssyncadd.s32 $0xFFFFF800  }
0x204: {  	_ =	swait.ge [sflag:s0], $0x800  }
0x205: {  	[sflag:s0] =	ssyncset.done $0x0  }
0x206: {  	[sflag:s0] =	ssyncadd.s32 $0xFFFFF800  }
0x207: {  	_ =	swait.ge [sflag:s11], $0x800  }
0x208: {  	[sflag:s11] =	ssyncset.done $0x0  }
0x209: {  	[sflag:s11] =	ssyncadd.s32 $0xFFFFF800  }
0x20a: {  	_ =	swait.ge [sflag:s12], $0x800  }
0x20b: {  	[sflag:s12] =	ssyncset.done $0x0  }
0x20c: {  	[sflag:s12] =	ssyncadd.s32 $0xFFFFF800  }
0x20d: {  	_ =	swait.ge [sflag:s13], $0x800  }
0x20e: {  	[sflag:s13] =	ssyncset.done $0x0  }
0x20f: {  	[sflag:s13] =	ssyncadd.s32 $0xFFFFF800  }
0x210: {  	[bflag:$0x0] =	sbarrier.arrive $0xFFFF  }
0x211: {  	s8 =	stileid.u32;
	s7 =	sld [smem:$0x7F3]  }
0x212: {  	s5 =	sshll.u32 s8, $0x6  }
0x213: {  	s5 =	sor.u32 $0x1C0D, s5;
	s15 =	smov.u32 s9;
	s9 =	sshrl.u32 s9, $0x3  }
0x214: {  	[hbm:s7], [sflag:s5] =	dma.local [spmem:s9], $0x100  }
0x215: {  	_ =	swait.ge [sflag:s17], $0x100  }
0x216: {  	s7 =	sld [smem:$0x7F1]  }
0x217: {  	s8 =	sld [smem:$0x7F4]  }
0x218: {  	[sflag:s17] =	ssyncset.done $0x0  }
0x219: {  	[sflag:s17] =	ssyncadd.s32 $0xFFFFFF00;
	s6 =	sshrl.u32 s7, $0x3  }
0x21a: {  	[hbm:s8], [sflag:s5] =	dma.local [spmem:s6], $0x100  }
0x21b: {  	_ =	swait.ge [sflag:s17], $0x100  }
0x21c: {  	s7 =	sld [smem:$0x7FC]  }
0x21d: {  	s8 =	sld [smem:$0x7F5]  }
0x21e: {  	[sflag:s17] =	ssyncset.done $0x0  }
0x21f: {  	[sflag:s17] =	ssyncadd.s32 $0xFFFFFF00;
	s9 =	sshrl.u32 s7, $0x3  }
0x220: {  	[hbm:s8], [sflag:s5] =	dma.local [spmem:s9], $0x100  }
0x221: {  	_ =	swait.ge [sflag:s17], $0x100  }
0x222: {  	s8 =	sld [smem:$0x7FD]  }
0x223: {  	s9 =	sld [smem:$0x7F6]  }
0x224: {  	[sflag:s17] =	ssyncset.done $0x0  }
0x225: {  	[sflag:s17] =	ssyncadd.s32 $0xFFFFFF00;
	s6 =	sshrl.u32 s8, $0x3  }
0x226: {  	[hbm:s9], [sflag:s5] =	dma.local [spmem:s6], $0x100  }
0x227: {  	_ =	swait.ge [sflag:s17], $0x100  }
0x228: {  	s9 =	sld [smem:$0x7F2];
	_ =	sdelay $0x2  }
0x229: {  	s6 =	sshrl.u32 s9, $0x3;
	s9 =	sld [smem:$0x7F7]  }
0x22a: {  	[sflag:s17] =	ssyncset.done $0x0  }
0x22b: {  	[sflag:s17] =	ssyncadd.s32 $0xFFFFFF00  }
0x22c: {  	[hbm:s9], [sflag:s5] =	dma.local [spmem:s6], $0x100  }
0x22d: {  	_ =	swait.ge [sflag:s17], $0x100  }
0x22e: {  	s9 =	sld [smem:$0x7F8];
	_ =	sdelay $0x1  }
0x22f: {  	s14 =	sadd.s32 $0x1, s14  }
0x230: {  	p0 =	sne.s32 s14, s9  }
.Ltmp2:
0x231: {  	_ = 	snop;
	(pc) =	sbr.rel @p0 .LBB2_1-.Ltmp2, $3  }
0x232: {  	_ =	sdelay $0x1  }
0x233: {  	[sflag:s17] =	ssyncset.done $0x0  }
0x234: {  	[sflag:s17] =	ssyncadd.s32 $0xFFFFFF00  }
0x235: {  	_ =	sfence.sel $0x180000  }
0x236: {  	[bflag:$0x0] =	sbarrier.arrive $0xFFFF  }
0x237: {  	_ =	strace $0x9000004D  }
0x238: {  	s0 =	stileid.u32;
	[bflag:$0x2] =	sbarrier.arrive $0xFFFF  }
0x239: {  	p0 =	sne.s32 s0, $0x0;
	s0 =	rddreg [dreg:$0x3]  }
0x23a: {  	s0 =	sadd.s32 @!p0 $0x100000, s0  }
0x23b: {  	[sflag:s0] =	ssyncadd.tile.s32 @!p0 $0x1;
	_ =	shalt  }
.Lfunc_end2:
_tile_overlayer_lowered:
.L_overlay_start_2:
0x23c: {  	(tag) =	ssettag $0x2  }
0x23d: {  	s0 =	rddreg [dreg:$0x0];
	s2 =	stileid.u32  }
0x23e: {  	s1 =	rddreg [dreg:$0x1];
	p0 =	sne.s32 s2, $0x0  }
0x23f: {  	s3 =	rddreg [dreg:$0x2];
	[bflag:$0x3] =	sbarrier.arrive $0xFFFF;
	s2 =	simm.s32 @!p0 $0x1C0D  }
0x240: {  	[timem:s3], [sflag:s2] =	dma.local @!p0 [hbm:s0], s1  }
0x241: {  	s0 =	simm.s32 @!p0 $0xD  }
0x242: {  	_ =	swait.ge @!p0 [sflag:s0], s1  }
0x243: {  	s1 =	ssub.s32 @!p0 $0x0, s1;
	[sflag:s0] =	ssyncset.done @!p0 $0x0  }
0x244: {  	[sflag:s0] =	ssyncadd.s32 @!p0 s1  }
0x245: {  	[bflag:$0x3] =	sbarrier.arrive $0xFFFF  }
0x246: {  	_ =	shalt  }

// kernel: kernel.8.cloned.1.call-start
scs
__scs_entry_jumppad:
0x0: {  	(pc) =	sbr.rel $0x88, $3  }
0x1: {  	(tag) =	ssettag $0x0;
	lr =	simm.s32 $0x1  }
0x2: {  	[smem:$0x3F9B] =	sst lr;
	_ =	strace $0xD0000000  }
0x3: {  	_ = 	snop  }
0x4: {  	_ = 	snop  }
0x5: {  	_ = 	snop  }
0x6: {  	_ = 	snop  }
0x7: {  	_ = 	snop  }
__scs_overlays_trampoline_lowered:
0x8: {  	[smem:$0x3FAA] =	sst s0  }
0x9: {  	[smem:$0x3FAB] =	sst s1  }
0xa: {  	[smem:$0x3FAC] =	sst s2  }
0xb: {  	[smem:$0x3FAD] =	sst s3  }
0xc: {  	[smem:$0x3FAE] =	sst s4  }
0xd: {  	[smem:$0x3FAF] =	sst s5  }
0xe: {  	[smem:$0x3FB0] =	sst s6  }
0xf: {  	[smem:$0x3FB1] =	sst s7  }
0x10: {  	[smem:$0x3FB2] =	sst s8  }
0x11: {  	[smem:$0x3FB3] =	sst s9;
	s0 =	simm.s32 @!p0 $0x0  }
0x12: {  	s1 =	sld [smem:$0x3F99];
	s0 =	simm.s32 @p0 $0x1  }
0x13: {  	[smem:$0x3FB4] =	sst s0;
	s0 =	simm.s32 @!p1 $0x0  }
0x14: {  	s2 =	sld [smem:$0x3F98];
	s0 =	simm.s32 @p1 $0x1  }
0x15: {  	[smem:$0x3FB5] =	sst s0;
	s0 =	simm.s32 @!p2 $0x0  }
0x16: {  	s3 =	sld [smem:$0x3FDB];
	s0 =	simm.s32 @p2 $0x1  }
0x17: {  	s4 =	simm.s32 $0x1BF5;
	[smem:$0x3FB7] =	sst s0  }
0x18: {  	s0 =	sld [smem:$0x3F9A];
	_ =	swait.ge [sflag:s4], $0x0  }
0x19: {  	s7 =	sld [smem:$0x3F9B]  }
0x1a: {  	s8 =	sadd.s32 $0xFFFFE003, lr  }
0x1b: {  	s9 =	sadd.s32 $0xFFFFFEF7, lr;
	s5 =	simm.s32 $0xFFFFFFFF;
	p2 =	slt.u32 s8, $0xFFFFF086  }
0x1c: {  	p1 =	slt.u32 s9, $0xF7A;
	s5 =	simm.s32 @!p2 $0x0  }
0x1d: {  	s5 =	simm.s32 @p1 $0x1;
	p0 =	seq.s32 s7, s2  }
0x1e: {  	s7 =	smul.u32 @!p0 $0xF7A, s2;
	p2 =	seq.s32 @!p0 s5, $0x0  }
0x1f: {  	s9 =	smul.u32 $0xF7A, s1;
	s8 =	simm.s32 @!p0 $0x1BF5;
	p2 =	por !p2, p0  }
0x20: {  	[sflag:s8] =	ssyncset.s32 @!p0 $0xFFFFF086;
	s6 =	sadd.s32 @!p0 s3, s7;
	s7 =	simm.s32 @!p0 $0x108  }
0x21: {  	s3 =	sadd.s32 s3, s9;
	s6 =	sadd.s32 @!p0 $0x88, s6;
	s7 =	simm.s32 @p2 $0x1082  }
0x22: {  	[simem:s7], [sflag:s8] =	dma.local @!p0 [hbm:s6], $0xF7A  }
0x23: {  	s9 =	sor.u32 $0xD0000000, s2;
	s6 =	simm.s32 $0x108;
	_ =	swait.ge @!p0 [sflag:s8], $0x0  }
0x24: {  	s3 =	sadd.s32 $0x88, s3;
	s6 =	simm.s32 @!p1 $0x1082;
	[sflag:s4] =	ssyncset.s32 $0xFFFFF086  }
0x25: {  	[simem:s6], [sflag:s4] =	dma.local [hbm:s3], $0xF7A  }
0x26: {  	[smem:$0x3F9B] =	sst s1;
	(tag) =	ssettag s2;
	_ =	strace s9  }
0x27: {  	s1 =	sld [smem:$0x3FAB]  }
0x28: {  	s2 =	sld [smem:$0x3FAC]  }
0x29: {  	s4 =	sld [smem:$0x3FAE]  }
0x2a: {  	p0 =	seq.s32 s5, $0x0;
	s5 =	sld [smem:$0x3FAF]  }
0x2b: {  	s6 =	sld [smem:$0x3FB0]  }
0x2c: {  	s7 =	sld [smem:$0x3FB1]  }
0x2d: {  	s3 =	simm.s32 $0x108;
	s8 =	sld [smem:$0x3FB2]  }
0x2e: {  	s3 =	simm.s32 @!p0 $0x1082;
	s9 =	sld [smem:$0x3FB3]  }
0x2f: {  	lr =	sadd.s32 s0, s3;
	s0 =	sld [smem:$0x3FAA]  }
0x30: {  	s3 =	sld [smem:$0x3FAD]  }
0x31: {  	[smem:$0x3FB6] =	sst s10  }
0x32: {  	s10 =	sld [smem:$0x3FB4];
	_ =	sdelay $0x3  }
0x33: {  	p0 =	seq.s32 s10, $0x1;
	s10 =	sld [smem:$0x3FB6];
	_ =	sdelay $0x3  }
0x34: {  	[smem:$0x3FB6] =	sst s10  }
0x35: {  	s10 =	sld [smem:$0x3FB5];
	_ =	sdelay $0x3  }
0x36: {  	p1 =	seq.s32 s10, $0x1;
	s10 =	sld [smem:$0x3FB6];
	_ =	sdelay $0x3  }
0x37: {  	[smem:$0x3FB6] =	sst s10  }
0x38: {  	s10 =	sld [smem:$0x3FB7]  }
0x39: {  	_ = 	snop;
	(pc) =	sbr.ind lr, $3  }
0x3a: {  	_ = 	snop  }
0x3b: {  	_ = 	snop  }
0x3c: {  	p2 =	seq.s32 s10, $0x1;
	s10 =	sld [smem:$0x3FB6]  }
0x3d: {  	_ =	shalt  }
0x3e: {  	_ =	shalt  }
0x3f: {  	_ =	shalt  }
0x40: {  	_ =	shalt  }
0x41: {  	_ =	shalt  }
0x42: {  	_ =	shalt  }
0x43: {  	_ =	shalt  }
0x44: {  	_ =	shalt  }
0x45: {  	_ =	shalt  }
0x46: {  	_ =	shalt  }
0x47: {  	_ =	shalt  }
0x48: {  	_ =	shalt  }
0x49: {  	_ =	shalt  }
0x4a: {  	_ =	shalt  }
0x4b: {  	_ =	shalt  }
0x4c: {  	_ =	shalt  }
0x4d: {  	_ =	shalt  }
0x4e: {  	_ =	shalt  }
0x4f: {  	_ =	shalt  }
0x50: {  	_ =	shalt  }
0x51: {  	_ =	shalt  }
0x52: {  	_ =	shalt  }
0x53: {  	_ =	shalt  }
0x54: {  	_ =	shalt  }
0x55: {  	_ =	shalt  }
0x56: {  	_ =	shalt  }
0x57: {  	_ =	shalt  }
0x58: {  	_ =	shalt  }
0x59: {  	_ =	shalt  }
0x5a: {  	_ =	shalt  }
0x5b: {  	_ =	shalt  }
0x5c: {  	_ =	shalt  }
0x5d: {  	_ =	shalt  }
0x5e: {  	_ =	shalt  }
0x5f: {  	_ =	shalt  }
0x60: {  	_ =	shalt  }
0x61: {  	_ =	shalt  }
0x62: {  	_ =	shalt  }
0x63: {  	_ =	shalt  }
0x64: {  	_ =	shalt  }
0x65: {  	_ =	shalt  }
0x66: {  	_ =	shalt  }
0x67: {  	_ =	shalt  }
0x68: {  	_ =	shalt  }
0x69: {  	_ =	shalt  }
0x6a: {  	_ =	shalt  }
0x6b: {  	_ =	shalt  }
0x6c: {  	_ =	shalt  }
0x6d: {  	_ =	shalt  }
0x6e: {  	_ =	shalt  }
0x6f: {  	_ =	shalt  }
0x70: {  	_ =	shalt  }
0x71: {  	_ =	shalt  }
0x72: {  	_ =	shalt  }
0x73: {  	_ =	shalt  }
0x74: {  	_ =	shalt  }
0x75: {  	_ =	shalt  }
0x76: {  	_ =	shalt  }
0x77: {  	_ =	shalt  }
0x78: {  	_ =	shalt  }
0x79: {  	_ =	shalt  }
0x7a: {  	_ =	shalt  }
0x7b: {  	_ =	shalt  }
0x7c: {  	_ =	shalt  }
0x7d: {  	_ =	shalt  }
0x7e: {  	_ =	shalt  }
0x7f: {  	_ =	shalt  }
0x80: {  	_ =	shalt  }
0x81: {  	_ =	shalt  }
0x82: {  	_ =	shalt  }
0x83: {  	_ =	shalt  }
0x84: {  	_ =	shalt  }
0x85: {  	_ =	shalt  }
0x86: {  	_ =	shalt  }
0x87: {  	_ =	shalt  }
.Lfunc_end0:
.L_simem_size_0:
called_computation_lowered:
.L_overlay_start_0:
0x88: {  	s2 =	sld [smem:$0x3FD9]  }
0x89: {  	s3 =	sld [smem:$0x3FFE];
	_ =	sdelay $0x1  }
0x8a: {  	s1 =	srdreg.scid  }
0x8b: {  	s0 =	sand.u32 $0x1, s1  }
0x8c: {  	s17 =	sshll.u32 s0, $0xA;
	s2 =	sadd.s32 s3, s2  }
0x8d: {  	s2 =	sadd.s32 s2, s17  }
0x8e: {  	[smem:$0x3FC2] =	sst s2  }
0x8f: {  	_ = 	snop  }
0x90: {  	s2 =	sld [smem:$0x3FD0];
	(tm) =	ssettm $0x1  }
0x91: {  	s18 =	sld [smem:$0x3FFB];
	_ =	sdelay $0x3  }
0x92: {  	_ =	strace s18  }
0x93: {  	s3 =	sld [smem:$0x3FFC];
	_ =	sdelay $0x3  }
0x94: {  	_ =	strace s3  }
0x95: {  	s3 =	sld [smem:$0x3FFD];
	_ =	sdelay $0x3  }
0x96: {  	_ =	strace s3  }
0x97: {  	_ =	strace $0x8FFFFFFF  }
0x98: {  	s19 =	sld [smem:$0x3FDB];
	_ =	sdelay $0x1  }
0x99: {  	s4 =	simm.s32 $_scs_section_size  }
0x9a: {  	s5 =	simm.s32 $_size__tile_overlayer_lowered;
	s6 =	simm.s32 $_tile_overlayer_lowered  }
0x9b: {  	s22 =	simm.s32 $0x1BFF;
	s21 =	sshll.u32 s6, $0x1;
	s3 =	sadd.s32 s4, s19  }
0x9c: {  	s7 =	simm.s32 $0x0;
	s20 =	sshll.u32 s5, $0x1;
	s5 =	sadd.s32 s21, s3  }
0x9d: {  	[timem:s7], [sflag:s22] =	dma.local [hbm:s5], s20  }
0x9e: {  	_ =	swait.ge [sflag:s22], s20  }
0x9f: {  	s4 =	ssub.s32 $0x0, s20;
	[sflag:s22] =	ssyncset.done $0x0  }
0xa0: {  	[sflag:s22] =	ssyncadd.s32 s4;
	_ =	sdelay $0x1  }
0xa1: {  	s23 =	simm.s32 $0x1B8B  }
0xa2: {  	_ =	swait.ge [sflag:s23], $0x1  }
0xa3: {  	[sflag:s23] =	ssyncset.done $0x0  }
0xa4: {  	s25 =	simm.s32 $0x1B8E;
	s24 =	sld [smem:$0x3FFE];
	[sflag:s23] =	ssyncadd.s32 $0xFFFFFFFF  }
0xa5: {  	s26 =	simm.s32 $execute0_lowered;
	[smem:$0x3FD2] =	sst s25  }
0xa6: {  	s5 =	sshll.u32 s26, $0x1;
	_ =	strace $0x80000046;
	[dreg:$0x1] =	wrdreg $0xFFFFFFFF  }
0xa7: {  	s28 =	simm.s32 $_size_execute0_lowered;
	s3 =	sadd.s32 s3, s5;
	[dreg:$0x0] =	wrdreg $0x0  }
0xa8: {  	s5 =	sshll.u32 s28, $0x1;
	[dreg:$0x2] =	wrdreg s3  }
0xa9: {  	[dreg:$0x3] =	wrdreg s5  }
0xaa: {  	[dreg:$0x4] =	wrdreg $0xC0  }
0xab: {  	_ =	task [dreg:s7], $0x5FFFF  }
0xac: {  	[dreg:$0x1] =	wrdreg $0xFFFFFFFF  }
0xad: {  	[dreg:$0x0] =	wrdreg $0x60  }
0xae: {  	[dreg:$0x2] =	wrdreg s24  }
0xaf: {  	[dreg:$0x3] =	wrdreg s2  }
0xb0: {  	[dreg:$0x4] =	wrdreg $0xB000  }
0xb1: {  	[dreg:$0x5] =	wrdreg $0x9  }
0xb2: {  	_ =	task.clear_ibuf [dreg:s7], $0x6FFFF;
	_ =	strace $0x90000046  }
0xb3: {  	s29 =	simm.s32 $0x9;
	_ =	strace $0x80000048  }
0xb4: {  	_ =	swait.ge [sflag:s29], $0x1  }
0xb5: {  	[sflag:s29] =	ssyncadd.s32 $0xFFFFFFFF  }
0xb6: {  	_ =	strace $0x90000048  }
0xb7: {  	_ =	sfence  }
0xb8: {  	s30 =	sld [smem:$0x0];
	_ =	sdelay $0x2  }
0xb9: {  	s31 =	sshll.u32 s1, $0xD;
	s1 =	sshrl.u32 s1, $0x2  }
0xba: {  	s3 =	sand.u32 $0x4000, s31;
	s1 =	sadd.s32 s1, s30  }
0xbb: {  	s0 =	sor.u32 s3, s0;
	s1 =	sshll.u32 s1, $0x11  }
0xbc: {  	s0 =	sor.u32 s1, s0  }
0xbd: {  	s0 =	sadd.s32 $0x8F2B, s0  }
0xbe: {  	[sflag:s0] =	ssyncadd.remote.s32 $0x1  }
0xbf: {  	_ =	sfence.sel $0xFFFF  }
0xc0: {  	[dreg:$0x0] =	wrdreg $0xFFFFFFFF;
	(pc) =	sbr.abs _section_cstart, $3  }
0xc1: {  	[dreg:$0x1] =	wrdreg $0xFFFFFFFF  }
0xc2: {  	_ =	task.clear_ibuf [dreg:s7], $0x2FFFF;
	_ =	strace $0x9FFFFFFF  }
0xc3: {  	(tm) =	ssettm $0x7FFFFFFF  }
tec
execute0_lowered:
.L_overlay_start_1:
0x0: {  	(tag) =	ssettag $0x1  }
0x1: {  	s0 =	rddreg [dreg:$0x0]  }
0x2: {  	s1 =	srdreg.scid;
	s5 =	rddreg [dreg:$0x1]  }
0x3: {  	s8 =	stileid.u32;
	s2 =	rddreg [dreg:$0x2];
	s3 =	simm.s32 $0x0  }
0x4: {  	s9 =	simm.s32 $0x2;
	s10 =	simm.s32 $0x40;
	s11 =	simm.s32 $0x800  }
0x5: {  	s12 =	simm.s32 $0x80;
	s13 =	simm.s32 $0x100;
	s14 =	simm.s32 $0x180  }
0x6: {  	s15 =	simm.s32 $0x200;
	s16 =	simm.s32 $0x280;
	s17 =	simm.s32 $0x300  }
0x7: {  	s18 =	simm.s32 $0x380;
	s19 =	simm.s32 $0x400;
	s20 =	simm.s32 $0x480  }
0x8: {  	s21 =	simm.s32 $0x500;
	s22 =	simm.s32 $0x580;
	s6 =	smul.u32 $0x5000, s8  }
0x9: {  	s23 =	simm.s32 $0x600;
	s28 =	simm.s32 $0x1;
	s24 =	smul.u32 $0x500, s8  }
0xa: {  	s30 =	simm.s32 $0x10;
	s1 =	sand.u32 $0x1, s1;
	s8 =	smul.u32 $0xA00, s8  }
0xb: {  	s31 =	simm.s32 $0x0;
	[smem:$0x7FF] =	sst s3;
	s4 =	smul.u32 $0x50000, s1  }
0xc: {  	_ =	strace $0x80000047;
	s7 =	ssub.s32 $0x2, s1;
	s1 =	sshll.u32 s1, $0x7  }
0xd: {  	s25 =	sshrl.u32 s7, $0x1;
	s1 =	sor.u32 s1, s24;
	s29 =	sshrl.u32 s8, $0x2  }
0xe: {  	s24 =	simm.s32 $0x680;
	s4 =	sadd.s32 s6, s4;
	s26 =	ssub.s32 s7, s25  }
0xf: {  	s1 =	sshrl.u32 s1, $0x3;
	s25 =	simm.s32 $0x700;
	s4 =	sshrl.u32 s4, $0x3  }
0x10: {  	s5 =	sadd.s32 s5, s1;
	s6 =	smax.u32 s26, $0x1;
	s0 =	sadd.s32 s4, s0  }
0x11: {  	v0 =	vimm.f32 $0.0e+00;
	v1 =	vimm.f32 $1.000000000e+00;
	s26 =	simm.s32 $0x780;
	s4 =	sadd.s32 s29, s2;
	s7 =	sadd.s32 $0x15A00, s0  }
.LBB2_1:
0x12: {  	[tilespmem:$0x880] =	vst v0  }
0x13: {  	[tilespmem:$0x890] =	vst v0  }
0x14: {  	[tilespmem:$0x8A0] =	vst v0  }
0x15: {  	[tilespmem:$0x8B0] =	vst v0  }
0x16: {  	[tilespmem:$0x8C0] =	vst v0  }
0x17: {  	[tilespmem:$0x8D0] =	vst v0  }
0x18: {  	[tilespmem:$0x8E0] =	vst v0  }
0x19: {  	[tilespmem:$0x8F0] =	vst v0  }
0x1a: {  	[tilespmem:$0x900] =	vst v0  }
0x1b: {  	[tilespmem:$0x910] =	vst v0  }
0x1c: {  	[tilespmem:$0x920] =	vst v0  }
0x1d: {  	[tilespmem:$0x930] =	vst v0  }
0x1e: {  	[tilespmem:$0x940] =	vst v0  }
0x1f: {  	[tilespmem:$0x950] =	vst v0  }
0x20: {  	[tilespmem:$0x960] =	vst v0  }
0x21: {  	[tilespmem:$0x970] =	vst v0  }
0x22: {  	[tilespmem:$0x980] =	vst v0  }
0x23: {  	[tilespmem:$0x990] =	vst v0  }
0x24: {  	[tilespmem:$0x9A0] =	vst v0  }
0x25: {  	[tilespmem:$0x9B0] =	vst v0  }
0x26: {  	[tilespmem:$0x9C0] =	vst v0  }
0x27: {  	[tilespmem:$0x9D0] =	vst v0  }
0x28: {  	[tilespmem:$0x9E0] =	vst v0  }
0x29: {  	[tilespmem:$0x9F0] =	vst v0  }
0x2a: {  	[tilespmem:$0xA00] =	vst v0  }
0x2b: {  	[tilespmem:$0xA10] =	vst v0  }
0x2c: {  	[tilespmem:$0xA20] =	vst v0  }
0x2d: {  	[tilespmem:$0xA30] =	vst v0  }
0x2e: {  	[tilespmem:$0xA40] =	vst v0  }
0x2f: {  	[tilespmem:$0xA50] =	vst v0  }
0x30: {  	[tilespmem:$0xA60] =	vst v0  }
0x31: {  	[tilespmem:$0xA70] =	vst v0  }
0x32: {  	[tilespmem:$0xA80] =	vst v0  }
0x33: {  	[tilespmem:$0xA90] =	vst v0  }
0x34: {  	[tilespmem:$0xAA0] =	vst v0  }
0x35: {  	[tilespmem:$0xAB0] =	vst v0  }
0x36: {  	[tilespmem:$0xAC0] =	vst v0  }
0x37: {  	[tilespmem:$0xAD0] =	vst v0  }
0x38: {  	[tilespmem:$0xAE0] =	vst v0  }
0x39: {  	[tilespmem:$0xAF0] =	vst v0  }
0x3a: {  	[tilespmem:$0x800] =	vst v1  }
0x3b: {  	[tilespmem:$0x810] =	vst v1  }
0x3c: {  	[tilespmem:$0x820] =	vst v1  }
0x3d: {  	[tilespmem:$0x830] =	vst v1;
	s0 =	simm.s32 $0x880  }
0x3e: {  	[spmem:s4] =	stream.linear.scatter [tilespmem:s0], [sflag:$0x2], $0x280, $0x38;
	[tilespmem:$0xD80] =	vst v63  }
0x3f: {  	_ =	swait.ge [sflag:s9], $0x280  }
0x40: {  	[sflag:s9] =	ssyncset.done $0x0  }
0x41: {  	[sflag:s9] =	ssyncadd.s32 $0xFFFFFD80  }
0x42: {  	s29 =	sadd.s32 $0x0, s7;
	[bflag:$0x0] =	sbarrier.arrive $0xFFFF  }
0x43: {  	[tilespmem:s3], [sflag:$0x2] =	stream.linear.gather [hbm4b:s29+s3], $0x800, $0x38;
	[tilespmem:$0xD80] =	vst v63  }
0x44: {  	_ =	swait.ge [sflag:s9], $0x800  }
0x45: {  	[sflag:s9] =	ssyncset.done $0x0  }
0x46: {  	[sflag:s9] =	ssyncadd.s32 $0xFFFFF800  }
0x47: {  	[spmem:s2] =	stream.indirect.scatter.add.f32 [tilespmem:s11], [sflag:$0x1], $0x1, s3, s10, $0xb8;
	[tilespmem:$0xD80] =	vst v63  }
0x48: {  	_ = 	snop  }
0x49: {  	[spmem:s2] =	stream.indirect.scatter.add.f32 [tilespmem:s11], [sflag:$0x1], $0x1, s12, s10, $0xb8;
	[tilespmem:$0xD80] =	vst v63  }
0x4a: {  	_ = 	snop  }
0x4b: {  	[spmem:s2] =	stream.indirect.scatter.add.f32 [tilespmem:s11], [sflag:$0x1], $0x1, s13, s10, $0xb8;
	[tilespmem:$0xD80] =	vst v63  }
0x4c: {  	_ = 	snop  }
0x4d: {  	[spmem:s2] =	stream.indirect.scatter.add.f32 [tilespmem:s11], [sflag:$0x1], $0x1, s14, s10, $0xb8;
	[tilespmem:$0xD80] =	vst v63  }
0x4e: {  	_ = 	snop  }
0x4f: {  	[spmem:s2] =	stream.indirect.scatter.add.f32 [tilespmem:s11], [sflag:$0x1], $0x1, s15, s10, $0xb8;
	[tilespmem:$0xD80] =	vst v63  }
0x50: {  	_ = 	snop  }
0x51: {  	[spmem:s2] =	stream.indirect.scatter.add.f32 [tilespmem:s11], [sflag:$0x1], $0x1, s16, s10, $0xb8;
	[tilespmem:$0xD80] =	vst v63  }
0x52: {  	_ = 	snop  }
0x53: {  	[spmem:s2] =	stream.indirect.scatter.add.f32 [tilespmem:s11], [sflag:$0x1], $0x1, s17, s10, $0xb8;
	[tilespmem:$0xD80] =	vst v63  }
0x54: {  	_ = 	snop  }
0x55: {  	[spmem:s2] =	stream.indirect.scatter.add.f32 [tilespmem:s11], [sflag:$0x1], $0x1, s18, s10, $0xb8;
	[tilespmem:$0xD80] =	vst v63  }
0x56: {  	_ = 	snop  }
0x57: {  	[spmem:s2] =	stream.indirect.scatter.add.f32 [tilespmem:s11], [sflag:$0x1], $0x1, s19, s10, $0xb8;
	[tilespmem:$0xD80] =	vst v63  }
0x58: {  	_ = 	snop  }
0x59: {  	[spmem:s2] =	stream.indirect.scatter.add.f32 [tilespmem:s11], [sflag:$0x1], $0x1, s20, s10, $0xb8;
	[tilespmem:$0xD80] =	vst v63  }
0x5a: {  	_ = 	snop  }
0x5b: {  	[spmem:s2] =	stream.indirect.scatter.add.f32 [tilespmem:s11], [sflag:$0x1], $0x1, s21, s10, $0xb8;
	[tilespmem:$0xD80] =	vst v63  }
0x5c: {  	_ = 	snop  }
0x5d: {  	[spmem:s2] =	stream.indirect.scatter.add.f32 [tilespmem:s11], [sflag:$0x1], $0x1, s22, s10, $0xb8;
	[tilespmem:$0xD80] =	vst v63  }
0x5e: {  	_ = 	snop  }
0x5f: {  	[spmem:s2] =	stream.indirect.scatter.add.f32 [tilespmem:s11], [sflag:$0x1], $0x1, s23, s10, $0xb8;
	[tilespmem:$0xD80] =	vst v63  }
0x60: {  	_ = 	snop  }
0x61: {  	[spmem:s2] =	stream.indirect.scatter.add.f32 [tilespmem:s11], [sflag:$0x1], $0x1, s24, s10, $0xb8;
	[tilespmem:$0xD80] =	vst v63  }
0x62: {  	_ = 	snop  }
0x63: {  	[spmem:s2] =	stream.indirect.scatter.add.f32 [tilespmem:s11], [sflag:$0x1], $0x1, s25, s10, $0xb8;
	[tilespmem:$0xD80] =	vst v63  }
0x64: {  	_ = 	snop  }
0x65: {  	[spmem:s2] =	stream.indirect.scatter.add.f32 [tilespmem:s11], [sflag:$0x1], $0x1, s26, s10, $0xb8;
	[tilespmem:$0xD80] =	vst v63  }
0x66: {  	_ =	swait.ge [sflag:s28], $0x40  }
0x67: {  	[sflag:s28] =	ssyncset.done $0x0  }
0x68: {  	[sflag:s28] =	ssyncadd.s32 $0xFFFFFFC0  }
0x69: {  	_ =	swait.ge [sflag:s28], $0x40  }
0x6a: {  	[sflag:s28] =	ssyncset.done $0x0  }
0x6b: {  	[sflag:s28] =	ssyncadd.s32 $0xFFFFFFC0  }
0x6c: {  	_ =	swait.ge [sflag:s28], $0x40  }
0x6d: {  	[sflag:s28] =	ssyncset.done $0x0  }
0x6e: {  	[sflag:s28] =	ssyncadd.s32 $0xFFFFFFC0  }
0x6f: {  	_ =	swait.ge [sflag:s28], $0x40  }
0x70: {  	[sflag:s28] =	ssyncset.done $0x0  }
0x71: {  	[sflag:s28] =	ssyncadd.s32 $0xFFFFFFC0  }
0x72: {  	_ =	swait.ge [sflag:s28], $0x40  }
0x73: {  	[sflag:s28] =	ssyncset.done $0x0  }
0x74: {  	[sflag:s28] =	ssyncadd.s32 $0xFFFFFFC0  }
0x75: {  	_ =	swait.ge [sflag:s28], $0x40  }
0x76: {  	[sflag:s28] =	ssyncset.done $0x0  }
0x77: {  	[sflag:s28] =	ssyncadd.s32 $0xFFFFFFC0  }
0x78: {  	_ =	swait.ge [sflag:s28], $0x40  }
0x79: {  	[sflag:s28] =	ssyncset.done $0x0  }
0x7a: {  	[sflag:s28] =	ssyncadd.s32 $0xFFFFFFC0  }
0x7b: {  	_ =	swait.ge [sflag:s28], $0x40  }
0x7c: {  	[sflag:s28] =	ssyncset.done $0x0  }
0x7d: {  	[sflag:s28] =	ssyncadd.s32 $0xFFFFFFC0  }
0x7e: {  	_ =	swait.ge [sflag:s28], $0x40  }
0x7f: {  	[sflag:s28] =	ssyncset.done $0x0  }
0x80: {  	[sflag:s28] =	ssyncadd.s32 $0xFFFFFFC0  }
0x81: {  	_ =	swait.ge [sflag:s28], $0x40  }
0x82: {  	[sflag:s28] =	ssyncset.done $0x0  }
0x83: {  	[sflag:s28] =	ssyncadd.s32 $0xFFFFFFC0  }
0x84: {  	_ =	swait.ge [sflag:s28], $0x40  }
0x85: {  	[sflag:s28] =	ssyncset.done $0x0  }
0x86: {  	[sflag:s28] =	ssyncadd.s32 $0xFFFFFFC0  }
0x87: {  	_ =	swait.ge [sflag:s28], $0x40  }
0x88: {  	[sflag:s28] =	ssyncset.done $0x0  }
0x89: {  	[sflag:s28] =	ssyncadd.s32 $0xFFFFFFC0  }
0x8a: {  	_ =	swait.ge [sflag:s28], $0x40  }
0x8b: {  	[sflag:s28] =	ssyncset.done $0x0  }
0x8c: {  	[sflag:s28] =	ssyncadd.s32 $0xFFFFFFC0  }
0x8d: {  	_ =	swait.ge [sflag:s28], $0x40  }
0x8e: {  	[sflag:s28] =	ssyncset.done $0x0  }
0x8f: {  	[sflag:s28] =	ssyncadd.s32 $0xFFFFFFC0  }
0x90: {  	_ =	swait.ge [sflag:s28], $0x40  }
0x91: {  	[sflag:s28] =	ssyncset.done $0x0  }
0x92: {  	[sflag:s28] =	ssyncadd.s32 $0xFFFFFFC0  }
0x93: {  	_ =	swait.ge [sflag:s28], $0x40  }
0x94: {  	s1 =	simm.s32 $0x100;
	s8 =	simm.s32 $0x200;
	[sflag:s28] =	ssyncset.done $0x0  }
.LBB2_2:
0x95: {  	s29 =	sadd.s32 s1, s7  }
0x96: {  	[sflag:s28] =	ssyncadd.s32 $0xFFFFFFC0;
	s1 =	smov.u32 s8;
	s0 =	sadd.s32 $0x100, s8  }
0x97: {  	[tilespmem:s3], [sflag:$0x2] =	stream.linear.gather [hbm4b:s29+s3], $0x800, $0x38;
	[tilespmem:$0xD80] =	vst v63  }
0x98: {  	p0 =	sne.s32 s8, $0x900;
	_ =	swait.ge [sflag:s9], $0x800  }
0x99: {  	[sflag:s9] =	ssyncset.done $0x0  }
0x9a: {  	[sflag:s9] =	ssyncadd.s32 $0xFFFFF800  }
0x9b: {  	[spmem:s2] =	stream.indirect.scatter.add.f32 [tilespmem:s11], [sflag:$0x1], $0x1, s3, s10, $0xb8;
	[tilespmem:$0xD80] =	vst v63  }
0x9c: {  	_ = 	snop  }
0x9d: {  	[spmem:s2] =	stream.indirect.scatter.add.f32 [tilespmem:s11], [sflag:$0x1], $0x1, s12, s10, $0xb8;
	[tilespmem:$0xD80] =	vst v63  }
0x9e: {  	_ = 	snop  }
0x9f: {  	[spmem:s2] =	stream.indirect.scatter.add.f32 [tilespmem:s11], [sflag:$0x1], $0x1, s13, s10, $0xb8;
	[tilespmem:$0xD80] =	vst v63  }
0xa0: {  	_ = 	snop  }
0xa1: {  	[spmem:s2] =	stream.indirect.scatter.add.f32 [tilespmem:s11], [sflag:$0x1], $0x1, s14, s10, $0xb8;
	[tilespmem:$0xD80] =	vst v63  }
0xa2: {  	_ = 	snop  }
0xa3: {  	[spmem:s2] =	stream.indirect.scatter.add.f32 [tilespmem:s11], [sflag:$0x1], $0x1, s15, s10, $0xb8;
	[tilespmem:$0xD80] =	vst v63  }
0xa4: {  	_ = 	snop  }
0xa5: {  	[spmem:s2] =	stream.indirect.scatter.add.f32 [tilespmem:s11], [sflag:$0x1], $0x1, s16, s10, $0xb8;
	[tilespmem:$0xD80] =	vst v63  }
0xa6: {  	_ = 	snop  }
0xa7: {  	[spmem:s2] =	stream.indirect.scatter.add.f32 [tilespmem:s11], [sflag:$0x1], $0x1, s17, s10, $0xb8;
	[tilespmem:$0xD80] =	vst v63  }
0xa8: {  	_ = 	snop  }
0xa9: {  	[spmem:s2] =	stream.indirect.scatter.add.f32 [tilespmem:s11], [sflag:$0x1], $0x1, s18, s10, $0xb8;
	[tilespmem:$0xD80] =	vst v63  }
0xaa: {  	_ = 	snop  }
0xab: {  	[spmem:s2] =	stream.indirect.scatter.add.f32 [tilespmem:s11], [sflag:$0x1], $0x1, s19, s10, $0xb8;
	[tilespmem:$0xD80] =	vst v63  }
0xac: {  	_ = 	snop  }
0xad: {  	[spmem:s2] =	stream.indirect.scatter.add.f32 [tilespmem:s11], [sflag:$0x1], $0x1, s20, s10, $0xb8;
	[tilespmem:$0xD80] =	vst v63  }
0xae: {  	_ = 	snop  }
0xaf: {  	[spmem:s2] =	stream.indirect.scatter.add.f32 [tilespmem:s11], [sflag:$0x1], $0x1, s21, s10, $0xb8;
	[tilespmem:$0xD80] =	vst v63  }
0xb0: {  	_ = 	snop  }
0xb1: {  	[spmem:s2] =	stream.indirect.scatter.add.f32 [tilespmem:s11], [sflag:$0x1], $0x1, s22, s10, $0xb8;
	[tilespmem:$0xD80] =	vst v63  }
0xb2: {  	_ = 	snop  }
0xb3: {  	[spmem:s2] =	stream.indirect.scatter.add.f32 [tilespmem:s11], [sflag:$0x1], $0x1, s23, s10, $0xb8;
	[tilespmem:$0xD80] =	vst v63  }
0xb4: {  	_ = 	snop  }
0xb5: {  	[spmem:s2] =	stream.indirect.scatter.add.f32 [tilespmem:s11], [sflag:$0x1], $0x1, s24, s10, $0xb8;
	[tilespmem:$0xD80] =	vst v63  }
0xb6: {  	_ = 	snop  }
0xb7: {  	[spmem:s2] =	stream.indirect.scatter.add.f32 [tilespmem:s11], [sflag:$0x1], $0x1, s25, s10, $0xb8;
	[tilespmem:$0xD80] =	vst v63  }
0xb8: {  	_ = 	snop  }
0xb9: {  	[spmem:s2] =	stream.indirect.scatter.add.f32 [tilespmem:s11], [sflag:$0x1], $0x1, s26, s10, $0xb8;
	[tilespmem:$0xD80] =	vst v63  }
0xba: {  	_ =	swait.ge [sflag:s28], $0x40  }
0xbb: {  	[sflag:s28] =	ssyncset.done $0x0  }
0xbc: {  	[sflag:s28] =	ssyncadd.s32 $0xFFFFFFC0  }
0xbd: {  	_ =	swait.ge [sflag:s28], $0x40  }
0xbe: {  	[sflag:s28] =	ssyncset.done $0x0  }
0xbf: {  	[sflag:s28] =	ssyncadd.s32 $0xFFFFFFC0  }
0xc0: {  	_ =	swait.ge [sflag:s28], $0x40  }
0xc1: {  	[sflag:s28] =	ssyncset.done $0x0  }
0xc2: {  	[sflag:s28] =	ssyncadd.s32 $0xFFFFFFC0  }
0xc3: {  	_ =	swait.ge [sflag:s28], $0x40  }
0xc4: {  	[sflag:s28] =	ssyncset.done $0x0  }
0xc5: {  	[sflag:s28] =	ssyncadd.s32 $0xFFFFFFC0  }
0xc6: {  	_ =	swait.ge [sflag:s28], $0x40  }
0xc7: {  	[sflag:s28] =	ssyncset.done $0x0  }
0xc8: {  	[sflag:s28] =	ssyncadd.s32 $0xFFFFFFC0  }
0xc9: {  	_ =	swait.ge [sflag:s28], $0x40  }
0xca: {  	[sflag:s28] =	ssyncset.done $0x0  }
0xcb: {  	[sflag:s28] =	ssyncadd.s32 $0xFFFFFFC0  }
0xcc: {  	_ =	swait.ge [sflag:s28], $0x40  }
0xcd: {  	[sflag:s28] =	ssyncset.done $0x0  }
0xce: {  	[sflag:s28] =	ssyncadd.s32 $0xFFFFFFC0  }
0xcf: {  	_ =	swait.ge [sflag:s28], $0x40  }
0xd0: {  	[sflag:s28] =	ssyncset.done $0x0  }
0xd1: {  	[sflag:s28] =	ssyncadd.s32 $0xFFFFFFC0  }
0xd2: {  	_ =	swait.ge [sflag:s28], $0x40  }
0xd3: {  	[sflag:s28] =	ssyncset.done $0x0  }
0xd4: {  	[sflag:s28] =	ssyncadd.s32 $0xFFFFFFC0  }
0xd5: {  	_ =	swait.ge [sflag:s28], $0x40  }
0xd6: {  	[sflag:s28] =	ssyncset.done $0x0  }
0xd7: {  	[sflag:s28] =	ssyncadd.s32 $0xFFFFFFC0  }
0xd8: {  	_ =	swait.ge [sflag:s28], $0x40  }
0xd9: {  	[sflag:s28] =	ssyncset.done $0x0  }
0xda: {  	[sflag:s28] =	ssyncadd.s32 $0xFFFFFFC0  }
0xdb: {  	_ =	swait.ge [sflag:s28], $0x40  }
0xdc: {  	[sflag:s28] =	ssyncset.done $0x0  }
0xdd: {  	[sflag:s28] =	ssyncadd.s32 $0xFFFFFFC0  }
0xde: {  	_ =	swait.ge [sflag:s28], $0x40  }
0xdf: {  	[sflag:s28] =	ssyncset.done $0x0  }
0xe0: {  	[sflag:s28] =	ssyncadd.s32 $0xFFFFFFC0  }
0xe1: {  	_ =	swait.ge [sflag:s28], $0x40  }
0xe2: {  	[sflag:s28] =	ssyncset.done $0x0  }
0xe3: {  	[sflag:s28] =	ssyncadd.s32 $0xFFFFFFC0  }
.Ltmp0:
0xe4: {  	_ =	swait.ge [sflag:s28], $0x40;
	(pc) =	sbr.rel @p0 .LBB2_2-.Ltmp0, $4  }
0xe5: {  	[sflag:s28] =	ssyncset.done $0x0  }
0xe6: {  	[sflag:s28] =	ssyncadd.s32 $0xFFFFFFC0  }
0xe7: {  	_ =	swait.ge [sflag:s28], $0x40  }
0xe8: {  	s8 =	smov.u32 s0;
	[sflag:s28] =	ssyncset.done $0x0  }
0xe9: {  	s0 =	sadd.s32 s1, s7;
	[sflag:s28] =	ssyncadd.s32 $0xFFFFFFC0  }
0xea: {  	[tilespmem:s3], [sflag:$0x2] =	stream.linear.gather [hbm4b:s0+s3], $0x800, $0x38;
	[tilespmem:$0xD80] =	vst v63  }
0xeb: {  	_ =	swait.ge [sflag:s9], $0x800  }
0xec: {  	[sflag:s9] =	ssyncset.done $0x0  }
0xed: {  	[sflag:s9] =	ssyncadd.s32 $0xFFFFF800  }
0xee: {  	[spmem:s2] =	stream.indirect.scatter.add.f32 [tilespmem:s11], [sflag:$0x1], $0x1, s3, s10, $0xb8;
	[tilespmem:$0xD80] =	vst v63  }
0xef: {  	_ = 	snop  }
0xf0: {  	[spmem:s2] =	stream.indirect.scatter.add.f32 [tilespmem:s11], [sflag:$0x1], $0x1, s12, s10, $0xb8;
	[tilespmem:$0xD80] =	vst v63  }
0xf1: {  	_ = 	snop  }
0xf2: {  	[spmem:s2] =	stream.indirect.scatter.add.f32 [tilespmem:s11], [sflag:$0x1], $0x1, s13, s10, $0xb8;
	[tilespmem:$0xD80] =	vst v63  }
0xf3: {  	_ = 	snop  }
0xf4: {  	[spmem:s2] =	stream.indirect.scatter.add.f32 [tilespmem:s11], [sflag:$0x1], $0x1, s14, s10, $0xb8;
	[tilespmem:$0xD80] =	vst v63  }
0xf5: {  	_ = 	snop  }
0xf6: {  	[spmem:s2] =	stream.indirect.scatter.add.f32 [tilespmem:s11], [sflag:$0x1], $0x1, s15, s10, $0xb8;
	[tilespmem:$0xD80] =	vst v63  }
0xf7: {  	_ = 	snop  }
0xf8: {  	[spmem:s2] =	stream.indirect.scatter.add.f32 [tilespmem:s11], [sflag:$0x1], $0x1, s16, s10, $0xb8;
	[tilespmem:$0xD80] =	vst v63  }
0xf9: {  	_ = 	snop  }
0xfa: {  	[spmem:s2] =	stream.indirect.scatter.add.f32 [tilespmem:s11], [sflag:$0x1], $0x1, s17, s10, $0xb8;
	[tilespmem:$0xD80] =	vst v63  }
0xfb: {  	_ = 	snop  }
0xfc: {  	[spmem:s2] =	stream.indirect.scatter.add.f32 [tilespmem:s11], [sflag:$0x1], $0x1, s18, s10, $0xb8;
	[tilespmem:$0xD80] =	vst v63  }
0xfd: {  	_ = 	snop  }
0xfe: {  	[spmem:s2] =	stream.indirect.scatter.add.f32 [tilespmem:s11], [sflag:$0x1], $0x1, s19, s10, $0xb8;
	[tilespmem:$0xD80] =	vst v63  }
0xff: {  	_ = 	snop  }
0x100: {  	[spmem:s2] =	stream.indirect.scatter.add.f32 [tilespmem:s11], [sflag:$0x1], $0x1, s20, s10, $0xb8;
	[tilespmem:$0xD80] =	vst v63  }
0x101: {  	_ = 	snop  }
0x102: {  	[spmem:s2] =	stream.indirect.scatter.add.f32 [tilespmem:s11], [sflag:$0x1], $0x1, s21, s10, $0xb8;
	[tilespmem:$0xD80] =	vst v63  }
0x103: {  	_ = 	snop  }
0x104: {  	[spmem:s2] =	stream.indirect.scatter.add.f32 [tilespmem:s11], [sflag:$0x1], $0x1, s22, s10, $0xb8;
	[tilespmem:$0xD80] =	vst v63  }
0x105: {  	_ = 	snop  }
0x106: {  	[spmem:s2] =	stream.indirect.scatter.add.f32 [tilespmem:s11], [sflag:$0x1], $0x1, s23, s10, $0xb8;
	[tilespmem:$0xD80] =	vst v63  }
0x107: {  	_ = 	snop  }
0x108: {  	[spmem:s2] =	stream.indirect.scatter.add.f32 [tilespmem:s11], [sflag:$0x1], $0x1, s24, s10, $0xb8;
	[tilespmem:$0xD80] =	vst v63  }
0x109: {  	_ = 	snop  }
0x10a: {  	[spmem:s2] =	stream.indirect.scatter.add.f32 [tilespmem:s11], [sflag:$0x1], $0x1, s25, s10, $0xb8;
	[tilespmem:$0xD80] =	vst v63  }
0x10b: {  	_ = 	snop  }
0x10c: {  	[spmem:s2] =	stream.indirect.scatter.add.f32 [tilespmem:s11], [sflag:$0x1], $0x1, s26, s10, $0xb8;
	[tilespmem:$0xD80] =	vst v63  }
0x10d: {  	_ =	swait.ge [sflag:s28], $0x40  }
0x10e: {  	[sflag:s28] =	ssyncset.done $0x0  }
0x10f: {  	[sflag:s28] =	ssyncadd.s32 $0xFFFFFFC0  }
0x110: {  	_ =	swait.ge [sflag:s28], $0x40  }
0x111: {  	[sflag:s28] =	ssyncset.done $0x0  }
0x112: {  	[sflag:s28] =	ssyncadd.s32 $0xFFFFFFC0  }
0x113: {  	_ =	swait.ge [sflag:s28], $0x40  }
0x114: {  	[sflag:s28] =	ssyncset.done $0x0  }
0x115: {  	[sflag:s28] =	ssyncadd.s32 $0xFFFFFFC0  }
0x116: {  	_ =	swait.ge [sflag:s28], $0x40  }
0x117: {  	[sflag:s28] =	ssyncset.done $0x0  }
0x118: {  	[sflag:s28] =	ssyncadd.s32 $0xFFFFFFC0  }
0x119: {  	_ =	swait.ge [sflag:s28], $0x40  }
0x11a: {  	[sflag:s28] =	ssyncset.done $0x0  }
0x11b: {  	[sflag:s28] =	ssyncadd.s32 $0xFFFFFFC0  }
0x11c: {  	_ =	swait.ge [sflag:s28], $0x40  }
0x11d: {  	[sflag:s28] =	ssyncset.done $0x0  }
0x11e: {  	[sflag:s28] =	ssyncadd.s32 $0xFFFFFFC0  }
0x11f: {  	_ =	swait.ge [sflag:s28], $0x40  }
0x120: {  	[sflag:s28] =	ssyncset.done $0x0  }
0x121: {  	[sflag:s28] =	ssyncadd.s32 $0xFFFFFFC0  }
0x122: {  	_ =	swait.ge [sflag:s28], $0x40  }
0x123: {  	[sflag:s28] =	ssyncset.done $0x0  }
0x124: {  	[sflag:s28] =	ssyncadd.s32 $0xFFFFFFC0  }
0x125: {  	_ =	swait.ge [sflag:s28], $0x40  }
0x126: {  	[sflag:s28] =	ssyncset.done $0x0  }
0x127: {  	[sflag:s28] =	ssyncadd.s32 $0xFFFFFFC0  }
0x128: {  	_ =	swait.ge [sflag:s28], $0x40  }
0x129: {  	[sflag:s28] =	ssyncset.done $0x0  }
0x12a: {  	[sflag:s28] =	ssyncadd.s32 $0xFFFFFFC0  }
0x12b: {  	_ =	swait.ge [sflag:s28], $0x40  }
0x12c: {  	[sflag:s28] =	ssyncset.done $0x0  }
0x12d: {  	[sflag:s28] =	ssyncadd.s32 $0xFFFFFFC0  }
0x12e: {  	_ =	swait.ge [sflag:s28], $0x40  }
0x12f: {  	[sflag:s28] =	ssyncset.done $0x0  }
0x130: {  	[sflag:s28] =	ssyncadd.s32 $0xFFFFFFC0  }
0x131: {  	_ =	swait.ge [sflag:s28], $0x40  }
0x132: {  	[sflag:s28] =	ssyncset.done $0x0  }
0x133: {  	[sflag:s28] =	ssyncadd.s32 $0xFFFFFFC0  }
0x134: {  	_ =	swait.ge [sflag:s28], $0x40  }
0x135: {  	[sflag:s28] =	ssyncset.done $0x0  }
0x136: {  	[sflag:s28] =	ssyncadd.s32 $0xFFFFFFC0  }
0x137: {  	_ =	swait.ge [sflag:s28], $0x40  }
0x138: {  	[sflag:s28] =	ssyncset.done $0x0  }
0x139: {  	[sflag:s28] =	ssyncadd.s32 $0xFFFFFFC0  }
0x13a: {  	s8 =	stileid.u32;
	s29 =	sshrl.u32 s4, $0x3;
	_ =	swait.ge [sflag:s28], $0x40  }
0x13b: {  	s31 =	sadd.s32 $0x1, s31;
	s0 =	sshll.u32 s8, $0x6;
	[sflag:s28] =	ssyncset.done $0x0  }
0x13c: {  	s8 =	simm.s32 $0x20;
	p0 =	sne.s32 s31, s6;
	[sflag:s28] =	ssyncadd.s32 $0xFFFFFFC0  }
.Ltmp1:
0x13d: {  	s0 =	sor.u32 $0x1C02, s0;
	[bflag:$0x0] =	sbarrier.arrive $0xFFFF;
	(pc) =	sbr.rel @p0 .LBB2_1-.Ltmp1, $4  }
0x13e: {  	[hbm:s5@s8], [sflag:s0] =	dma.strided [spmem:s29@s30], $0x50, s28, $0x10   }
0x13f: {  	_ =	swait.ge [sflag:s9], $0x50  }
0x140: {  	[sflag:s9] =	ssyncset.done $0x0  }
0x141: {  	[sflag:s9] =	ssyncadd.s32 $0xFFFFFFB0  }
0x142: {  	_ =	sfence.sel $0x180000  }
0x143: {  	[bflag:$0x0] =	sbarrier.arrive $0xFFFF  }
0x144: {  	_ =	strace $0x90000047  }
0x145: {  	s0 =	stileid.u32;
	[bflag:$0x2] =	sbarrier.arrive $0xFFFF  }
0x146: {  	p0 =	sne.s32 s0, $0x0;
	s0 =	rddreg [dreg:$0x3]  }
0x147: {  	s0 =	sadd.s32 @!p0 $0x100000, s0  }
0x148: {  	[sflag:s0] =	ssyncadd.tile.s32 @!p0 $0x1;
	_ =	shalt  }
.Lfunc_end2:
_tile_overlayer_lowered:
.L_overlay_start_2:
0x149: {  	(tag) =	ssettag $0x2  }
0x14a: {  	s0 =	rddreg [dreg:$0x0];
	s2 =	stileid.u32  }
0x14b: {  	s1 =	rddreg [dreg:$0x1];
	p0 =	sne.s32 s2, $0x0  }
0x14c: {  	s3 =	rddreg [dreg:$0x2];
	[bflag:$0x3] =	sbarrier.arrive $0xFFFF;
	s2 =	simm.s32 @!p0 $0x1C02  }
0x14d: {  	[timem:s3], [sflag:s2] =	dma.local @!p0 [hbm:s0], s1  }
0x14e: {  	s0 =	simm.s32 @!p0 $0x2  }
0x14f: {  	_ =	swait.ge @!p0 [sflag:s0], s1  }
0x150: {  	s1 =	ssub.s32 @!p0 $0x0, s1;
	[sflag:s0] =	ssyncset.done @!p0 $0x0  }
0x151: {  	[sflag:s0] =	ssyncadd.s32 @!p0 s1  }
0x152: {  	[bflag:$0x3] =	sbarrier.arrive $0xFFFF  }
0x153: {  	_ =	shalt  }

</sc_bundles>
